<compile_context>
chip_gen: v7x
topology: tpu7x:2x2x1
jax: 0.10.2.dev20260603
libtpu: 0.0.44.dev20260713+nightly
codegen_flags: <defaults>
</compile_context>

<pallas_src>
import jax
import jax.numpy as jnp
import numpy as np
from jax import lax
from jax.experimental import pallas as pl
from jax.experimental.pallas import tpu as pltpu
from jax.experimental.pallas import tpu_sc as plsc

_D = 64
_S = 200
_B = 4096
_NC = 2
_NS = 16
_NW = _NC * _NS
_BPW = _B // _NW
_NBUF = 4
_OBUF = 2
_LEAD = 3


def _positional_encoding_flat(n=10000.0):
    position = np.arange(_S, dtype=np.float32)[:, None]
    division_term = np.exp(
        np.arange(0, _D, 2, dtype=np.float32) * (-np.log(n) / _D)
    )
    pos_enc = np.zeros((_S, _D), dtype=np.float32)
    pos_enc[:, 0::2] = np.sin(position * division_term)
    pos_enc[:, 1::2] = np.cos(position * division_term)
    return jnp.asarray(pos_enc.reshape(_S * _D))


_TCH = 7812


def _pack_body(tt_hbm, tail_hbm, tp_hbm, blk_v, pk_v, rsem, wsem):
    wid = lax.axis_index("s") * _NC + lax.axis_index("c")
    iota16 = lax.iota(jnp.int32, 16)

    @pl.when(wid == 0)
    def _():
        pltpu.sync_copy(tail_hbm, pk_v.at[0, pl.ds(0, 32)])
        pltpu.sync_copy(pk_v.at[0, pl.ds(0, 32)],
                        tp_hbm.at[pl.ds(_TCH * 64, 32)])

    def issue_read(b, c):
        pltpu.async_copy(tt_hbm.at[:, pl.ds(c * 128, 128)], blk_v.at[b],
                         rsem.at[b])

    def wait_read(b, c):
        pltpu.make_async_copy(tt_hbm.at[:, pl.ds(c * 128, 128)],
                              blk_v.at[b], rsem.at[b]).wait()

    def chunk_at(i):
        return wid + _NW * i

    for b in range(2):
        @pl.when(chunk_at(b) < _TCH)
        def _():
            issue_read(b, chunk_at(b))

    niter = (_TCH + _NW - 1) // _NW

    def loop(i, carry):
        c = chunk_at(i)

        @pl.when(c < _TCH)
        def _():
            b = i % 2
            pb = i % 2
            wait_read(b, c)

            @pl.when(i >= 2)
            def _():
                pltpu.make_async_copy(
                    pk_v.at[pb + 1],
                    tp_hbm.at[pl.ds((c - 2 * _NW) * 64, 64)],
                    wsem.at[pb]).wait()

            blk2 = blk_v.at[b]
            pk2 = pk_v.at[pb + 1]

            def dblk(j, c2):
                rr0 = lax.shift_left(lax.shift_right_logical(j, 3), 4)
                c20 = (j & 7)
                hc = lax.shift_right_logical(c20, 2)
                srow = ((lax.shift_left(c20, 4) + iota16) & 63)
                for kd in range(16):
                    orow = ((iota16 + kd) & 15) + rr0
                    scol = lax.shift_left(orow, 1) + hc
                    vals = plsc.load_gather(blk2, [srow, scol])
                    plsc.store_scatter(pk2, [orow,
                                             lax.shift_left(c20, 4) + iota16],
                                       vals)
                return c2

            lax.fori_loop(0, 32, dblk, 0)
            pltpu.async_copy(pk2, tp_hbm.at[pl.ds(c * 64, 64)], wsem.at[pb])

            @pl.when(chunk_at(i + 2) < _TCH)
            def _():
                issue_read(b, chunk_at(i + 2))

        return carry

    lax.fori_loop(0, niter, loop, 0)
    def drain(pb, c):
        @pl.when(c < _TCH)
        def _():
            pltpu.make_async_copy(pk_v.at[pb + 1],
                                  tp_hbm.at[pl.ds(c * 64, 64)],
                                  wsem.at[pb]).wait()

    drain((niter - 2) % 2, chunk_at(niter - 2))
    drain((niter - 1) % 2, chunk_at(niter - 1))


def _sc_body(xt_hbm, tab_hbm, pos_hbm, out_hbm, xi_v, ri_v, ho_v, rows_v,
             ob_v, pos_v, gsem, ssem, isem):
    wid = lax.axis_index("s") * _NC + lax.axis_index("c")
    bw = wid * _BPW

    def issue_idx(b, s):
        o = b * _BPW
        pltpu.async_copy(xt_hbm.at[pl.ds(s * _B + bw, _BPW)],
                         xi_v.at[pl.ds(o, _BPW)], isem.at[b])

    def issue_gather(b, s):
        o = b * _BPW
        pltpu.make_async_copy(xt_hbm.at[pl.ds(s * _B + bw, _BPW)],
                              xi_v.at[pl.ds(o, _BPW)], isem.at[b]).wait()
        for g in range(_BPW // 16):
            sl = pl.ds(o + g * 16, 16)
            v = xi_v[sl]
            ri_v[sl] = lax.shift_right_logical(v, 1)
            ho_v[sl] = lax.shift_left((v & 1), 6)
        pltpu.async_copy(
            tab_hbm.at[ri_v.at[pl.ds(o, _BPW)]],
            rows_v.at[b],
            gsem.at[b],
        )
        pltpu.async_copy(pos_hbm.at[pl.ds(s * _D, _D)],
                         pos_v.at[pl.ds(b * _D, _D)], gsem.at[b])

    def wait_gather(b):
        o = b * _BPW
        pltpu.make_async_copy(
            tab_hbm.at[ri_v.at[pl.ds(o, _BPW)]],
            rows_v.at[b],
            gsem.at[b],
        ).wait()
        pltpu.make_async_copy(pos_hbm.at[pl.ds(0, _D)],
                              pos_v.at[pl.ds(b * _D, _D)],
                              gsem.at[b]).wait()

    def start_store(ob, s):
        pltpu.async_copy(ob_v.at[ob], out_hbm.at[s, :, pl.ds(bw, _BPW)],
                         ssem.at[ob])

    def wait_store(ob, s):
        pltpu.make_async_copy(ob_v.at[ob],
                              out_hbm.at[s, :, pl.ds(bw, _BPW)],
                              ssem.at[ob]).wait()

    for b in range(_LEAD + 1):
        issue_idx(b, b)
    for b in range(_LEAD):
        issue_gather(b, b)

    iota16 = lax.iota(jnp.int32, 16)

    def step(k, b, ob):
        wait_gather(b)

        @pl.when(k >= _OBUF)
        def _():
            wait_store(ob, k - _OBUF)

        o = b * _BPW
        rows2 = rows_v.at[b]
        ob2 = ob_v.at[ob]
        hos_l = [ho_v[pl.ds(o + t * 16, 16)] for t in range(_BPW // 16)]
        trow_l = [iota16 + t * 16 for t in range(_BPW // 16)]

        def dblock(i, carry):
            kd = lax.shift_right_logical(i, 2)
            d0 = lax.shift_left(i & 3, 4)
            drow = ((iota16 + kd) & 15) + d0
            pv = plsc.load_gather(pos_v, [drow + b * _D])
            for t in range(_BPW // 16):
                vals = plsc.load_gather(rows2, [trow_l[t], hos_l[t] + drow])
                plsc.store_scatter(ob2, [drow, trow_l[t]], vals + pv)
            return carry

        lax.fori_loop(0, 4 * 16, dblock, 0, unroll=2)
        start_store(ob, k)

        nxt = k + _LEAD

        @pl.when(nxt + 1 < _S)
        def _():
            issue_idx((nxt + 1) % _NBUF, nxt + 1)

        @pl.when(nxt < _S)
        def _():
            issue_gather(nxt % _NBUF, nxt)

    def outer(io, carry):
        for u in range(_NBUF):
            k = io * _NBUF + u
            step(k, u, k % _OBUF)
        return carry

    lax.fori_loop(0, _S // _NBUF, outer, 0)
    wait_store(0, _S - 2)
    wait_store(1, _S - 1)


def kernel(x, embedding_table):
    B, S = x.shape
    V = embedding_table.shape[0]
    xt = jnp.transpose(x).reshape(B * S).astype(jnp.int32)
    posp = _positional_encoding_flat()

    mesh = plsc.VectorSubcoreMesh(core_axis_name="c", subcore_axis_name="s")
    tabT = jnp.transpose(embedding_table)
    tail = embedding_table[_TCH * 128:].reshape(32, 2 * _D)
    tab2 = pl.kernel(
        _pack_body,
        out_type=jax.ShapeDtypeStruct((V // 2, 2 * _D), jnp.float32),
        mesh=mesh,
        scratch_types=[
            pltpu.VMEM((2, _D, 128), jnp.float32),
            pltpu.VMEM((3, _D, 128), jnp.float32),
            pltpu.SemaphoreType.DMA((2,)),
            pltpu.SemaphoreType.DMA((2,)),
        ],
        compiler_params=pltpu.CompilerParams(use_tc_tiling_on_sc=True,
                                             needs_layout_passes=False,
                                             disable_bounds_checks=True),
    )(tabT, tail)
    out_t = pl.kernel(
        _sc_body,
        out_type=jax.ShapeDtypeStruct((S, _D, B), jnp.float32),
        mesh=mesh,
        scratch_types=[
            pltpu.VMEM((_NBUF * _BPW,), jnp.int32),
            pltpu.VMEM((_NBUF * _BPW,), jnp.int32),
            pltpu.VMEM((_NBUF * _BPW,), jnp.int32),
            pltpu.VMEM((_NBUF, _BPW, 2 * _D), jnp.float32),
            pltpu.VMEM((_OBUF, _D, _BPW), jnp.float32),
            pltpu.VMEM((_NBUF * _D,), jnp.float32),
            pltpu.SemaphoreType.DMA((_NBUF,)),
            pltpu.SemaphoreType.DMA((_OBUF,)),
            pltpu.SemaphoreType.DMA((_NBUF,)),
        ],
        compiler_params=pltpu.CompilerParams(use_tc_tiling_on_sc=True,
                                             needs_layout_passes=False,
                                             disable_bounds_checks=True),
    )(xt, tab2, posp)
    return jnp.transpose(out_t, (2, 0, 1))

# --- scband reference (transcript-rebuilt; emitter-appended) ---
"""Pipeline reference for scband-input-embedding-773094113443 (READ-ONLY COPY).

The authoritative reference and input builder live on the scoring server;
editing this copy changes nothing except your own understanding.
"""

import jax, jax.numpy as jnp
import numpy as np

VOCAB_SIZE = 1000000
EMBED_DIM = 64
MAX_SEQ_LEN = 200
BATCH = 4096
SEQ_LEN = 200


def positional_encoding(max_seq_len, embed_dim, n):
    position = jnp.arange(max_seq_len, dtype=jnp.float32)[:, None]
    division_term = jnp.exp(jnp.arange(0, embed_dim, 2, dtype=jnp.float32) * (-np.log(n) / embed_dim))
    pos_enc = jnp.zeros((max_seq_len, embed_dim), dtype=jnp.float32)
    pos_enc = pos_enc.at[:, 0::2].set(jnp.sin(position * division_term))
    pos_enc = pos_enc.at[:, 1::2].set(jnp.cos(position * division_term))
    return pos_enc


def setup_inputs(seed: int = 0) -> dict:
    key = jax.random.key(seed)
    k_idx, k_tab = jax.random.split(key)
    x = jax.random.randint(k_idx, (BATCH, SEQ_LEN), 0, VOCAB_SIZE, dtype=jnp.int64 if jax.config.jax_enable_x64 else jnp.int32)
    embedding_table = jax.random.normal(k_tab, (VOCAB_SIZE, EMBED_DIM), dtype=jnp.float32)
    return {"x": x, "embedding_table": embedding_table}


def reference(x, embedding_table):
    seq_len = x.shape[1]
    token_embed = jnp.take(embedding_table, x, axis=0)
    pos_enc = positional_encoding(MAX_SEQ_LEN, EMBED_DIM, 10000)
    return token_embed + pos_enc[:seq_len]

if __name__ == "__main__":
    import jax
    _d = setup_inputs()
    print(jax.jit(kernel)(*tuple(_d.values())))

</pallas_src>

<mosaic_0001>
#map = affine_map<(d0, d1) -> (0, 0)>
module attributes {stable_mosaic.version = 14 : i64} {
  func.func @_pack_body(%arg0: i32, %arg1: i32, %arg2: memref<64x1000000xf32, #tpu.memory_space<hbm>>, %arg3: memref<32x128xf32, #tpu.memory_space<hbm>>, %arg4: memref<500000x128xf32, #tpu.memory_space<hbm>>, %arg5: memref<2x64x128xf32, #tpu.memory_space<vmem>>, %arg6: memref<3x64x128xf32, #tpu.memory_space<vmem>>, %arg7: memref<2x!tpu.dma_semaphore, #tpu.memory_space<semaphore_mem>>, %arg8: memref<2x!tpu.dma_semaphore, #tpu.memory_space<semaphore_mem>>) attributes {dimension_semantics = [#tpu.dimension_semantics<core_parallel>, #tpu.dimension_semantics<subcore_parallel>], iteration_bounds = array<i64: 2, 16>, scalar_prefetch = 0 : i64, scratch_operands = 4 : i64, tpu.core_type = #tpu.core_type<sc_vector_subcore>, window_params = [{transform_indices = #map}, {transform_indices = #map}, {transform_indices = #map}]} {
    %mul3A = arith.constant 2 : i32
    %mul3A_0 = arith.muli %arg1, %mul3A : i32
    %add3A = arith.addi %mul3A_0, %arg0 : i32
    %iota3A = tpu.iota {dimensions = array<i32: 0>} : vector<16xi32>
    %eq3A = arith.constant 0 : i32
    %eq3A_1 = arith.cmpi eq, %add3A, %eq3A : i32
    %convert_element_type3A = arith.extui %eq3A_1 : i1 to i32
    %cond3A = arith.constant 0 : i32
    %cond3A_2 = arith.cmpi ne, %convert_element_type3A, %cond3A : i32
    scf.if %cond3A_2 {
      %run_scoped3A = arith.constant 0 : i32
      "tpu.region"() ({
        %run_scoped3A_36 = tpu.sem_alloc : memref<!tpu.dma_semaphore, #tpu.memory_space<semaphore_mem>>
        %dma_start3A = arith.constant 0 : i32
        %dma_start3A_37 = arith.constant 0 : i32
        %dma_start3A_38 = tpu.memref_slice %arg6[%run_scoped3A, %dma_start3A, %dma_start3A_37] : memref<3x64x128xf32, #tpu.memory_space<vmem>> -> memref<1x32x128xf32, #tpu.memory_space<vmem>>
        %dma_start3A_39 = tpu.memref_squeeze %dma_start3A_38 : memref<1x32x128xf32, #tpu.memory_space<vmem>> -> memref<32x128xf32, #tpu.memory_space<vmem>>
        %dma_start3A_40 = arith.constant 0 : i32
        %dma_start3A_41 = arith.constant 0 : i32
        %dma_start3A_42 = tpu.memref_slice %arg6[%run_scoped3A, %dma_start3A_40, %dma_start3A_41] : memref<3x64x128xf32, #tpu.memory_space<vmem>> -> memref<1x32x128xf32, #tpu.memory_space<vmem>>
        %dma_start3A_43 = tpu.memref_squeeze %dma_start3A_42 : memref<1x32x128xf32, #tpu.memory_space<vmem>> -> memref<32x128xf32, #tpu.memory_space<vmem>>
        tpu.enqueue_dma source(%arg3 : memref<32x128xf32, #tpu.memory_space<hbm>>) target(%dma_start3A_43 : memref<32x128xf32, #tpu.memory_space<vmem>>) target_semaphore(%run_scoped3A_36 : memref<!tpu.dma_semaphore, #tpu.memory_space<semaphore_mem>>)
        %dma_wait3A = arith.constant 0 : i32
        %dma_wait3A_44 = arith.constant 0 : i32
        %dma_wait3A_45 = tpu.memref_slice %arg6[%run_scoped3A, %dma_wait3A, %dma_wait3A_44] : memref<3x64x128xf32, #tpu.memory_space<vmem>> -> memref<1x32x128xf32, #tpu.memory_space<vmem>>
        %dma_wait3A_46 = tpu.memref_squeeze %dma_wait3A_45 : memref<1x32x128xf32, #tpu.memory_space<vmem>> -> memref<32x128xf32, #tpu.memory_space<vmem>>
        %dma_wait3A_47 = arith.constant 0 : i32
        %dma_wait3A_48 = arith.constant 0 : i32
        %dma_wait3A_49 = tpu.memref_slice %arg6[%run_scoped3A, %dma_wait3A_47, %dma_wait3A_48] : memref<3x64x128xf32, #tpu.memory_space<vmem>> -> memref<1x32x128xf32, #tpu.memory_space<vmem>>
        %dma_wait3A_50 = tpu.memref_squeeze %dma_wait3A_49 : memref<1x32x128xf32, #tpu.memory_space<vmem>> -> memref<32x128xf32, #tpu.memory_space<vmem>>
        tpu.wait_dma2 semaphore(%run_scoped3A_36 : memref<!tpu.dma_semaphore, #tpu.memory_space<semaphore_mem>>) src(%arg3 : memref<32x128xf32, #tpu.memory_space<hbm>>) dst(%dma_wait3A_50 : memref<32x128xf32, #tpu.memory_space<vmem>>)
        tpu.yield
      }) : () -> ()
      %run_scoped3A_35 = arith.constant 0 : i32
      "tpu.region"() ({
        %run_scoped3A_36 = tpu.sem_alloc : memref<!tpu.dma_semaphore, #tpu.memory_space<semaphore_mem>>
        %dma_start3A = arith.constant 0 : i32
        %dma_start3A_37 = arith.constant 0 : i32
        %dma_start3A_38 = tpu.memref_slice %arg6[%run_scoped3A_35, %dma_start3A, %dma_start3A_37] : memref<3x64x128xf32, #tpu.memory_space<vmem>> -> memref<1x32x128xf32, #tpu.memory_space<vmem>>
        %dma_start3A_39 = tpu.memref_squeeze %dma_start3A_38 : memref<1x32x128xf32, #tpu.memory_space<vmem>> -> memref<32x128xf32, #tpu.memory_space<vmem>>
        %dma_start3A_40 = arith.constant 499968 : i32
        %dma_start3A_41 = arith.constant 0 : i32
        %dma_start3A_42 = tpu.memref_slice %arg4[%dma_start3A_40, %dma_start3A_41] : memref<500000x128xf32, #tpu.memory_space<hbm>> -> memref<32x128xf32, #tpu.memory_space<hbm>>
        %dma_start3A_43 = arith.constant 499968 : i32
        %dma_start3A_44 = arith.constant 0 : i32
        %dma_start3A_45 = tpu.memref_slice %arg4[%dma_start3A_43, %dma_start3A_44] : memref<500000x128xf32, #tpu.memory_space<hbm>> -> memref<32x128xf32, #tpu.memory_space<hbm>>
        %dma_start3A_46 = arith.constant 0 : i32
        %dma_start3A_47 = arith.constant 0 : i32
        %dma_start3A_48 = tpu.memref_slice %arg6[%run_scoped3A_35, %dma_start3A_46, %dma_start3A_47] : memref<3x64x128xf32, #tpu.memory_space<vmem>> -> memref<1x32x128xf32, #tpu.memory_space<vmem>>
        %dma_start3A_49 = tpu.memref_squeeze %dma_start3A_48 : memref<1x32x128xf32, #tpu.memory_space<vmem>> -> memref<32x128xf32, #tpu.memory_space<vmem>>
        tpu.enqueue_dma source(%dma_start3A_49 : memref<32x128xf32, #tpu.memory_space<vmem>>) target(%dma_start3A_45 : memref<32x128xf32, #tpu.memory_space<hbm>>) target_semaphore(%run_scoped3A_36 : memref<!tpu.dma_semaphore, #tpu.memory_space<semaphore_mem>>)
        %dma_wait3A = arith.constant 0 : i32
        %dma_wait3A_50 = arith.constant 0 : i32
        %dma_wait3A_51 = tpu.memref_slice %arg6[%run_scoped3A_35, %dma_wait3A, %dma_wait3A_50] : memref<3x64x128xf32, #tpu.memory_space<vmem>> -> memref<1x32x128xf32, #tpu.memory_space<vmem>>
        %dma_wait3A_52 = tpu.memref_squeeze %dma_wait3A_51 : memref<1x32x128xf32, #tpu.memory_space<vmem>> -> memref<32x128xf32, #tpu.memory_space<vmem>>
        %dma_wait3A_53 = arith.constant 499968 : i32
        %dma_wait3A_54 = arith.constant 0 : i32
        %dma_wait3A_55 = tpu.memref_slice %arg4[%dma_wait3A_53, %dma_wait3A_54] : memref<500000x128xf32, #tpu.memory_space<hbm>> -> memref<32x128xf32, #tpu.memory_space<hbm>>
        %dma_wait3A_56 = arith.constant 499968 : i32
        %dma_wait3A_57 = arith.constant 0 : i32
        %dma_wait3A_58 = tpu.memref_slice %arg4[%dma_wait3A_56, %dma_wait3A_57] : memref<500000x128xf32, #tpu.memory_space<hbm>> -> memref<32x128xf32, #tpu.memory_space<hbm>>
        %dma_wait3A_59 = arith.constant 0 : i32
        %dma_wait3A_60 = arith.constant 0 : i32
        %dma_wait3A_61 = tpu.memref_slice %arg6[%run_scoped3A_35, %dma_wait3A_59, %dma_wait3A_60] : memref<3x64x128xf32, #tpu.memory_space<vmem>> -> memref<1x32x128xf32, #tpu.memory_space<vmem>>
        %dma_wait3A_62 = tpu.memref_squeeze %dma_wait3A_61 : memref<1x32x128xf32, #tpu.memory_space<vmem>> -> memref<32x128xf32, #tpu.memory_space<vmem>>
        tpu.wait_dma2 semaphore(%run_scoped3A_36 : memref<!tpu.dma_semaphore, #tpu.memory_space<semaphore_mem>>) src(%dma_wait3A_62 : memref<32x128xf32, #tpu.memory_space<vmem>>) dst(%dma_wait3A_58 : memref<32x128xf32, #tpu.memory_space<hbm>>)
        tpu.yield
      }) : () -> ()
    } else {
    }
    %add3A_3 = arith.constant 0 : i32
    %add3A_4 = arith.addi %add3A, %add3A_3 : i32
    %lt3A = arith.constant 7812 : i32
    %lt3A_5 = arith.cmpi slt, %add3A_4, %lt3A : i32
    %convert_element_type3A_6 = arith.extui %lt3A_5 : i1 to i32
    %cond3A_7 = arith.constant 0 : i32
    %cond3A_8 = arith.cmpi ne, %convert_element_type3A_6, %cond3A_7 : i32
    scf.if %cond3A_8 {
      %add3A_35 = arith.constant 0 : i32
      %add3A_36 = arith.addi %add3A, %add3A_35 : i32
      %mul3A_37 = arith.constant 128 : i32
      %mul3A_38 = arith.muli %add3A_36, %mul3A_37 : i32
      %dma_start3A = arith.constant 0 : i32
      %dma_start3A_39 = arith.constant 0 : i32
      %dma_start3A_40 = arith.constant 0 : i32
      %dma_start3A_41 = arith.constant 0 : i32
      %dma_start3A_42 = tpu.memref_slice %arg5[%dma_start3A, %dma_start3A_40, %dma_start3A_41] : memref<2x64x128xf32, #tpu.memory_space<vmem>> -> memref<1x64x128xf32, #tpu.memory_space<vmem>>
      %dma_start3A_43 = tpu.memref_squeeze %dma_start3A_42 : memref<1x64x128xf32, #tpu.memory_space<vmem>> -> memref<64x128xf32, #tpu.memory_space<vmem>>
      %dma_start3A_44 = arith.constant 0 : i32
      %dma_start3A_45 = tpu.memref_slice %arg2[%dma_start3A_44, %mul3A_38] : memref<64x1000000xf32, #tpu.memory_space<hbm>> -> memref<64x128xf32, #tpu.memory_space<hbm>>
      %dma_start3A_46 = tpu.memref_slice %arg7[%dma_start3A_39] : memref<2x!tpu.dma_semaphore, #tpu.memory_space<semaphore_mem>> -> memref<1x!tpu.dma_semaphore, #tpu.memory_space<semaphore_mem>>
      %dma_start3A_47 = tpu.memref_squeeze %dma_start3A_46 : memref<1x!tpu.dma_semaphore, #tpu.memory_space<semaphore_mem>> -> memref<!tpu.dma_semaphore, #tpu.memory_space<semaphore_mem>>
      %dma_start3A_48 = arith.constant 0 : i32
      %dma_start3A_49 = arith.constant 0 : i32
      %dma_start3A_50 = tpu.memref_slice %arg5[%dma_start3A, %dma_start3A_48, %dma_start3A_49] : memref<2x64x128xf32, #tpu.memory_space<vmem>> -> memref<1x64x128xf32, #tpu.memory_space<vmem>>
      %dma_start3A_51 = tpu.memref_squeeze %dma_start3A_50 : memref<1x64x128xf32, #tpu.memory_space<vmem>> -> memref<64x128xf32, #tpu.memory_space<vmem>>
      %dma_start3A_52 = arith.constant 0 : i32
      %dma_start3A_53 = tpu.memref_slice %arg2[%dma_start3A_52, %mul3A_38] : memref<64x1000000xf32, #tpu.memory_space<hbm>> -> memref<64x128xf32, #tpu.memory_space<hbm>>
      tpu.enqueue_dma source(%dma_start3A_53 : memref<64x128xf32, #tpu.memory_space<hbm>>) target(%dma_start3A_51 : memref<64x128xf32, #tpu.memory_space<vmem>>) target_semaphore(%dma_start3A_47 : memref<!tpu.dma_semaphore, #tpu.memory_space<semaphore_mem>>)
    } else {
    }
    %add3A_9 = arith.constant 32 : i32
    %add3A_10 = arith.addi %add3A, %add3A_9 : i32
    %lt3A_11 = arith.constant 7812 : i32
    %lt3A_12 = arith.cmpi slt, %add3A_10, %lt3A_11 : i32
    %convert_element_type3A_13 = arith.extui %lt3A_12 : i1 to i32
    %cond3A_14 = arith.constant 0 : i32
    %cond3A_15 = arith.cmpi ne, %convert_element_type3A_13, %cond3A_14 : i32
    scf.if %cond3A_15 {
      %add3A_35 = arith.constant 32 : i32
      %add3A_36 = arith.addi %add3A, %add3A_35 : i32
      %mul3A_37 = arith.constant 128 : i32
      %mul3A_38 = arith.muli %add3A_36, %mul3A_37 : i32
      %dma_start3A = arith.constant 1 : i32
      %dma_start3A_39 = arith.constant 1 : i32
      %dma_start3A_40 = arith.constant 0 : i32
      %dma_start3A_41 = arith.constant 0 : i32
      %dma_start3A_42 = tpu.memref_slice %arg5[%dma_start3A, %dma_start3A_40, %dma_start3A_41] : memref<2x64x128xf32, #tpu.memory_space<vmem>> -> memref<1x64x128xf32, #tpu.memory_space<vmem>>
      %dma_start3A_43 = tpu.memref_squeeze %dma_start3A_42 : memref<1x64x128xf32, #tpu.memory_space<vmem>> -> memref<64x128xf32, #tpu.memory_space<vmem>>
      %dma_start3A_44 = arith.constant 0 : i32
      %dma_start3A_45 = tpu.memref_slice %arg2[%dma_start3A_44, %mul3A_38] : memref<64x1000000xf32, #tpu.memory_space<hbm>> -> memref<64x128xf32, #tpu.memory_space<hbm>>
      %dma_start3A_46 = tpu.memref_slice %arg7[%dma_start3A_39] : memref<2x!tpu.dma_semaphore, #tpu.memory_space<semaphore_mem>> -> memref<1x!tpu.dma_semaphore, #tpu.memory_space<semaphore_mem>>
      %dma_start3A_47 = tpu.memref_squeeze %dma_start3A_46 : memref<1x!tpu.dma_semaphore, #tpu.memory_space<semaphore_mem>> -> memref<!tpu.dma_semaphore, #tpu.memory_space<semaphore_mem>>
      %dma_start3A_48 = arith.constant 0 : i32
      %dma_start3A_49 = arith.constant 0 : i32
      %dma_start3A_50 = tpu.memref_slice %arg5[%dma_start3A, %dma_start3A_48, %dma_start3A_49] : memref<2x64x128xf32, #tpu.memory_space<vmem>> -> memref<1x64x128xf32, #tpu.memory_space<vmem>>
      %dma_start3A_51 = tpu.memref_squeeze %dma_start3A_50 : memref<1x64x128xf32, #tpu.memory_space<vmem>> -> memref<64x128xf32, #tpu.memory_space<vmem>>
      %dma_start3A_52 = arith.constant 0 : i32
      %dma_start3A_53 = tpu.memref_slice %arg2[%dma_start3A_52, %mul3A_38] : memref<64x1000000xf32, #tpu.memory_space<hbm>> -> memref<64x128xf32, #tpu.memory_space<hbm>>
      tpu.enqueue_dma source(%dma_start3A_53 : memref<64x128xf32, #tpu.memory_space<hbm>>) target(%dma_start3A_51 : memref<64x128xf32, #tpu.memory_space<vmem>>) target_semaphore(%dma_start3A_47 : memref<!tpu.dma_semaphore, #tpu.memory_space<semaphore_mem>>)
    } else {
    }
    %scan3A = arith.constant 0 : i32
    %scan3A_16 = arith.constant 0 : i32
    %scan3A_17 = arith.constant 245 : i32
    %scan3A_18 = arith.addi %scan3A_16, %scan3A_17 : i32
    %scan3A_19 = arith.constant 1 : i32
    scf.for %scan3A_35 = %scan3A_16 to %scan3A_18 step %scan3A_19  : i32 {
      %mul3A_36 = arith.constant 32 : i32
      %mul3A_37 = arith.muli %mul3A_36, %scan3A_35 : i32
      %add3A_38 = arith.addi %add3A, %mul3A_37 : i32
      %lt3A_39 = arith.constant 7812 : i32
      %lt3A_40 = arith.cmpi slt, %add3A_38, %lt3A_39 : i32
      %convert_element_type3A_41 = arith.extui %lt3A_40 : i1 to i32
      %cond3A_42 = arith.constant 0 : i32
      %cond3A_43 = arith.cmpi ne, %convert_element_type3A_41, %cond3A_42 : i32
      scf.if %cond3A_43 {
        %jit3A = arith.constant 2 : i32
        %eq3A_44 = arith.constant 0 : i32
        %eq3A_45 = arith.cmpi eq, %jit3A, %eq3A_44 : i32
        %jit3A_46 = arith.constant 1 : i32
        %select_n3A = arith.select %eq3A_45, %jit3A_46, %jit3A : i32
        %rem3A = arith.remsi %scan3A_35, %select_n3A : i32
        %ne3A = arith.constant 0 : i32
        %ne3A_47 = arith.cmpi ne, %rem3A, %ne3A : i32
        %lt3A_48 = arith.constant 0 : i32
        %lt3A_49 = arith.cmpi slt, %rem3A, %lt3A_48 : i32
        %lt3A_50 = arith.constant 0 : i32
        %lt3A_51 = arith.cmpi slt, %select_n3A, %lt3A_50 : i32
        %ne3A_52 = arith.xori %lt3A_49, %lt3A_51 : i1
        %and3A = arith.andi %ne3A_52, %ne3A_47 : i1
        %add3A_53 = arith.addi %rem3A, %select_n3A : i32
        %select_n3A_54 = arith.select %and3A, %add3A_53, %rem3A : i32
        %jit3A_55 = arith.constant 2 : i32
        %eq3A_56 = arith.constant 0 : i32
        %eq3A_57 = arith.cmpi eq, %jit3A_55, %eq3A_56 : i32
        %jit3A_58 = arith.constant 1 : i32
        %select_n3A_59 = arith.select %eq3A_57, %jit3A_58, %jit3A_55 : i32
        %rem3A_60 = arith.remsi %scan3A_35, %select_n3A_59 : i32
        %ne3A_61 = arith.constant 0 : i32
        %ne3A_62 = arith.cmpi ne, %rem3A_60, %ne3A_61 : i32
        %lt3A_63 = arith.constant 0 : i32
        %lt3A_64 = arith.cmpi slt, %rem3A_60, %lt3A_63 : i32
        %lt3A_65 = arith.constant 0 : i32
        %lt3A_66 = arith.cmpi slt, %select_n3A_59, %lt3A_65 : i32
        %ne3A_67 = arith.xori %lt3A_64, %lt3A_66 : i1
        %and3A_68 = arith.andi %ne3A_67, %ne3A_62 : i1
        %add3A_69 = arith.addi %rem3A_60, %select_n3A_59 : i32
        %select_n3A_70 = arith.select %and3A_68, %add3A_69, %rem3A_60 : i32
        %mul3A_71 = arith.constant 128 : i32
        %mul3A_72 = arith.muli %add3A_38, %mul3A_71 : i32
        %dma_wait3A = arith.constant 0 : i32
        %dma_wait3A_73 = arith.constant 0 : i32
        %dma_wait3A_74 = tpu.memref_slice %arg5[%select_n3A_54, %dma_wait3A, %dma_wait3A_73] : memref<2x64x128xf32, #tpu.memory_space<vmem>> -> memref<1x64x128xf32, #tpu.memory_space<vmem>>
        %dma_wait3A_75 = tpu.memref_squeeze %dma_wait3A_74 : memref<1x64x128xf32, #tpu.memory_space<vmem>> -> memref<64x128xf32, #tpu.memory_space<vmem>>
        %dma_wait3A_76 = arith.constant 0 : i32
        %dma_wait3A_77 = tpu.memref_slice %arg2[%dma_wait3A_76, %mul3A_72] : memref<64x1000000xf32, #tpu.memory_space<hbm>> -> memref<64x128xf32, #tpu.memory_space<hbm>>
        %dma_wait3A_78 = tpu.memref_slice %arg7[%select_n3A_54] : memref<2x!tpu.dma_semaphore, #tpu.memory_space<semaphore_mem>> -> memref<1x!tpu.dma_semaphore, #tpu.memory_space<semaphore_mem>>
        %dma_wait3A_79 = tpu.memref_squeeze %dma_wait3A_78 : memref<1x!tpu.dma_semaphore, #tpu.memory_space<semaphore_mem>> -> memref<!tpu.dma_semaphore, #tpu.memory_space<semaphore_mem>>
        %dma_wait3A_80 = arith.constant 0 : i32
        %dma_wait3A_81 = arith.constant 0 : i32
        %dma_wait3A_82 = tpu.memref_slice %arg5[%select_n3A_54, %dma_wait3A_80, %dma_wait3A_81] : memref<2x64x128xf32, #tpu.memory_space<vmem>> -> memref<1x64x128xf32, #tpu.memory_space<vmem>>
        %dma_wait3A_83 = tpu.memref_squeeze %dma_wait3A_82 : memref<1x64x128xf32, #tpu.memory_space<vmem>> -> memref<64x128xf32, #tpu.memory_space<vmem>>
        %dma_wait3A_84 = arith.constant 0 : i32
        %dma_wait3A_85 = tpu.memref_slice %arg2[%dma_wait3A_84, %mul3A_72] : memref<64x1000000xf32, #tpu.memory_space<hbm>> -> memref<64x128xf32, #tpu.memory_space<hbm>>
        tpu.wait_dma2 semaphore(%dma_wait3A_79 : memref<!tpu.dma_semaphore, #tpu.memory_space<semaphore_mem>>) src(%dma_wait3A_85 : memref<64x128xf32, #tpu.memory_space<hbm>>) dst(%dma_wait3A_83 : memref<64x128xf32, #tpu.memory_space<vmem>>)
        %ge3A = arith.constant 2 : i32
        %ge3A_86 = arith.cmpi sge, %scan3A_35, %ge3A : i32
        %convert_element_type3A_87 = arith.extui %ge3A_86 : i1 to i32
        %cond3A_88 = arith.constant 0 : i32
        %cond3A_89 = arith.cmpi ne, %convert_element_type3A_87, %cond3A_88 : i32
        scf.if %cond3A_89 {
          %add3A_123 = arith.constant 1 : i32
          %add3A_124 = arith.addi %select_n3A_70, %add3A_123 : i32
          %sub3A = arith.constant 64 : i32
          %sub3A_125 = arith.subi %add3A_38, %sub3A : i32
          %mul3A_126 = arith.constant 64 : i32
          %mul3A_127 = arith.muli %sub3A_125, %mul3A_126 : i32
          %dma_wait3A_128 = arith.constant 0 : i32
          %dma_wait3A_129 = arith.constant 0 : i32
          %dma_wait3A_130 = tpu.memref_slice %arg6[%add3A_124, %dma_wait3A_128, %dma_wait3A_129] : memref<3x64x128xf32, #tpu.memory_space<vmem>> -> memref<1x64x128xf32, #tpu.memory_space<vmem>>
          %dma_wait3A_131 = tpu.memref_squeeze %dma_wait3A_130 : memref<1x64x128xf32, #tpu.memory_space<vmem>> -> memref<64x128xf32, #tpu.memory_space<vmem>>
          %dma_wait3A_132 = arith.constant 0 : i32
          %dma_wait3A_133 = tpu.memref_slice %arg4[%mul3A_127, %dma_wait3A_132] : memref<500000x128xf32, #tpu.memory_space<hbm>> -> memref<64x128xf32, #tpu.memory_space<hbm>>
          %dma_wait3A_134 = tpu.memref_slice %arg8[%select_n3A_70] : memref<2x!tpu.dma_semaphore, #tpu.memory_space<semaphore_mem>> -> memref<1x!tpu.dma_semaphore, #tpu.memory_space<semaphore_mem>>
          %dma_wait3A_135 = tpu.memref_squeeze %dma_wait3A_134 : memref<1x!tpu.dma_semaphore, #tpu.memory_space<semaphore_mem>> -> memref<!tpu.dma_semaphore, #tpu.memory_space<semaphore_mem>>
          %dma_wait3A_136 = arith.constant 0 : i32
          %dma_wait3A_137 = tpu.memref_slice %arg4[%mul3A_127, %dma_wait3A_136] : memref<500000x128xf32, #tpu.memory_space<hbm>> -> memref<64x128xf32, #tpu.memory_space<hbm>>
          %dma_wait3A_138 = arith.constant 0 : i32
          %dma_wait3A_139 = arith.constant 0 : i32
          %dma_wait3A_140 = tpu.memref_slice %arg6[%add3A_124, %dma_wait3A_138, %dma_wait3A_139] : memref<3x64x128xf32, #tpu.memory_space<vmem>> -> memref<1x64x128xf32, #tpu.memory_space<vmem>>
          %dma_wait3A_141 = tpu.memref_squeeze %dma_wait3A_140 : memref<1x64x128xf32, #tpu.memory_space<vmem>> -> memref<64x128xf32, #tpu.memory_space<vmem>>
          tpu.wait_dma2 semaphore(%dma_wait3A_135 : memref<!tpu.dma_semaphore, #tpu.memory_space<semaphore_mem>>) src(%dma_wait3A_141 : memref<64x128xf32, #tpu.memory_space<vmem>>) dst(%dma_wait3A_137 : memref<64x128xf32, #tpu.memory_space<hbm>>)
        } else {
        }
        %add3A_90 = arith.constant 1 : i32
        %add3A_91 = arith.addi %select_n3A_70, %add3A_90 : i32
        %scan3A_92 = arith.constant 0 : i32
        %scan3A_93 = arith.constant 0 : i32
        %scan3A_94 = arith.constant 32 : i32
        %scan3A_95 = arith.addi %scan3A_93, %scan3A_94 : i32
        %scan3A_96 = arith.constant 1 : i32
        scf.for %scan3A_123 = %scan3A_93 to %scan3A_95 step %scan3A_96  : i32 {
          %shift_right_logical3A = arith.constant 3 : i32
          %shift_right_logical3A_124 = arith.shrui %scan3A_123, %shift_right_logical3A : i32
          %shift_left3A = arith.constant 4 : i32
          %shift_left3A_125 = arith.shli %shift_right_logical3A_124, %shift_left3A : i32
          %and3A_126 = arith.constant 7 : i32
          %and3A_127 = arith.andi %scan3A_123, %and3A_126 : i32
          %shift_right_logical3A_128 = arith.constant 2 : i32
          %shift_right_logical3A_129 = arith.shrui %and3A_127, %shift_right_logical3A_128 : i32
          %shift_left3A_130 = arith.constant 4 : i32
          %shift_left3A_131 = arith.shli %and3A_127, %shift_left3A_130 : i32
          %add3A_132 = vector.broadcast %shift_left3A_131 : i32 to vector<16xi32>
          %add3A_133 = arith.addi %add3A_132, %iota3A : vector<16xi32>
          %and3A_134 = arith.constant 63 : i32
          %and3A_135 = vector.broadcast %and3A_134 : i32 to vector<16xi32>
          %and3A_136 = arith.andi %add3A_133, %and3A_135 : vector<16xi32>
          %add3A_137 = arith.constant 0 : i32
          %add3A_138 = vector.broadcast %add3A_137 : i32 to vector<16xi32>
          %add3A_139 = arith.addi %iota3A, %add3A_138 : vector<16xi32>
          %and3A_140 = arith.constant 15 : i32
          %and3A_141 = vector.broadcast %and3A_140 : i32 to vector<16xi32>
          %and3A_142 = arith.andi %add3A_139, %and3A_141 : vector<16xi32>
          %add3A_143 = vector.broadcast %shift_left3A_125 : i32 to vector<16xi32>
          %add3A_144 = arith.addi %and3A_142, %add3A_143 : vector<16xi32>
          %shift_left3A_145 = arith.constant 1 : i32
          %shift_left3A_146 = vector.broadcast %shift_left3A_145 : i32 to vector<16xi32>
          %shift_left3A_147 = arith.shli %add3A_144, %shift_left3A_146 : vector<16xi32>
          %add3A_148 = vector.broadcast %shift_right_logical3A_129 : i32 to vector<16xi32>
          %add3A_149 = arith.addi %shift_left3A_147, %add3A_148 : vector<16xi32>
          %gather3A = arith.constant 0 : i32
          %gather3A_150 = arith.constant 0 : i32
          %gather3A_151 = tpu.memref_slice %arg5[%select_n3A_54, %gather3A, %gather3A_150] : memref<2x64x128xf32, #tpu.memory_space<vmem>> -> memref<1x64x128xf32, #tpu.memory_space<vmem>>
          %gather3A_152 = tpu.memref_squeeze %gather3A_151 : memref<1x64x128xf32, #tpu.memory_space<vmem>> -> memref<64x128xf32, #tpu.memory_space<vmem>>
          %gather3A_153 = tpu.vector_load_idx %gather3A_152[%and3A_136, %add3A_149] : memref<64x128xf32, #tpu.memory_space<vmem>>[vector<16xi32>, vector<16xi32>], vector<16xf32>,
          %shift_left3A_154 = arith.constant 4 : i32
          %shift_left3A_155 = arith.shli %and3A_127, %shift_left3A_154 : i32
          %add3A_156 = vector.broadcast %shift_left3A_155 : i32 to vector<16xi32>
          %add3A_157 = arith.addi %add3A_156, %iota3A : vector<16xi32>
          %scatter3A = arith.constant 0 : i32
          %scatter3A_158 = arith.constant 0 : i32
          %scatter3A_159 = tpu.memref_slice %arg6[%add3A_91, %scatter3A, %scatter3A_158] : memref<3x64x128xf32, #tpu.memory_space<vmem>> -> memref<1x64x128xf32, #tpu.memory_space<vmem>>
          %scatter3A_160 = tpu.memref_squeeze %scatter3A_159 : memref<1x64x128xf32, #tpu.memory_space<vmem>> -> memref<64x128xf32, #tpu.memory_space<vmem>>
          tpu.vector_store_idx %scatter3A_160[%add3A_144, %add3A_157], %gather3A_153 : memref<64x128xf32, #tpu.memory_space<vmem>>[vector<16xi32>, vector<16xi32>], vector<16xf32>,
          %add3A_161 = arith.constant 1 : i32
          %add3A_162 = vector.broadcast %add3A_161 : i32 to vector<16xi32>
          %add3A_163 = arith.addi %iota3A, %add3A_162 : vector<16xi32>
          %and3A_164 = arith.constant 15 : i32
          %and3A_165 = vector.broadcast %and3A_164 : i32 to vector<16xi32>
          %and3A_166 = arith.andi %add3A_163, %and3A_165 : vector<16xi32>
          %add3A_167 = vector.broadcast %shift_left3A_125 : i32 to vector<16xi32>
          %add3A_168 = arith.addi %and3A_166, %add3A_167 : vector<16xi32>
          %shift_left3A_169 = arith.constant 1 : i32
          %shift_left3A_170 = vector.broadcast %shift_left3A_169 : i32 to vector<16xi32>
          %shift_left3A_171 = arith.shli %add3A_168, %shift_left3A_170 : vector<16xi32>
          %add3A_172 = vector.broadcast %shift_right_logical3A_129 : i32 to vector<16xi32>
          %add3A_173 = arith.addi %shift_left3A_171, %add3A_172 : vector<16xi32>
          %gather3A_174 = arith.constant 0 : i32
          %gather3A_175 = arith.constant 0 : i32
          %gather3A_176 = tpu.memref_slice %arg5[%select_n3A_54, %gather3A_174, %gather3A_175] : memref<2x64x128xf32, #tpu.memory_space<vmem>> -> memref<1x64x128xf32, #tpu.memory_space<vmem>>
          %gather3A_177 = tpu.memref_squeeze %gather3A_176 : memref<1x64x128xf32, #tpu.memory_space<vmem>> -> memref<64x128xf32, #tpu.memory_space<vmem>>
          %gather3A_178 = tpu.vector_load_idx %gather3A_177[%and3A_136, %add3A_173] : memref<64x128xf32, #tpu.memory_space<vmem>>[vector<16xi32>, vector<16xi32>], vector<16xf32>,
          %shift_left3A_179 = arith.constant 4 : i32
          %shift_left3A_180 = arith.shli %and3A_127, %shift_left3A_179 : i32
          %add3A_181 = vector.broadcast %shift_left3A_180 : i32 to vector<16xi32>
          %add3A_182 = arith.addi %add3A_181, %iota3A : vector<16xi32>
          %scatter3A_183 = arith.constant 0 : i32
          %scatter3A_184 = arith.constant 0 : i32
          %scatter3A_185 = tpu.memref_slice %arg6[%add3A_91, %scatter3A_183, %scatter3A_184] : memref<3x64x128xf32, #tpu.memory_space<vmem>> -> memref<1x64x128xf32, #tpu.memory_space<vmem>>
          %scatter3A_186 = tpu.memref_squeeze %scatter3A_185 : memref<1x64x128xf32, #tpu.memory_space<vmem>> -> memref<64x128xf32, #tpu.memory_space<vmem>>
          tpu.vector_store_idx %scatter3A_186[%add3A_168, %add3A_182], %gather3A_178 : memref<64x128xf32, #tpu.memory_space<vmem>>[vector<16xi32>, vector<16xi32>], vector<16xf32>,
          %add3A_187 = arith.constant 2 : i32
          %add3A_188 = vector.broadcast %add3A_187 : i32 to vector<16xi32>
          %add3A_189 = arith.addi %iota3A, %add3A_188 : vector<16xi32>
          %and3A_190 = arith.constant 15 : i32
          %and3A_191 = vector.broadcast %and3A_190 : i32 to vector<16xi32>
          %and3A_192 = arith.andi %add3A_189, %and3A_191 : vector<16xi32>
          %add3A_193 = vector.broadcast %shift_left3A_125 : i32 to vector<16xi32>
          %add3A_194 = arith.addi %and3A_192, %add3A_193 : vector<16xi32>
          %shift_left3A_195 = arith.constant 1 : i32
          %shift_left3A_196 = vector.broadcast %shift_left3A_195 : i32 to vector<16xi32>
          %shift_left3A_197 = arith.shli %add3A_194, %shift_left3A_196 : vector<16xi32>
          %add3A_198 = vector.broadcast %shift_right_logical3A_129 : i32 to vector<16xi32>
          %add3A_199 = arith.addi %shift_left3A_197, %add3A_198 : vector<16xi32>
          %gather3A_200 = arith.constant 0 : i32
          %gather3A_201 = arith.constant 0 : i32
          %gather3A_202 = tpu.memref_slice %arg5[%select_n3A_54, %gather3A_200, %gather3A_201] : memref<2x64x128xf32, #tpu.memory_space<vmem>> -> memref<1x64x128xf32, #tpu.memory_space<vmem>>
          %gather3A_203 = tpu.memref_squeeze %gather3A_202 : memref<1x64x128xf32, #tpu.memory_space<vmem>> -> memref<64x128xf32, #tpu.memory_space<vmem>>
          %gather3A_204 = tpu.vector_load_idx %gather3A_203[%and3A_136, %add3A_199] : memref<64x128xf32, #tpu.memory_space<vmem>>[vector<16xi32>, vector<16xi32>], vector<16xf32>,
          %shift_left3A_205 = arith.constant 4 : i32
          %shift_left3A_206 = arith.shli %and3A_127, %shift_left3A_205 : i32
          %add3A_207 = vector.broadcast %shift_left3A_206 : i32 to vector<16xi32>
          %add3A_208 = arith.addi %add3A_207, %iota3A : vector<16xi32>
          %scatter3A_209 = arith.constant 0 : i32
          %scatter3A_210 = arith.constant 0 : i32
          %scatter3A_211 = tpu.memref_slice %arg6[%add3A_91, %scatter3A_209, %scatter3A_210] : memref<3x64x128xf32, #tpu.memory_space<vmem>> -> memref<1x64x128xf32, #tpu.memory_space<vmem>>
          %scatter3A_212 = tpu.memref_squeeze %scatter3A_211 : memref<1x64x128xf32, #tpu.memory_space<vmem>> -> memref<64x128xf32, #tpu.memory_space<vmem>>
          tpu.vector_store_idx %scatter3A_212[%add3A_194, %add3A_208], %gather3A_204 : memref<64x128xf32, #tpu.memory_space<vmem>>[vector<16xi32>, vector<16xi32>], vector<16xf32>,
          %add3A_213 = arith.constant 3 : i32
          %add3A_214 = vector.broadcast %add3A_213 : i32 to vector<16xi32>
          %add3A_215 = arith.addi %iota3A, %add3A_214 : vector<16xi32>
          %and3A_216 = arith.constant 15 : i32
          %and3A_217 = vector.broadcast %and3A_216 : i32 to vector<16xi32>
          %and3A_218 = arith.andi %add3A_215, %and3A_217 : vector<16xi32>
          %add3A_219 = vector.broadcast %shift_left3A_125 : i32 to vector<16xi32>
          %add3A_220 = arith.addi %and3A_218, %add3A_219 : vector<16xi32>
          %shift_left3A_221 = arith.constant 1 : i32
          %shift_left3A_222 = vector.broadcast %shift_left3A_221 : i32 to vector<16xi32>
          %shift_left3A_223 = arith.shli %add3A_220, %shift_left3A_222 : vector<16xi32>
          %add3A_224 = vector.broadcast %shift_right_logical3A_129 : i32 to vector<16xi32>
          %add3A_225 = arith.addi %shift_left3A_223, %add3A_224 : vector<16xi32>
          %gather3A_226 = arith.constant 0 : i32
          %gather3A_227 = arith.constant 0 : i32
          %gather3A_228 = tpu.memref_slice %arg5[%select_n3A_54, %gather3A_226, %gather3A_227] : memref<2x64x128xf32, #tpu.memory_space<vmem>> -> memref<1x64x128xf32, #tpu.memory_space<vmem>>
          %gather3A_229 = tpu.memref_squeeze %gather3A_228 : memref<1x64x128xf32, #tpu.memory_space<vmem>> -> memref<64x128xf32, #tpu.memory_space<vmem>>
          %gather3A_230 = tpu.vector_load_idx %gather3A_229[%and3A_136, %add3A_225] : memref<64x128xf32, #tpu.memory_space<vmem>>[vector<16xi32>, vector<16xi32>], vector<16xf32>,
          %shift_left3A_231 = arith.constant 4 : i32
          %shift_left3A_232 = arith.shli %and3A_127, %shift_left3A_231 : i32
          %add3A_233 = vector.broadcast %shift_left3A_232 : i32 to vector<16xi32>
          %add3A_234 = arith.addi %add3A_233, %iota3A : vector<16xi32>
          %scatter3A_235 = arith.constant 0 : i32
          %scatter3A_236 = arith.constant 0 : i32
          %scatter3A_237 = tpu.memref_slice %arg6[%add3A_91, %scatter3A_235, %scatter3A_236] : memref<3x64x128xf32, #tpu.memory_space<vmem>> -> memref<1x64x128xf32, #tpu.memory_space<vmem>>
          %scatter3A_238 = tpu.memref_squeeze %scatter3A_237 : memref<1x64x128xf32, #tpu.memory_space<vmem>> -> memref<64x128xf32, #tpu.memory_space<vmem>>
          tpu.vector_store_idx %scatter3A_238[%add3A_220, %add3A_234], %gather3A_230 : memref<64x128xf32, #tpu.memory_space<vmem>>[vector<16xi32>, vector<16xi32>], vector<16xf32>,
          %add3A_239 = arith.constant 4 : i32
          %add3A_240 = vector.broadcast %add3A_239 : i32 to vector<16xi32>
          %add3A_241 = arith.addi %iota3A, %add3A_240 : vector<16xi32>
          %and3A_242 = arith.constant 15 : i32
          %and3A_243 = vector.broadcast %and3A_242 : i32 to vector<16xi32>
          %and3A_244 = arith.andi %add3A_241, %and3A_243 : vector<16xi32>
          %add3A_245 = vector.broadcast %shift_left3A_125 : i32 to vector<16xi32>
          %add3A_246 = arith.addi %and3A_244, %add3A_245 : vector<16xi32>
          %shift_left3A_247 = arith.constant 1 : i32
          %shift_left3A_248 = vector.broadcast %shift_left3A_247 : i32 to vector<16xi32>
          %shift_left3A_249 = arith.shli %add3A_246, %shift_left3A_248 : vector<16xi32>
          %add3A_250 = vector.broadcast %shift_right_logical3A_129 : i32 to vector<16xi32>
          %add3A_251 = arith.addi %shift_left3A_249, %add3A_250 : vector<16xi32>
          %gather3A_252 = arith.constant 0 : i32
          %gather3A_253 = arith.constant 0 : i32
          %gather3A_254 = tpu.memref_slice %arg5[%select_n3A_54, %gather3A_252, %gather3A_253] : memref<2x64x128xf32, #tpu.memory_space<vmem>> -> memref<1x64x128xf32, #tpu.memory_space<vmem>>
          %gather3A_255 = tpu.memref_squeeze %gather3A_254 : memref<1x64x128xf32, #tpu.memory_space<vmem>> -> memref<64x128xf32, #tpu.memory_space<vmem>>
          %gather3A_256 = tpu.vector_load_idx %gather3A_255[%and3A_136, %add3A_251] : memref<64x128xf32, #tpu.memory_space<vmem>>[vector<16xi32>, vector<16xi32>], vector<16xf32>,
          %shift_left3A_257 = arith.constant 4 : i32
          %shift_left3A_258 = arith.shli %and3A_127, %shift_left3A_257 : i32
          %add3A_259 = vector.broadcast %shift_left3A_258 : i32 to vector<16xi32>
          %add3A_260 = arith.addi %add3A_259, %iota3A : vector<16xi32>
          %scatter3A_261 = arith.constant 0 : i32
          %scatter3A_262 = arith.constant 0 : i32
          %scatter3A_263 = tpu.memref_slice %arg6[%add3A_91, %scatter3A_261, %scatter3A_262] : memref<3x64x128xf32, #tpu.memory_space<vmem>> -> memref<1x64x128xf32, #tpu.memory_space<vmem>>
          %scatter3A_264 = tpu.memref_squeeze %scatter3A_263 : memref<1x64x128xf32, #tpu.memory_space<vmem>> -> memref<64x128xf32, #tpu.memory_space<vmem>>
          tpu.vector_store_idx %scatter3A_264[%add3A_246, %add3A_260], %gather3A_256 : memref<64x128xf32, #tpu.memory_space<vmem>>[vector<16xi32>, vector<16xi32>], vector<16xf32>,
          %add3A_265 = arith.constant 5 : i32
          %add3A_266 = vector.broadcast %add3A_265 : i32 to vector<16xi32>
          %add3A_267 = arith.addi %iota3A, %add3A_266 : vector<16xi32>
          %and3A_268 = arith.constant 15 : i32
          %and3A_269 = vector.broadcast %and3A_268 : i32 to vector<16xi32>
          %and3A_270 = arith.andi %add3A_267, %and3A_269 : vector<16xi32>
          %add3A_271 = vector.broadcast %shift_left3A_125 : i32 to vector<16xi32>
          %add3A_272 = arith.addi %and3A_270, %add3A_271 : vector<16xi32>
          %shift_left3A_273 = arith.constant 1 : i32
          %shift_left3A_274 = vector.broadcast %shift_left3A_273 : i32 to vector<16xi32>
          %shift_left3A_275 = arith.shli %add3A_272, %shift_left3A_274 : vector<16xi32>
          %add3A_276 = vector.broadcast %shift_right_logical3A_129 : i32 to vector<16xi32>
          %add3A_277 = arith.addi %shift_left3A_275, %add3A_276 : vector<16xi32>
          %gather3A_278 = arith.constant 0 : i32
          %gather3A_279 = arith.constant 0 : i32
          %gather3A_280 = tpu.memref_slice %arg5[%select_n3A_54, %gather3A_278, %gather3A_279] : memref<2x64x128xf32, #tpu.memory_space<vmem>> -> memref<1x64x128xf32, #tpu.memory_space<vmem>>
          %gather3A_281 = tpu.memref_squeeze %gather3A_280 : memref<1x64x128xf32, #tpu.memory_space<vmem>> -> memref<64x128xf32, #tpu.memory_space<vmem>>
          %gather3A_282 = tpu.vector_load_idx %gather3A_281[%and3A_136, %add3A_277] : memref<64x128xf32, #tpu.memory_space<vmem>>[vector<16xi32>, vector<16xi32>], vector<16xf32>,
          %shift_left3A_283 = arith.constant 4 : i32
          %shift_left3A_284 = arith.shli %and3A_127, %shift_left3A_283 : i32
          %add3A_285 = vector.broadcast %shift_left3A_284 : i32 to vector<16xi32>
          %add3A_286 = arith.addi %add3A_285, %iota3A : vector<16xi32>
          %scatter3A_287 = arith.constant 0 : i32
          %scatter3A_288 = arith.constant 0 : i32
          %scatter3A_289 = tpu.memref_slice %arg6[%add3A_91, %scatter3A_287, %scatter3A_288] : memref<3x64x128xf32, #tpu.memory_space<vmem>> -> memref<1x64x128xf32, #tpu.memory_space<vmem>>
          %scatter3A_290 = tpu.memref_squeeze %scatter3A_289 : memref<1x64x128xf32, #tpu.memory_space<vmem>> -> memref<64x128xf32, #tpu.memory_space<vmem>>
          tpu.vector_store_idx %scatter3A_290[%add3A_272, %add3A_286], %gather3A_282 : memref<64x128xf32, #tpu.memory_space<vmem>>[vector<16xi32>, vector<16xi32>], vector<16xf32>,
          %add3A_291 = arith.constant 6 : i32
          %add3A_292 = vector.broadcast %add3A_291 : i32 to vector<16xi32>
          %add3A_293 = arith.addi %iota3A, %add3A_292 : vector<16xi32>
          %and3A_294 = arith.constant 15 : i32
          %and3A_295 = vector.broadcast %and3A_294 : i32 to vector<16xi32>
          %and3A_296 = arith.andi %add3A_293, %and3A_295 : vector<16xi32>
          %add3A_297 = vector.broadcast %shift_left3A_125 : i32 to vector<16xi32>
          %add3A_298 = arith.addi %and3A_296, %add3A_297 : vector<16xi32>
          %shift_left3A_299 = arith.constant 1 : i32
          %shift_left3A_300 = vector.broadcast %shift_left3A_299 : i32 to vector<16xi32>
          %shift_left3A_301 = arith.shli %add3A_298, %shift_left3A_300 : vector<16xi32>
          %add3A_302 = vector.broadcast %shift_right_logical3A_129 : i32 to vector<16xi32>
          %add3A_303 = arith.addi %shift_left3A_301, %add3A_302 : vector<16xi32>
          %gather3A_304 = arith.constant 0 : i32
          %gather3A_305 = arith.constant 0 : i32
          %gather3A_306 = tpu.memref_slice %arg5[%select_n3A_54, %gather3A_304, %gather3A_305] : memref<2x64x128xf32, #tpu.memory_space<vmem>> -> memref<1x64x128xf32, #tpu.memory_space<vmem>>
          %gather3A_307 = tpu.memref_squeeze %gather3A_306 : memref<1x64x128xf32, #tpu.memory_space<vmem>> -> memref<64x128xf32, #tpu.memory_space<vmem>>
          %gather3A_308 = tpu.vector_load_idx %gather3A_307[%and3A_136, %add3A_303] : memref<64x128xf32, #tpu.memory_space<vmem>>[vector<16xi32>, vector<16xi32>], vector<16xf32>,
          %shift_left3A_309 = arith.constant 4 : i32
          %shift_left3A_310 = arith.shli %and3A_127, %shift_left3A_309 : i32
          %add3A_311 = vector.broadcast %shift_left3A_310 : i32 to vector<16xi32>
          %add3A_312 = arith.addi %add3A_311, %iota3A : vector<16xi32>
          %scatter3A_313 = arith.constant 0 : i32
          %scatter3A_314 = arith.constant 0 : i32
          %scatter3A_315 = tpu.memref_slice %arg6[%add3A_91, %scatter3A_313, %scatter3A_314] : memref<3x64x128xf32, #tpu.memory_space<vmem>> -> memref<1x64x128xf32, #tpu.memory_space<vmem>>
          %scatter3A_316 = tpu.memref_squeeze %scatter3A_315 : memref<1x64x128xf32, #tpu.memory_space<vmem>> -> memref<64x128xf32, #tpu.memory_space<vmem>>
          tpu.vector_store_idx %scatter3A_316[%add3A_298, %add3A_312], %gather3A_308 : memref<64x128xf32, #tpu.memory_space<vmem>>[vector<16xi32>, vector<16xi32>], vector<16xf32>,
          %add3A_317 = arith.constant 7 : i32
          %add3A_318 = vector.broadcast %add3A_317 : i32 to vector<16xi32>
          %add3A_319 = arith.addi %iota3A, %add3A_318 : vector<16xi32>
          %and3A_320 = arith.constant 15 : i32
          %and3A_321 = vector.broadcast %and3A_320 : i32 to vector<16xi32>
          %and3A_322 = arith.andi %add3A_319, %and3A_321 : vector<16xi32>
          %add3A_323 = vector.broadcast %shift_left3A_125 : i32 to vector<16xi32>
          %add3A_324 = arith.addi %and3A_322, %add3A_323 : vector<16xi32>
          %shift_left3A_325 = arith.constant 1 : i32
          %shift_left3A_326 = vector.broadcast %shift_left3A_325 : i32 to vector<16xi32>
          %shift_left3A_327 = arith.shli %add3A_324, %shift_left3A_326 : vector<16xi32>
          %add3A_328 = vector.broadcast %shift_right_logical3A_129 : i32 to vector<16xi32>
          %add3A_329 = arith.addi %shift_left3A_327, %add3A_328 : vector<16xi32>
          %gather3A_330 = arith.constant 0 : i32
          %gather3A_331 = arith.constant 0 : i32
          %gather3A_332 = tpu.memref_slice %arg5[%select_n3A_54, %gather3A_330, %gather3A_331] : memref<2x64x128xf32, #tpu.memory_space<vmem>> -> memref<1x64x128xf32, #tpu.memory_space<vmem>>
          %gather3A_333 = tpu.memref_squeeze %gather3A_332 : memref<1x64x128xf32, #tpu.memory_space<vmem>> -> memref<64x128xf32, #tpu.memory_space<vmem>>
          %gather3A_334 = tpu.vector_load_idx %gather3A_333[%and3A_136, %add3A_329] : memref<64x128xf32, #tpu.memory_space<vmem>>[vector<16xi32>, vector<16xi32>], vector<16xf32>,
          %shift_left3A_335 = arith.constant 4 : i32
          %shift_left3A_336 = arith.shli %and3A_127, %shift_left3A_335 : i32
          %add3A_337 = vector.broadcast %shift_left3A_336 : i32 to vector<16xi32>
          %add3A_338 = arith.addi %add3A_337, %iota3A : vector<16xi32>
          %scatter3A_339 = arith.constant 0 : i32
          %scatter3A_340 = arith.constant 0 : i32
          %scatter3A_341 = tpu.memref_slice %arg6[%add3A_91, %scatter3A_339, %scatter3A_340] : memref<3x64x128xf32, #tpu.memory_space<vmem>> -> memref<1x64x128xf32, #tpu.memory_space<vmem>>
          %scatter3A_342 = tpu.memref_squeeze %scatter3A_341 : memref<1x64x128xf32, #tpu.memory_space<vmem>> -> memref<64x128xf32, #tpu.memory_space<vmem>>
          tpu.vector_store_idx %scatter3A_342[%add3A_324, %add3A_338], %gather3A_334 : memref<64x128xf32, #tpu.memory_space<vmem>>[vector<16xi32>, vector<16xi32>], vector<16xf32>,
          %add3A_343 = arith.constant 8 : i32
          %add3A_344 = vector.broadcast %add3A_343 : i32 to vector<16xi32>
          %add3A_345 = arith.addi %iota3A, %add3A_344 : vector<16xi32>
          %and3A_346 = arith.constant 15 : i32
          %and3A_347 = vector.broadcast %and3A_346 : i32 to vector<16xi32>
          %and3A_348 = arith.andi %add3A_345, %and3A_347 : vector<16xi32>
          %add3A_349 = vector.broadcast %shift_left3A_125 : i32 to vector<16xi32>
          %add3A_350 = arith.addi %and3A_348, %add3A_349 : vector<16xi32>
          %shift_left3A_351 = arith.constant 1 : i32
          %shift_left3A_352 = vector.broadcast %shift_left3A_351 : i32 to vector<16xi32>
          %shift_left3A_353 = arith.shli %add3A_350, %shift_left3A_352 : vector<16xi32>
          %add3A_354 = vector.broadcast %shift_right_logical3A_129 : i32 to vector<16xi32>
          %add3A_355 = arith.addi %shift_left3A_353, %add3A_354 : vector<16xi32>
          %gather3A_356 = arith.constant 0 : i32
          %gather3A_357 = arith.constant 0 : i32
          %gather3A_358 = tpu.memref_slice %arg5[%select_n3A_54, %gather3A_356, %gather3A_357] : memref<2x64x128xf32, #tpu.memory_space<vmem>> -> memref<1x64x128xf32, #tpu.memory_space<vmem>>
          %gather3A_359 = tpu.memref_squeeze %gather3A_358 : memref<1x64x128xf32, #tpu.memory_space<vmem>> -> memref<64x128xf32, #tpu.memory_space<vmem>>
          %gather3A_360 = tpu.vector_load_idx %gather3A_359[%and3A_136, %add3A_355] : memref<64x128xf32, #tpu.memory_space<vmem>>[vector<16xi32>, vector<16xi32>], vector<16xf32>,
          %shift_left3A_361 = arith.constant 4 : i32
          %shift_left3A_362 = arith.shli %and3A_127, %shift_left3A_361 : i32
          %add3A_363 = vector.broadcast %shift_left3A_362 : i32 to vector<16xi32>
          %add3A_364 = arith.addi %add3A_363, %iota3A : vector<16xi32>
          %scatter3A_365 = arith.constant 0 : i32
          %scatter3A_366 = arith.constant 0 : i32
          %scatter3A_367 = tpu.memref_slice %arg6[%add3A_91, %scatter3A_365, %scatter3A_366] : memref<3x64x128xf32, #tpu.memory_space<vmem>> -> memref<1x64x128xf32, #tpu.memory_space<vmem>>
          %scatter3A_368 = tpu.memref_squeeze %scatter3A_367 : memref<1x64x128xf32, #tpu.memory_space<vmem>> -> memref<64x128xf32, #tpu.memory_space<vmem>>
          tpu.vector_store_idx %scatter3A_368[%add3A_350, %add3A_364], %gather3A_360 : memref<64x128xf32, #tpu.memory_space<vmem>>[vector<16xi32>, vector<16xi32>], vector<16xf32>,
          %add3A_369 = arith.constant 9 : i32
          %add3A_370 = vector.broadcast %add3A_369 : i32 to vector<16xi32>
          %add3A_371 = arith.addi %iota3A, %add3A_370 : vector<16xi32>
          %and3A_372 = arith.constant 15 : i32
          %and3A_373 = vector.broadcast %and3A_372 : i32 to vector<16xi32>
          %and3A_374 = arith.andi %add3A_371, %and3A_373 : vector<16xi32>
          %add3A_375 = vector.broadcast %shift_left3A_125 : i32 to vector<16xi32>
          %add3A_376 = arith.addi %and3A_374, %add3A_375 : vector<16xi32>
          %shift_left3A_377 = arith.constant 1 : i32
          %shift_left3A_378 = vector.broadcast %shift_left3A_377 : i32 to vector<16xi32>
          %shift_left3A_379 = arith.shli %add3A_376, %shift_left3A_378 : vector<16xi32>
          %add3A_380 = vector.broadcast %shift_right_logical3A_129 : i32 to vector<16xi32>
          %add3A_381 = arith.addi %shift_left3A_379, %add3A_380 : vector<16xi32>
          %gather3A_382 = arith.constant 0 : i32
          %gather3A_383 = arith.constant 0 : i32
          %gather3A_384 = tpu.memref_slice %arg5[%select_n3A_54, %gather3A_382, %gather3A_383] : memref<2x64x128xf32, #tpu.memory_space<vmem>> -> memref<1x64x128xf32, #tpu.memory_space<vmem>>
          %gather3A_385 = tpu.memref_squeeze %gather3A_384 : memref<1x64x128xf32, #tpu.memory_space<vmem>> -> memref<64x128xf32, #tpu.memory_space<vmem>>
          %gather3A_386 = tpu.vector_load_idx %gather3A_385[%and3A_136, %add3A_381] : memref<64x128xf32, #tpu.memory_space<vmem>>[vector<16xi32>, vector<16xi32>], vector<16xf32>,
          %shift_left3A_387 = arith.constant 4 : i32
          %shift_left3A_388 = arith.shli %and3A_127, %shift_left3A_387 : i32
          %add3A_389 = vector.broadcast %shift_left3A_388 : i32 to vector<16xi32>
          %add3A_390 = arith.addi %add3A_389, %iota3A : vector<16xi32>
          %scatter3A_391 = arith.constant 0 : i32
          %scatter3A_392 = arith.constant 0 : i32
          %scatter3A_393 = tpu.memref_slice %arg6[%add3A_91, %scatter3A_391, %scatter3A_392] : memref<3x64x128xf32, #tpu.memory_space<vmem>> -> memref<1x64x128xf32, #tpu.memory_space<vmem>>
          %scatter3A_394 = tpu.memref_squeeze %scatter3A_393 : memref<1x64x128xf32, #tpu.memory_space<vmem>> -> memref<64x128xf32, #tpu.memory_space<vmem>>
          tpu.vector_store_idx %scatter3A_394[%add3A_376, %add3A_390], %gather3A_386 : memref<64x128xf32, #tpu.memory_space<vmem>>[vector<16xi32>, vector<16xi32>], vector<16xf32>,
          %add3A_395 = arith.constant 10 : i32
          %add3A_396 = vector.broadcast %add3A_395 : i32 to vector<16xi32>
          %add3A_397 = arith.addi %iota3A, %add3A_396 : vector<16xi32>
          %and3A_398 = arith.constant 15 : i32
          %and3A_399 = vector.broadcast %and3A_398 : i32 to vector<16xi32>
          %and3A_400 = arith.andi %add3A_397, %and3A_399 : vector<16xi32>
          %add3A_401 = vector.broadcast %shift_left3A_125 : i32 to vector<16xi32>
          %add3A_402 = arith.addi %and3A_400, %add3A_401 : vector<16xi32>
          %shift_left3A_403 = arith.constant 1 : i32
          %shift_left3A_404 = vector.broadcast %shift_left3A_403 : i32 to vector<16xi32>
          %shift_left3A_405 = arith.shli %add3A_402, %shift_left3A_404 : vector<16xi32>
          %add3A_406 = vector.broadcast %shift_right_logical3A_129 : i32 to vector<16xi32>
          %add3A_407 = arith.addi %shift_left3A_405, %add3A_406 : vector<16xi32>
          %gather3A_408 = arith.constant 0 : i32
          %gather3A_409 = arith.constant 0 : i32
          %gather3A_410 = tpu.memref_slice %arg5[%select_n3A_54, %gather3A_408, %gather3A_409] : memref<2x64x128xf32, #tpu.memory_space<vmem>> -> memref<1x64x128xf32, #tpu.memory_space<vmem>>
          %gather3A_411 = tpu.memref_squeeze %gather3A_410 : memref<1x64x128xf32, #tpu.memory_space<vmem>> -> memref<64x128xf32, #tpu.memory_space<vmem>>
          %gather3A_412 = tpu.vector_load_idx %gather3A_411[%and3A_136, %add3A_407] : memref<64x128xf32, #tpu.memory_space<vmem>>[vector<16xi32>, vector<16xi32>], vector<16xf32>,
          %shift_left3A_413 = arith.constant 4 : i32
          %shift_left3A_414 = arith.shli %and3A_127, %shift_left3A_413 : i32
          %add3A_415 = vector.broadcast %shift_left3A_414 : i32 to vector<16xi32>
          %add3A_416 = arith.addi %add3A_415, %iota3A : vector<16xi32>
          %scatter3A_417 = arith.constant 0 : i32
          %scatter3A_418 = arith.constant 0 : i32
          %scatter3A_419 = tpu.memref_slice %arg6[%add3A_91, %scatter3A_417, %scatter3A_418] : memref<3x64x128xf32, #tpu.memory_space<vmem>> -> memref<1x64x128xf32, #tpu.memory_space<vmem>>
          %scatter3A_420 = tpu.memref_squeeze %scatter3A_419 : memref<1x64x128xf32, #tpu.memory_space<vmem>> -> memref<64x128xf32, #tpu.memory_space<vmem>>
          tpu.vector_store_idx %scatter3A_420[%add3A_402, %add3A_416], %gather3A_412 : memref<64x128xf32, #tpu.memory_space<vmem>>[vector<16xi32>, vector<16xi32>], vector<16xf32>,
          %add3A_421 = arith.constant 11 : i32
          %add3A_422 = vector.broadcast %add3A_421 : i32 to vector<16xi32>
          %add3A_423 = arith.addi %iota3A, %add3A_422 : vector<16xi32>
          %and3A_424 = arith.constant 15 : i32
          %and3A_425 = vector.broadcast %and3A_424 : i32 to vector<16xi32>
          %and3A_426 = arith.andi %add3A_423, %and3A_425 : vector<16xi32>
          %add3A_427 = vector.broadcast %shift_left3A_125 : i32 to vector<16xi32>
          %add3A_428 = arith.addi %and3A_426, %add3A_427 : vector<16xi32>
          %shift_left3A_429 = arith.constant 1 : i32
          %shift_left3A_430 = vector.broadcast %shift_left3A_429 : i32 to vector<16xi32>
          %shift_left3A_431 = arith.shli %add3A_428, %shift_left3A_430 : vector<16xi32>
          %add3A_432 = vector.broadcast %shift_right_logical3A_129 : i32 to vector<16xi32>
          %add3A_433 = arith.addi %shift_left3A_431, %add3A_432 : vector<16xi32>
          %gather3A_434 = arith.constant 0 : i32
          %gather3A_435 = arith.constant 0 : i32
          %gather3A_436 = tpu.memref_slice %arg5[%select_n3A_54, %gather3A_434, %gather3A_435] : memref<2x64x128xf32, #tpu.memory_space<vmem>> -> memref<1x64x128xf32, #tpu.memory_space<vmem>>
          %gather3A_437 = tpu.memref_squeeze %gather3A_436 : memref<1x64x128xf32, #tpu.memory_space<vmem>> -> memref<64x128xf32, #tpu.memory_space<vmem>>
          %gather3A_438 = tpu.vector_load_idx %gather3A_437[%and3A_136, %add3A_433] : memref<64x128xf32, #tpu.memory_space<vmem>>[vector<16xi32>, vector<16xi32>], vector<16xf32>,
          %shift_left3A_439 = arith.constant 4 : i32
          %shift_left3A_440 = arith.shli %and3A_127, %shift_left3A_439 : i32
          %add3A_441 = vector.broadcast %shift_left3A_440 : i32 to vector<16xi32>
          %add3A_442 = arith.addi %add3A_441, %iota3A : vector<16xi32>
          %scatter3A_443 = arith.constant 0 : i32
          %scatter3A_444 = arith.constant 0 : i32
          %scatter3A_445 = tpu.memref_slice %arg6[%add3A_91, %scatter3A_443, %scatter3A_444] : memref<3x64x128xf32, #tpu.memory_space<vmem>> -> memref<1x64x128xf32, #tpu.memory_space<vmem>>
          %scatter3A_446 = tpu.memref_squeeze %scatter3A_445 : memref<1x64x128xf32, #tpu.memory_space<vmem>> -> memref<64x128xf32, #tpu.memory_space<vmem>>
          tpu.vector_store_idx %scatter3A_446[%add3A_428, %add3A_442], %gather3A_438 : memref<64x128xf32, #tpu.memory_space<vmem>>[vector<16xi32>, vector<16xi32>], vector<16xf32>,
          %add3A_447 = arith.constant 12 : i32
          %add3A_448 = vector.broadcast %add3A_447 : i32 to vector<16xi32>
          %add3A_449 = arith.addi %iota3A, %add3A_448 : vector<16xi32>
          %and3A_450 = arith.constant 15 : i32
          %and3A_451 = vector.broadcast %and3A_450 : i32 to vector<16xi32>
          %and3A_452 = arith.andi %add3A_449, %and3A_451 : vector<16xi32>
          %add3A_453 = vector.broadcast %shift_left3A_125 : i32 to vector<16xi32>
          %add3A_454 = arith.addi %and3A_452, %add3A_453 : vector<16xi32>
          %shift_left3A_455 = arith.constant 1 : i32
          %shift_left3A_456 = vector.broadcast %shift_left3A_455 : i32 to vector<16xi32>
          %shift_left3A_457 = arith.shli %add3A_454, %shift_left3A_456 : vector<16xi32>
          %add3A_458 = vector.broadcast %shift_right_logical3A_129 : i32 to vector<16xi32>
          %add3A_459 = arith.addi %shift_left3A_457, %add3A_458 : vector<16xi32>
          %gather3A_460 = arith.constant 0 : i32
          %gather3A_461 = arith.constant 0 : i32
          %gather3A_462 = tpu.memref_slice %arg5[%select_n3A_54, %gather3A_460, %gather3A_461] : memref<2x64x128xf32, #tpu.memory_space<vmem>> -> memref<1x64x128xf32, #tpu.memory_space<vmem>>
          %gather3A_463 = tpu.memref_squeeze %gather3A_462 : memref<1x64x128xf32, #tpu.memory_space<vmem>> -> memref<64x128xf32, #tpu.memory_space<vmem>>
          %gather3A_464 = tpu.vector_load_idx %gather3A_463[%and3A_136, %add3A_459] : memref<64x128xf32, #tpu.memory_space<vmem>>[vector<16xi32>, vector<16xi32>], vector<16xf32>,
          %shift_left3A_465 = arith.constant 4 : i32
          %shift_left3A_466 = arith.shli %and3A_127, %shift_left3A_465 : i32
          %add3A_467 = vector.broadcast %shift_left3A_466 : i32 to vector<16xi32>
          %add3A_468 = arith.addi %add3A_467, %iota3A : vector<16xi32>
          %scatter3A_469 = arith.constant 0 : i32
          %scatter3A_470 = arith.constant 0 : i32
          %scatter3A_471 = tpu.memref_slice %arg6[%add3A_91, %scatter3A_469, %scatter3A_470] : memref<3x64x128xf32, #tpu.memory_space<vmem>> -> memref<1x64x128xf32, #tpu.memory_space<vmem>>
          %scatter3A_472 = tpu.memref_squeeze %scatter3A_471 : memref<1x64x128xf32, #tpu.memory_space<vmem>> -> memref<64x128xf32, #tpu.memory_space<vmem>>
          tpu.vector_store_idx %scatter3A_472[%add3A_454, %add3A_468], %gather3A_464 : memref<64x128xf32, #tpu.memory_space<vmem>>[vector<16xi32>, vector<16xi32>], vector<16xf32>,
          %add3A_473 = arith.constant 13 : i32
          %add3A_474 = vector.broadcast %add3A_473 : i32 to vector<16xi32>
          %add3A_475 = arith.addi %iota3A, %add3A_474 : vector<16xi32>
          %and3A_476 = arith.constant 15 : i32
          %and3A_477 = vector.broadcast %and3A_476 : i32 to vector<16xi32>
          %and3A_478 = arith.andi %add3A_475, %and3A_477 : vector<16xi32>
          %add3A_479 = vector.broadcast %shift_left3A_125 : i32 to vector<16xi32>
          %add3A_480 = arith.addi %and3A_478, %add3A_479 : vector<16xi32>
          %shift_left3A_481 = arith.constant 1 : i32
          %shift_left3A_482 = vector.broadcast %shift_left3A_481 : i32 to vector<16xi32>
          %shift_left3A_483 = arith.shli %add3A_480, %shift_left3A_482 : vector<16xi32>
          %add3A_484 = vector.broadcast %shift_right_logical3A_129 : i32 to vector<16xi32>
          %add3A_485 = arith.addi %shift_left3A_483, %add3A_484 : vector<16xi32>
          %gather3A_486 = arith.constant 0 : i32
          %gather3A_487 = arith.constant 0 : i32
          %gather3A_488 = tpu.memref_slice %arg5[%select_n3A_54, %gather3A_486, %gather3A_487] : memref<2x64x128xf32, #tpu.memory_space<vmem>> -> memref<1x64x128xf32, #tpu.memory_space<vmem>>
          %gather3A_489 = tpu.memref_squeeze %gather3A_488 : memref<1x64x128xf32, #tpu.memory_space<vmem>> -> memref<64x128xf32, #tpu.memory_space<vmem>>
          %gather3A_490 = tpu.vector_load_idx %gather3A_489[%and3A_136, %add3A_485] : memref<64x128xf32, #tpu.memory_space<vmem>>[vector<16xi32>, vector<16xi32>], vector<16xf32>,
          %shift_left3A_491 = arith.constant 4 : i32
          %shift_left3A_492 = arith.shli %and3A_127, %shift_left3A_491 : i32
          %add3A_493 = vector.broadcast %shift_left3A_492 : i32 to vector<16xi32>
          %add3A_494 = arith.addi %add3A_493, %iota3A : vector<16xi32>
          %scatter3A_495 = arith.constant 0 : i32
          %scatter3A_496 = arith.constant 0 : i32
          %scatter3A_497 = tpu.memref_slice %arg6[%add3A_91, %scatter3A_495, %scatter3A_496] : memref<3x64x128xf32, #tpu.memory_space<vmem>> -> memref<1x64x128xf32, #tpu.memory_space<vmem>>
          %scatter3A_498 = tpu.memref_squeeze %scatter3A_497 : memref<1x64x128xf32, #tpu.memory_space<vmem>> -> memref<64x128xf32, #tpu.memory_space<vmem>>
          tpu.vector_store_idx %scatter3A_498[%add3A_480, %add3A_494], %gather3A_490 : memref<64x128xf32, #tpu.memory_space<vmem>>[vector<16xi32>, vector<16xi32>], vector<16xf32>,
          %add3A_499 = arith.constant 14 : i32
          %add3A_500 = vector.broadcast %add3A_499 : i32 to vector<16xi32>
          %add3A_501 = arith.addi %iota3A, %add3A_500 : vector<16xi32>
          %and3A_502 = arith.constant 15 : i32
          %and3A_503 = vector.broadcast %and3A_502 : i32 to vector<16xi32>
          %and3A_504 = arith.andi %add3A_501, %and3A_503 : vector<16xi32>
          %add3A_505 = vector.broadcast %shift_left3A_125 : i32 to vector<16xi32>
          %add3A_506 = arith.addi %and3A_504, %add3A_505 : vector<16xi32>
          %shift_left3A_507 = arith.constant 1 : i32
          %shift_left3A_508 = vector.broadcast %shift_left3A_507 : i32 to vector<16xi32>
          %shift_left3A_509 = arith.shli %add3A_506, %shift_left3A_508 : vector<16xi32>
          %add3A_510 = vector.broadcast %shift_right_logical3A_129 : i32 to vector<16xi32>
          %add3A_511 = arith.addi %shift_left3A_509, %add3A_510 : vector<16xi32>
          %gather3A_512 = arith.constant 0 : i32
          %gather3A_513 = arith.constant 0 : i32
          %gather3A_514 = tpu.memref_slice %arg5[%select_n3A_54, %gather3A_512, %gather3A_513] : memref<2x64x128xf32, #tpu.memory_space<vmem>> -> memref<1x64x128xf32, #tpu.memory_space<vmem>>
          %gather3A_515 = tpu.memref_squeeze %gather3A_514 : memref<1x64x128xf32, #tpu.memory_space<vmem>> -> memref<64x128xf32, #tpu.memory_space<vmem>>
          %gather3A_516 = tpu.vector_load_idx %gather3A_515[%and3A_136, %add3A_511] : memref<64x128xf32, #tpu.memory_space<vmem>>[vector<16xi32>, vector<16xi32>], vector<16xf32>,
          %shift_left3A_517 = arith.constant 4 : i32
          %shift_left3A_518 = arith.shli %and3A_127, %shift_left3A_517 : i32
          %add3A_519 = vector.broadcast %shift_left3A_518 : i32 to vector<16xi32>
          %add3A_520 = arith.addi %add3A_519, %iota3A : vector<16xi32>
          %scatter3A_521 = arith.constant 0 : i32
          %scatter3A_522 = arith.constant 0 : i32
          %scatter3A_523 = tpu.memref_slice %arg6[%add3A_91, %scatter3A_521, %scatter3A_522] : memref<3x64x128xf32, #tpu.memory_space<vmem>> -> memref<1x64x128xf32, #tpu.memory_space<vmem>>
          %scatter3A_524 = tpu.memref_squeeze %scatter3A_523 : memref<1x64x128xf32, #tpu.memory_space<vmem>> -> memref<64x128xf32, #tpu.memory_space<vmem>>
          tpu.vector_store_idx %scatter3A_524[%add3A_506, %add3A_520], %gather3A_516 : memref<64x128xf32, #tpu.memory_space<vmem>>[vector<16xi32>, vector<16xi32>], vector<16xf32>,
          %add3A_525 = arith.constant 15 : i32
          %add3A_526 = vector.broadcast %add3A_525 : i32 to vector<16xi32>
          %add3A_527 = arith.addi %iota3A, %add3A_526 : vector<16xi32>
          %and3A_528 = arith.constant 15 : i32
          %and3A_529 = vector.broadcast %and3A_528 : i32 to vector<16xi32>
          %and3A_530 = arith.andi %add3A_527, %and3A_529 : vector<16xi32>
          %add3A_531 = vector.broadcast %shift_left3A_125 : i32 to vector<16xi32>
          %add3A_532 = arith.addi %and3A_530, %add3A_531 : vector<16xi32>
          %shift_left3A_533 = arith.constant 1 : i32
          %shift_left3A_534 = vector.broadcast %shift_left3A_533 : i32 to vector<16xi32>
          %shift_left3A_535 = arith.shli %add3A_532, %shift_left3A_534 : vector<16xi32>
          %add3A_536 = vector.broadcast %shift_right_logical3A_129 : i32 to vector<16xi32>
          %add3A_537 = arith.addi %shift_left3A_535, %add3A_536 : vector<16xi32>
          %gather3A_538 = arith.constant 0 : i32
          %gather3A_539 = arith.constant 0 : i32
          %gather3A_540 = tpu.memref_slice %arg5[%select_n3A_54, %gather3A_538, %gather3A_539] : memref<2x64x128xf32, #tpu.memory_space<vmem>> -> memref<1x64x128xf32, #tpu.memory_space<vmem>>
          %gather3A_541 = tpu.memref_squeeze %gather3A_540 : memref<1x64x128xf32, #tpu.memory_space<vmem>> -> memref<64x128xf32, #tpu.memory_space<vmem>>
          %gather3A_542 = tpu.vector_load_idx %gather3A_541[%and3A_136, %add3A_537] : memref<64x128xf32, #tpu.memory_space<vmem>>[vector<16xi32>, vector<16xi32>], vector<16xf32>,
          %shift_left3A_543 = arith.constant 4 : i32
          %shift_left3A_544 = arith.shli %and3A_127, %shift_left3A_543 : i32
          %add3A_545 = vector.broadcast %shift_left3A_544 : i32 to vector<16xi32>
          %add3A_546 = arith.addi %add3A_545, %iota3A : vector<16xi32>
          %scatter3A_547 = arith.constant 0 : i32
          %scatter3A_548 = arith.constant 0 : i32
          %scatter3A_549 = tpu.memref_slice %arg6[%add3A_91, %scatter3A_547, %scatter3A_548] : memref<3x64x128xf32, #tpu.memory_space<vmem>> -> memref<1x64x128xf32, #tpu.memory_space<vmem>>
          %scatter3A_550 = tpu.memref_squeeze %scatter3A_549 : memref<1x64x128xf32, #tpu.memory_space<vmem>> -> memref<64x128xf32, #tpu.memory_space<vmem>>
          tpu.vector_store_idx %scatter3A_550[%add3A_532, %add3A_546], %gather3A_542 : memref<64x128xf32, #tpu.memory_space<vmem>>[vector<16xi32>, vector<16xi32>], vector<16xf32>,
        }
        %scan3A_97 = arith.constant 32 : i32
        %mul3A_98 = arith.constant 64 : i32
        %mul3A_99 = arith.muli %add3A_38, %mul3A_98 : i32
        %dma_start3A = arith.constant 0 : i32
        %dma_start3A_100 = arith.constant 0 : i32
        %dma_start3A_101 = tpu.memref_slice %arg6[%add3A_91, %dma_start3A, %dma_start3A_100] : memref<3x64x128xf32, #tpu.memory_space<vmem>> -> memref<1x64x128xf32, #tpu.memory_space<vmem>>
        %dma_start3A_102 = tpu.memref_squeeze %dma_start3A_101 : memref<1x64x128xf32, #tpu.memory_space<vmem>> -> memref<64x128xf32, #tpu.memory_space<vmem>>
        %dma_start3A_103 = arith.constant 0 : i32
        %dma_start3A_104 = tpu.memref_slice %arg4[%mul3A_99, %dma_start3A_103] : memref<500000x128xf32, #tpu.memory_space<hbm>> -> memref<64x128xf32, #tpu.memory_space<hbm>>
        %dma_start3A_105 = tpu.memref_slice %arg8[%select_n3A_70] : memref<2x!tpu.dma_semaphore, #tpu.memory_space<semaphore_mem>> -> memref<1x!tpu.dma_semaphore, #tpu.memory_space<semaphore_mem>>
        %dma_start3A_106 = tpu.memref_squeeze %dma_start3A_105 : memref<1x!tpu.dma_semaphore, #tpu.memory_space<semaphore_mem>> -> memref<!tpu.dma_semaphore, #tpu.memory_space<semaphore_mem>>
        %dma_start3A_107 = arith.constant 0 : i32
        %dma_start3A_108 = tpu.memref_slice %arg4[%mul3A_99, %dma_start3A_107] : memref<500000x128xf32, #tpu.memory_space<hbm>> -> memref<64x128xf32, #tpu.memory_space<hbm>>
        %dma_start3A_109 = arith.constant 0 : i32
        %dma_start3A_110 = arith.constant 0 : i32
        %dma_start3A_111 = tpu.memref_slice %arg6[%add3A_91, %dma_start3A_109, %dma_start3A_110] : memref<3x64x128xf32, #tpu.memory_space<vmem>> -> memref<1x64x128xf32, #tpu.memory_space<vmem>>
        %dma_start3A_112 = tpu.memref_squeeze %dma_start3A_111 : memref<1x64x128xf32, #tpu.memory_space<vmem>> -> memref<64x128xf32, #tpu.memory_space<vmem>>
        tpu.enqueue_dma source(%dma_start3A_112 : memref<64x128xf32, #tpu.memory_space<vmem>>) target(%dma_start3A_108 : memref<64x128xf32, #tpu.memory_space<hbm>>) target_semaphore(%dma_start3A_106 : memref<!tpu.dma_semaphore, #tpu.memory_space<semaphore_mem>>)
        %add3A_113 = arith.constant 2 : i32
        %add3A_114 = arith.addi %scan3A_35, %add3A_113 : i32
        %mul3A_115 = arith.constant 32 : i32
        %mul3A_116 = arith.muli %mul3A_115, %add3A_114 : i32
        %add3A_117 = arith.addi %add3A, %mul3A_116 : i32
        %lt3A_118 = arith.constant 7812 : i32
        %lt3A_119 = arith.cmpi slt, %add3A_117, %lt3A_118 : i32
        %convert_element_type3A_120 = arith.extui %lt3A_119 : i1 to i32
        %cond3A_121 = arith.constant 0 : i32
        %cond3A_122 = arith.cmpi ne, %convert_element_type3A_120, %cond3A_121 : i32
        scf.if %cond3A_122 {
          %add3A_123 = arith.constant 2 : i32
          %add3A_124 = arith.addi %scan3A_35, %add3A_123 : i32
          %mul3A_125 = arith.constant 32 : i32
          %mul3A_126 = arith.muli %mul3A_125, %add3A_124 : i32
          %add3A_127 = arith.addi %add3A, %mul3A_126 : i32
          %mul3A_128 = arith.constant 128 : i32
          %mul3A_129 = arith.muli %add3A_127, %mul3A_128 : i32
          %dma_start3A_130 = arith.constant 0 : i32
          %dma_start3A_131 = arith.constant 0 : i32
          %dma_start3A_132 = tpu.memref_slice %arg5[%select_n3A_54, %dma_start3A_130, %dma_start3A_131] : memref<2x64x128xf32, #tpu.memory_space<vmem>> -> memref<1x64x128xf32, #tpu.memory_space<vmem>>
          %dma_start3A_133 = tpu.memref_squeeze %dma_start3A_132 : memref<1x64x128xf32, #tpu.memory_space<vmem>> -> memref<64x128xf32, #tpu.memory_space<vmem>>
          %dma_start3A_134 = arith.constant 0 : i32
          %dma_start3A_135 = tpu.memref_slice %arg2[%dma_start3A_134, %mul3A_129] : memref<64x1000000xf32, #tpu.memory_space<hbm>> -> memref<64x128xf32, #tpu.memory_space<hbm>>
          %dma_start3A_136 = tpu.memref_slice %arg7[%select_n3A_54] : memref<2x!tpu.dma_semaphore, #tpu.memory_space<semaphore_mem>> -> memref<1x!tpu.dma_semaphore, #tpu.memory_space<semaphore_mem>>
          %dma_start3A_137 = tpu.memref_squeeze %dma_start3A_136 : memref<1x!tpu.dma_semaphore, #tpu.memory_space<semaphore_mem>> -> memref<!tpu.dma_semaphore, #tpu.memory_space<semaphore_mem>>
          %dma_start3A_138 = arith.constant 0 : i32
          %dma_start3A_139 = arith.constant 0 : i32
          %dma_start3A_140 = tpu.memref_slice %arg5[%select_n3A_54, %dma_start3A_138, %dma_start3A_139] : memref<2x64x128xf32, #tpu.memory_space<vmem>> -> memref<1x64x128xf32, #tpu.memory_space<vmem>>
          %dma_start3A_141 = tpu.memref_squeeze %dma_start3A_140 : memref<1x64x128xf32, #tpu.memory_space<vmem>> -> memref<64x128xf32, #tpu.memory_space<vmem>>
          %dma_start3A_142 = arith.constant 0 : i32
          %dma_start3A_143 = tpu.memref_slice %arg2[%dma_start3A_142, %mul3A_129] : memref<64x1000000xf32, #tpu.memory_space<hbm>> -> memref<64x128xf32, #tpu.memory_space<hbm>>
          tpu.enqueue_dma source(%dma_start3A_143 : memref<64x128xf32, #tpu.memory_space<hbm>>) target(%dma_start3A_141 : memref<64x128xf32, #tpu.memory_space<vmem>>) target_semaphore(%dma_start3A_137 : memref<!tpu.dma_semaphore, #tpu.memory_space<semaphore_mem>>)
        } else {
        }
      } else {
      }
    }
    %scan3A_20 = arith.constant 245 : i32
    %add3A_21 = arith.constant 7776 : i32
    %add3A_22 = arith.addi %add3A, %add3A_21 : i32
    %lt3A_23 = arith.constant 7812 : i32
    %lt3A_24 = arith.cmpi slt, %add3A_22, %lt3A_23 : i32
    %convert_element_type3A_25 = arith.extui %lt3A_24 : i1 to i32
    %cond3A_26 = arith.constant 0 : i32
    %cond3A_27 = arith.cmpi ne, %convert_element_type3A_25, %cond3A_26 : i32
    scf.if %cond3A_27 {
      %mul3A_35 = arith.constant 64 : i32
      %mul3A_36 = arith.muli %add3A_22, %mul3A_35 : i32
      %dma_wait3A = arith.constant 2 : i32
      %dma_wait3A_37 = arith.constant 1 : i32
      %dma_wait3A_38 = arith.constant 0 : i32
      %dma_wait3A_39 = arith.constant 0 : i32
      %dma_wait3A_40 = tpu.memref_slice %arg6[%dma_wait3A, %dma_wait3A_38, %dma_wait3A_39] : memref<3x64x128xf32, #tpu.memory_space<vmem>> -> memref<1x64x128xf32, #tpu.memory_space<vmem>>
      %dma_wait3A_41 = tpu.memref_squeeze %dma_wait3A_40 : memref<1x64x128xf32, #tpu.memory_space<vmem>> -> memref<64x128xf32, #tpu.memory_space<vmem>>
      %dma_wait3A_42 = arith.constant 0 : i32
      %dma_wait3A_43 = tpu.memref_slice %arg4[%mul3A_36, %dma_wait3A_42] : memref<500000x128xf32, #tpu.memory_space<hbm>> -> memref<64x128xf32, #tpu.memory_space<hbm>>
      %dma_wait3A_44 = tpu.memref_slice %arg8[%dma_wait3A_37] : memref<2x!tpu.dma_semaphore, #tpu.memory_space<semaphore_mem>> -> memref<1x!tpu.dma_semaphore, #tpu.memory_space<semaphore_mem>>
      %dma_wait3A_45 = tpu.memref_squeeze %dma_wait3A_44 : memref<1x!tpu.dma_semaphore, #tpu.memory_space<semaphore_mem>> -> memref<!tpu.dma_semaphore, #tpu.memory_space<semaphore_mem>>
      %dma_wait3A_46 = arith.constant 0 : i32
      %dma_wait3A_47 = tpu.memref_slice %arg4[%mul3A_36, %dma_wait3A_46] : memref<500000x128xf32, #tpu.memory_space<hbm>> -> memref<64x128xf32, #tpu.memory_space<hbm>>
      %dma_wait3A_48 = arith.constant 0 : i32
      %dma_wait3A_49 = arith.constant 0 : i32
      %dma_wait3A_50 = tpu.memref_slice %arg6[%dma_wait3A, %dma_wait3A_48, %dma_wait3A_49] : memref<3x64x128xf32, #tpu.memory_space<vmem>> -> memref<1x64x128xf32, #tpu.memory_space<vmem>>
      %dma_wait3A_51 = tpu.memref_squeeze %dma_wait3A_50 : memref<1x64x128xf32, #tpu.memory_space<vmem>> -> memref<64x128xf32, #tpu.memory_space<vmem>>
      tpu.wait_dma2 semaphore(%dma_wait3A_45 : memref<!tpu.dma_semaphore, #tpu.memory_space<semaphore_mem>>) src(%dma_wait3A_51 : memref<64x128xf32, #tpu.memory_space<vmem>>) dst(%dma_wait3A_47 : memref<64x128xf32, #tpu.memory_space<hbm>>)
    } else {
    }
    %add3A_28 = arith.constant 7808 : i32
    %add3A_29 = arith.addi %add3A, %add3A_28 : i32
    %lt3A_30 = arith.constant 7812 : i32
    %lt3A_31 = arith.cmpi slt, %add3A_29, %lt3A_30 : i32
    %convert_element_type3A_32 = arith.extui %lt3A_31 : i1 to i32
    %cond3A_33 = arith.constant 0 : i32
    %cond3A_34 = arith.cmpi ne, %convert_element_type3A_32, %cond3A_33 : i32
    scf.if %cond3A_34 {
      %mul3A_35 = arith.constant 64 : i32
      %mul3A_36 = arith.muli %add3A_29, %mul3A_35 : i32
      %dma_wait3A = arith.constant 1 : i32
      %dma_wait3A_37 = arith.constant 0 : i32
      %dma_wait3A_38 = arith.constant 0 : i32
      %dma_wait3A_39 = arith.constant 0 : i32
      %dma_wait3A_40 = tpu.memref_slice %arg6[%dma_wait3A, %dma_wait3A_38, %dma_wait3A_39] : memref<3x64x128xf32, #tpu.memory_space<vmem>> -> memref<1x64x128xf32, #tpu.memory_space<vmem>>
      %dma_wait3A_41 = tpu.memref_squeeze %dma_wait3A_40 : memref<1x64x128xf32, #tpu.memory_space<vmem>> -> memref<64x128xf32, #tpu.memory_space<vmem>>
      %dma_wait3A_42 = arith.constant 0 : i32
      %dma_wait3A_43 = tpu.memref_slice %arg4[%mul3A_36, %dma_wait3A_42] : memref<500000x128xf32, #tpu.memory_space<hbm>> -> memref<64x128xf32, #tpu.memory_space<hbm>>
      %dma_wait3A_44 = tpu.memref_slice %arg8[%dma_wait3A_37] : memref<2x!tpu.dma_semaphore, #tpu.memory_space<semaphore_mem>> -> memref<1x!tpu.dma_semaphore, #tpu.memory_space<semaphore_mem>>
      %dma_wait3A_45 = tpu.memref_squeeze %dma_wait3A_44 : memref<1x!tpu.dma_semaphore, #tpu.memory_space<semaphore_mem>> -> memref<!tpu.dma_semaphore, #tpu.memory_space<semaphore_mem>>
      %dma_wait3A_46 = arith.constant 0 : i32
      %dma_wait3A_47 = tpu.memref_slice %arg4[%mul3A_36, %dma_wait3A_46] : memref<500000x128xf32, #tpu.memory_space<hbm>> -> memref<64x128xf32, #tpu.memory_space<hbm>>
      %dma_wait3A_48 = arith.constant 0 : i32
      %dma_wait3A_49 = arith.constant 0 : i32
      %dma_wait3A_50 = tpu.memref_slice %arg6[%dma_wait3A, %dma_wait3A_48, %dma_wait3A_49] : memref<3x64x128xf32, #tpu.memory_space<vmem>> -> memref<1x64x128xf32, #tpu.memory_space<vmem>>
      %dma_wait3A_51 = tpu.memref_squeeze %dma_wait3A_50 : memref<1x64x128xf32, #tpu.memory_space<vmem>> -> memref<64x128xf32, #tpu.memory_space<vmem>>
      tpu.wait_dma2 semaphore(%dma_wait3A_45 : memref<!tpu.dma_semaphore, #tpu.memory_space<semaphore_mem>>) src(%dma_wait3A_51 : memref<64x128xf32, #tpu.memory_space<vmem>>) dst(%dma_wait3A_47 : memref<64x128xf32, #tpu.memory_space<hbm>>)
    } else {
    }
    return
  }
}

#map = affine_map<(d0, d1) -> (0)>
#map1 = affine_map<(d0, d1) -> (0, 0)>
#map2 = affine_map<(d0, d1) -> (0, 0, 0)>
module attributes {stable_mosaic.version = 14 : i64} {
  func.func @_sc_body(%arg0: i32, %arg1: i32, %arg2: memref<819200xi32, #tpu.memory_space<hbm>>, %arg3: memref<500000x128xf32, #tpu.memory_space<hbm>>, %arg4: memref<12800xf32, #tpu.memory_space<hbm>>, %arg5: memref<200x64x4096xf32, #tpu.memory_space<hbm>>, %arg6: memref<512xi32, #tpu.memory_space<vmem>>, %arg7: memref<512xi32, #tpu.memory_space<vmem>>, %arg8: memref<512xi32, #tpu.memory_space<vmem>>, %arg9: memref<4x128x128xf32, #tpu.memory_space<vmem>>, %arg10: memref<2x64x128xf32, #tpu.memory_space<vmem>>, %arg11: memref<256xf32, #tpu.memory_space<vmem>>, %arg12: memref<4x!tpu.dma_semaphore, #tpu.memory_space<semaphore_mem>>, %arg13: memref<2x!tpu.dma_semaphore, #tpu.memory_space<semaphore_mem>>, %arg14: memref<4x!tpu.dma_semaphore, #tpu.memory_space<semaphore_mem>>) attributes {dimension_semantics = [#tpu.dimension_semantics<core_parallel>, #tpu.dimension_semantics<subcore_parallel>], iteration_bounds = array<i64: 2, 16>, scalar_prefetch = 0 : i64, scratch_operands = 9 : i64, tpu.core_type = #tpu.core_type<sc_vector_subcore>, window_params = [{transform_indices = #map}, {transform_indices = #map1}, {transform_indices = #map}, {transform_indices = #map2}]} {
    %mul3A = arith.constant 2 : i32
    %mul3A_0 = arith.muli %arg1, %mul3A : i32
    %add3A = arith.addi %mul3A_0, %arg0 : i32
    %mul3A_1 = arith.constant 128 : i32
    %mul3A_2 = arith.muli %add3A, %mul3A_1 : i32
    %add3A_3 = arith.constant 0 : i32
    %add3A_4 = arith.addi %add3A_3, %mul3A_2 : i32
    %dma_start3A = arith.constant 0 : i32
    %dma_start3A_5 = arith.constant 0 : i32
    %dma_start3A_6 = tpu.memref_slice %arg6[%dma_start3A_5] : memref<512xi32, #tpu.memory_space<vmem>> -> memref<128xi32, #tpu.memory_space<vmem>>
    %dma_start3A_7 = tpu.memref_slice %arg2[%add3A_4] : memref<819200xi32, #tpu.memory_space<hbm>> -> memref<128xi32, #tpu.memory_space<hbm>>
    %dma_start3A_8 = tpu.memref_slice %arg14[%dma_start3A] : memref<4x!tpu.dma_semaphore, #tpu.memory_space<semaphore_mem>> -> memref<1x!tpu.dma_semaphore, #tpu.memory_space<semaphore_mem>>
    %dma_start3A_9 = tpu.memref_squeeze %dma_start3A_8 : memref<1x!tpu.dma_semaphore, #tpu.memory_space<semaphore_mem>> -> memref<!tpu.dma_semaphore, #tpu.memory_space<semaphore_mem>>
    %dma_start3A_10 = arith.constant 0 : i32
    %dma_start3A_11 = tpu.memref_slice %arg6[%dma_start3A_10] : memref<512xi32, #tpu.memory_space<vmem>> -> memref<128xi32, #tpu.memory_space<vmem>>
    %dma_start3A_12 = tpu.memref_slice %arg2[%add3A_4] : memref<819200xi32, #tpu.memory_space<hbm>> -> memref<128xi32, #tpu.memory_space<hbm>>
    tpu.enqueue_dma source(%dma_start3A_12 : memref<128xi32, #tpu.memory_space<hbm>>) target(%dma_start3A_11 : memref<128xi32, #tpu.memory_space<vmem>>) target_semaphore(%dma_start3A_9 : memref<!tpu.dma_semaphore, #tpu.memory_space<semaphore_mem>>)
    %add3A_13 = arith.constant 4096 : i32
    %add3A_14 = arith.addi %add3A_13, %mul3A_2 : i32
    %dma_start3A_15 = arith.constant 1 : i32
    %dma_start3A_16 = arith.constant 128 : i32
    %dma_start3A_17 = tpu.memref_slice %arg6[%dma_start3A_16] : memref<512xi32, #tpu.memory_space<vmem>> -> memref<128xi32, #tpu.memory_space<vmem>>
    %dma_start3A_18 = tpu.memref_slice %arg2[%add3A_14] : memref<819200xi32, #tpu.memory_space<hbm>> -> memref<128xi32, #tpu.memory_space<hbm>>
    %dma_start3A_19 = tpu.memref_slice %arg14[%dma_start3A_15] : memref<4x!tpu.dma_semaphore, #tpu.memory_space<semaphore_mem>> -> memref<1x!tpu.dma_semaphore, #tpu.memory_space<semaphore_mem>>
    %dma_start3A_20 = tpu.memref_squeeze %dma_start3A_19 : memref<1x!tpu.dma_semaphore, #tpu.memory_space<semaphore_mem>> -> memref<!tpu.dma_semaphore, #tpu.memory_space<semaphore_mem>>
    %dma_start3A_21 = arith.constant 128 : i32
    %dma_start3A_22 = tpu.memref_slice %arg6[%dma_start3A_21] : memref<512xi32, #tpu.memory_space<vmem>> -> memref<128xi32, #tpu.memory_space<vmem>>
    %dma_start3A_23 = tpu.memref_slice %arg2[%add3A_14] : memref<819200xi32, #tpu.memory_space<hbm>> -> memref<128xi32, #tpu.memory_space<hbm>>
    tpu.enqueue_dma source(%dma_start3A_23 : memref<128xi32, #tpu.memory_space<hbm>>) target(%dma_start3A_22 : memref<128xi32, #tpu.memory_space<vmem>>) target_semaphore(%dma_start3A_20 : memref<!tpu.dma_semaphore, #tpu.memory_space<semaphore_mem>>)
    %add3A_24 = arith.constant 8192 : i32
    %add3A_25 = arith.addi %add3A_24, %mul3A_2 : i32
    %dma_start3A_26 = arith.constant 2 : i32
    %dma_start3A_27 = arith.constant 256 : i32
    %dma_start3A_28 = tpu.memref_slice %arg6[%dma_start3A_27] : memref<512xi32, #tpu.memory_space<vmem>> -> memref<128xi32, #tpu.memory_space<vmem>>
    %dma_start3A_29 = tpu.memref_slice %arg2[%add3A_25] : memref<819200xi32, #tpu.memory_space<hbm>> -> memref<128xi32, #tpu.memory_space<hbm>>
    %dma_start3A_30 = tpu.memref_slice %arg14[%dma_start3A_26] : memref<4x!tpu.dma_semaphore, #tpu.memory_space<semaphore_mem>> -> memref<1x!tpu.dma_semaphore, #tpu.memory_space<semaphore_mem>>
    %dma_start3A_31 = tpu.memref_squeeze %dma_start3A_30 : memref<1x!tpu.dma_semaphore, #tpu.memory_space<semaphore_mem>> -> memref<!tpu.dma_semaphore, #tpu.memory_space<semaphore_mem>>
    %dma_start3A_32 = arith.constant 256 : i32
    %dma_start3A_33 = tpu.memref_slice %arg6[%dma_start3A_32] : memref<512xi32, #tpu.memory_space<vmem>> -> memref<128xi32, #tpu.memory_space<vmem>>
    %dma_start3A_34 = tpu.memref_slice %arg2[%add3A_25] : memref<819200xi32, #tpu.memory_space<hbm>> -> memref<128xi32, #tpu.memory_space<hbm>>
    tpu.enqueue_dma source(%dma_start3A_34 : memref<128xi32, #tpu.memory_space<hbm>>) target(%dma_start3A_33 : memref<128xi32, #tpu.memory_space<vmem>>) target_semaphore(%dma_start3A_31 : memref<!tpu.dma_semaphore, #tpu.memory_space<semaphore_mem>>)
    %add3A_35 = arith.constant 12288 : i32
    %add3A_36 = arith.addi %add3A_35, %mul3A_2 : i32
    %dma_start3A_37 = arith.constant 3 : i32
    %dma_start3A_38 = arith.constant 384 : i32
    %dma_start3A_39 = tpu.memref_slice %arg6[%dma_start3A_38] : memref<512xi32, #tpu.memory_space<vmem>> -> memref<128xi32, #tpu.memory_space<vmem>>
    %dma_start3A_40 = tpu.memref_slice %arg2[%add3A_36] : memref<819200xi32, #tpu.memory_space<hbm>> -> memref<128xi32, #tpu.memory_space<hbm>>
    %dma_start3A_41 = tpu.memref_slice %arg14[%dma_start3A_37] : memref<4x!tpu.dma_semaphore, #tpu.memory_space<semaphore_mem>> -> memref<1x!tpu.dma_semaphore, #tpu.memory_space<semaphore_mem>>
    %dma_start3A_42 = tpu.memref_squeeze %dma_start3A_41 : memref<1x!tpu.dma_semaphore, #tpu.memory_space<semaphore_mem>> -> memref<!tpu.dma_semaphore, #tpu.memory_space<semaphore_mem>>
    %dma_start3A_43 = arith.constant 384 : i32
    %dma_start3A_44 = tpu.memref_slice %arg6[%dma_start3A_43] : memref<512xi32, #tpu.memory_space<vmem>> -> memref<128xi32, #tpu.memory_space<vmem>>
    %dma_start3A_45 = tpu.memref_slice %arg2[%add3A_36] : memref<819200xi32, #tpu.memory_space<hbm>> -> memref<128xi32, #tpu.memory_space<hbm>>
    tpu.enqueue_dma source(%dma_start3A_45 : memref<128xi32, #tpu.memory_space<hbm>>) target(%dma_start3A_44 : memref<128xi32, #tpu.memory_space<vmem>>) target_semaphore(%dma_start3A_42 : memref<!tpu.dma_semaphore, #tpu.memory_space<semaphore_mem>>)
    %add3A_46 = arith.constant 0 : i32
    %add3A_47 = arith.addi %add3A_46, %mul3A_2 : i32
    %dma_wait3A = arith.constant 0 : i32
    %dma_wait3A_48 = arith.constant 0 : i32
    %dma_wait3A_49 = tpu.memref_slice %arg6[%dma_wait3A_48] : memref<512xi32, #tpu.memory_space<vmem>> -> memref<128xi32, #tpu.memory_space<vmem>>
    %dma_wait3A_50 = tpu.memref_slice %arg2[%add3A_47] : memref<819200xi32, #tpu.memory_space<hbm>> -> memref<128xi32, #tpu.memory_space<hbm>>
    %dma_wait3A_51 = tpu.memref_slice %arg14[%dma_wait3A] : memref<4x!tpu.dma_semaphore, #tpu.memory_space<semaphore_mem>> -> memref<1x!tpu.dma_semaphore, #tpu.memory_space<semaphore_mem>>
    %dma_wait3A_52 = tpu.memref_squeeze %dma_wait3A_51 : memref<1x!tpu.dma_semaphore, #tpu.memory_space<semaphore_mem>> -> memref<!tpu.dma_semaphore, #tpu.memory_space<semaphore_mem>>
    %dma_wait3A_53 = arith.constant 0 : i32
    %dma_wait3A_54 = tpu.memref_slice %arg6[%dma_wait3A_53] : memref<512xi32, #tpu.memory_space<vmem>> -> memref<128xi32, #tpu.memory_space<vmem>>
    %dma_wait3A_55 = tpu.memref_slice %arg2[%add3A_47] : memref<819200xi32, #tpu.memory_space<hbm>> -> memref<128xi32, #tpu.memory_space<hbm>>
    tpu.wait_dma2 semaphore(%dma_wait3A_52 : memref<!tpu.dma_semaphore, #tpu.memory_space<semaphore_mem>>) src(%dma_wait3A_55 : memref<128xi32, #tpu.memory_space<hbm>>) dst(%dma_wait3A_54 : memref<128xi32, #tpu.memory_space<vmem>>)
    %get3A = arith.constant 0 : index
    %get3A_56 = tpu.vector_load %arg6[%get3A] {strides = array<i32>} : memref<512xi32, #tpu.memory_space<vmem>>, vector<16xi32>,
    %shift_right_logical3A = arith.constant 1 : i32
    %shift_right_logical3A_57 = vector.broadcast %shift_right_logical3A : i32 to vector<16xi32>
    %shift_right_logical3A_58 = arith.shrui %get3A_56, %shift_right_logical3A_57 : vector<16xi32>
    %swap3A = arith.constant 0 : index
    %swap3A_59 = tpu.vector_load %arg7[%swap3A] {strides = array<i32>} : memref<512xi32, #tpu.memory_space<vmem>>, vector<16xi32>,
    tpu.vector_store %arg7[%swap3A], %shift_right_logical3A_58 {strides = array<i32>} : memref<512xi32, #tpu.memory_space<vmem>>, vector<16xi32>,
    %and3A = arith.constant 1 : i32
    %and3A_60 = vector.broadcast %and3A : i32 to vector<16xi32>
    %and3A_61 = arith.andi %get3A_56, %and3A_60 : vector<16xi32>
    %shift_left3A = arith.constant 6 : i32
    %shift_left3A_62 = vector.broadcast %shift_left3A : i32 to vector<16xi32>
    %shift_left3A_63 = arith.shli %and3A_61, %shift_left3A_62 : vector<16xi32>
    %swap3A_64 = arith.constant 0 : index
    %swap3A_65 = tpu.vector_load %arg8[%swap3A_64] {strides = array<i32>} : memref<512xi32, #tpu.memory_space<vmem>>, vector<16xi32>,
    tpu.vector_store %arg8[%swap3A_64], %shift_left3A_63 {strides = array<i32>} : memref<512xi32, #tpu.memory_space<vmem>>, vector<16xi32>,
    %get3A_66 = arith.constant 16 : index
    %get3A_67 = tpu.vector_load %arg6[%get3A_66] {strides = array<i32>} : memref<512xi32, #tpu.memory_space<vmem>>, vector<16xi32>,
    %shift_right_logical3A_68 = arith.constant 1 : i32
    %shift_right_logical3A_69 = vector.broadcast %shift_right_logical3A_68 : i32 to vector<16xi32>
    %shift_right_logical3A_70 = arith.shrui %get3A_67, %shift_right_logical3A_69 : vector<16xi32>
    %swap3A_71 = arith.constant 16 : index
    %swap3A_72 = tpu.vector_load %arg7[%swap3A_71] {strides = array<i32>} : memref<512xi32, #tpu.memory_space<vmem>>, vector<16xi32>,
    tpu.vector_store %arg7[%swap3A_71], %shift_right_logical3A_70 {strides = array<i32>} : memref<512xi32, #tpu.memory_space<vmem>>, vector<16xi32>,
    %and3A_73 = arith.constant 1 : i32
    %and3A_74 = vector.broadcast %and3A_73 : i32 to vector<16xi32>
    %and3A_75 = arith.andi %get3A_67, %and3A_74 : vector<16xi32>
    %shift_left3A_76 = arith.constant 6 : i32
    %shift_left3A_77 = vector.broadcast %shift_left3A_76 : i32 to vector<16xi32>
    %shift_left3A_78 = arith.shli %and3A_75, %shift_left3A_77 : vector<16xi32>
    %swap3A_79 = arith.constant 16 : index
    %swap3A_80 = tpu.vector_load %arg8[%swap3A_79] {strides = array<i32>} : memref<512xi32, #tpu.memory_space<vmem>>, vector<16xi32>,
    tpu.vector_store %arg8[%swap3A_79], %shift_left3A_78 {strides = array<i32>} : memref<512xi32, #tpu.memory_space<vmem>>, vector<16xi32>,
    %get3A_81 = arith.constant 32 : index
    %get3A_82 = tpu.vector_load %arg6[%get3A_81] {strides = array<i32>} : memref<512xi32, #tpu.memory_space<vmem>>, vector<16xi32>,
    %shift_right_logical3A_83 = arith.constant 1 : i32
    %shift_right_logical3A_84 = vector.broadcast %shift_right_logical3A_83 : i32 to vector<16xi32>
    %shift_right_logical3A_85 = arith.shrui %get3A_82, %shift_right_logical3A_84 : vector<16xi32>
    %swap3A_86 = arith.constant 32 : index
    %swap3A_87 = tpu.vector_load %arg7[%swap3A_86] {strides = array<i32>} : memref<512xi32, #tpu.memory_space<vmem>>, vector<16xi32>,
    tpu.vector_store %arg7[%swap3A_86], %shift_right_logical3A_85 {strides = array<i32>} : memref<512xi32, #tpu.memory_space<vmem>>, vector<16xi32>,
    %and3A_88 = arith.constant 1 : i32
    %and3A_89 = vector.broadcast %and3A_88 : i32 to vector<16xi32>
    %and3A_90 = arith.andi %get3A_82, %and3A_89 : vector<16xi32>
    %shift_left3A_91 = arith.constant 6 : i32
    %shift_left3A_92 = vector.broadcast %shift_left3A_91 : i32 to vector<16xi32>
    %shift_left3A_93 = arith.shli %and3A_90, %shift_left3A_92 : vector<16xi32>
    %swap3A_94 = arith.constant 32 : index
    %swap3A_95 = tpu.vector_load %arg8[%swap3A_94] {strides = array<i32>} : memref<512xi32, #tpu.memory_space<vmem>>, vector<16xi32>,
    tpu.vector_store %arg8[%swap3A_94], %shift_left3A_93 {strides = array<i32>} : memref<512xi32, #tpu.memory_space<vmem>>, vector<16xi32>,
    %get3A_96 = arith.constant 48 : index
    %get3A_97 = tpu.vector_load %arg6[%get3A_96] {strides = array<i32>} : memref<512xi32, #tpu.memory_space<vmem>>, vector<16xi32>,
    %shift_right_logical3A_98 = arith.constant 1 : i32
    %shift_right_logical3A_99 = vector.broadcast %shift_right_logical3A_98 : i32 to vector<16xi32>
    %shift_right_logical3A_100 = arith.shrui %get3A_97, %shift_right_logical3A_99 : vector<16xi32>
    %swap3A_101 = arith.constant 48 : index
    %swap3A_102 = tpu.vector_load %arg7[%swap3A_101] {strides = array<i32>} : memref<512xi32, #tpu.memory_space<vmem>>, vector<16xi32>,
    tpu.vector_store %arg7[%swap3A_101], %shift_right_logical3A_100 {strides = array<i32>} : memref<512xi32, #tpu.memory_space<vmem>>, vector<16xi32>,
    %and3A_103 = arith.constant 1 : i32
    %and3A_104 = vector.broadcast %and3A_103 : i32 to vector<16xi32>
    %and3A_105 = arith.andi %get3A_97, %and3A_104 : vector<16xi32>
    %shift_left3A_106 = arith.constant 6 : i32
    %shift_left3A_107 = vector.broadcast %shift_left3A_106 : i32 to vector<16xi32>
    %shift_left3A_108 = arith.shli %and3A_105, %shift_left3A_107 : vector<16xi32>
    %swap3A_109 = arith.constant 48 : index
    %swap3A_110 = tpu.vector_load %arg8[%swap3A_109] {strides = array<i32>} : memref<512xi32, #tpu.memory_space<vmem>>, vector<16xi32>,
    tpu.vector_store %arg8[%swap3A_109], %shift_left3A_108 {strides = array<i32>} : memref<512xi32, #tpu.memory_space<vmem>>, vector<16xi32>,
    %get3A_111 = arith.constant 64 : index
    %get3A_112 = tpu.vector_load %arg6[%get3A_111] {strides = array<i32>} : memref<512xi32, #tpu.memory_space<vmem>>, vector<16xi32>,
    %shift_right_logical3A_113 = arith.constant 1 : i32
    %shift_right_logical3A_114 = vector.broadcast %shift_right_logical3A_113 : i32 to vector<16xi32>
    %shift_right_logical3A_115 = arith.shrui %get3A_112, %shift_right_logical3A_114 : vector<16xi32>
    %swap3A_116 = arith.constant 64 : index
    %swap3A_117 = tpu.vector_load %arg7[%swap3A_116] {strides = array<i32>} : memref<512xi32, #tpu.memory_space<vmem>>, vector<16xi32>,
    tpu.vector_store %arg7[%swap3A_116], %shift_right_logical3A_115 {strides = array<i32>} : memref<512xi32, #tpu.memory_space<vmem>>, vector<16xi32>,
    %and3A_118 = arith.constant 1 : i32
    %and3A_119 = vector.broadcast %and3A_118 : i32 to vector<16xi32>
    %and3A_120 = arith.andi %get3A_112, %and3A_119 : vector<16xi32>
    %shift_left3A_121 = arith.constant 6 : i32
    %shift_left3A_122 = vector.broadcast %shift_left3A_121 : i32 to vector<16xi32>
    %shift_left3A_123 = arith.shli %and3A_120, %shift_left3A_122 : vector<16xi32>
    %swap3A_124 = arith.constant 64 : index
    %swap3A_125 = tpu.vector_load %arg8[%swap3A_124] {strides = array<i32>} : memref<512xi32, #tpu.memory_space<vmem>>, vector<16xi32>,
    tpu.vector_store %arg8[%swap3A_124], %shift_left3A_123 {strides = array<i32>} : memref<512xi32, #tpu.memory_space<vmem>>, vector<16xi32>,
    %get3A_126 = arith.constant 80 : index
    %get3A_127 = tpu.vector_load %arg6[%get3A_126] {strides = array<i32>} : memref<512xi32, #tpu.memory_space<vmem>>, vector<16xi32>,
    %shift_right_logical3A_128 = arith.constant 1 : i32
    %shift_right_logical3A_129 = vector.broadcast %shift_right_logical3A_128 : i32 to vector<16xi32>
    %shift_right_logical3A_130 = arith.shrui %get3A_127, %shift_right_logical3A_129 : vector<16xi32>
    %swap3A_131 = arith.constant 80 : index
    %swap3A_132 = tpu.vector_load %arg7[%swap3A_131] {strides = array<i32>} : memref<512xi32, #tpu.memory_space<vmem>>, vector<16xi32>,
    tpu.vector_store %arg7[%swap3A_131], %shift_right_logical3A_130 {strides = array<i32>} : memref<512xi32, #tpu.memory_space<vmem>>, vector<16xi32>,
    %and3A_133 = arith.constant 1 : i32
    %and3A_134 = vector.broadcast %and3A_133 : i32 to vector<16xi32>
    %and3A_135 = arith.andi %get3A_127, %and3A_134 : vector<16xi32>
    %shift_left3A_136 = arith.constant 6 : i32
    %shift_left3A_137 = vector.broadcast %shift_left3A_136 : i32 to vector<16xi32>
    %shift_left3A_138 = arith.shli %and3A_135, %shift_left3A_137 : vector<16xi32>
    %swap3A_139 = arith.constant 80 : index
    %swap3A_140 = tpu.vector_load %arg8[%swap3A_139] {strides = array<i32>} : memref<512xi32, #tpu.memory_space<vmem>>, vector<16xi32>,
    tpu.vector_store %arg8[%swap3A_139], %shift_left3A_138 {strides = array<i32>} : memref<512xi32, #tpu.memory_space<vmem>>, vector<16xi32>,
    %get3A_141 = arith.constant 96 : index
    %get3A_142 = tpu.vector_load %arg6[%get3A_141] {strides = array<i32>} : memref<512xi32, #tpu.memory_space<vmem>>, vector<16xi32>,
    %shift_right_logical3A_143 = arith.constant 1 : i32
    %shift_right_logical3A_144 = vector.broadcast %shift_right_logical3A_143 : i32 to vector<16xi32>
    %shift_right_logical3A_145 = arith.shrui %get3A_142, %shift_right_logical3A_144 : vector<16xi32>
    %swap3A_146 = arith.constant 96 : index
    %swap3A_147 = tpu.vector_load %arg7[%swap3A_146] {strides = array<i32>} : memref<512xi32, #tpu.memory_space<vmem>>, vector<16xi32>,
    tpu.vector_store %arg7[%swap3A_146], %shift_right_logical3A_145 {strides = array<i32>} : memref<512xi32, #tpu.memory_space<vmem>>, vector<16xi32>,
    %and3A_148 = arith.constant 1 : i32
    %and3A_149 = vector.broadcast %and3A_148 : i32 to vector<16xi32>
    %and3A_150 = arith.andi %get3A_142, %and3A_149 : vector<16xi32>
    %shift_left3A_151 = arith.constant 6 : i32
    %shift_left3A_152 = vector.broadcast %shift_left3A_151 : i32 to vector<16xi32>
    %shift_left3A_153 = arith.shli %and3A_150, %shift_left3A_152 : vector<16xi32>
    %swap3A_154 = arith.constant 96 : index
    %swap3A_155 = tpu.vector_load %arg8[%swap3A_154] {strides = array<i32>} : memref<512xi32, #tpu.memory_space<vmem>>, vector<16xi32>,
    tpu.vector_store %arg8[%swap3A_154], %shift_left3A_153 {strides = array<i32>} : memref<512xi32, #tpu.memory_space<vmem>>, vector<16xi32>,
    %get3A_156 = arith.constant 112 : index
    %get3A_157 = tpu.vector_load %arg6[%get3A_156] {strides = array<i32>} : memref<512xi32, #tpu.memory_space<vmem>>, vector<16xi32>,
    %shift_right_logical3A_158 = arith.constant 1 : i32
    %shift_right_logical3A_159 = vector.broadcast %shift_right_logical3A_158 : i32 to vector<16xi32>
    %shift_right_logical3A_160 = arith.shrui %get3A_157, %shift_right_logical3A_159 : vector<16xi32>
    %swap3A_161 = arith.constant 112 : index
    %swap3A_162 = tpu.vector_load %arg7[%swap3A_161] {strides = array<i32>} : memref<512xi32, #tpu.memory_space<vmem>>, vector<16xi32>,
    tpu.vector_store %arg7[%swap3A_161], %shift_right_logical3A_160 {strides = array<i32>} : memref<512xi32, #tpu.memory_space<vmem>>, vector<16xi32>,
    %and3A_163 = arith.constant 1 : i32
    %and3A_164 = vector.broadcast %and3A_163 : i32 to vector<16xi32>
    %and3A_165 = arith.andi %get3A_157, %and3A_164 : vector<16xi32>
    %shift_left3A_166 = arith.constant 6 : i32
    %shift_left3A_167 = vector.broadcast %shift_left3A_166 : i32 to vector<16xi32>
    %shift_left3A_168 = arith.shli %and3A_165, %shift_left3A_167 : vector<16xi32>
    %swap3A_169 = arith.constant 112 : index
    %swap3A_170 = tpu.vector_load %arg8[%swap3A_169] {strides = array<i32>} : memref<512xi32, #tpu.memory_space<vmem>>, vector<16xi32>,
    tpu.vector_store %arg8[%swap3A_169], %shift_left3A_168 {strides = array<i32>} : memref<512xi32, #tpu.memory_space<vmem>>, vector<16xi32>,
    %dma_start3A_171 = arith.constant 0 : i32
    %dma_start3A_172 = arith.constant 0 : i32
    %dma_start3A_173 = arith.constant 0 : i32
    %dma_start3A_174 = arith.constant 0 : i32
    %dma_start3A_175 = tpu.memref_slice %arg9[%dma_start3A_171, %dma_start3A_173, %dma_start3A_174] : memref<4x128x128xf32, #tpu.memory_space<vmem>> -> memref<1x128x128xf32, #tpu.memory_space<vmem>>
    %dma_start3A_176 = tpu.memref_squeeze %dma_start3A_175 : memref<1x128x128xf32, #tpu.memory_space<vmem>> -> memref<128x128xf32, #tpu.memory_space<vmem>>
    %dma_start3A_177 = arith.constant 0 : i32
    %dma_start3A_178 = tpu.memref_slice %arg7[%dma_start3A_177] : memref<512xi32, #tpu.memory_space<vmem>> -> memref<128xi32, #tpu.memory_space<vmem>>
    %dma_start3A_179 = arith.constant 0 : i32
    %dma_start3A_180 = arith.constant 0 : i32
    %dma_start3A_181 = tpu.memref_slice %arg3[%dma_start3A_179, %dma_start3A_180] : memref<500000x128xf32, #tpu.memory_space<hbm>> -> memref<500000x128xf32, #tpu.memory_space<hbm>>
    %dma_start3A_182 = tpu.memref_slice %arg12[%dma_start3A_172] : memref<4x!tpu.dma_semaphore, #tpu.memory_space<semaphore_mem>> -> memref<1x!tpu.dma_semaphore, #tpu.memory_space<semaphore_mem>>
    %dma_start3A_183 = tpu.memref_squeeze %dma_start3A_182 : memref<1x!tpu.dma_semaphore, #tpu.memory_space<semaphore_mem>> -> memref<!tpu.dma_semaphore, #tpu.memory_space<semaphore_mem>>
    tpu.enqueue_indirect_dma source(%dma_start3A_181 : memref<500000x128xf32, #tpu.memory_space<hbm>>) target(%dma_start3A_176 : memref<128x128xf32, #tpu.memory_space<vmem>>) offsets(%dma_start3A_178 : memref<128xi32, #tpu.memory_space<vmem>>) semaphore(%dma_start3A_183 : memref<!tpu.dma_semaphore, #tpu.memory_space<semaphore_mem>>)
    %dma_start3A_184 = arith.constant 0 : i32
    %dma_start3A_185 = arith.constant 0 : i32
    %dma_start3A_186 = tpu.memref_slice %arg11[%dma_start3A_185] : memref<256xf32, #tpu.memory_space<vmem>> -> memref<64xf32, #tpu.memory_space<vmem>>
    %dma_start3A_187 = arith.constant 0 : i32
    %dma_start3A_188 = tpu.memref_slice %arg4[%dma_start3A_187] : memref<12800xf32, #tpu.memory_space<hbm>> -> memref<64xf32, #tpu.memory_space<hbm>>
    %dma_start3A_189 = tpu.memref_slice %arg12[%dma_start3A_184] : memref<4x!tpu.dma_semaphore, #tpu.memory_space<semaphore_mem>> -> memref<1x!tpu.dma_semaphore, #tpu.memory_space<semaphore_mem>>
    %dma_start3A_190 = tpu.memref_squeeze %dma_start3A_189 : memref<1x!tpu.dma_semaphore, #tpu.memory_space<semaphore_mem>> -> memref<!tpu.dma_semaphore, #tpu.memory_space<semaphore_mem>>
    %dma_start3A_191 = arith.constant 0 : i32
    %dma_start3A_192 = tpu.memref_slice %arg11[%dma_start3A_191] : memref<256xf32, #tpu.memory_space<vmem>> -> memref<64xf32, #tpu.memory_space<vmem>>
    %dma_start3A_193 = arith.constant 0 : i32
    %dma_start3A_194 = tpu.memref_slice %arg4[%dma_start3A_193] : memref<12800xf32, #tpu.memory_space<hbm>> -> memref<64xf32, #tpu.memory_space<hbm>>
    tpu.enqueue_dma source(%dma_start3A_194 : memref<64xf32, #tpu.memory_space<hbm>>) target(%dma_start3A_192 : memref<64xf32, #tpu.memory_space<vmem>>) target_semaphore(%dma_start3A_190 : memref<!tpu.dma_semaphore, #tpu.memory_space<semaphore_mem>>)
    %add3A_195 = arith.constant 4096 : i32
    %add3A_196 = arith.addi %add3A_195, %mul3A_2 : i32
    %dma_wait3A_197 = arith.constant 1 : i32
    %dma_wait3A_198 = arith.constant 128 : i32
    %dma_wait3A_199 = tpu.memref_slice %arg6[%dma_wait3A_198] : memref<512xi32, #tpu.memory_space<vmem>> -> memref<128xi32, #tpu.memory_space<vmem>>
    %dma_wait3A_200 = tpu.memref_slice %arg2[%add3A_196] : memref<819200xi32, #tpu.memory_space<hbm>> -> memref<128xi32, #tpu.memory_space<hbm>>
    %dma_wait3A_201 = tpu.memref_slice %arg14[%dma_wait3A_197] : memref<4x!tpu.dma_semaphore, #tpu.memory_space<semaphore_mem>> -> memref<1x!tpu.dma_semaphore, #tpu.memory_space<semaphore_mem>>
    %dma_wait3A_202 = tpu.memref_squeeze %dma_wait3A_201 : memref<1x!tpu.dma_semaphore, #tpu.memory_space<semaphore_mem>> -> memref<!tpu.dma_semaphore, #tpu.memory_space<semaphore_mem>>
    %dma_wait3A_203 = arith.constant 128 : i32
    %dma_wait3A_204 = tpu.memref_slice %arg6[%dma_wait3A_203] : memref<512xi32, #tpu.memory_space<vmem>> -> memref<128xi32, #tpu.memory_space<vmem>>
    %dma_wait3A_205 = tpu.memref_slice %arg2[%add3A_196] : memref<819200xi32, #tpu.memory_space<hbm>> -> memref<128xi32, #tpu.memory_space<hbm>>
    tpu.wait_dma2 semaphore(%dma_wait3A_202 : memref<!tpu.dma_semaphore, #tpu.memory_space<semaphore_mem>>) src(%dma_wait3A_205 : memref<128xi32, #tpu.memory_space<hbm>>) dst(%dma_wait3A_204 : memref<128xi32, #tpu.memory_space<vmem>>)
    %get3A_206 = arith.constant 128 : index
    %get3A_207 = tpu.vector_load %arg6[%get3A_206] {strides = array<i32>} : memref<512xi32, #tpu.memory_space<vmem>>, vector<16xi32>,
    %shift_right_logical3A_208 = arith.constant 1 : i32
    %shift_right_logical3A_209 = vector.broadcast %shift_right_logical3A_208 : i32 to vector<16xi32>
    %shift_right_logical3A_210 = arith.shrui %get3A_207, %shift_right_logical3A_209 : vector<16xi32>
    %swap3A_211 = arith.constant 128 : index
    %swap3A_212 = tpu.vector_load %arg7[%swap3A_211] {strides = array<i32>} : memref<512xi32, #tpu.memory_space<vmem>>, vector<16xi32>,
    tpu.vector_store %arg7[%swap3A_211], %shift_right_logical3A_210 {strides = array<i32>} : memref<512xi32, #tpu.memory_space<vmem>>, vector<16xi32>,
    %and3A_213 = arith.constant 1 : i32
    %and3A_214 = vector.broadcast %and3A_213 : i32 to vector<16xi32>
    %and3A_215 = arith.andi %get3A_207, %and3A_214 : vector<16xi32>
    %shift_left3A_216 = arith.constant 6 : i32
    %shift_left3A_217 = vector.broadcast %shift_left3A_216 : i32 to vector<16xi32>
    %shift_left3A_218 = arith.shli %and3A_215, %shift_left3A_217 : vector<16xi32>
    %swap3A_219 = arith.constant 128 : index
    %swap3A_220 = tpu.vector_load %arg8[%swap3A_219] {strides = array<i32>} : memref<512xi32, #tpu.memory_space<vmem>>, vector<16xi32>,
    tpu.vector_store %arg8[%swap3A_219], %shift_left3A_218 {strides = array<i32>} : memref<512xi32, #tpu.memory_space<vmem>>, vector<16xi32>,
    %get3A_221 = arith.constant 144 : index
    %get3A_222 = tpu.vector_load %arg6[%get3A_221] {strides = array<i32>} : memref<512xi32, #tpu.memory_space<vmem>>, vector<16xi32>,
    %shift_right_logical3A_223 = arith.constant 1 : i32
    %shift_right_logical3A_224 = vector.broadcast %shift_right_logical3A_223 : i32 to vector<16xi32>
    %shift_right_logical3A_225 = arith.shrui %get3A_222, %shift_right_logical3A_224 : vector<16xi32>
    %swap3A_226 = arith.constant 144 : index
    %swap3A_227 = tpu.vector_load %arg7[%swap3A_226] {strides = array<i32>} : memref<512xi32, #tpu.memory_space<vmem>>, vector<16xi32>,
    tpu.vector_store %arg7[%swap3A_226], %shift_right_logical3A_225 {strides = array<i32>} : memref<512xi32, #tpu.memory_space<vmem>>, vector<16xi32>,
    %and3A_228 = arith.constant 1 : i32
    %and3A_229 = vector.broadcast %and3A_228 : i32 to vector<16xi32>
    %and3A_230 = arith.andi %get3A_222, %and3A_229 : vector<16xi32>
    %shift_left3A_231 = arith.constant 6 : i32
    %shift_left3A_232 = vector.broadcast %shift_left3A_231 : i32 to vector<16xi32>
    %shift_left3A_233 = arith.shli %and3A_230, %shift_left3A_232 : vector<16xi32>
    %swap3A_234 = arith.constant 144 : index
    %swap3A_235 = tpu.vector_load %arg8[%swap3A_234] {strides = array<i32>} : memref<512xi32, #tpu.memory_space<vmem>>, vector<16xi32>,
    tpu.vector_store %arg8[%swap3A_234], %shift_left3A_233 {strides = array<i32>} : memref<512xi32, #tpu.memory_space<vmem>>, vector<16xi32>,
    %get3A_236 = arith.constant 160 : index
    %get3A_237 = tpu.vector_load %arg6[%get3A_236] {strides = array<i32>} : memref<512xi32, #tpu.memory_space<vmem>>, vector<16xi32>,
    %shift_right_logical3A_238 = arith.constant 1 : i32
    %shift_right_logical3A_239 = vector.broadcast %shift_right_logical3A_238 : i32 to vector<16xi32>
    %shift_right_logical3A_240 = arith.shrui %get3A_237, %shift_right_logical3A_239 : vector<16xi32>
    %swap3A_241 = arith.constant 160 : index
    %swap3A_242 = tpu.vector_load %arg7[%swap3A_241] {strides = array<i32>} : memref<512xi32, #tpu.memory_space<vmem>>, vector<16xi32>,
    tpu.vector_store %arg7[%swap3A_241], %shift_right_logical3A_240 {strides = array<i32>} : memref<512xi32, #tpu.memory_space<vmem>>, vector<16xi32>,
    %and3A_243 = arith.constant 1 : i32
    %and3A_244 = vector.broadcast %and3A_243 : i32 to vector<16xi32>
    %and3A_245 = arith.andi %get3A_237, %and3A_244 : vector<16xi32>
    %shift_left3A_246 = arith.constant 6 : i32
    %shift_left3A_247 = vector.broadcast %shift_left3A_246 : i32 to vector<16xi32>
    %shift_left3A_248 = arith.shli %and3A_245, %shift_left3A_247 : vector<16xi32>
    %swap3A_249 = arith.constant 160 : index
    %swap3A_250 = tpu.vector_load %arg8[%swap3A_249] {strides = array<i32>} : memref<512xi32, #tpu.memory_space<vmem>>, vector<16xi32>,
    tpu.vector_store %arg8[%swap3A_249], %shift_left3A_248 {strides = array<i32>} : memref<512xi32, #tpu.memory_space<vmem>>, vector<16xi32>,
    %get3A_251 = arith.constant 176 : index
    %get3A_252 = tpu.vector_load %arg6[%get3A_251] {strides = array<i32>} : memref<512xi32, #tpu.memory_space<vmem>>, vector<16xi32>,
    %shift_right_logical3A_253 = arith.constant 1 : i32
    %shift_right_logical3A_254 = vector.broadcast %shift_right_logical3A_253 : i32 to vector<16xi32>
    %shift_right_logical3A_255 = arith.shrui %get3A_252, %shift_right_logical3A_254 : vector<16xi32>
    %swap3A_256 = arith.constant 176 : index
    %swap3A_257 = tpu.vector_load %arg7[%swap3A_256] {strides = array<i32>} : memref<512xi32, #tpu.memory_space<vmem>>, vector<16xi32>,
    tpu.vector_store %arg7[%swap3A_256], %shift_right_logical3A_255 {strides = array<i32>} : memref<512xi32, #tpu.memory_space<vmem>>, vector<16xi32>,
    %and3A_258 = arith.constant 1 : i32
    %and3A_259 = vector.broadcast %and3A_258 : i32 to vector<16xi32>
    %and3A_260 = arith.andi %get3A_252, %and3A_259 : vector<16xi32>
    %shift_left3A_261 = arith.constant 6 : i32
    %shift_left3A_262 = vector.broadcast %shift_left3A_261 : i32 to vector<16xi32>
    %shift_left3A_263 = arith.shli %and3A_260, %shift_left3A_262 : vector<16xi32>
    %swap3A_264 = arith.constant 176 : index
    %swap3A_265 = tpu.vector_load %arg8[%swap3A_264] {strides = array<i32>} : memref<512xi32, #tpu.memory_space<vmem>>, vector<16xi32>,
    tpu.vector_store %arg8[%swap3A_264], %shift_left3A_263 {strides = array<i32>} : memref<512xi32, #tpu.memory_space<vmem>>, vector<16xi32>,
    %get3A_266 = arith.constant 192 : index
    %get3A_267 = tpu.vector_load %arg6[%get3A_266] {strides = array<i32>} : memref<512xi32, #tpu.memory_space<vmem>>, vector<16xi32>,
    %shift_right_logical3A_268 = arith.constant 1 : i32
    %shift_right_logical3A_269 = vector.broadcast %shift_right_logical3A_268 : i32 to vector<16xi32>
    %shift_right_logical3A_270 = arith.shrui %get3A_267, %shift_right_logical3A_269 : vector<16xi32>
    %swap3A_271 = arith.constant 192 : index
    %swap3A_272 = tpu.vector_load %arg7[%swap3A_271] {strides = array<i32>} : memref<512xi32, #tpu.memory_space<vmem>>, vector<16xi32>,
    tpu.vector_store %arg7[%swap3A_271], %shift_right_logical3A_270 {strides = array<i32>} : memref<512xi32, #tpu.memory_space<vmem>>, vector<16xi32>,
    %and3A_273 = arith.constant 1 : i32
    %and3A_274 = vector.broadcast %and3A_273 : i32 to vector<16xi32>
    %and3A_275 = arith.andi %get3A_267, %and3A_274 : vector<16xi32>
    %shift_left3A_276 = arith.constant 6 : i32
    %shift_left3A_277 = vector.broadcast %shift_left3A_276 : i32 to vector<16xi32>
    %shift_left3A_278 = arith.shli %and3A_275, %shift_left3A_277 : vector<16xi32>
    %swap3A_279 = arith.constant 192 : index
    %swap3A_280 = tpu.vector_load %arg8[%swap3A_279] {strides = array<i32>} : memref<512xi32, #tpu.memory_space<vmem>>, vector<16xi32>,
    tpu.vector_store %arg8[%swap3A_279], %shift_left3A_278 {strides = array<i32>} : memref<512xi32, #tpu.memory_space<vmem>>, vector<16xi32>,
    %get3A_281 = arith.constant 208 : index
    %get3A_282 = tpu.vector_load %arg6[%get3A_281] {strides = array<i32>} : memref<512xi32, #tpu.memory_space<vmem>>, vector<16xi32>,
    %shift_right_logical3A_283 = arith.constant 1 : i32
    %shift_right_logical3A_284 = vector.broadcast %shift_right_logical3A_283 : i32 to vector<16xi32>
    %shift_right_logical3A_285 = arith.shrui %get3A_282, %shift_right_logical3A_284 : vector<16xi32>
    %swap3A_286 = arith.constant 208 : index
    %swap3A_287 = tpu.vector_load %arg7[%swap3A_286] {strides = array<i32>} : memref<512xi32, #tpu.memory_space<vmem>>, vector<16xi32>,
    tpu.vector_store %arg7[%swap3A_286], %shift_right_logical3A_285 {strides = array<i32>} : memref<512xi32, #tpu.memory_space<vmem>>, vector<16xi32>,
    %and3A_288 = arith.constant 1 : i32
    %and3A_289 = vector.broadcast %and3A_288 : i32 to vector<16xi32>
    %and3A_290 = arith.andi %get3A_282, %and3A_289 : vector<16xi32>
    %shift_left3A_291 = arith.constant 6 : i32
    %shift_left3A_292 = vector.broadcast %shift_left3A_291 : i32 to vector<16xi32>
    %shift_left3A_293 = arith.shli %and3A_290, %shift_left3A_292 : vector<16xi32>
    %swap3A_294 = arith.constant 208 : index
    %swap3A_295 = tpu.vector_load %arg8[%swap3A_294] {strides = array<i32>} : memref<512xi32, #tpu.memory_space<vmem>>, vector<16xi32>,
    tpu.vector_store %arg8[%swap3A_294], %shift_left3A_293 {strides = array<i32>} : memref<512xi32, #tpu.memory_space<vmem>>, vector<16xi32>,
    %get3A_296 = arith.constant 224 : index
    %get3A_297 = tpu.vector_load %arg6[%get3A_296] {strides = array<i32>} : memref<512xi32, #tpu.memory_space<vmem>>, vector<16xi32>,
    %shift_right_logical3A_298 = arith.constant 1 : i32
    %shift_right_logical3A_299 = vector.broadcast %shift_right_logical3A_298 : i32 to vector<16xi32>
    %shift_right_logical3A_300 = arith.shrui %get3A_297, %shift_right_logical3A_299 : vector<16xi32>
    %swap3A_301 = arith.constant 224 : index
    %swap3A_302 = tpu.vector_load %arg7[%swap3A_301] {strides = array<i32>} : memref<512xi32, #tpu.memory_space<vmem>>, vector<16xi32>,
    tpu.vector_store %arg7[%swap3A_301], %shift_right_logical3A_300 {strides = array<i32>} : memref<512xi32, #tpu.memory_space<vmem>>, vector<16xi32>,
    %and3A_303 = arith.constant 1 : i32
    %and3A_304 = vector.broadcast %and3A_303 : i32 to vector<16xi32>
    %and3A_305 = arith.andi %get3A_297, %and3A_304 : vector<16xi32>
    %shift_left3A_306 = arith.constant 6 : i32
    %shift_left3A_307 = vector.broadcast %shift_left3A_306 : i32 to vector<16xi32>
    %shift_left3A_308 = arith.shli %and3A_305, %shift_left3A_307 : vector<16xi32>
    %swap3A_309 = arith.constant 224 : index
    %swap3A_310 = tpu.vector_load %arg8[%swap3A_309] {strides = array<i32>} : memref<512xi32, #tpu.memory_space<vmem>>, vector<16xi32>,
    tpu.vector_store %arg8[%swap3A_309], %shift_left3A_308 {strides = array<i32>} : memref<512xi32, #tpu.memory_space<vmem>>, vector<16xi32>,
    %get3A_311 = arith.constant 240 : index
    %get3A_312 = tpu.vector_load %arg6[%get3A_311] {strides = array<i32>} : memref<512xi32, #tpu.memory_space<vmem>>, vector<16xi32>,
    %shift_right_logical3A_313 = arith.constant 1 : i32
    %shift_right_logical3A_314 = vector.broadcast %shift_right_logical3A_313 : i32 to vector<16xi32>
    %shift_right_logical3A_315 = arith.shrui %get3A_312, %shift_right_logical3A_314 : vector<16xi32>
    %swap3A_316 = arith.constant 240 : index
    %swap3A_317 = tpu.vector_load %arg7[%swap3A_316] {strides = array<i32>} : memref<512xi32, #tpu.memory_space<vmem>>, vector<16xi32>,
    tpu.vector_store %arg7[%swap3A_316], %shift_right_logical3A_315 {strides = array<i32>} : memref<512xi32, #tpu.memory_space<vmem>>, vector<16xi32>,
    %and3A_318 = arith.constant 1 : i32
    %and3A_319 = vector.broadcast %and3A_318 : i32 to vector<16xi32>
    %and3A_320 = arith.andi %get3A_312, %and3A_319 : vector<16xi32>
    %shift_left3A_321 = arith.constant 6 : i32
    %shift_left3A_322 = vector.broadcast %shift_left3A_321 : i32 to vector<16xi32>
    %shift_left3A_323 = arith.shli %and3A_320, %shift_left3A_322 : vector<16xi32>
    %swap3A_324 = arith.constant 240 : index
    %swap3A_325 = tpu.vector_load %arg8[%swap3A_324] {strides = array<i32>} : memref<512xi32, #tpu.memory_space<vmem>>, vector<16xi32>,
    tpu.vector_store %arg8[%swap3A_324], %shift_left3A_323 {strides = array<i32>} : memref<512xi32, #tpu.memory_space<vmem>>, vector<16xi32>,
    %dma_start3A_326 = arith.constant 1 : i32
    %dma_start3A_327 = arith.constant 1 : i32
    %dma_start3A_328 = arith.constant 0 : i32
    %dma_start3A_329 = arith.constant 0 : i32
    %dma_start3A_330 = tpu.memref_slice %arg9[%dma_start3A_326, %dma_start3A_328, %dma_start3A_329] : memref<4x128x128xf32, #tpu.memory_space<vmem>> -> memref<1x128x128xf32, #tpu.memory_space<vmem>>
    %dma_start3A_331 = tpu.memref_squeeze %dma_start3A_330 : memref<1x128x128xf32, #tpu.memory_space<vmem>> -> memref<128x128xf32, #tpu.memory_space<vmem>>
    %dma_start3A_332 = arith.constant 128 : i32
    %dma_start3A_333 = tpu.memref_slice %arg7[%dma_start3A_332] : memref<512xi32, #tpu.memory_space<vmem>> -> memref<128xi32, #tpu.memory_space<vmem>>
    %dma_start3A_334 = arith.constant 0 : i32
    %dma_start3A_335 = arith.constant 0 : i32
    %dma_start3A_336 = tpu.memref_slice %arg3[%dma_start3A_334, %dma_start3A_335] : memref<500000x128xf32, #tpu.memory_space<hbm>> -> memref<500000x128xf32, #tpu.memory_space<hbm>>
    %dma_start3A_337 = tpu.memref_slice %arg12[%dma_start3A_327] : memref<4x!tpu.dma_semaphore, #tpu.memory_space<semaphore_mem>> -> memref<1x!tpu.dma_semaphore, #tpu.memory_space<semaphore_mem>>
    %dma_start3A_338 = tpu.memref_squeeze %dma_start3A_337 : memref<1x!tpu.dma_semaphore, #tpu.memory_space<semaphore_mem>> -> memref<!tpu.dma_semaphore, #tpu.memory_space<semaphore_mem>>
    tpu.enqueue_indirect_dma source(%dma_start3A_336 : memref<500000x128xf32, #tpu.memory_space<hbm>>) target(%dma_start3A_331 : memref<128x128xf32, #tpu.memory_space<vmem>>) offsets(%dma_start3A_333 : memref<128xi32, #tpu.memory_space<vmem>>) semaphore(%dma_start3A_338 : memref<!tpu.dma_semaphore, #tpu.memory_space<semaphore_mem>>)
    %dma_start3A_339 = arith.constant 1 : i32
    %dma_start3A_340 = arith.constant 64 : i32
    %dma_start3A_341 = tpu.memref_slice %arg11[%dma_start3A_340] : memref<256xf32, #tpu.memory_space<vmem>> -> memref<64xf32, #tpu.memory_space<vmem>>
    %dma_start3A_342 = arith.constant 64 : i32
    %dma_start3A_343 = tpu.memref_slice %arg4[%dma_start3A_342] : memref<12800xf32, #tpu.memory_space<hbm>> -> memref<64xf32, #tpu.memory_space<hbm>>
    %dma_start3A_344 = tpu.memref_slice %arg12[%dma_start3A_339] : memref<4x!tpu.dma_semaphore, #tpu.memory_space<semaphore_mem>> -> memref<1x!tpu.dma_semaphore, #tpu.memory_space<semaphore_mem>>
    %dma_start3A_345 = tpu.memref_squeeze %dma_start3A_344 : memref<1x!tpu.dma_semaphore, #tpu.memory_space<semaphore_mem>> -> memref<!tpu.dma_semaphore, #tpu.memory_space<semaphore_mem>>
    %dma_start3A_346 = arith.constant 64 : i32
    %dma_start3A_347 = tpu.memref_slice %arg11[%dma_start3A_346] : memref<256xf32, #tpu.memory_space<vmem>> -> memref<64xf32, #tpu.memory_space<vmem>>
    %dma_start3A_348 = arith.constant 64 : i32
    %dma_start3A_349 = tpu.memref_slice %arg4[%dma_start3A_348] : memref<12800xf32, #tpu.memory_space<hbm>> -> memref<64xf32, #tpu.memory_space<hbm>>
    tpu.enqueue_dma source(%dma_start3A_349 : memref<64xf32, #tpu.memory_space<hbm>>) target(%dma_start3A_347 : memref<64xf32, #tpu.memory_space<vmem>>) target_semaphore(%dma_start3A_345 : memref<!tpu.dma_semaphore, #tpu.memory_space<semaphore_mem>>)
    %add3A_350 = arith.constant 8192 : i32
    %add3A_351 = arith.addi %add3A_350, %mul3A_2 : i32
    %dma_wait3A_352 = arith.constant 2 : i32
    %dma_wait3A_353 = arith.constant 256 : i32
    %dma_wait3A_354 = tpu.memref_slice %arg6[%dma_wait3A_353] : memref<512xi32, #tpu.memory_space<vmem>> -> memref<128xi32, #tpu.memory_space<vmem>>
    %dma_wait3A_355 = tpu.memref_slice %arg2[%add3A_351] : memref<819200xi32, #tpu.memory_space<hbm>> -> memref<128xi32, #tpu.memory_space<hbm>>
    %dma_wait3A_356 = tpu.memref_slice %arg14[%dma_wait3A_352] : memref<4x!tpu.dma_semaphore, #tpu.memory_space<semaphore_mem>> -> memref<1x!tpu.dma_semaphore, #tpu.memory_space<semaphore_mem>>
    %dma_wait3A_357 = tpu.memref_squeeze %dma_wait3A_356 : memref<1x!tpu.dma_semaphore, #tpu.memory_space<semaphore_mem>> -> memref<!tpu.dma_semaphore, #tpu.memory_space<semaphore_mem>>
    %dma_wait3A_358 = arith.constant 256 : i32
    %dma_wait3A_359 = tpu.memref_slice %arg6[%dma_wait3A_358] : memref<512xi32, #tpu.memory_space<vmem>> -> memref<128xi32, #tpu.memory_space<vmem>>
    %dma_wait3A_360 = tpu.memref_slice %arg2[%add3A_351] : memref<819200xi32, #tpu.memory_space<hbm>> -> memref<128xi32, #tpu.memory_space<hbm>>
    tpu.wait_dma2 semaphore(%dma_wait3A_357 : memref<!tpu.dma_semaphore, #tpu.memory_space<semaphore_mem>>) src(%dma_wait3A_360 : memref<128xi32, #tpu.memory_space<hbm>>) dst(%dma_wait3A_359 : memref<128xi32, #tpu.memory_space<vmem>>)
    %get3A_361 = arith.constant 256 : index
    %get3A_362 = tpu.vector_load %arg6[%get3A_361] {strides = array<i32>} : memref<512xi32, #tpu.memory_space<vmem>>, vector<16xi32>,
    %shift_right_logical3A_363 = arith.constant 1 : i32
    %shift_right_logical3A_364 = vector.broadcast %shift_right_logical3A_363 : i32 to vector<16xi32>
    %shift_right_logical3A_365 = arith.shrui %get3A_362, %shift_right_logical3A_364 : vector<16xi32>
    %swap3A_366 = arith.constant 256 : index
    %swap3A_367 = tpu.vector_load %arg7[%swap3A_366] {strides = array<i32>} : memref<512xi32, #tpu.memory_space<vmem>>, vector<16xi32>,
    tpu.vector_store %arg7[%swap3A_366], %shift_right_logical3A_365 {strides = array<i32>} : memref<512xi32, #tpu.memory_space<vmem>>, vector<16xi32>,
    %and3A_368 = arith.constant 1 : i32
    %and3A_369 = vector.broadcast %and3A_368 : i32 to vector<16xi32>
    %and3A_370 = arith.andi %get3A_362, %and3A_369 : vector<16xi32>
    %shift_left3A_371 = arith.constant 6 : i32
    %shift_left3A_372 = vector.broadcast %shift_left3A_371 : i32 to vector<16xi32>
    %shift_left3A_373 = arith.shli %and3A_370, %shift_left3A_372 : vector<16xi32>
    %swap3A_374 = arith.constant 256 : index
    %swap3A_375 = tpu.vector_load %arg8[%swap3A_374] {strides = array<i32>} : memref<512xi32, #tpu.memory_space<vmem>>, vector<16xi32>,
    tpu.vector_store %arg8[%swap3A_374], %shift_left3A_373 {strides = array<i32>} : memref<512xi32, #tpu.memory_space<vmem>>, vector<16xi32>,
    %get3A_376 = arith.constant 272 : index
    %get3A_377 = tpu.vector_load %arg6[%get3A_376] {strides = array<i32>} : memref<512xi32, #tpu.memory_space<vmem>>, vector<16xi32>,
    %shift_right_logical3A_378 = arith.constant 1 : i32
    %shift_right_logical3A_379 = vector.broadcast %shift_right_logical3A_378 : i32 to vector<16xi32>
    %shift_right_logical3A_380 = arith.shrui %get3A_377, %shift_right_logical3A_379 : vector<16xi32>
    %swap3A_381 = arith.constant 272 : index
    %swap3A_382 = tpu.vector_load %arg7[%swap3A_381] {strides = array<i32>} : memref<512xi32, #tpu.memory_space<vmem>>, vector<16xi32>,
    tpu.vector_store %arg7[%swap3A_381], %shift_right_logical3A_380 {strides = array<i32>} : memref<512xi32, #tpu.memory_space<vmem>>, vector<16xi32>,
    %and3A_383 = arith.constant 1 : i32
    %and3A_384 = vector.broadcast %and3A_383 : i32 to vector<16xi32>
    %and3A_385 = arith.andi %get3A_377, %and3A_384 : vector<16xi32>
    %shift_left3A_386 = arith.constant 6 : i32
    %shift_left3A_387 = vector.broadcast %shift_left3A_386 : i32 to vector<16xi32>
    %shift_left3A_388 = arith.shli %and3A_385, %shift_left3A_387 : vector<16xi32>
    %swap3A_389 = arith.constant 272 : index
    %swap3A_390 = tpu.vector_load %arg8[%swap3A_389] {strides = array<i32>} : memref<512xi32, #tpu.memory_space<vmem>>, vector<16xi32>,
    tpu.vector_store %arg8[%swap3A_389], %shift_left3A_388 {strides = array<i32>} : memref<512xi32, #tpu.memory_space<vmem>>, vector<16xi32>,
    %get3A_391 = arith.constant 288 : index
    %get3A_392 = tpu.vector_load %arg6[%get3A_391] {strides = array<i32>} : memref<512xi32, #tpu.memory_space<vmem>>, vector<16xi32>,
    %shift_right_logical3A_393 = arith.constant 1 : i32
    %shift_right_logical3A_394 = vector.broadcast %shift_right_logical3A_393 : i32 to vector<16xi32>
    %shift_right_logical3A_395 = arith.shrui %get3A_392, %shift_right_logical3A_394 : vector<16xi32>
    %swap3A_396 = arith.constant 288 : index
    %swap3A_397 = tpu.vector_load %arg7[%swap3A_396] {strides = array<i32>} : memref<512xi32, #tpu.memory_space<vmem>>, vector<16xi32>,
    tpu.vector_store %arg7[%swap3A_396], %shift_right_logical3A_395 {strides = array<i32>} : memref<512xi32, #tpu.memory_space<vmem>>, vector<16xi32>,
    %and3A_398 = arith.constant 1 : i32
    %and3A_399 = vector.broadcast %and3A_398 : i32 to vector<16xi32>
    %and3A_400 = arith.andi %get3A_392, %and3A_399 : vector<16xi32>
    %shift_left3A_401 = arith.constant 6 : i32
    %shift_left3A_402 = vector.broadcast %shift_left3A_401 : i32 to vector<16xi32>
    %shift_left3A_403 = arith.shli %and3A_400, %shift_left3A_402 : vector<16xi32>
    %swap3A_404 = arith.constant 288 : index
    %swap3A_405 = tpu.vector_load %arg8[%swap3A_404] {strides = array<i32>} : memref<512xi32, #tpu.memory_space<vmem>>, vector<16xi32>,
    tpu.vector_store %arg8[%swap3A_404], %shift_left3A_403 {strides = array<i32>} : memref<512xi32, #tpu.memory_space<vmem>>, vector<16xi32>,
    %get3A_406 = arith.constant 304 : index
    %get3A_407 = tpu.vector_load %arg6[%get3A_406] {strides = array<i32>} : memref<512xi32, #tpu.memory_space<vmem>>, vector<16xi32>,
    %shift_right_logical3A_408 = arith.constant 1 : i32
    %shift_right_logical3A_409 = vector.broadcast %shift_right_logical3A_408 : i32 to vector<16xi32>
    %shift_right_logical3A_410 = arith.shrui %get3A_407, %shift_right_logical3A_409 : vector<16xi32>
    %swap3A_411 = arith.constant 304 : index
    %swap3A_412 = tpu.vector_load %arg7[%swap3A_411] {strides = array<i32>} : memref<512xi32, #tpu.memory_space<vmem>>, vector<16xi32>,
    tpu.vector_store %arg7[%swap3A_411], %shift_right_logical3A_410 {strides = array<i32>} : memref<512xi32, #tpu.memory_space<vmem>>, vector<16xi32>,
    %and3A_413 = arith.constant 1 : i32
    %and3A_414 = vector.broadcast %and3A_413 : i32 to vector<16xi32>
    %and3A_415 = arith.andi %get3A_407, %and3A_414 : vector<16xi32>
    %shift_left3A_416 = arith.constant 6 : i32
    %shift_left3A_417 = vector.broadcast %shift_left3A_416 : i32 to vector<16xi32>
    %shift_left3A_418 = arith.shli %and3A_415, %shift_left3A_417 : vector<16xi32>
    %swap3A_419 = arith.constant 304 : index
    %swap3A_420 = tpu.vector_load %arg8[%swap3A_419] {strides = array<i32>} : memref<512xi32, #tpu.memory_space<vmem>>, vector<16xi32>,
    tpu.vector_store %arg8[%swap3A_419], %shift_left3A_418 {strides = array<i32>} : memref<512xi32, #tpu.memory_space<vmem>>, vector<16xi32>,
    %get3A_421 = arith.constant 320 : index
    %get3A_422 = tpu.vector_load %arg6[%get3A_421] {strides = array<i32>} : memref<512xi32, #tpu.memory_space<vmem>>, vector<16xi32>,
    %shift_right_logical3A_423 = arith.constant 1 : i32
    %shift_right_logical3A_424 = vector.broadcast %shift_right_logical3A_423 : i32 to vector<16xi32>
    %shift_right_logical3A_425 = arith.shrui %get3A_422, %shift_right_logical3A_424 : vector<16xi32>
    %swap3A_426 = arith.constant 320 : index
    %swap3A_427 = tpu.vector_load %arg7[%swap3A_426] {strides = array<i32>} : memref<512xi32, #tpu.memory_space<vmem>>, vector<16xi32>,
    tpu.vector_store %arg7[%swap3A_426], %shift_right_logical3A_425 {strides = array<i32>} : memref<512xi32, #tpu.memory_space<vmem>>, vector<16xi32>,
    %and3A_428 = arith.constant 1 : i32
    %and3A_429 = vector.broadcast %and3A_428 : i32 to vector<16xi32>
    %and3A_430 = arith.andi %get3A_422, %and3A_429 : vector<16xi32>
    %shift_left3A_431 = arith.constant 6 : i32
    %shift_left3A_432 = vector.broadcast %shift_left3A_431 : i32 to vector<16xi32>
    %shift_left3A_433 = arith.shli %and3A_430, %shift_left3A_432 : vector<16xi32>
    %swap3A_434 = arith.constant 320 : index
    %swap3A_435 = tpu.vector_load %arg8[%swap3A_434] {strides = array<i32>} : memref<512xi32, #tpu.memory_space<vmem>>, vector<16xi32>,
    tpu.vector_store %arg8[%swap3A_434], %shift_left3A_433 {strides = array<i32>} : memref<512xi32, #tpu.memory_space<vmem>>, vector<16xi32>,
    %get3A_436 = arith.constant 336 : index
    %get3A_437 = tpu.vector_load %arg6[%get3A_436] {strides = array<i32>} : memref<512xi32, #tpu.memory_space<vmem>>, vector<16xi32>,
    %shift_right_logical3A_438 = arith.constant 1 : i32
    %shift_right_logical3A_439 = vector.broadcast %shift_right_logical3A_438 : i32 to vector<16xi32>
    %shift_right_logical3A_440 = arith.shrui %get3A_437, %shift_right_logical3A_439 : vector<16xi32>
    %swap3A_441 = arith.constant 336 : index
    %swap3A_442 = tpu.vector_load %arg7[%swap3A_441] {strides = array<i32>} : memref<512xi32, #tpu.memory_space<vmem>>, vector<16xi32>,
    tpu.vector_store %arg7[%swap3A_441], %shift_right_logical3A_440 {strides = array<i32>} : memref<512xi32, #tpu.memory_space<vmem>>, vector<16xi32>,
    %and3A_443 = arith.constant 1 : i32
    %and3A_444 = vector.broadcast %and3A_443 : i32 to vector<16xi32>
    %and3A_445 = arith.andi %get3A_437, %and3A_444 : vector<16xi32>
    %shift_left3A_446 = arith.constant 6 : i32
    %shift_left3A_447 = vector.broadcast %shift_left3A_446 : i32 to vector<16xi32>
    %shift_left3A_448 = arith.shli %and3A_445, %shift_left3A_447 : vector<16xi32>
    %swap3A_449 = arith.constant 336 : index
    %swap3A_450 = tpu.vector_load %arg8[%swap3A_449] {strides = array<i32>} : memref<512xi32, #tpu.memory_space<vmem>>, vector<16xi32>,
    tpu.vector_store %arg8[%swap3A_449], %shift_left3A_448 {strides = array<i32>} : memref<512xi32, #tpu.memory_space<vmem>>, vector<16xi32>,
    %get3A_451 = arith.constant 352 : index
    %get3A_452 = tpu.vector_load %arg6[%get3A_451] {strides = array<i32>} : memref<512xi32, #tpu.memory_space<vmem>>, vector<16xi32>,
    %shift_right_logical3A_453 = arith.constant 1 : i32
    %shift_right_logical3A_454 = vector.broadcast %shift_right_logical3A_453 : i32 to vector<16xi32>
    %shift_right_logical3A_455 = arith.shrui %get3A_452, %shift_right_logical3A_454 : vector<16xi32>
    %swap3A_456 = arith.constant 352 : index
    %swap3A_457 = tpu.vector_load %arg7[%swap3A_456] {strides = array<i32>} : memref<512xi32, #tpu.memory_space<vmem>>, vector<16xi32>,
    tpu.vector_store %arg7[%swap3A_456], %shift_right_logical3A_455 {strides = array<i32>} : memref<512xi32, #tpu.memory_space<vmem>>, vector<16xi32>,
    %and3A_458 = arith.constant 1 : i32
    %and3A_459 = vector.broadcast %and3A_458 : i32 to vector<16xi32>
    %and3A_460 = arith.andi %get3A_452, %and3A_459 : vector<16xi32>
    %shift_left3A_461 = arith.constant 6 : i32
    %shift_left3A_462 = vector.broadcast %shift_left3A_461 : i32 to vector<16xi32>
    %shift_left3A_463 = arith.shli %and3A_460, %shift_left3A_462 : vector<16xi32>
    %swap3A_464 = arith.constant 352 : index
    %swap3A_465 = tpu.vector_load %arg8[%swap3A_464] {strides = array<i32>} : memref<512xi32, #tpu.memory_space<vmem>>, vector<16xi32>,
    tpu.vector_store %arg8[%swap3A_464], %shift_left3A_463 {strides = array<i32>} : memref<512xi32, #tpu.memory_space<vmem>>, vector<16xi32>,
    %get3A_466 = arith.constant 368 : index
    %get3A_467 = tpu.vector_load %arg6[%get3A_466] {strides = array<i32>} : memref<512xi32, #tpu.memory_space<vmem>>, vector<16xi32>,
    %shift_right_logical3A_468 = arith.constant 1 : i32
    %shift_right_logical3A_469 = vector.broadcast %shift_right_logical3A_468 : i32 to vector<16xi32>
    %shift_right_logical3A_470 = arith.shrui %get3A_467, %shift_right_logical3A_469 : vector<16xi32>
    %swap3A_471 = arith.constant 368 : index
    %swap3A_472 = tpu.vector_load %arg7[%swap3A_471] {strides = array<i32>} : memref<512xi32, #tpu.memory_space<vmem>>, vector<16xi32>,
    tpu.vector_store %arg7[%swap3A_471], %shift_right_logical3A_470 {strides = array<i32>} : memref<512xi32, #tpu.memory_space<vmem>>, vector<16xi32>,
    %and3A_473 = arith.constant 1 : i32
    %and3A_474 = vector.broadcast %and3A_473 : i32 to vector<16xi32>
    %and3A_475 = arith.andi %get3A_467, %and3A_474 : vector<16xi32>
    %shift_left3A_476 = arith.constant 6 : i32
    %shift_left3A_477 = vector.broadcast %shift_left3A_476 : i32 to vector<16xi32>
    %shift_left3A_478 = arith.shli %and3A_475, %shift_left3A_477 : vector<16xi32>
    %swap3A_479 = arith.constant 368 : index
    %swap3A_480 = tpu.vector_load %arg8[%swap3A_479] {strides = array<i32>} : memref<512xi32, #tpu.memory_space<vmem>>, vector<16xi32>,
    tpu.vector_store %arg8[%swap3A_479], %shift_left3A_478 {strides = array<i32>} : memref<512xi32, #tpu.memory_space<vmem>>, vector<16xi32>,
    %dma_start3A_481 = arith.constant 2 : i32
    %dma_start3A_482 = arith.constant 2 : i32
    %dma_start3A_483 = arith.constant 0 : i32
    %dma_start3A_484 = arith.constant 0 : i32
    %dma_start3A_485 = tpu.memref_slice %arg9[%dma_start3A_481, %dma_start3A_483, %dma_start3A_484] : memref<4x128x128xf32, #tpu.memory_space<vmem>> -> memref<1x128x128xf32, #tpu.memory_space<vmem>>
    %dma_start3A_486 = tpu.memref_squeeze %dma_start3A_485 : memref<1x128x128xf32, #tpu.memory_space<vmem>> -> memref<128x128xf32, #tpu.memory_space<vmem>>
    %dma_start3A_487 = arith.constant 256 : i32
    %dma_start3A_488 = tpu.memref_slice %arg7[%dma_start3A_487] : memref<512xi32, #tpu.memory_space<vmem>> -> memref<128xi32, #tpu.memory_space<vmem>>
    %dma_start3A_489 = arith.constant 0 : i32
    %dma_start3A_490 = arith.constant 0 : i32
    %dma_start3A_491 = tpu.memref_slice %arg3[%dma_start3A_489, %dma_start3A_490] : memref<500000x128xf32, #tpu.memory_space<hbm>> -> memref<500000x128xf32, #tpu.memory_space<hbm>>
    %dma_start3A_492 = tpu.memref_slice %arg12[%dma_start3A_482] : memref<4x!tpu.dma_semaphore, #tpu.memory_space<semaphore_mem>> -> memref<1x!tpu.dma_semaphore, #tpu.memory_space<semaphore_mem>>
    %dma_start3A_493 = tpu.memref_squeeze %dma_start3A_492 : memref<1x!tpu.dma_semaphore, #tpu.memory_space<semaphore_mem>> -> memref<!tpu.dma_semaphore, #tpu.memory_space<semaphore_mem>>
    tpu.enqueue_indirect_dma source(%dma_start3A_491 : memref<500000x128xf32, #tpu.memory_space<hbm>>) target(%dma_start3A_486 : memref<128x128xf32, #tpu.memory_space<vmem>>) offsets(%dma_start3A_488 : memref<128xi32, #tpu.memory_space<vmem>>) semaphore(%dma_start3A_493 : memref<!tpu.dma_semaphore, #tpu.memory_space<semaphore_mem>>)
    %dma_start3A_494 = arith.constant 2 : i32
    %dma_start3A_495 = arith.constant 128 : i32
    %dma_start3A_496 = tpu.memref_slice %arg11[%dma_start3A_495] : memref<256xf32, #tpu.memory_space<vmem>> -> memref<64xf32, #tpu.memory_space<vmem>>
    %dma_start3A_497 = arith.constant 128 : i32
    %dma_start3A_498 = tpu.memref_slice %arg4[%dma_start3A_497] : memref<12800xf32, #tpu.memory_space<hbm>> -> memref<64xf32, #tpu.memory_space<hbm>>
    %dma_start3A_499 = tpu.memref_slice %arg12[%dma_start3A_494] : memref<4x!tpu.dma_semaphore, #tpu.memory_space<semaphore_mem>> -> memref<1x!tpu.dma_semaphore, #tpu.memory_space<semaphore_mem>>
    %dma_start3A_500 = tpu.memref_squeeze %dma_start3A_499 : memref<1x!tpu.dma_semaphore, #tpu.memory_space<semaphore_mem>> -> memref<!tpu.dma_semaphore, #tpu.memory_space<semaphore_mem>>
    %dma_start3A_501 = arith.constant 128 : i32
    %dma_start3A_502 = tpu.memref_slice %arg11[%dma_start3A_501] : memref<256xf32, #tpu.memory_space<vmem>> -> memref<64xf32, #tpu.memory_space<vmem>>
    %dma_start3A_503 = arith.constant 128 : i32
    %dma_start3A_504 = tpu.memref_slice %arg4[%dma_start3A_503] : memref<12800xf32, #tpu.memory_space<hbm>> -> memref<64xf32, #tpu.memory_space<hbm>>
    tpu.enqueue_dma source(%dma_start3A_504 : memref<64xf32, #tpu.memory_space<hbm>>) target(%dma_start3A_502 : memref<64xf32, #tpu.memory_space<vmem>>) target_semaphore(%dma_start3A_500 : memref<!tpu.dma_semaphore, #tpu.memory_space<semaphore_mem>>)
    %iota3A = tpu.iota {dimensions = array<i32: 0>} : vector<16xi32>
    %scan3A = arith.constant 0 : i32
    %scan3A_505 = arith.constant 0 : i32
    %scan3A_506 = arith.constant 50 : i32
    %scan3A_507 = arith.addi %scan3A_505, %scan3A_506 : i32
    %scan3A_508 = arith.constant 1 : i32
    scf.for %scan3A_548 = %scan3A_505 to %scan3A_507 step %scan3A_508  : i32 {
      %mul3A_549 = arith.constant 4 : i32
      %mul3A_550 = arith.muli %scan3A_548, %mul3A_549 : i32
      %add3A_551 = arith.constant 0 : i32
      %add3A_552 = arith.addi %mul3A_550, %add3A_551 : i32
      %jit3A = arith.constant 2 : i32
      %eq3A = arith.constant 0 : i32
      %eq3A_553 = arith.cmpi eq, %jit3A, %eq3A : i32
      %jit3A_554 = arith.constant 1 : i32
      %select_n3A = arith.select %eq3A_553, %jit3A_554, %jit3A : i32
      %rem3A = arith.remsi %add3A_552, %select_n3A : i32
      %ne3A = arith.constant 0 : i32
      %ne3A_555 = arith.cmpi ne, %rem3A, %ne3A : i32
      %lt3A = arith.constant 0 : i32
      %lt3A_556 = arith.cmpi slt, %rem3A, %lt3A : i32
      %lt3A_557 = arith.constant 0 : i32
      %lt3A_558 = arith.cmpi slt, %select_n3A, %lt3A_557 : i32
      %ne3A_559 = arith.xori %lt3A_556, %lt3A_558 : i1
      %and3A_560 = arith.andi %ne3A_559, %ne3A_555 : i1
      %add3A_561 = arith.addi %rem3A, %select_n3A : i32
      %select_n3A_562 = arith.select %and3A_560, %add3A_561, %rem3A : i32
      %dma_wait3A_563 = arith.constant 0 : i32
      %dma_wait3A_564 = arith.constant 0 : i32
      %dma_wait3A_565 = arith.constant 0 : i32
      %dma_wait3A_566 = arith.constant 0 : i32
      %dma_wait3A_567 = tpu.memref_slice %arg9[%dma_wait3A_563, %dma_wait3A_565, %dma_wait3A_566] : memref<4x128x128xf32, #tpu.memory_space<vmem>> -> memref<1x128x128xf32, #tpu.memory_space<vmem>>
      %dma_wait3A_568 = tpu.memref_squeeze %dma_wait3A_567 : memref<1x128x128xf32, #tpu.memory_space<vmem>> -> memref<128x128xf32, #tpu.memory_space<vmem>>
      %dma_wait3A_569 = arith.constant 0 : i32
      %dma_wait3A_570 = tpu.memref_slice %arg7[%dma_wait3A_569] : memref<512xi32, #tpu.memory_space<vmem>> -> memref<128xi32, #tpu.memory_space<vmem>>
      %dma_wait3A_571 = arith.constant 0 : i32
      %dma_wait3A_572 = arith.constant 0 : i32
      %dma_wait3A_573 = tpu.memref_slice %arg3[%dma_wait3A_571, %dma_wait3A_572] : memref<500000x128xf32, #tpu.memory_space<hbm>> -> memref<500000x128xf32, #tpu.memory_space<hbm>>
      %dma_wait3A_574 = tpu.memref_slice %arg12[%dma_wait3A_564] : memref<4x!tpu.dma_semaphore, #tpu.memory_space<semaphore_mem>> -> memref<1x!tpu.dma_semaphore, #tpu.memory_space<semaphore_mem>>
      %dma_wait3A_575 = tpu.memref_squeeze %dma_wait3A_574 : memref<1x!tpu.dma_semaphore, #tpu.memory_space<semaphore_mem>> -> memref<!tpu.dma_semaphore, #tpu.memory_space<semaphore_mem>>
      tpu.wait_indirect_dma semaphore(%dma_wait3A_575 : memref<!tpu.dma_semaphore, #tpu.memory_space<semaphore_mem>>) src(%dma_wait3A_573 : memref<500000x128xf32, #tpu.memory_space<hbm>>) dst(%dma_wait3A_568 : memref<128x128xf32, #tpu.memory_space<vmem>>)
      %dma_wait3A_576 = arith.constant 0 : i32
      %dma_wait3A_577 = arith.constant 0 : i32
      %dma_wait3A_578 = tpu.memref_slice %arg11[%dma_wait3A_577] : memref<256xf32, #tpu.memory_space<vmem>> -> memref<64xf32, #tpu.memory_space<vmem>>
      %dma_wait3A_579 = arith.constant 0 : i32
      %dma_wait3A_580 = tpu.memref_slice %arg4[%dma_wait3A_579] : memref<12800xf32, #tpu.memory_space<hbm>> -> memref<64xf32, #tpu.memory_space<hbm>>
      %dma_wait3A_581 = tpu.memref_slice %arg12[%dma_wait3A_576] : memref<4x!tpu.dma_semaphore, #tpu.memory_space<semaphore_mem>> -> memref<1x!tpu.dma_semaphore, #tpu.memory_space<semaphore_mem>>
      %dma_wait3A_582 = tpu.memref_squeeze %dma_wait3A_581 : memref<1x!tpu.dma_semaphore, #tpu.memory_space<semaphore_mem>> -> memref<!tpu.dma_semaphore, #tpu.memory_space<semaphore_mem>>
      %dma_wait3A_583 = arith.constant 0 : i32
      %dma_wait3A_584 = tpu.memref_slice %arg11[%dma_wait3A_583] : memref<256xf32, #tpu.memory_space<vmem>> -> memref<64xf32, #tpu.memory_space<vmem>>
      %dma_wait3A_585 = arith.constant 0 : i32
      %dma_wait3A_586 = tpu.memref_slice %arg4[%dma_wait3A_585] : memref<12800xf32, #tpu.memory_space<hbm>> -> memref<64xf32, #tpu.memory_space<hbm>>
      tpu.wait_dma2 semaphore(%dma_wait3A_582 : memref<!tpu.dma_semaphore, #tpu.memory_space<semaphore_mem>>) src(%dma_wait3A_586 : memref<64xf32, #tpu.memory_space<hbm>>) dst(%dma_wait3A_584 : memref<64xf32, #tpu.memory_space<vmem>>)
      %ge3A = arith.constant 2 : i32
      %ge3A_587 = arith.cmpi sge, %add3A_552, %ge3A : i32
      %convert_element_type3A = arith.extui %ge3A_587 : i1 to i32
      %cond3A = arith.constant 0 : i32
      %cond3A_588 = arith.cmpi ne, %convert_element_type3A, %cond3A : i32
      scf.if %cond3A_588 {
        %sub3A = arith.constant 2 : i32
        %sub3A_1044 = arith.subi %add3A_552, %sub3A : i32
        %dma_wait3A_1045 = arith.constant 0 : i32
        %dma_wait3A_1046 = arith.constant 0 : i32
        %dma_wait3A_1047 = tpu.memref_slice %arg10[%select_n3A_562, %dma_wait3A_1045, %dma_wait3A_1046] : memref<2x64x128xf32, #tpu.memory_space<vmem>> -> memref<1x64x128xf32, #tpu.memory_space<vmem>>
        %dma_wait3A_1048 = tpu.memref_squeeze %dma_wait3A_1047 : memref<1x64x128xf32, #tpu.memory_space<vmem>> -> memref<64x128xf32, #tpu.memory_space<vmem>>
        %dma_wait3A_1049 = arith.constant 0 : i32
        %dma_wait3A_1050 = tpu.memref_slice %arg5[%sub3A_1044, %dma_wait3A_1049, %mul3A_2] : memref<200x64x4096xf32, #tpu.memory_space<hbm>> -> memref<1x64x128xf32, #tpu.memory_space<hbm>>
        %dma_wait3A_1051 = tpu.memref_squeeze %dma_wait3A_1050 : memref<1x64x128xf32, #tpu.memory_space<hbm>> -> memref<64x128xf32, #tpu.memory_space<hbm>>
        %dma_wait3A_1052 = tpu.memref_slice %arg13[%select_n3A_562] : memref<2x!tpu.dma_semaphore, #tpu.memory_space<semaphore_mem>> -> memref<1x!tpu.dma_semaphore, #tpu.memory_space<semaphore_mem>>
        %dma_wait3A_1053 = tpu.memref_squeeze %dma_wait3A_1052 : memref<1x!tpu.dma_semaphore, #tpu.memory_space<semaphore_mem>> -> memref<!tpu.dma_semaphore, #tpu.memory_space<semaphore_mem>>
        %dma_wait3A_1054 = arith.constant 0 : i32
        %dma_wait3A_1055 = tpu.memref_slice %arg5[%sub3A_1044, %dma_wait3A_1054, %mul3A_2] : memref<200x64x4096xf32, #tpu.memory_space<hbm>> -> memref<1x64x128xf32, #tpu.memory_space<hbm>>
        %dma_wait3A_1056 = tpu.memref_squeeze %dma_wait3A_1055 : memref<1x64x128xf32, #tpu.memory_space<hbm>> -> memref<64x128xf32, #tpu.memory_space<hbm>>
        %dma_wait3A_1057 = arith.constant 0 : i32
        %dma_wait3A_1058 = arith.constant 0 : i32
        %dma_wait3A_1059 = tpu.memref_slice %arg10[%select_n3A_562, %dma_wait3A_1057, %dma_wait3A_1058] : memref<2x64x128xf32, #tpu.memory_space<vmem>> -> memref<1x64x128xf32, #tpu.memory_space<vmem>>
        %dma_wait3A_1060 = tpu.memref_squeeze %dma_wait3A_1059 : memref<1x64x128xf32, #tpu.memory_space<vmem>> -> memref<64x128xf32, #tpu.memory_space<vmem>>
        tpu.wait_dma2 semaphore(%dma_wait3A_1053 : memref<!tpu.dma_semaphore, #tpu.memory_space<semaphore_mem>>) src(%dma_wait3A_1060 : memref<64x128xf32, #tpu.memory_space<vmem>>) dst(%dma_wait3A_1056 : memref<64x128xf32, #tpu.memory_space<hbm>>)
      } else {
      }
      %get3A_589 = arith.constant 0 : index
      %get3A_590 = tpu.vector_load %arg8[%get3A_589] {strides = array<i32>} : memref<512xi32, #tpu.memory_space<vmem>>, vector<16xi32>,
      %get3A_591 = arith.constant 16 : index
      %get3A_592 = tpu.vector_load %arg8[%get3A_591] {strides = array<i32>} : memref<512xi32, #tpu.memory_space<vmem>>, vector<16xi32>,
      %get3A_593 = arith.constant 32 : index
      %get3A_594 = tpu.vector_load %arg8[%get3A_593] {strides = array<i32>} : memref<512xi32, #tpu.memory_space<vmem>>, vector<16xi32>,
      %get3A_595 = arith.constant 48 : index
      %get3A_596 = tpu.vector_load %arg8[%get3A_595] {strides = array<i32>} : memref<512xi32, #tpu.memory_space<vmem>>, vector<16xi32>,
      %get3A_597 = arith.constant 64 : index
      %get3A_598 = tpu.vector_load %arg8[%get3A_597] {strides = array<i32>} : memref<512xi32, #tpu.memory_space<vmem>>, vector<16xi32>,
      %get3A_599 = arith.constant 80 : index
      %get3A_600 = tpu.vector_load %arg8[%get3A_599] {strides = array<i32>} : memref<512xi32, #tpu.memory_space<vmem>>, vector<16xi32>,
      %get3A_601 = arith.constant 96 : index
      %get3A_602 = tpu.vector_load %arg8[%get3A_601] {strides = array<i32>} : memref<512xi32, #tpu.memory_space<vmem>>, vector<16xi32>,
      %get3A_603 = arith.constant 112 : index
      %get3A_604 = tpu.vector_load %arg8[%get3A_603] {strides = array<i32>} : memref<512xi32, #tpu.memory_space<vmem>>, vector<16xi32>,
      %add3A_605 = arith.constant 0 : i32
      %add3A_606 = vector.broadcast %add3A_605 : i32 to vector<16xi32>
      %add3A_607 = arith.addi %iota3A, %add3A_606 : vector<16xi32>
      %add3A_608 = arith.constant 16 : i32
      %add3A_609 = vector.broadcast %add3A_608 : i32 to vector<16xi32>
      %add3A_610 = arith.addi %iota3A, %add3A_609 : vector<16xi32>
      %add3A_611 = arith.constant 32 : i32
      %add3A_612 = vector.broadcast %add3A_611 : i32 to vector<16xi32>
      %add3A_613 = arith.addi %iota3A, %add3A_612 : vector<16xi32>
      %add3A_614 = arith.constant 48 : i32
      %add3A_615 = vector.broadcast %add3A_614 : i32 to vector<16xi32>
      %add3A_616 = arith.addi %iota3A, %add3A_615 : vector<16xi32>
      %add3A_617 = arith.constant 64 : i32
      %add3A_618 = vector.broadcast %add3A_617 : i32 to vector<16xi32>
      %add3A_619 = arith.addi %iota3A, %add3A_618 : vector<16xi32>
      %add3A_620 = arith.constant 80 : i32
      %add3A_621 = vector.broadcast %add3A_620 : i32 to vector<16xi32>
      %add3A_622 = arith.addi %iota3A, %add3A_621 : vector<16xi32>
      %add3A_623 = arith.constant 96 : i32
      %add3A_624 = vector.broadcast %add3A_623 : i32 to vector<16xi32>
      %add3A_625 = arith.addi %iota3A, %add3A_624 : vector<16xi32>
      %add3A_626 = arith.constant 112 : i32
      %add3A_627 = vector.broadcast %add3A_626 : i32 to vector<16xi32>
      %add3A_628 = arith.addi %iota3A, %add3A_627 : vector<16xi32>
      %scan3A_629 = arith.constant 0 : i32
      %scan3A_630 = arith.constant 0 : i32
      %scan3A_631 = arith.constant 0 : i32
      %scan3A_632 = arith.constant 64 : i32
      %scan3A_633 = arith.addi %scan3A_631, %scan3A_632 : i32
      %scan3A_634 = arith.constant 2 : i32
      scf.for %scan3A_1044 = %scan3A_631 to %scan3A_633 step %scan3A_634  : i32 {
        %shift_right_logical3A_1045 = arith.constant 2 : i32
        %shift_right_logical3A_1046 = arith.shrui %scan3A_1044, %shift_right_logical3A_1045 : i32
        %and3A_1047 = arith.constant 3 : i32
        %and3A_1048 = arith.andi %scan3A_1044, %and3A_1047 : i32
        %shift_left3A_1049 = arith.constant 4 : i32
        %shift_left3A_1050 = arith.shli %and3A_1048, %shift_left3A_1049 : i32
        %add3A_1051 = vector.broadcast %shift_right_logical3A_1046 : i32 to vector<16xi32>
        %add3A_1052 = arith.addi %iota3A, %add3A_1051 : vector<16xi32>
        %and3A_1053 = arith.constant 15 : i32
        %and3A_1054 = vector.broadcast %and3A_1053 : i32 to vector<16xi32>
        %and3A_1055 = arith.andi %add3A_1052, %and3A_1054 : vector<16xi32>
        %add3A_1056 = vector.broadcast %shift_left3A_1050 : i32 to vector<16xi32>
        %add3A_1057 = arith.addi %and3A_1055, %add3A_1056 : vector<16xi32>
        %add3A_1058 = arith.constant 0 : i32
        %add3A_1059 = vector.broadcast %add3A_1058 : i32 to vector<16xi32>
        %add3A_1060 = arith.addi %add3A_1057, %add3A_1059 : vector<16xi32>
        %gather3A = tpu.vector_load_idx %arg11[%add3A_1060] : memref<256xf32, #tpu.memory_space<vmem>>[vector<16xi32>], vector<16xf32>,
        %add3A_1061 = arith.addi %get3A_590, %add3A_1057 : vector<16xi32>
        %gather3A_1062 = arith.constant 0 : i32
        %gather3A_1063 = arith.constant 0 : i32
        %gather3A_1064 = tpu.memref_slice %arg9[%scan3A_630, %gather3A_1062, %gather3A_1063] : memref<4x128x128xf32, #tpu.memory_space<vmem>> -> memref<1x128x128xf32, #tpu.memory_space<vmem>>
        %gather3A_1065 = tpu.memref_squeeze %gather3A_1064 : memref<1x128x128xf32, #tpu.memory_space<vmem>> -> memref<128x128xf32, #tpu.memory_space<vmem>>
        %gather3A_1066 = tpu.vector_load_idx %gather3A_1065[%add3A_607, %add3A_1061] : memref<128x128xf32, #tpu.memory_space<vmem>>[vector<16xi32>, vector<16xi32>], vector<16xf32>,
        %add3A_1067 = arith.addf %gather3A_1066, %gather3A : vector<16xf32>
        %scatter3A = arith.constant 0 : i32
        %scatter3A_1068 = arith.constant 0 : i32
        %scatter3A_1069 = tpu.memref_slice %arg10[%select_n3A_562, %scatter3A, %scatter3A_1068] : memref<2x64x128xf32, #tpu.memory_space<vmem>> -> memref<1x64x128xf32, #tpu.memory_space<vmem>>
        %scatter3A_1070 = tpu.memref_squeeze %scatter3A_1069 : memref<1x64x128xf32, #tpu.memory_space<vmem>> -> memref<64x128xf32, #tpu.memory_space<vmem>>
        tpu.vector_store_idx %scatter3A_1070[%add3A_1057, %add3A_607], %add3A_1067 : memref<64x128xf32, #tpu.memory_space<vmem>>[vector<16xi32>, vector<16xi32>], vector<16xf32>,
        %add3A_1071 = arith.addi %get3A_592, %add3A_1057 : vector<16xi32>
        %gather3A_1072 = arith.constant 0 : i32
        %gather3A_1073 = arith.constant 0 : i32
        %gather3A_1074 = tpu.memref_slice %arg9[%scan3A_630, %gather3A_1072, %gather3A_1073] : memref<4x128x128xf32, #tpu.memory_space<vmem>> -> memref<1x128x128xf32, #tpu.memory_space<vmem>>
        %gather3A_1075 = tpu.memref_squeeze %gather3A_1074 : memref<1x128x128xf32, #tpu.memory_space<vmem>> -> memref<128x128xf32, #tpu.memory_space<vmem>>
        %gather3A_1076 = tpu.vector_load_idx %gather3A_1075[%add3A_610, %add3A_1071] : memref<128x128xf32, #tpu.memory_space<vmem>>[vector<16xi32>, vector<16xi32>], vector<16xf32>,
        %add3A_1077 = arith.addf %gather3A_1076, %gather3A : vector<16xf32>
        %scatter3A_1078 = arith.constant 0 : i32
        %scatter3A_1079 = arith.constant 0 : i32
        %scatter3A_1080 = tpu.memref_slice %arg10[%select_n3A_562, %scatter3A_1078, %scatter3A_1079] : memref<2x64x128xf32, #tpu.memory_space<vmem>> -> memref<1x64x128xf32, #tpu.memory_space<vmem>>
        %scatter3A_1081 = tpu.memref_squeeze %scatter3A_1080 : memref<1x64x128xf32, #tpu.memory_space<vmem>> -> memref<64x128xf32, #tpu.memory_space<vmem>>
        tpu.vector_store_idx %scatter3A_1081[%add3A_1057, %add3A_610], %add3A_1077 : memref<64x128xf32, #tpu.memory_space<vmem>>[vector<16xi32>, vector<16xi32>], vector<16xf32>,
        %add3A_1082 = arith.addi %get3A_594, %add3A_1057 : vector<16xi32>
        %gather3A_1083 = arith.constant 0 : i32
        %gather3A_1084 = arith.constant 0 : i32
        %gather3A_1085 = tpu.memref_slice %arg9[%scan3A_630, %gather3A_1083, %gather3A_1084] : memref<4x128x128xf32, #tpu.memory_space<vmem>> -> memref<1x128x128xf32, #tpu.memory_space<vmem>>
        %gather3A_1086 = tpu.memref_squeeze %gather3A_1085 : memref<1x128x128xf32, #tpu.memory_space<vmem>> -> memref<128x128xf32, #tpu.memory_space<vmem>>
        %gather3A_1087 = tpu.vector_load_idx %gather3A_1086[%add3A_613, %add3A_1082] : memref<128x128xf32, #tpu.memory_space<vmem>>[vector<16xi32>, vector<16xi32>], vector<16xf32>,
        %add3A_1088 = arith.addf %gather3A_1087, %gather3A : vector<16xf32>
        %scatter3A_1089 = arith.constant 0 : i32
        %scatter3A_1090 = arith.constant 0 : i32
        %scatter3A_1091 = tpu.memref_slice %arg10[%select_n3A_562, %scatter3A_1089, %scatter3A_1090] : memref<2x64x128xf32, #tpu.memory_space<vmem>> -> memref<1x64x128xf32, #tpu.memory_space<vmem>>
        %scatter3A_1092 = tpu.memref_squeeze %scatter3A_1091 : memref<1x64x128xf32, #tpu.memory_space<vmem>> -> memref<64x128xf32, #tpu.memory_space<vmem>>
        tpu.vector_store_idx %scatter3A_1092[%add3A_1057, %add3A_613], %add3A_1088 : memref<64x128xf32, #tpu.memory_space<vmem>>[vector<16xi32>, vector<16xi32>], vector<16xf32>,
        %add3A_1093 = arith.addi %get3A_596, %add3A_1057 : vector<16xi32>
        %gather3A_1094 = arith.constant 0 : i32
        %gather3A_1095 = arith.constant 0 : i32
        %gather3A_1096 = tpu.memref_slice %arg9[%scan3A_630, %gather3A_1094, %gather3A_1095] : memref<4x128x128xf32, #tpu.memory_space<vmem>> -> memref<1x128x128xf32, #tpu.memory_space<vmem>>
        %gather3A_1097 = tpu.memref_squeeze %gather3A_1096 : memref<1x128x128xf32, #tpu.memory_space<vmem>> -> memref<128x128xf32, #tpu.memory_space<vmem>>
        %gather3A_1098 = tpu.vector_load_idx %gather3A_1097[%add3A_616, %add3A_1093] : memref<128x128xf32, #tpu.memory_space<vmem>>[vector<16xi32>, vector<16xi32>], vector<16xf32>,
        %add3A_1099 = arith.addf %gather3A_1098, %gather3A : vector<16xf32>
        %scatter3A_1100 = arith.constant 0 : i32
        %scatter3A_1101 = arith.constant 0 : i32
        %scatter3A_1102 = tpu.memref_slice %arg10[%select_n3A_562, %scatter3A_1100, %scatter3A_1101] : memref<2x64x128xf32, #tpu.memory_space<vmem>> -> memref<1x64x128xf32, #tpu.memory_space<vmem>>
        %scatter3A_1103 = tpu.memref_squeeze %scatter3A_1102 : memref<1x64x128xf32, #tpu.memory_space<vmem>> -> memref<64x128xf32, #tpu.memory_space<vmem>>
        tpu.vector_store_idx %scatter3A_1103[%add3A_1057, %add3A_616], %add3A_1099 : memref<64x128xf32, #tpu.memory_space<vmem>>[vector<16xi32>, vector<16xi32>], vector<16xf32>,
        %add3A_1104 = arith.addi %get3A_598, %add3A_1057 : vector<16xi32>
        %gather3A_1105 = arith.constant 0 : i32
        %gather3A_1106 = arith.constant 0 : i32
        %gather3A_1107 = tpu.memref_slice %arg9[%scan3A_630, %gather3A_1105, %gather3A_1106] : memref<4x128x128xf32, #tpu.memory_space<vmem>> -> memref<1x128x128xf32, #tpu.memory_space<vmem>>
        %gather3A_1108 = tpu.memref_squeeze %gather3A_1107 : memref<1x128x128xf32, #tpu.memory_space<vmem>> -> memref<128x128xf32, #tpu.memory_space<vmem>>
        %gather3A_1109 = tpu.vector_load_idx %gather3A_1108[%add3A_619, %add3A_1104] : memref<128x128xf32, #tpu.memory_space<vmem>>[vector<16xi32>, vector<16xi32>], vector<16xf32>,
        %add3A_1110 = arith.addf %gather3A_1109, %gather3A : vector<16xf32>
        %scatter3A_1111 = arith.constant 0 : i32
        %scatter3A_1112 = arith.constant 0 : i32
        %scatter3A_1113 = tpu.memref_slice %arg10[%select_n3A_562, %scatter3A_1111, %scatter3A_1112] : memref<2x64x128xf32, #tpu.memory_space<vmem>> -> memref<1x64x128xf32, #tpu.memory_space<vmem>>
        %scatter3A_1114 = tpu.memref_squeeze %scatter3A_1113 : memref<1x64x128xf32, #tpu.memory_space<vmem>> -> memref<64x128xf32, #tpu.memory_space<vmem>>
        tpu.vector_store_idx %scatter3A_1114[%add3A_1057, %add3A_619], %add3A_1110 : memref<64x128xf32, #tpu.memory_space<vmem>>[vector<16xi32>, vector<16xi32>], vector<16xf32>,
        %add3A_1115 = arith.addi %get3A_600, %add3A_1057 : vector<16xi32>
        %gather3A_1116 = arith.constant 0 : i32
        %gather3A_1117 = arith.constant 0 : i32
        %gather3A_1118 = tpu.memref_slice %arg9[%scan3A_630, %gather3A_1116, %gather3A_1117] : memref<4x128x128xf32, #tpu.memory_space<vmem>> -> memref<1x128x128xf32, #tpu.memory_space<vmem>>
        %gather3A_1119 = tpu.memref_squeeze %gather3A_1118 : memref<1x128x128xf32, #tpu.memory_space<vmem>> -> memref<128x128xf32, #tpu.memory_space<vmem>>
        %gather3A_1120 = tpu.vector_load_idx %gather3A_1119[%add3A_622, %add3A_1115] : memref<128x128xf32, #tpu.memory_space<vmem>>[vector<16xi32>, vector<16xi32>], vector<16xf32>,
        %add3A_1121 = arith.addf %gather3A_1120, %gather3A : vector<16xf32>
        %scatter3A_1122 = arith.constant 0 : i32
        %scatter3A_1123 = arith.constant 0 : i32
        %scatter3A_1124 = tpu.memref_slice %arg10[%select_n3A_562, %scatter3A_1122, %scatter3A_1123] : memref<2x64x128xf32, #tpu.memory_space<vmem>> -> memref<1x64x128xf32, #tpu.memory_space<vmem>>
        %scatter3A_1125 = tpu.memref_squeeze %scatter3A_1124 : memref<1x64x128xf32, #tpu.memory_space<vmem>> -> memref<64x128xf32, #tpu.memory_space<vmem>>
        tpu.vector_store_idx %scatter3A_1125[%add3A_1057, %add3A_622], %add3A_1121 : memref<64x128xf32, #tpu.memory_space<vmem>>[vector<16xi32>, vector<16xi32>], vector<16xf32>,
        %add3A_1126 = arith.addi %get3A_602, %add3A_1057 : vector<16xi32>
        %gather3A_1127 = arith.constant 0 : i32
        %gather3A_1128 = arith.constant 0 : i32
        %gather3A_1129 = tpu.memref_slice %arg9[%scan3A_630, %gather3A_1127, %gather3A_1128] : memref<4x128x128xf32, #tpu.memory_space<vmem>> -> memref<1x128x128xf32, #tpu.memory_space<vmem>>
        %gather3A_1130 = tpu.memref_squeeze %gather3A_1129 : memref<1x128x128xf32, #tpu.memory_space<vmem>> -> memref<128x128xf32, #tpu.memory_space<vmem>>
        %gather3A_1131 = tpu.vector_load_idx %gather3A_1130[%add3A_625, %add3A_1126] : memref<128x128xf32, #tpu.memory_space<vmem>>[vector<16xi32>, vector<16xi32>], vector<16xf32>,
        %add3A_1132 = arith.addf %gather3A_1131, %gather3A : vector<16xf32>
        %scatter3A_1133 = arith.constant 0 : i32
        %scatter3A_1134 = arith.constant 0 : i32
        %scatter3A_1135 = tpu.memref_slice %arg10[%select_n3A_562, %scatter3A_1133, %scatter3A_1134] : memref<2x64x128xf32, #tpu.memory_space<vmem>> -> memref<1x64x128xf32, #tpu.memory_space<vmem>>
        %scatter3A_1136 = tpu.memref_squeeze %scatter3A_1135 : memref<1x64x128xf32, #tpu.memory_space<vmem>> -> memref<64x128xf32, #tpu.memory_space<vmem>>
        tpu.vector_store_idx %scatter3A_1136[%add3A_1057, %add3A_625], %add3A_1132 : memref<64x128xf32, #tpu.memory_space<vmem>>[vector<16xi32>, vector<16xi32>], vector<16xf32>,
        %add3A_1137 = arith.addi %get3A_604, %add3A_1057 : vector<16xi32>
        %gather3A_1138 = arith.constant 0 : i32
        %gather3A_1139 = arith.constant 0 : i32
        %gather3A_1140 = tpu.memref_slice %arg9[%scan3A_630, %gather3A_1138, %gather3A_1139] : memref<4x128x128xf32, #tpu.memory_space<vmem>> -> memref<1x128x128xf32, #tpu.memory_space<vmem>>
        %gather3A_1141 = tpu.memref_squeeze %gather3A_1140 : memref<1x128x128xf32, #tpu.memory_space<vmem>> -> memref<128x128xf32, #tpu.memory_space<vmem>>
        %gather3A_1142 = tpu.vector_load_idx %gather3A_1141[%add3A_628, %add3A_1137] : memref<128x128xf32, #tpu.memory_space<vmem>>[vector<16xi32>, vector<16xi32>], vector<16xf32>,
        %add3A_1143 = arith.addf %gather3A_1142, %gather3A : vector<16xf32>
        %scatter3A_1144 = arith.constant 0 : i32
        %scatter3A_1145 = arith.constant 0 : i32
        %scatter3A_1146 = tpu.memref_slice %arg10[%select_n3A_562, %scatter3A_1144, %scatter3A_1145] : memref<2x64x128xf32, #tpu.memory_space<vmem>> -> memref<1x64x128xf32, #tpu.memory_space<vmem>>
        %scatter3A_1147 = tpu.memref_squeeze %scatter3A_1146 : memref<1x64x128xf32, #tpu.memory_space<vmem>> -> memref<64x128xf32, #tpu.memory_space<vmem>>
        tpu.vector_store_idx %scatter3A_1147[%add3A_1057, %add3A_628], %add3A_1143 : memref<64x128xf32, #tpu.memory_space<vmem>>[vector<16xi32>, vector<16xi32>], vector<16xf32>,
        %scan3A_1148 = arith.constant 1 : i32
        %scan3A_1149 = arith.addi %scan3A_1044, %scan3A_1148 : i32
        %shift_right_logical3A_1150 = arith.constant 2 : i32
        %shift_right_logical3A_1151 = arith.shrui %scan3A_1149, %shift_right_logical3A_1150 : i32
        %and3A_1152 = arith.constant 3 : i32
        %and3A_1153 = arith.andi %scan3A_1149, %and3A_1152 : i32
        %shift_left3A_1154 = arith.constant 4 : i32
        %shift_left3A_1155 = arith.shli %and3A_1153, %shift_left3A_1154 : i32
        %add3A_1156 = vector.broadcast %shift_right_logical3A_1151 : i32 to vector<16xi32>
        %add3A_1157 = arith.addi %iota3A, %add3A_1156 : vector<16xi32>
        %and3A_1158 = arith.constant 15 : i32
        %and3A_1159 = vector.broadcast %and3A_1158 : i32 to vector<16xi32>
        %and3A_1160 = arith.andi %add3A_1157, %and3A_1159 : vector<16xi32>
        %add3A_1161 = vector.broadcast %shift_left3A_1155 : i32 to vector<16xi32>
        %add3A_1162 = arith.addi %and3A_1160, %add3A_1161 : vector<16xi32>
        %add3A_1163 = arith.constant 0 : i32
        %add3A_1164 = vector.broadcast %add3A_1163 : i32 to vector<16xi32>
        %add3A_1165 = arith.addi %add3A_1162, %add3A_1164 : vector<16xi32>
        %gather3A_1166 = tpu.vector_load_idx %arg11[%add3A_1165] : memref<256xf32, #tpu.memory_space<vmem>>[vector<16xi32>], vector<16xf32>,
        %add3A_1167 = arith.addi %get3A_590, %add3A_1162 : vector<16xi32>
        %gather3A_1168 = arith.constant 0 : i32
        %gather3A_1169 = arith.constant 0 : i32
        %gather3A_1170 = tpu.memref_slice %arg9[%scan3A_630, %gather3A_1168, %gather3A_1169] : memref<4x128x128xf32, #tpu.memory_space<vmem>> -> memref<1x128x128xf32, #tpu.memory_space<vmem>>
        %gather3A_1171 = tpu.memref_squeeze %gather3A_1170 : memref<1x128x128xf32, #tpu.memory_space<vmem>> -> memref<128x128xf32, #tpu.memory_space<vmem>>
        %gather3A_1172 = tpu.vector_load_idx %gather3A_1171[%add3A_607, %add3A_1167] : memref<128x128xf32, #tpu.memory_space<vmem>>[vector<16xi32>, vector<16xi32>], vector<16xf32>,
        %add3A_1173 = arith.addf %gather3A_1172, %gather3A_1166 : vector<16xf32>
        %scatter3A_1174 = arith.constant 0 : i32
        %scatter3A_1175 = arith.constant 0 : i32
        %scatter3A_1176 = tpu.memref_slice %arg10[%select_n3A_562, %scatter3A_1174, %scatter3A_1175] : memref<2x64x128xf32, #tpu.memory_space<vmem>> -> memref<1x64x128xf32, #tpu.memory_space<vmem>>
        %scatter3A_1177 = tpu.memref_squeeze %scatter3A_1176 : memref<1x64x128xf32, #tpu.memory_space<vmem>> -> memref<64x128xf32, #tpu.memory_space<vmem>>
        tpu.vector_store_idx %scatter3A_1177[%add3A_1162, %add3A_607], %add3A_1173 : memref<64x128xf32, #tpu.memory_space<vmem>>[vector<16xi32>, vector<16xi32>], vector<16xf32>,
        %add3A_1178 = arith.addi %get3A_592, %add3A_1162 : vector<16xi32>
        %gather3A_1179 = arith.constant 0 : i32
        %gather3A_1180 = arith.constant 0 : i32
        %gather3A_1181 = tpu.memref_slice %arg9[%scan3A_630, %gather3A_1179, %gather3A_1180] : memref<4x128x128xf32, #tpu.memory_space<vmem>> -> memref<1x128x128xf32, #tpu.memory_space<vmem>>
        %gather3A_1182 = tpu.memref_squeeze %gather3A_1181 : memref<1x128x128xf32, #tpu.memory_space<vmem>> -> memref<128x128xf32, #tpu.memory_space<vmem>>
        %gather3A_1183 = tpu.vector_load_idx %gather3A_1182[%add3A_610, %add3A_1178] : memref<128x128xf32, #tpu.memory_space<vmem>>[vector<16xi32>, vector<16xi32>], vector<16xf32>,
        %add3A_1184 = arith.addf %gather3A_1183, %gather3A_1166 : vector<16xf32>
        %scatter3A_1185 = arith.constant 0 : i32
        %scatter3A_1186 = arith.constant 0 : i32
        %scatter3A_1187 = tpu.memref_slice %arg10[%select_n3A_562, %scatter3A_1185, %scatter3A_1186] : memref<2x64x128xf32, #tpu.memory_space<vmem>> -> memref<1x64x128xf32, #tpu.memory_space<vmem>>
        %scatter3A_1188 = tpu.memref_squeeze %scatter3A_1187 : memref<1x64x128xf32, #tpu.memory_space<vmem>> -> memref<64x128xf32, #tpu.memory_space<vmem>>
        tpu.vector_store_idx %scatter3A_1188[%add3A_1162, %add3A_610], %add3A_1184 : memref<64x128xf32, #tpu.memory_space<vmem>>[vector<16xi32>, vector<16xi32>], vector<16xf32>,
        %add3A_1189 = arith.addi %get3A_594, %add3A_1162 : vector<16xi32>
        %gather3A_1190 = arith.constant 0 : i32
        %gather3A_1191 = arith.constant 0 : i32
        %gather3A_1192 = tpu.memref_slice %arg9[%scan3A_630, %gather3A_1190, %gather3A_1191] : memref<4x128x128xf32, #tpu.memory_space<vmem>> -> memref<1x128x128xf32, #tpu.memory_space<vmem>>
        %gather3A_1193 = tpu.memref_squeeze %gather3A_1192 : memref<1x128x128xf32, #tpu.memory_space<vmem>> -> memref<128x128xf32, #tpu.memory_space<vmem>>
        %gather3A_1194 = tpu.vector_load_idx %gather3A_1193[%add3A_613, %add3A_1189] : memref<128x128xf32, #tpu.memory_space<vmem>>[vector<16xi32>, vector<16xi32>], vector<16xf32>,
        %add3A_1195 = arith.addf %gather3A_1194, %gather3A_1166 : vector<16xf32>
        %scatter3A_1196 = arith.constant 0 : i32
        %scatter3A_1197 = arith.constant 0 : i32
        %scatter3A_1198 = tpu.memref_slice %arg10[%select_n3A_562, %scatter3A_1196, %scatter3A_1197] : memref<2x64x128xf32, #tpu.memory_space<vmem>> -> memref<1x64x128xf32, #tpu.memory_space<vmem>>
        %scatter3A_1199 = tpu.memref_squeeze %scatter3A_1198 : memref<1x64x128xf32, #tpu.memory_space<vmem>> -> memref<64x128xf32, #tpu.memory_space<vmem>>
        tpu.vector_store_idx %scatter3A_1199[%add3A_1162, %add3A_613], %add3A_1195 : memref<64x128xf32, #tpu.memory_space<vmem>>[vector<16xi32>, vector<16xi32>], vector<16xf32>,
        %add3A_1200 = arith.addi %get3A_596, %add3A_1162 : vector<16xi32>
        %gather3A_1201 = arith.constant 0 : i32
        %gather3A_1202 = arith.constant 0 : i32
        %gather3A_1203 = tpu.memref_slice %arg9[%scan3A_630, %gather3A_1201, %gather3A_1202] : memref<4x128x128xf32, #tpu.memory_space<vmem>> -> memref<1x128x128xf32, #tpu.memory_space<vmem>>
        %gather3A_1204 = tpu.memref_squeeze %gather3A_1203 : memref<1x128x128xf32, #tpu.memory_space<vmem>> -> memref<128x128xf32, #tpu.memory_space<vmem>>
        %gather3A_1205 = tpu.vector_load_idx %gather3A_1204[%add3A_616, %add3A_1200] : memref<128x128xf32, #tpu.memory_space<vmem>>[vector<16xi32>, vector<16xi32>], vector<16xf32>,
        %add3A_1206 = arith.addf %gather3A_1205, %gather3A_1166 : vector<16xf32>
        %scatter3A_1207 = arith.constant 0 : i32
        %scatter3A_1208 = arith.constant 0 : i32
        %scatter3A_1209 = tpu.memref_slice %arg10[%select_n3A_562, %scatter3A_1207, %scatter3A_1208] : memref<2x64x128xf32, #tpu.memory_space<vmem>> -> memref<1x64x128xf32, #tpu.memory_space<vmem>>
        %scatter3A_1210 = tpu.memref_squeeze %scatter3A_1209 : memref<1x64x128xf32, #tpu.memory_space<vmem>> -> memref<64x128xf32, #tpu.memory_space<vmem>>
        tpu.vector_store_idx %scatter3A_1210[%add3A_1162, %add3A_616], %add3A_1206 : memref<64x128xf32, #tpu.memory_space<vmem>>[vector<16xi32>, vector<16xi32>], vector<16xf32>,
        %add3A_1211 = arith.addi %get3A_598, %add3A_1162 : vector<16xi32>
        %gather3A_1212 = arith.constant 0 : i32
        %gather3A_1213 = arith.constant 0 : i32
        %gather3A_1214 = tpu.memref_slice %arg9[%scan3A_630, %gather3A_1212, %gather3A_1213] : memref<4x128x128xf32, #tpu.memory_space<vmem>> -> memref<1x128x128xf32, #tpu.memory_space<vmem>>
        %gather3A_1215 = tpu.memref_squeeze %gather3A_1214 : memref<1x128x128xf32, #tpu.memory_space<vmem>> -> memref<128x128xf32, #tpu.memory_space<vmem>>
        %gather3A_1216 = tpu.vector_load_idx %gather3A_1215[%add3A_619, %add3A_1211] : memref<128x128xf32, #tpu.memory_space<vmem>>[vector<16xi32>, vector<16xi32>], vector<16xf32>,
        %add3A_1217 = arith.addf %gather3A_1216, %gather3A_1166 : vector<16xf32>
        %scatter3A_1218 = arith.constant 0 : i32
        %scatter3A_1219 = arith.constant 0 : i32
        %scatter3A_1220 = tpu.memref_slice %arg10[%select_n3A_562, %scatter3A_1218, %scatter3A_1219] : memref<2x64x128xf32, #tpu.memory_space<vmem>> -> memref<1x64x128xf32, #tpu.memory_space<vmem>>
        %scatter3A_1221 = tpu.memref_squeeze %scatter3A_1220 : memref<1x64x128xf32, #tpu.memory_space<vmem>> -> memref<64x128xf32, #tpu.memory_space<vmem>>
        tpu.vector_store_idx %scatter3A_1221[%add3A_1162, %add3A_619], %add3A_1217 : memref<64x128xf32, #tpu.memory_space<vmem>>[vector<16xi32>, vector<16xi32>], vector<16xf32>,
        %add3A_1222 = arith.addi %get3A_600, %add3A_1162 : vector<16xi32>
        %gather3A_1223 = arith.constant 0 : i32
        %gather3A_1224 = arith.constant 0 : i32
        %gather3A_1225 = tpu.memref_slice %arg9[%scan3A_630, %gather3A_1223, %gather3A_1224] : memref<4x128x128xf32, #tpu.memory_space<vmem>> -> memref<1x128x128xf32, #tpu.memory_space<vmem>>
        %gather3A_1226 = tpu.memref_squeeze %gather3A_1225 : memref<1x128x128xf32, #tpu.memory_space<vmem>> -> memref<128x128xf32, #tpu.memory_space<vmem>>
        %gather3A_1227 = tpu.vector_load_idx %gather3A_1226[%add3A_622, %add3A_1222] : memref<128x128xf32, #tpu.memory_space<vmem>>[vector<16xi32>, vector<16xi32>], vector<16xf32>,
        %add3A_1228 = arith.addf %gather3A_1227, %gather3A_1166 : vector<16xf32>
        %scatter3A_1229 = arith.constant 0 : i32
        %scatter3A_1230 = arith.constant 0 : i32
        %scatter3A_1231 = tpu.memref_slice %arg10[%select_n3A_562, %scatter3A_1229, %scatter3A_1230] : memref<2x64x128xf32, #tpu.memory_space<vmem>> -> memref<1x64x128xf32, #tpu.memory_space<vmem>>
        %scatter3A_1232 = tpu.memref_squeeze %scatter3A_1231 : memref<1x64x128xf32, #tpu.memory_space<vmem>> -> memref<64x128xf32, #tpu.memory_space<vmem>>
        tpu.vector_store_idx %scatter3A_1232[%add3A_1162, %add3A_622], %add3A_1228 : memref<64x128xf32, #tpu.memory_space<vmem>>[vector<16xi32>, vector<16xi32>], vector<16xf32>,
        %add3A_1233 = arith.addi %get3A_602, %add3A_1162 : vector<16xi32>
        %gather3A_1234 = arith.constant 0 : i32
        %gather3A_1235 = arith.constant 0 : i32
        %gather3A_1236 = tpu.memref_slice %arg9[%scan3A_630, %gather3A_1234, %gather3A_1235] : memref<4x128x128xf32, #tpu.memory_space<vmem>> -> memref<1x128x128xf32, #tpu.memory_space<vmem>>
        %gather3A_1237 = tpu.memref_squeeze %gather3A_1236 : memref<1x128x128xf32, #tpu.memory_space<vmem>> -> memref<128x128xf32, #tpu.memory_space<vmem>>
        %gather3A_1238 = tpu.vector_load_idx %gather3A_1237[%add3A_625, %add3A_1233] : memref<128x128xf32, #tpu.memory_space<vmem>>[vector<16xi32>, vector<16xi32>], vector<16xf32>,
        %add3A_1239 = arith.addf %gather3A_1238, %gather3A_1166 : vector<16xf32>
        %scatter3A_1240 = arith.constant 0 : i32
        %scatter3A_1241 = arith.constant 0 : i32
        %scatter3A_1242 = tpu.memref_slice %arg10[%select_n3A_562, %scatter3A_1240, %scatter3A_1241] : memref<2x64x128xf32, #tpu.memory_space<vmem>> -> memref<1x64x128xf32, #tpu.memory_space<vmem>>
        %scatter3A_1243 = tpu.memref_squeeze %scatter3A_1242 : memref<1x64x128xf32, #tpu.memory_space<vmem>> -> memref<64x128xf32, #tpu.memory_space<vmem>>
        tpu.vector_store_idx %scatter3A_1243[%add3A_1162, %add3A_625], %add3A_1239 : memref<64x128xf32, #tpu.memory_space<vmem>>[vector<16xi32>, vector<16xi32>], vector<16xf32>,
        %add3A_1244 = arith.addi %get3A_604, %add3A_1162 : vector<16xi32>
        %gather3A_1245 = arith.constant 0 : i32
        %gather3A_1246 = arith.constant 0 : i32
        %gather3A_1247 = tpu.memref_slice %arg9[%scan3A_630, %gather3A_1245, %gather3A_1246] : memref<4x128x128xf32, #tpu.memory_space<vmem>> -> memref<1x128x128xf32, #tpu.memory_space<vmem>>
        %gather3A_1248 = tpu.memref_squeeze %gather3A_1247 : memref<1x128x128xf32, #tpu.memory_space<vmem>> -> memref<128x128xf32, #tpu.memory_space<vmem>>
        %gather3A_1249 = tpu.vector_load_idx %gather3A_1248[%add3A_628, %add3A_1244] : memref<128x128xf32, #tpu.memory_space<vmem>>[vector<16xi32>, vector<16xi32>], vector<16xf32>,
        %add3A_1250 = arith.addf %gather3A_1249, %gather3A_1166 : vector<16xf32>
        %scatter3A_1251 = arith.constant 0 : i32
        %scatter3A_1252 = arith.constant 0 : i32
        %scatter3A_1253 = tpu.memref_slice %arg10[%select_n3A_562, %scatter3A_1251, %scatter3A_1252] : memref<2x64x128xf32, #tpu.memory_space<vmem>> -> memref<1x64x128xf32, #tpu.memory_space<vmem>>
        %scatter3A_1254 = tpu.memref_squeeze %scatter3A_1253 : memref<1x64x128xf32, #tpu.memory_space<vmem>> -> memref<64x128xf32, #tpu.memory_space<vmem>>
        tpu.vector_store_idx %scatter3A_1254[%add3A_1162, %add3A_628], %add3A_1250 : memref<64x128xf32, #tpu.memory_space<vmem>>[vector<16xi32>, vector<16xi32>], vector<16xf32>,
      }
      %scan3A_635 = arith.constant 64 : i32
      %dma_start3A_636 = arith.constant 0 : i32
      %dma_start3A_637 = arith.constant 0 : i32
      %dma_start3A_638 = tpu.memref_slice %arg10[%select_n3A_562, %dma_start3A_636, %dma_start3A_637] : memref<2x64x128xf32, #tpu.memory_space<vmem>> -> memref<1x64x128xf32, #tpu.memory_space<vmem>>
      %dma_start3A_639 = tpu.memref_squeeze %dma_start3A_638 : memref<1x64x128xf32, #tpu.memory_space<vmem>> -> memref<64x128xf32, #tpu.memory_space<vmem>>
      %dma_start3A_640 = arith.constant 0 : i32
      %dma_start3A_641 = tpu.memref_slice %arg5[%add3A_552, %dma_start3A_640, %mul3A_2] : memref<200x64x4096xf32, #tpu.memory_space<hbm>> -> memref<1x64x128xf32, #tpu.memory_space<hbm>>
      %dma_start3A_642 = tpu.memref_squeeze %dma_start3A_641 : memref<1x64x128xf32, #tpu.memory_space<hbm>> -> memref<64x128xf32, #tpu.memory_space<hbm>>
      %dma_start3A_643 = tpu.memref_slice %arg13[%select_n3A_562] : memref<2x!tpu.dma_semaphore, #tpu.memory_space<semaphore_mem>> -> memref<1x!tpu.dma_semaphore, #tpu.memory_space<semaphore_mem>>
      %dma_start3A_644 = tpu.memref_squeeze %dma_start3A_643 : memref<1x!tpu.dma_semaphore, #tpu.memory_space<semaphore_mem>> -> memref<!tpu.dma_semaphore, #tpu.memory_space<semaphore_mem>>
      %dma_start3A_645 = arith.constant 0 : i32
      %dma_start3A_646 = tpu.memref_slice %arg5[%add3A_552, %dma_start3A_645, %mul3A_2] : memref<200x64x4096xf32, #tpu.memory_space<hbm>> -> memref<1x64x128xf32, #tpu.memory_space<hbm>>
      %dma_start3A_647 = tpu.memref_squeeze %dma_start3A_646 : memref<1x64x128xf32, #tpu.memory_space<hbm>> -> memref<64x128xf32, #tpu.memory_space<hbm>>
      %dma_start3A_648 = arith.constant 0 : i32
      %dma_start3A_649 = arith.constant 0 : i32
      %dma_start3A_650 = tpu.memref_slice %arg10[%select_n3A_562, %dma_start3A_648, %dma_start3A_649] : memref<2x64x128xf32, #tpu.memory_space<vmem>> -> memref<1x64x128xf32, #tpu.memory_space<vmem>>
      %dma_start3A_651 = tpu.memref_squeeze %dma_start3A_650 : memref<1x64x128xf32, #tpu.memory_space<vmem>> -> memref<64x128xf32, #tpu.memory_space<vmem>>
      tpu.enqueue_dma source(%dma_start3A_651 : memref<64x128xf32, #tpu.memory_space<vmem>>) target(%dma_start3A_647 : memref<64x128xf32, #tpu.memory_space<hbm>>) target_semaphore(%dma_start3A_644 : memref<!tpu.dma_semaphore, #tpu.memory_space<semaphore_mem>>)
      %add3A_652 = arith.constant 3 : i32
      %add3A_653 = arith.addi %add3A_552, %add3A_652 : i32
      %add3A_654 = arith.constant 1 : i32
      %add3A_655 = arith.addi %add3A_653, %add3A_654 : i32
      %lt3A_656 = arith.constant 200 : i32
      %lt3A_657 = arith.cmpi slt, %add3A_655, %lt3A_656 : i32
      %convert_element_type3A_658 = arith.extui %lt3A_657 : i1 to i32
      %cond3A_659 = arith.constant 0 : i32
      %cond3A_660 = arith.cmpi ne, %convert_element_type3A_658, %cond3A_659 : i32
      scf.if %cond3A_660 {
        %add3A_1044 = arith.constant 1 : i32
        %add3A_1045 = arith.addi %add3A_653, %add3A_1044 : i32
        %jit3A_1046 = arith.constant 4 : i32
        %eq3A_1047 = arith.constant 0 : i32
        %eq3A_1048 = arith.cmpi eq, %jit3A_1046, %eq3A_1047 : i32
        %jit3A_1049 = arith.constant 1 : i32
        %select_n3A_1050 = arith.select %eq3A_1048, %jit3A_1049, %jit3A_1046 : i32
        %rem3A_1051 = arith.remsi %add3A_1045, %select_n3A_1050 : i32
        %ne3A_1052 = arith.constant 0 : i32
        %ne3A_1053 = arith.cmpi ne, %rem3A_1051, %ne3A_1052 : i32
        %lt3A_1054 = arith.constant 0 : i32
        %lt3A_1055 = arith.cmpi slt, %rem3A_1051, %lt3A_1054 : i32
        %lt3A_1056 = arith.constant 0 : i32
        %lt3A_1057 = arith.cmpi slt, %select_n3A_1050, %lt3A_1056 : i32
        %ne3A_1058 = arith.xori %lt3A_1055, %lt3A_1057 : i1
        %and3A_1059 = arith.andi %ne3A_1058, %ne3A_1053 : i1
        %add3A_1060 = arith.addi %rem3A_1051, %select_n3A_1050 : i32
        %select_n3A_1061 = arith.select %and3A_1059, %add3A_1060, %rem3A_1051 : i32
        %add3A_1062 = arith.constant 1 : i32
        %add3A_1063 = arith.addi %add3A_653, %add3A_1062 : i32
        %mul3A_1064 = arith.constant 128 : i32
        %mul3A_1065 = arith.muli %select_n3A_1061, %mul3A_1064 : i32
        %mul3A_1066 = arith.constant 4096 : i32
        %mul3A_1067 = arith.muli %add3A_1063, %mul3A_1066 : i32
        %add3A_1068 = arith.addi %mul3A_1067, %mul3A_2 : i32
        %dma_start3A_1069 = tpu.memref_slice %arg6[%mul3A_1065] : memref<512xi32, #tpu.memory_space<vmem>> -> memref<128xi32, #tpu.memory_space<vmem>>
        %dma_start3A_1070 = tpu.memref_slice %arg2[%add3A_1068] : memref<819200xi32, #tpu.memory_space<hbm>> -> memref<128xi32, #tpu.memory_space<hbm>>
        %dma_start3A_1071 = tpu.memref_slice %arg14[%select_n3A_1061] : memref<4x!tpu.dma_semaphore, #tpu.memory_space<semaphore_mem>> -> memref<1x!tpu.dma_semaphore, #tpu.memory_space<semaphore_mem>>
        %dma_start3A_1072 = tpu.memref_squeeze %dma_start3A_1071 : memref<1x!tpu.dma_semaphore, #tpu.memory_space<semaphore_mem>> -> memref<!tpu.dma_semaphore, #tpu.memory_space<semaphore_mem>>
        %dma_start3A_1073 = tpu.memref_slice %arg6[%mul3A_1065] : memref<512xi32, #tpu.memory_space<vmem>> -> memref<128xi32, #tpu.memory_space<vmem>>
        %dma_start3A_1074 = tpu.memref_slice %arg2[%add3A_1068] : memref<819200xi32, #tpu.memory_space<hbm>> -> memref<128xi32, #tpu.memory_space<hbm>>
        tpu.enqueue_dma source(%dma_start3A_1074 : memref<128xi32, #tpu.memory_space<hbm>>) target(%dma_start3A_1073 : memref<128xi32, #tpu.memory_space<vmem>>) target_semaphore(%dma_start3A_1072 : memref<!tpu.dma_semaphore, #tpu.memory_space<semaphore_mem>>)
      } else {
      }
      %lt3A_661 = arith.constant 200 : i32
      %lt3A_662 = arith.cmpi slt, %add3A_653, %lt3A_661 : i32
      %convert_element_type3A_663 = arith.extui %lt3A_662 : i1 to i32
      %cond3A_664 = arith.constant 0 : i32
      %cond3A_665 = arith.cmpi ne, %convert_element_type3A_663, %cond3A_664 : i32
      scf.if %cond3A_665 {
        %jit3A_1044 = arith.constant 4 : i32
        %eq3A_1045 = arith.constant 0 : i32
        %eq3A_1046 = arith.cmpi eq, %jit3A_1044, %eq3A_1045 : i32
        %jit3A_1047 = arith.constant 1 : i32
        %select_n3A_1048 = arith.select %eq3A_1046, %jit3A_1047, %jit3A_1044 : i32
        %rem3A_1049 = arith.remsi %add3A_653, %select_n3A_1048 : i32
        %ne3A_1050 = arith.constant 0 : i32
        %ne3A_1051 = arith.cmpi ne, %rem3A_1049, %ne3A_1050 : i32
        %lt3A_1052 = arith.constant 0 : i32
        %lt3A_1053 = arith.cmpi slt, %rem3A_1049, %lt3A_1052 : i32
        %lt3A_1054 = arith.constant 0 : i32
        %lt3A_1055 = arith.cmpi slt, %select_n3A_1048, %lt3A_1054 : i32
        %ne3A_1056 = arith.xori %lt3A_1053, %lt3A_1055 : i1
        %and3A_1057 = arith.andi %ne3A_1056, %ne3A_1051 : i1
        %add3A_1058 = arith.addi %rem3A_1049, %select_n3A_1048 : i32
        %select_n3A_1059 = arith.select %and3A_1057, %add3A_1058, %rem3A_1049 : i32
        %mul3A_1060 = arith.constant 128 : i32
        %mul3A_1061 = arith.muli %select_n3A_1059, %mul3A_1060 : i32
        %mul3A_1062 = arith.constant 4096 : i32
        %mul3A_1063 = arith.muli %add3A_653, %mul3A_1062 : i32
        %add3A_1064 = arith.addi %mul3A_1063, %mul3A_2 : i32
        %dma_wait3A_1065 = tpu.memref_slice %arg6[%mul3A_1061] : memref<512xi32, #tpu.memory_space<vmem>> -> memref<128xi32, #tpu.memory_space<vmem>>
        %dma_wait3A_1066 = tpu.memref_slice %arg2[%add3A_1064] : memref<819200xi32, #tpu.memory_space<hbm>> -> memref<128xi32, #tpu.memory_space<hbm>>
        %dma_wait3A_1067 = tpu.memref_slice %arg14[%select_n3A_1059] : memref<4x!tpu.dma_semaphore, #tpu.memory_space<semaphore_mem>> -> memref<1x!tpu.dma_semaphore, #tpu.memory_space<semaphore_mem>>
        %dma_wait3A_1068 = tpu.memref_squeeze %dma_wait3A_1067 : memref<1x!tpu.dma_semaphore, #tpu.memory_space<semaphore_mem>> -> memref<!tpu.dma_semaphore, #tpu.memory_space<semaphore_mem>>
        %dma_wait3A_1069 = tpu.memref_slice %arg6[%mul3A_1061] : memref<512xi32, #tpu.memory_space<vmem>> -> memref<128xi32, #tpu.memory_space<vmem>>
        %dma_wait3A_1070 = tpu.memref_slice %arg2[%add3A_1064] : memref<819200xi32, #tpu.memory_space<hbm>> -> memref<128xi32, #tpu.memory_space<hbm>>
        tpu.wait_dma2 semaphore(%dma_wait3A_1068 : memref<!tpu.dma_semaphore, #tpu.memory_space<semaphore_mem>>) src(%dma_wait3A_1070 : memref<128xi32, #tpu.memory_space<hbm>>) dst(%dma_wait3A_1069 : memref<128xi32, #tpu.memory_space<vmem>>)
        %add3A_1071 = arith.constant 0 : i32
        %add3A_1072 = arith.addi %mul3A_1061, %add3A_1071 : i32
        %get3A_1073 = arith.index_cast %add3A_1072 : i32 to index
        %get3A_1074 = tpu.vector_load %arg6[%get3A_1073] {strides = array<i32>} : memref<512xi32, #tpu.memory_space<vmem>>, vector<16xi32>,
        %shift_right_logical3A_1075 = arith.constant 1 : i32
        %shift_right_logical3A_1076 = vector.broadcast %shift_right_logical3A_1075 : i32 to vector<16xi32>
        %shift_right_logical3A_1077 = arith.shrui %get3A_1074, %shift_right_logical3A_1076 : vector<16xi32>
        %swap3A_1078 = arith.index_cast %add3A_1072 : i32 to index
        %swap3A_1079 = tpu.vector_load %arg7[%swap3A_1078] {strides = array<i32>} : memref<512xi32, #tpu.memory_space<vmem>>, vector<16xi32>,
        tpu.vector_store %arg7[%swap3A_1078], %shift_right_logical3A_1077 {strides = array<i32>} : memref<512xi32, #tpu.memory_space<vmem>>, vector<16xi32>,
        %and3A_1080 = arith.constant 1 : i32
        %and3A_1081 = vector.broadcast %and3A_1080 : i32 to vector<16xi32>
        %and3A_1082 = arith.andi %get3A_1074, %and3A_1081 : vector<16xi32>
        %shift_left3A_1083 = arith.constant 6 : i32
        %shift_left3A_1084 = vector.broadcast %shift_left3A_1083 : i32 to vector<16xi32>
        %shift_left3A_1085 = arith.shli %and3A_1082, %shift_left3A_1084 : vector<16xi32>
        %swap3A_1086 = arith.index_cast %add3A_1072 : i32 to index
        %swap3A_1087 = tpu.vector_load %arg8[%swap3A_1086] {strides = array<i32>} : memref<512xi32, #tpu.memory_space<vmem>>, vector<16xi32>,
        tpu.vector_store %arg8[%swap3A_1086], %shift_left3A_1085 {strides = array<i32>} : memref<512xi32, #tpu.memory_space<vmem>>, vector<16xi32>,
        %add3A_1088 = arith.constant 16 : i32
        %add3A_1089 = arith.addi %mul3A_1061, %add3A_1088 : i32
        %get3A_1090 = arith.index_cast %add3A_1089 : i32 to index
        %get3A_1091 = tpu.vector_load %arg6[%get3A_1090] {strides = array<i32>} : memref<512xi32, #tpu.memory_space<vmem>>, vector<16xi32>,
        %shift_right_logical3A_1092 = arith.constant 1 : i32
        %shift_right_logical3A_1093 = vector.broadcast %shift_right_logical3A_1092 : i32 to vector<16xi32>
        %shift_right_logical3A_1094 = arith.shrui %get3A_1091, %shift_right_logical3A_1093 : vector<16xi32>
        %swap3A_1095 = arith.index_cast %add3A_1089 : i32 to index
        %swap3A_1096 = tpu.vector_load %arg7[%swap3A_1095] {strides = array<i32>} : memref<512xi32, #tpu.memory_space<vmem>>, vector<16xi32>,
        tpu.vector_store %arg7[%swap3A_1095], %shift_right_logical3A_1094 {strides = array<i32>} : memref<512xi32, #tpu.memory_space<vmem>>, vector<16xi32>,
        %and3A_1097 = arith.constant 1 : i32
        %and3A_1098 = vector.broadcast %and3A_1097 : i32 to vector<16xi32>
        %and3A_1099 = arith.andi %get3A_1091, %and3A_1098 : vector<16xi32>
        %shift_left3A_1100 = arith.constant 6 : i32
        %shift_left3A_1101 = vector.broadcast %shift_left3A_1100 : i32 to vector<16xi32>
        %shift_left3A_1102 = arith.shli %and3A_1099, %shift_left3A_1101 : vector<16xi32>
        %swap3A_1103 = arith.index_cast %add3A_1089 : i32 to index
        %swap3A_1104 = tpu.vector_load %arg8[%swap3A_1103] {strides = array<i32>} : memref<512xi32, #tpu.memory_space<vmem>>, vector<16xi32>,
        tpu.vector_store %arg8[%swap3A_1103], %shift_left3A_1102 {strides = array<i32>} : memref<512xi32, #tpu.memory_space<vmem>>, vector<16xi32>,
        %add3A_1105 = arith.constant 32 : i32
        %add3A_1106 = arith.addi %mul3A_1061, %add3A_1105 : i32
        %get3A_1107 = arith.index_cast %add3A_1106 : i32 to index
        %get3A_1108 = tpu.vector_load %arg6[%get3A_1107] {strides = array<i32>} : memref<512xi32, #tpu.memory_space<vmem>>, vector<16xi32>,
        %shift_right_logical3A_1109 = arith.constant 1 : i32
        %shift_right_logical3A_1110 = vector.broadcast %shift_right_logical3A_1109 : i32 to vector<16xi32>
        %shift_right_logical3A_1111 = arith.shrui %get3A_1108, %shift_right_logical3A_1110 : vector<16xi32>
        %swap3A_1112 = arith.index_cast %add3A_1106 : i32 to index
        %swap3A_1113 = tpu.vector_load %arg7[%swap3A_1112] {strides = array<i32>} : memref<512xi32, #tpu.memory_space<vmem>>, vector<16xi32>,
        tpu.vector_store %arg7[%swap3A_1112], %shift_right_logical3A_1111 {strides = array<i32>} : memref<512xi32, #tpu.memory_space<vmem>>, vector<16xi32>,
        %and3A_1114 = arith.constant 1 : i32
        %and3A_1115 = vector.broadcast %and3A_1114 : i32 to vector<16xi32>
        %and3A_1116 = arith.andi %get3A_1108, %and3A_1115 : vector<16xi32>
        %shift_left3A_1117 = arith.constant 6 : i32
        %shift_left3A_1118 = vector.broadcast %shift_left3A_1117 : i32 to vector<16xi32>
        %shift_left3A_1119 = arith.shli %and3A_1116, %shift_left3A_1118 : vector<16xi32>
        %swap3A_1120 = arith.index_cast %add3A_1106 : i32 to index
        %swap3A_1121 = tpu.vector_load %arg8[%swap3A_1120] {strides = array<i32>} : memref<512xi32, #tpu.memory_space<vmem>>, vector<16xi32>,
        tpu.vector_store %arg8[%swap3A_1120], %shift_left3A_1119 {strides = array<i32>} : memref<512xi32, #tpu.memory_space<vmem>>, vector<16xi32>,
        %add3A_1122 = arith.constant 48 : i32
        %add3A_1123 = arith.addi %mul3A_1061, %add3A_1122 : i32
        %get3A_1124 = arith.index_cast %add3A_1123 : i32 to index
        %get3A_1125 = tpu.vector_load %arg6[%get3A_1124] {strides = array<i32>} : memref<512xi32, #tpu.memory_space<vmem>>, vector<16xi32>,
        %shift_right_logical3A_1126 = arith.constant 1 : i32
        %shift_right_logical3A_1127 = vector.broadcast %shift_right_logical3A_1126 : i32 to vector<16xi32>
        %shift_right_logical3A_1128 = arith.shrui %get3A_1125, %shift_right_logical3A_1127 : vector<16xi32>
        %swap3A_1129 = arith.index_cast %add3A_1123 : i32 to index
        %swap3A_1130 = tpu.vector_load %arg7[%swap3A_1129] {strides = array<i32>} : memref<512xi32, #tpu.memory_space<vmem>>, vector<16xi32>,
        tpu.vector_store %arg7[%swap3A_1129], %shift_right_logical3A_1128 {strides = array<i32>} : memref<512xi32, #tpu.memory_space<vmem>>, vector<16xi32>,
        %and3A_1131 = arith.constant 1 : i32
        %and3A_1132 = vector.broadcast %and3A_1131 : i32 to vector<16xi32>
        %and3A_1133 = arith.andi %get3A_1125, %and3A_1132 : vector<16xi32>
        %shift_left3A_1134 = arith.constant 6 : i32
        %shift_left3A_1135 = vector.broadcast %shift_left3A_1134 : i32 to vector<16xi32>
        %shift_left3A_1136 = arith.shli %and3A_1133, %shift_left3A_1135 : vector<16xi32>
        %swap3A_1137 = arith.index_cast %add3A_1123 : i32 to index
        %swap3A_1138 = tpu.vector_load %arg8[%swap3A_1137] {strides = array<i32>} : memref<512xi32, #tpu.memory_space<vmem>>, vector<16xi32>,
        tpu.vector_store %arg8[%swap3A_1137], %shift_left3A_1136 {strides = array<i32>} : memref<512xi32, #tpu.memory_space<vmem>>, vector<16xi32>,
        %add3A_1139 = arith.constant 64 : i32
        %add3A_1140 = arith.addi %mul3A_1061, %add3A_1139 : i32
        %get3A_1141 = arith.index_cast %add3A_1140 : i32 to index
        %get3A_1142 = tpu.vector_load %arg6[%get3A_1141] {strides = array<i32>} : memref<512xi32, #tpu.memory_space<vmem>>, vector<16xi32>,
        %shift_right_logical3A_1143 = arith.constant 1 : i32
        %shift_right_logical3A_1144 = vector.broadcast %shift_right_logical3A_1143 : i32 to vector<16xi32>
        %shift_right_logical3A_1145 = arith.shrui %get3A_1142, %shift_right_logical3A_1144 : vector<16xi32>
        %swap3A_1146 = arith.index_cast %add3A_1140 : i32 to index
        %swap3A_1147 = tpu.vector_load %arg7[%swap3A_1146] {strides = array<i32>} : memref<512xi32, #tpu.memory_space<vmem>>, vector<16xi32>,
        tpu.vector_store %arg7[%swap3A_1146], %shift_right_logical3A_1145 {strides = array<i32>} : memref<512xi32, #tpu.memory_space<vmem>>, vector<16xi32>,
        %and3A_1148 = arith.constant 1 : i32
        %and3A_1149 = vector.broadcast %and3A_1148 : i32 to vector<16xi32>
        %and3A_1150 = arith.andi %get3A_1142, %and3A_1149 : vector<16xi32>
        %shift_left3A_1151 = arith.constant 6 : i32
        %shift_left3A_1152 = vector.broadcast %shift_left3A_1151 : i32 to vector<16xi32>
        %shift_left3A_1153 = arith.shli %and3A_1150, %shift_left3A_1152 : vector<16xi32>
        %swap3A_1154 = arith.index_cast %add3A_1140 : i32 to index
        %swap3A_1155 = tpu.vector_load %arg8[%swap3A_1154] {strides = array<i32>} : memref<512xi32, #tpu.memory_space<vmem>>, vector<16xi32>,
        tpu.vector_store %arg8[%swap3A_1154], %shift_left3A_1153 {strides = array<i32>} : memref<512xi32, #tpu.memory_space<vmem>>, vector<16xi32>,
        %add3A_1156 = arith.constant 80 : i32
        %add3A_1157 = arith.addi %mul3A_1061, %add3A_1156 : i32
        %get3A_1158 = arith.index_cast %add3A_1157 : i32 to index
        %get3A_1159 = tpu.vector_load %arg6[%get3A_1158] {strides = array<i32>} : memref<512xi32, #tpu.memory_space<vmem>>, vector<16xi32>,
        %shift_right_logical3A_1160 = arith.constant 1 : i32
        %shift_right_logical3A_1161 = vector.broadcast %shift_right_logical3A_1160 : i32 to vector<16xi32>
        %shift_right_logical3A_1162 = arith.shrui %get3A_1159, %shift_right_logical3A_1161 : vector<16xi32>
        %swap3A_1163 = arith.index_cast %add3A_1157 : i32 to index
        %swap3A_1164 = tpu.vector_load %arg7[%swap3A_1163] {strides = array<i32>} : memref<512xi32, #tpu.memory_space<vmem>>, vector<16xi32>,
        tpu.vector_store %arg7[%swap3A_1163], %shift_right_logical3A_1162 {strides = array<i32>} : memref<512xi32, #tpu.memory_space<vmem>>, vector<16xi32>,
        %and3A_1165 = arith.constant 1 : i32
        %and3A_1166 = vector.broadcast %and3A_1165 : i32 to vector<16xi32>
        %and3A_1167 = arith.andi %get3A_1159, %and3A_1166 : vector<16xi32>
        %shift_left3A_1168 = arith.constant 6 : i32
        %shift_left3A_1169 = vector.broadcast %shift_left3A_1168 : i32 to vector<16xi32>
        %shift_left3A_1170 = arith.shli %and3A_1167, %shift_left3A_1169 : vector<16xi32>
        %swap3A_1171 = arith.index_cast %add3A_1157 : i32 to index
        %swap3A_1172 = tpu.vector_load %arg8[%swap3A_1171] {strides = array<i32>} : memref<512xi32, #tpu.memory_space<vmem>>, vector<16xi32>,
        tpu.vector_store %arg8[%swap3A_1171], %shift_left3A_1170 {strides = array<i32>} : memref<512xi32, #tpu.memory_space<vmem>>, vector<16xi32>,
        %add3A_1173 = arith.constant 96 : i32
        %add3A_1174 = arith.addi %mul3A_1061, %add3A_1173 : i32
        %get3A_1175 = arith.index_cast %add3A_1174 : i32 to index
        %get3A_1176 = tpu.vector_load %arg6[%get3A_1175] {strides = array<i32>} : memref<512xi32, #tpu.memory_space<vmem>>, vector<16xi32>,
        %shift_right_logical3A_1177 = arith.constant 1 : i32
        %shift_right_logical3A_1178 = vector.broadcast %shift_right_logical3A_1177 : i32 to vector<16xi32>
        %shift_right_logical3A_1179 = arith.shrui %get3A_1176, %shift_right_logical3A_1178 : vector<16xi32>
        %swap3A_1180 = arith.index_cast %add3A_1174 : i32 to index
        %swap3A_1181 = tpu.vector_load %arg7[%swap3A_1180] {strides = array<i32>} : memref<512xi32, #tpu.memory_space<vmem>>, vector<16xi32>,
        tpu.vector_store %arg7[%swap3A_1180], %shift_right_logical3A_1179 {strides = array<i32>} : memref<512xi32, #tpu.memory_space<vmem>>, vector<16xi32>,
        %and3A_1182 = arith.constant 1 : i32
        %and3A_1183 = vector.broadcast %and3A_1182 : i32 to vector<16xi32>
        %and3A_1184 = arith.andi %get3A_1176, %and3A_1183 : vector<16xi32>
        %shift_left3A_1185 = arith.constant 6 : i32
        %shift_left3A_1186 = vector.broadcast %shift_left3A_1185 : i32 to vector<16xi32>
        %shift_left3A_1187 = arith.shli %and3A_1184, %shift_left3A_1186 : vector<16xi32>
        %swap3A_1188 = arith.index_cast %add3A_1174 : i32 to index
        %swap3A_1189 = tpu.vector_load %arg8[%swap3A_1188] {strides = array<i32>} : memref<512xi32, #tpu.memory_space<vmem>>, vector<16xi32>,
        tpu.vector_store %arg8[%swap3A_1188], %shift_left3A_1187 {strides = array<i32>} : memref<512xi32, #tpu.memory_space<vmem>>, vector<16xi32>,
        %add3A_1190 = arith.constant 112 : i32
        %add3A_1191 = arith.addi %mul3A_1061, %add3A_1190 : i32
        %get3A_1192 = arith.index_cast %add3A_1191 : i32 to index
        %get3A_1193 = tpu.vector_load %arg6[%get3A_1192] {strides = array<i32>} : memref<512xi32, #tpu.memory_space<vmem>>, vector<16xi32>,
        %shift_right_logical3A_1194 = arith.constant 1 : i32
        %shift_right_logical3A_1195 = vector.broadcast %shift_right_logical3A_1194 : i32 to vector<16xi32>
        %shift_right_logical3A_1196 = arith.shrui %get3A_1193, %shift_right_logical3A_1195 : vector<16xi32>
        %swap3A_1197 = arith.index_cast %add3A_1191 : i32 to index
        %swap3A_1198 = tpu.vector_load %arg7[%swap3A_1197] {strides = array<i32>} : memref<512xi32, #tpu.memory_space<vmem>>, vector<16xi32>,
        tpu.vector_store %arg7[%swap3A_1197], %shift_right_logical3A_1196 {strides = array<i32>} : memref<512xi32, #tpu.memory_space<vmem>>, vector<16xi32>,
        %and3A_1199 = arith.constant 1 : i32
        %and3A_1200 = vector.broadcast %and3A_1199 : i32 to vector<16xi32>
        %and3A_1201 = arith.andi %get3A_1193, %and3A_1200 : vector<16xi32>
        %shift_left3A_1202 = arith.constant 6 : i32
        %shift_left3A_1203 = vector.broadcast %shift_left3A_1202 : i32 to vector<16xi32>
        %shift_left3A_1204 = arith.shli %and3A_1201, %shift_left3A_1203 : vector<16xi32>
        %swap3A_1205 = arith.index_cast %add3A_1191 : i32 to index
        %swap3A_1206 = tpu.vector_load %arg8[%swap3A_1205] {strides = array<i32>} : memref<512xi32, #tpu.memory_space<vmem>>, vector<16xi32>,
        tpu.vector_store %arg8[%swap3A_1205], %shift_left3A_1204 {strides = array<i32>} : memref<512xi32, #tpu.memory_space<vmem>>, vector<16xi32>,
        %dma_start3A_1207 = arith.constant 0 : i32
        %dma_start3A_1208 = arith.constant 0 : i32
        %dma_start3A_1209 = tpu.memref_slice %arg9[%select_n3A_1059, %dma_start3A_1207, %dma_start3A_1208] : memref<4x128x128xf32, #tpu.memory_space<vmem>> -> memref<1x128x128xf32, #tpu.memory_space<vmem>>
        %dma_start3A_1210 = tpu.memref_squeeze %dma_start3A_1209 : memref<1x128x128xf32, #tpu.memory_space<vmem>> -> memref<128x128xf32, #tpu.memory_space<vmem>>
        %dma_start3A_1211 = tpu.memref_slice %arg7[%mul3A_1061] : memref<512xi32, #tpu.memory_space<vmem>> -> memref<128xi32, #tpu.memory_space<vmem>>
        %dma_start3A_1212 = arith.constant 0 : i32
        %dma_start3A_1213 = arith.constant 0 : i32
        %dma_start3A_1214 = tpu.memref_slice %arg3[%dma_start3A_1212, %dma_start3A_1213] : memref<500000x128xf32, #tpu.memory_space<hbm>> -> memref<500000x128xf32, #tpu.memory_space<hbm>>
        %dma_start3A_1215 = tpu.memref_slice %arg12[%select_n3A_1059] : memref<4x!tpu.dma_semaphore, #tpu.memory_space<semaphore_mem>> -> memref<1x!tpu.dma_semaphore, #tpu.memory_space<semaphore_mem>>
        %dma_start3A_1216 = tpu.memref_squeeze %dma_start3A_1215 : memref<1x!tpu.dma_semaphore, #tpu.memory_space<semaphore_mem>> -> memref<!tpu.dma_semaphore, #tpu.memory_space<semaphore_mem>>
        tpu.enqueue_indirect_dma source(%dma_start3A_1214 : memref<500000x128xf32, #tpu.memory_space<hbm>>) target(%dma_start3A_1210 : memref<128x128xf32, #tpu.memory_space<vmem>>) offsets(%dma_start3A_1211 : memref<128xi32, #tpu.memory_space<vmem>>) semaphore(%dma_start3A_1216 : memref<!tpu.dma_semaphore, #tpu.memory_space<semaphore_mem>>)
        %mul3A_1217 = arith.constant 64 : i32
        %mul3A_1218 = arith.muli %add3A_653, %mul3A_1217 : i32
        %mul3A_1219 = arith.constant 64 : i32
        %mul3A_1220 = arith.muli %select_n3A_1059, %mul3A_1219 : i32
        %dma_start3A_1221 = tpu.memref_slice %arg11[%mul3A_1220] : memref<256xf32, #tpu.memory_space<vmem>> -> memref<64xf32, #tpu.memory_space<vmem>>
        %dma_start3A_1222 = tpu.memref_slice %arg4[%mul3A_1218] : memref<12800xf32, #tpu.memory_space<hbm>> -> memref<64xf32, #tpu.memory_space<hbm>>
        %dma_start3A_1223 = tpu.memref_slice %arg12[%select_n3A_1059] : memref<4x!tpu.dma_semaphore, #tpu.memory_space<semaphore_mem>> -> memref<1x!tpu.dma_semaphore, #tpu.memory_space<semaphore_mem>>
        %dma_start3A_1224 = tpu.memref_squeeze %dma_start3A_1223 : memref<1x!tpu.dma_semaphore, #tpu.memory_space<semaphore_mem>> -> memref<!tpu.dma_semaphore, #tpu.memory_space<semaphore_mem>>
        %dma_start3A_1225 = tpu.memref_slice %arg11[%mul3A_1220] : memref<256xf32, #tpu.memory_space<vmem>> -> memref<64xf32, #tpu.memory_space<vmem>>
        %dma_start3A_1226 = tpu.memref_slice %arg4[%mul3A_1218] : memref<12800xf32, #tpu.memory_space<hbm>> -> memref<64xf32, #tpu.memory_space<hbm>>
        tpu.enqueue_dma source(%dma_start3A_1226 : memref<64xf32, #tpu.memory_space<hbm>>) target(%dma_start3A_1225 : memref<64xf32, #tpu.memory_space<vmem>>) target_semaphore(%dma_start3A_1224 : memref<!tpu.dma_semaphore, #tpu.memory_space<semaphore_mem>>)
      } else {
      }
      %mul3A_666 = arith.constant 4 : i32
      %mul3A_667 = arith.muli %scan3A_548, %mul3A_666 : i32
      %add3A_668 = arith.constant 1 : i32
      %add3A_669 = arith.addi %mul3A_667, %add3A_668 : i32
      %jit3A_670 = arith.constant 2 : i32
      %eq3A_671 = arith.constant 0 : i32
      %eq3A_672 = arith.cmpi eq, %jit3A_670, %eq3A_671 : i32
      %jit3A_673 = arith.constant 1 : i32
      %select_n3A_674 = arith.select %eq3A_672, %jit3A_673, %jit3A_670 : i32
      %rem3A_675 = arith.remsi %add3A_669, %select_n3A_674 : i32
      %ne3A_676 = arith.constant 0 : i32
      %ne3A_677 = arith.cmpi ne, %rem3A_675, %ne3A_676 : i32
      %lt3A_678 = arith.constant 0 : i32
      %lt3A_679 = arith.cmpi slt, %rem3A_675, %lt3A_678 : i32
      %lt3A_680 = arith.constant 0 : i32
      %lt3A_681 = arith.cmpi slt, %select_n3A_674, %lt3A_680 : i32
      %ne3A_682 = arith.xori %lt3A_679, %lt3A_681 : i1
      %and3A_683 = arith.andi %ne3A_682, %ne3A_677 : i1
      %add3A_684 = arith.addi %rem3A_675, %select_n3A_674 : i32
      %select_n3A_685 = arith.select %and3A_683, %add3A_684, %rem3A_675 : i32
      %dma_wait3A_686 = arith.constant 1 : i32
      %dma_wait3A_687 = arith.constant 1 : i32
      %dma_wait3A_688 = arith.constant 0 : i32
      %dma_wait3A_689 = arith.constant 0 : i32
      %dma_wait3A_690 = tpu.memref_slice %arg9[%dma_wait3A_686, %dma_wait3A_688, %dma_wait3A_689] : memref<4x128x128xf32, #tpu.memory_space<vmem>> -> memref<1x128x128xf32, #tpu.memory_space<vmem>>
      %dma_wait3A_691 = tpu.memref_squeeze %dma_wait3A_690 : memref<1x128x128xf32, #tpu.memory_space<vmem>> -> memref<128x128xf32, #tpu.memory_space<vmem>>
      %dma_wait3A_692 = arith.constant 128 : i32
      %dma_wait3A_693 = tpu.memref_slice %arg7[%dma_wait3A_692] : memref<512xi32, #tpu.memory_space<vmem>> -> memref<128xi32, #tpu.memory_space<vmem>>
      %dma_wait3A_694 = arith.constant 0 : i32
      %dma_wait3A_695 = arith.constant 0 : i32
      %dma_wait3A_696 = tpu.memref_slice %arg3[%dma_wait3A_694, %dma_wait3A_695] : memref<500000x128xf32, #tpu.memory_space<hbm>> -> memref<500000x128xf32, #tpu.memory_space<hbm>>
      %dma_wait3A_697 = tpu.memref_slice %arg12[%dma_wait3A_687] : memref<4x!tpu.dma_semaphore, #tpu.memory_space<semaphore_mem>> -> memref<1x!tpu.dma_semaphore, #tpu.memory_space<semaphore_mem>>
      %dma_wait3A_698 = tpu.memref_squeeze %dma_wait3A_697 : memref<1x!tpu.dma_semaphore, #tpu.memory_space<semaphore_mem>> -> memref<!tpu.dma_semaphore, #tpu.memory_space<semaphore_mem>>
      tpu.wait_indirect_dma semaphore(%dma_wait3A_698 : memref<!tpu.dma_semaphore, #tpu.memory_space<semaphore_mem>>) src(%dma_wait3A_696 : memref<500000x128xf32, #tpu.memory_space<hbm>>) dst(%dma_wait3A_691 : memref<128x128xf32, #tpu.memory_space<vmem>>)
      %dma_wait3A_699 = arith.constant 1 : i32
      %dma_wait3A_700 = arith.constant 64 : i32
      %dma_wait3A_701 = tpu.memref_slice %arg11[%dma_wait3A_700] : memref<256xf32, #tpu.memory_space<vmem>> -> memref<64xf32, #tpu.memory_space<vmem>>
      %dma_wait3A_702 = arith.constant 0 : i32
      %dma_wait3A_703 = tpu.memref_slice %arg4[%dma_wait3A_702] : memref<12800xf32, #tpu.memory_space<hbm>> -> memref<64xf32, #tpu.memory_space<hbm>>
      %dma_wait3A_704 = tpu.memref_slice %arg12[%dma_wait3A_699] : memref<4x!tpu.dma_semaphore, #tpu.memory_space<semaphore_mem>> -> memref<1x!tpu.dma_semaphore, #tpu.memory_space<semaphore_mem>>
      %dma_wait3A_705 = tpu.memref_squeeze %dma_wait3A_704 : memref<1x!tpu.dma_semaphore, #tpu.memory_space<semaphore_mem>> -> memref<!tpu.dma_semaphore, #tpu.memory_space<semaphore_mem>>
      %dma_wait3A_706 = arith.constant 64 : i32
      %dma_wait3A_707 = tpu.memref_slice %arg11[%dma_wait3A_706] : memref<256xf32, #tpu.memory_space<vmem>> -> memref<64xf32, #tpu.memory_space<vmem>>
      %dma_wait3A_708 = arith.constant 0 : i32
      %dma_wait3A_709 = tpu.memref_slice %arg4[%dma_wait3A_708] : memref<12800xf32, #tpu.memory_space<hbm>> -> memref<64xf32, #tpu.memory_space<hbm>>
      tpu.wait_dma2 semaphore(%dma_wait3A_705 : memref<!tpu.dma_semaphore, #tpu.memory_space<semaphore_mem>>) src(%dma_wait3A_709 : memref<64xf32, #tpu.memory_space<hbm>>) dst(%dma_wait3A_707 : memref<64xf32, #tpu.memory_space<vmem>>)
      %ge3A_710 = arith.constant 2 : i32
      %ge3A_711 = arith.cmpi sge, %add3A_669, %ge3A_710 : i32
      %convert_element_type3A_712 = arith.extui %ge3A_711 : i1 to i32
      %cond3A_713 = arith.constant 0 : i32
      %cond3A_714 = arith.cmpi ne, %convert_element_type3A_712, %cond3A_713 : i32
      scf.if %cond3A_714 {
        %sub3A = arith.constant 2 : i32
        %sub3A_1044 = arith.subi %add3A_669, %sub3A : i32
        %dma_wait3A_1045 = arith.constant 0 : i32
        %dma_wait3A_1046 = arith.constant 0 : i32
        %dma_wait3A_1047 = tpu.memref_slice %arg10[%select_n3A_685, %dma_wait3A_1045, %dma_wait3A_1046] : memref<2x64x128xf32, #tpu.memory_space<vmem>> -> memref<1x64x128xf32, #tpu.memory_space<vmem>>
        %dma_wait3A_1048 = tpu.memref_squeeze %dma_wait3A_1047 : memref<1x64x128xf32, #tpu.memory_space<vmem>> -> memref<64x128xf32, #tpu.memory_space<vmem>>
        %dma_wait3A_1049 = arith.constant 0 : i32
        %dma_wait3A_1050 = tpu.memref_slice %arg5[%sub3A_1044, %dma_wait3A_1049, %mul3A_2] : memref<200x64x4096xf32, #tpu.memory_space<hbm>> -> memref<1x64x128xf32, #tpu.memory_space<hbm>>
        %dma_wait3A_1051 = tpu.memref_squeeze %dma_wait3A_1050 : memref<1x64x128xf32, #tpu.memory_space<hbm>> -> memref<64x128xf32, #tpu.memory_space<hbm>>
        %dma_wait3A_1052 = tpu.memref_slice %arg13[%select_n3A_685] : memref<2x!tpu.dma_semaphore, #tpu.memory_space<semaphore_mem>> -> memref<1x!tpu.dma_semaphore, #tpu.memory_space<semaphore_mem>>
        %dma_wait3A_1053 = tpu.memref_squeeze %dma_wait3A_1052 : memref<1x!tpu.dma_semaphore, #tpu.memory_space<semaphore_mem>> -> memref<!tpu.dma_semaphore, #tpu.memory_space<semaphore_mem>>
        %dma_wait3A_1054 = arith.constant 0 : i32
        %dma_wait3A_1055 = tpu.memref_slice %arg5[%sub3A_1044, %dma_wait3A_1054, %mul3A_2] : memref<200x64x4096xf32, #tpu.memory_space<hbm>> -> memref<1x64x128xf32, #tpu.memory_space<hbm>>
        %dma_wait3A_1056 = tpu.memref_squeeze %dma_wait3A_1055 : memref<1x64x128xf32, #tpu.memory_space<hbm>> -> memref<64x128xf32, #tpu.memory_space<hbm>>
        %dma_wait3A_1057 = arith.constant 0 : i32
        %dma_wait3A_1058 = arith.constant 0 : i32
        %dma_wait3A_1059 = tpu.memref_slice %arg10[%select_n3A_685, %dma_wait3A_1057, %dma_wait3A_1058] : memref<2x64x128xf32, #tpu.memory_space<vmem>> -> memref<1x64x128xf32, #tpu.memory_space<vmem>>
        %dma_wait3A_1060 = tpu.memref_squeeze %dma_wait3A_1059 : memref<1x64x128xf32, #tpu.memory_space<vmem>> -> memref<64x128xf32, #tpu.memory_space<vmem>>
        tpu.wait_dma2 semaphore(%dma_wait3A_1053 : memref<!tpu.dma_semaphore, #tpu.memory_space<semaphore_mem>>) src(%dma_wait3A_1060 : memref<64x128xf32, #tpu.memory_space<vmem>>) dst(%dma_wait3A_1056 : memref<64x128xf32, #tpu.memory_space<hbm>>)
      } else {
      }
      %get3A_715 = arith.constant 128 : index
      %get3A_716 = tpu.vector_load %arg8[%get3A_715] {strides = array<i32>} : memref<512xi32, #tpu.memory_space<vmem>>, vector<16xi32>,
      %get3A_717 = arith.constant 144 : index
      %get3A_718 = tpu.vector_load %arg8[%get3A_717] {strides = array<i32>} : memref<512xi32, #tpu.memory_space<vmem>>, vector<16xi32>,
      %get3A_719 = arith.constant 160 : index
      %get3A_720 = tpu.vector_load %arg8[%get3A_719] {strides = array<i32>} : memref<512xi32, #tpu.memory_space<vmem>>, vector<16xi32>,
      %get3A_721 = arith.constant 176 : index
      %get3A_722 = tpu.vector_load %arg8[%get3A_721] {strides = array<i32>} : memref<512xi32, #tpu.memory_space<vmem>>, vector<16xi32>,
      %get3A_723 = arith.constant 192 : index
      %get3A_724 = tpu.vector_load %arg8[%get3A_723] {strides = array<i32>} : memref<512xi32, #tpu.memory_space<vmem>>, vector<16xi32>,
      %get3A_725 = arith.constant 208 : index
      %get3A_726 = tpu.vector_load %arg8[%get3A_725] {strides = array<i32>} : memref<512xi32, #tpu.memory_space<vmem>>, vector<16xi32>,
      %get3A_727 = arith.constant 224 : index
      %get3A_728 = tpu.vector_load %arg8[%get3A_727] {strides = array<i32>} : memref<512xi32, #tpu.memory_space<vmem>>, vector<16xi32>,
      %get3A_729 = arith.constant 240 : index
      %get3A_730 = tpu.vector_load %arg8[%get3A_729] {strides = array<i32>} : memref<512xi32, #tpu.memory_space<vmem>>, vector<16xi32>,
      %add3A_731 = arith.constant 0 : i32
      %add3A_732 = vector.broadcast %add3A_731 : i32 to vector<16xi32>
      %add3A_733 = arith.addi %iota3A, %add3A_732 : vector<16xi32>
      %add3A_734 = arith.constant 16 : i32
      %add3A_735 = vector.broadcast %add3A_734 : i32 to vector<16xi32>
      %add3A_736 = arith.addi %iota3A, %add3A_735 : vector<16xi32>
      %add3A_737 = arith.constant 32 : i32
      %add3A_738 = vector.broadcast %add3A_737 : i32 to vector<16xi32>
      %add3A_739 = arith.addi %iota3A, %add3A_738 : vector<16xi32>
      %add3A_740 = arith.constant 48 : i32
      %add3A_741 = vector.broadcast %add3A_740 : i32 to vector<16xi32>
      %add3A_742 = arith.addi %iota3A, %add3A_741 : vector<16xi32>
      %add3A_743 = arith.constant 64 : i32
      %add3A_744 = vector.broadcast %add3A_743 : i32 to vector<16xi32>
      %add3A_745 = arith.addi %iota3A, %add3A_744 : vector<16xi32>
      %add3A_746 = arith.constant 80 : i32
      %add3A_747 = vector.broadcast %add3A_746 : i32 to vector<16xi32>
      %add3A_748 = arith.addi %iota3A, %add3A_747 : vector<16xi32>
      %add3A_749 = arith.constant 96 : i32
      %add3A_750 = vector.broadcast %add3A_749 : i32 to vector<16xi32>
      %add3A_751 = arith.addi %iota3A, %add3A_750 : vector<16xi32>
      %add3A_752 = arith.constant 112 : i32
      %add3A_753 = vector.broadcast %add3A_752 : i32 to vector<16xi32>
      %add3A_754 = arith.addi %iota3A, %add3A_753 : vector<16xi32>
      %scan3A_755 = arith.constant 0 : i32
      %scan3A_756 = arith.constant 1 : i32
      %scan3A_757 = arith.constant 0 : i32
      %scan3A_758 = arith.constant 64 : i32
      %scan3A_759 = arith.addi %scan3A_757, %scan3A_758 : i32
      %scan3A_760 = arith.constant 2 : i32
      scf.for %scan3A_1044 = %scan3A_757 to %scan3A_759 step %scan3A_760  : i32 {
        %shift_right_logical3A_1045 = arith.constant 2 : i32
        %shift_right_logical3A_1046 = arith.shrui %scan3A_1044, %shift_right_logical3A_1045 : i32
        %and3A_1047 = arith.constant 3 : i32
        %and3A_1048 = arith.andi %scan3A_1044, %and3A_1047 : i32
        %shift_left3A_1049 = arith.constant 4 : i32
        %shift_left3A_1050 = arith.shli %and3A_1048, %shift_left3A_1049 : i32
        %add3A_1051 = vector.broadcast %shift_right_logical3A_1046 : i32 to vector<16xi32>
        %add3A_1052 = arith.addi %iota3A, %add3A_1051 : vector<16xi32>
        %and3A_1053 = arith.constant 15 : i32
        %and3A_1054 = vector.broadcast %and3A_1053 : i32 to vector<16xi32>
        %and3A_1055 = arith.andi %add3A_1052, %and3A_1054 : vector<16xi32>
        %add3A_1056 = vector.broadcast %shift_left3A_1050 : i32 to vector<16xi32>
        %add3A_1057 = arith.addi %and3A_1055, %add3A_1056 : vector<16xi32>
        %add3A_1058 = arith.constant 64 : i32
        %add3A_1059 = vector.broadcast %add3A_1058 : i32 to vector<16xi32>
        %add3A_1060 = arith.addi %add3A_1057, %add3A_1059 : vector<16xi32>
        %gather3A = tpu.vector_load_idx %arg11[%add3A_1060] : memref<256xf32, #tpu.memory_space<vmem>>[vector<16xi32>], vector<16xf32>,
        %add3A_1061 = arith.addi %get3A_716, %add3A_1057 : vector<16xi32>
        %gather3A_1062 = arith.constant 0 : i32
        %gather3A_1063 = arith.constant 0 : i32
        %gather3A_1064 = tpu.memref_slice %arg9[%scan3A_756, %gather3A_1062, %gather3A_1063] : memref<4x128x128xf32, #tpu.memory_space<vmem>> -> memref<1x128x128xf32, #tpu.memory_space<vmem>>
        %gather3A_1065 = tpu.memref_squeeze %gather3A_1064 : memref<1x128x128xf32, #tpu.memory_space<vmem>> -> memref<128x128xf32, #tpu.memory_space<vmem>>
        %gather3A_1066 = tpu.vector_load_idx %gather3A_1065[%add3A_733, %add3A_1061] : memref<128x128xf32, #tpu.memory_space<vmem>>[vector<16xi32>, vector<16xi32>], vector<16xf32>,
        %add3A_1067 = arith.addf %gather3A_1066, %gather3A : vector<16xf32>
        %scatter3A = arith.constant 0 : i32
        %scatter3A_1068 = arith.constant 0 : i32
        %scatter3A_1069 = tpu.memref_slice %arg10[%select_n3A_685, %scatter3A, %scatter3A_1068] : memref<2x64x128xf32, #tpu.memory_space<vmem>> -> memref<1x64x128xf32, #tpu.memory_space<vmem>>
        %scatter3A_1070 = tpu.memref_squeeze %scatter3A_1069 : memref<1x64x128xf32, #tpu.memory_space<vmem>> -> memref<64x128xf32, #tpu.memory_space<vmem>>
        tpu.vector_store_idx %scatter3A_1070[%add3A_1057, %add3A_733], %add3A_1067 : memref<64x128xf32, #tpu.memory_space<vmem>>[vector<16xi32>, vector<16xi32>], vector<16xf32>,
        %add3A_1071 = arith.addi %get3A_718, %add3A_1057 : vector<16xi32>
        %gather3A_1072 = arith.constant 0 : i32
        %gather3A_1073 = arith.constant 0 : i32
        %gather3A_1074 = tpu.memref_slice %arg9[%scan3A_756, %gather3A_1072, %gather3A_1073] : memref<4x128x128xf32, #tpu.memory_space<vmem>> -> memref<1x128x128xf32, #tpu.memory_space<vmem>>
        %gather3A_1075 = tpu.memref_squeeze %gather3A_1074 : memref<1x128x128xf32, #tpu.memory_space<vmem>> -> memref<128x128xf32, #tpu.memory_space<vmem>>
        %gather3A_1076 = tpu.vector_load_idx %gather3A_1075[%add3A_736, %add3A_1071] : memref<128x128xf32, #tpu.memory_space<vmem>>[vector<16xi32>, vector<16xi32>], vector<16xf32>,
        %add3A_1077 = arith.addf %gather3A_1076, %gather3A : vector<16xf32>
        %scatter3A_1078 = arith.constant 0 : i32
        %scatter3A_1079 = arith.constant 0 : i32
        %scatter3A_1080 = tpu.memref_slice %arg10[%select_n3A_685, %scatter3A_1078, %scatter3A_1079] : memref<2x64x128xf32, #tpu.memory_space<vmem>> -> memref<1x64x128xf32, #tpu.memory_space<vmem>>
        %scatter3A_1081 = tpu.memref_squeeze %scatter3A_1080 : memref<1x64x128xf32, #tpu.memory_space<vmem>> -> memref<64x128xf32, #tpu.memory_space<vmem>>
        tpu.vector_store_idx %scatter3A_1081[%add3A_1057, %add3A_736], %add3A_1077 : memref<64x128xf32, #tpu.memory_space<vmem>>[vector<16xi32>, vector<16xi32>], vector<16xf32>,
        %add3A_1082 = arith.addi %get3A_720, %add3A_1057 : vector<16xi32>
        %gather3A_1083 = arith.constant 0 : i32
        %gather3A_1084 = arith.constant 0 : i32
        %gather3A_1085 = tpu.memref_slice %arg9[%scan3A_756, %gather3A_1083, %gather3A_1084] : memref<4x128x128xf32, #tpu.memory_space<vmem>> -> memref<1x128x128xf32, #tpu.memory_space<vmem>>
        %gather3A_1086 = tpu.memref_squeeze %gather3A_1085 : memref<1x128x128xf32, #tpu.memory_space<vmem>> -> memref<128x128xf32, #tpu.memory_space<vmem>>
        %gather3A_1087 = tpu.vector_load_idx %gather3A_1086[%add3A_739, %add3A_1082] : memref<128x128xf32, #tpu.memory_space<vmem>>[vector<16xi32>, vector<16xi32>], vector<16xf32>,
        %add3A_1088 = arith.addf %gather3A_1087, %gather3A : vector<16xf32>
        %scatter3A_1089 = arith.constant 0 : i32
        %scatter3A_1090 = arith.constant 0 : i32
        %scatter3A_1091 = tpu.memref_slice %arg10[%select_n3A_685, %scatter3A_1089, %scatter3A_1090] : memref<2x64x128xf32, #tpu.memory_space<vmem>> -> memref<1x64x128xf32, #tpu.memory_space<vmem>>
        %scatter3A_1092 = tpu.memref_squeeze %scatter3A_1091 : memref<1x64x128xf32, #tpu.memory_space<vmem>> -> memref<64x128xf32, #tpu.memory_space<vmem>>
        tpu.vector_store_idx %scatter3A_1092[%add3A_1057, %add3A_739], %add3A_1088 : memref<64x128xf32, #tpu.memory_space<vmem>>[vector<16xi32>, vector<16xi32>], vector<16xf32>,
        %add3A_1093 = arith.addi %get3A_722, %add3A_1057 : vector<16xi32>
        %gather3A_1094 = arith.constant 0 : i32
        %gather3A_1095 = arith.constant 0 : i32
        %gather3A_1096 = tpu.memref_slice %arg9[%scan3A_756, %gather3A_1094, %gather3A_1095] : memref<4x128x128xf32, #tpu.memory_space<vmem>> -> memref<1x128x128xf32, #tpu.memory_space<vmem>>
        %gather3A_1097 = tpu.memref_squeeze %gather3A_1096 : memref<1x128x128xf32, #tpu.memory_space<vmem>> -> memref<128x128xf32, #tpu.memory_space<vmem>>
        %gather3A_1098 = tpu.vector_load_idx %gather3A_1097[%add3A_742, %add3A_1093] : memref<128x128xf32, #tpu.memory_space<vmem>>[vector<16xi32>, vector<16xi32>], vector<16xf32>,
        %add3A_1099 = arith.addf %gather3A_1098, %gather3A : vector<16xf32>
        %scatter3A_1100 = arith.constant 0 : i32
        %scatter3A_1101 = arith.constant 0 : i32
        %scatter3A_1102 = tpu.memref_slice %arg10[%select_n3A_685, %scatter3A_1100, %scatter3A_1101] : memref<2x64x128xf32, #tpu.memory_space<vmem>> -> memref<1x64x128xf32, #tpu.memory_space<vmem>>
        %scatter3A_1103 = tpu.memref_squeeze %scatter3A_1102 : memref<1x64x128xf32, #tpu.memory_space<vmem>> -> memref<64x128xf32, #tpu.memory_space<vmem>>
        tpu.vector_store_idx %scatter3A_1103[%add3A_1057, %add3A_742], %add3A_1099 : memref<64x128xf32, #tpu.memory_space<vmem>>[vector<16xi32>, vector<16xi32>], vector<16xf32>,
        %add3A_1104 = arith.addi %get3A_724, %add3A_1057 : vector<16xi32>
        %gather3A_1105 = arith.constant 0 : i32
        %gather3A_1106 = arith.constant 0 : i32
        %gather3A_1107 = tpu.memref_slice %arg9[%scan3A_756, %gather3A_1105, %gather3A_1106] : memref<4x128x128xf32, #tpu.memory_space<vmem>> -> memref<1x128x128xf32, #tpu.memory_space<vmem>>
        %gather3A_1108 = tpu.memref_squeeze %gather3A_1107 : memref<1x128x128xf32, #tpu.memory_space<vmem>> -> memref<128x128xf32, #tpu.memory_space<vmem>>
        %gather3A_1109 = tpu.vector_load_idx %gather3A_1108[%add3A_745, %add3A_1104] : memref<128x128xf32, #tpu.memory_space<vmem>>[vector<16xi32>, vector<16xi32>], vector<16xf32>,
        %add3A_1110 = arith.addf %gather3A_1109, %gather3A : vector<16xf32>
        %scatter3A_1111 = arith.constant 0 : i32
        %scatter3A_1112 = arith.constant 0 : i32
        %scatter3A_1113 = tpu.memref_slice %arg10[%select_n3A_685, %scatter3A_1111, %scatter3A_1112] : memref<2x64x128xf32, #tpu.memory_space<vmem>> -> memref<1x64x128xf32, #tpu.memory_space<vmem>>
        %scatter3A_1114 = tpu.memref_squeeze %scatter3A_1113 : memref<1x64x128xf32, #tpu.memory_space<vmem>> -> memref<64x128xf32, #tpu.memory_space<vmem>>
        tpu.vector_store_idx %scatter3A_1114[%add3A_1057, %add3A_745], %add3A_1110 : memref<64x128xf32, #tpu.memory_space<vmem>>[vector<16xi32>, vector<16xi32>], vector<16xf32>,
        %add3A_1115 = arith.addi %get3A_726, %add3A_1057 : vector<16xi32>
        %gather3A_1116 = arith.constant 0 : i32
        %gather3A_1117 = arith.constant 0 : i32
        %gather3A_1118 = tpu.memref_slice %arg9[%scan3A_756, %gather3A_1116, %gather3A_1117] : memref<4x128x128xf32, #tpu.memory_space<vmem>> -> memref<1x128x128xf32, #tpu.memory_space<vmem>>
        %gather3A_1119 = tpu.memref_squeeze %gather3A_1118 : memref<1x128x128xf32, #tpu.memory_space<vmem>> -> memref<128x128xf32, #tpu.memory_space<vmem>>
        %gather3A_1120 = tpu.vector_load_idx %gather3A_1119[%add3A_748, %add3A_1115] : memref<128x128xf32, #tpu.memory_space<vmem>>[vector<16xi32>, vector<16xi32>], vector<16xf32>,
        %add3A_1121 = arith.addf %gather3A_1120, %gather3A : vector<16xf32>
        %scatter3A_1122 = arith.constant 0 : i32
        %scatter3A_1123 = arith.constant 0 : i32
        %scatter3A_1124 = tpu.memref_slice %arg10[%select_n3A_685, %scatter3A_1122, %scatter3A_1123] : memref<2x64x128xf32, #tpu.memory_space<vmem>> -> memref<1x64x128xf32, #tpu.memory_space<vmem>>
        %scatter3A_1125 = tpu.memref_squeeze %scatter3A_1124 : memref<1x64x128xf32, #tpu.memory_space<vmem>> -> memref<64x128xf32, #tpu.memory_space<vmem>>
        tpu.vector_store_idx %scatter3A_1125[%add3A_1057, %add3A_748], %add3A_1121 : memref<64x128xf32, #tpu.memory_space<vmem>>[vector<16xi32>, vector<16xi32>], vector<16xf32>,
        %add3A_1126 = arith.addi %get3A_728, %add3A_1057 : vector<16xi32>
        %gather3A_1127 = arith.constant 0 : i32
        %gather3A_1128 = arith.constant 0 : i32
        %gather3A_1129 = tpu.memref_slice %arg9[%scan3A_756, %gather3A_1127, %gather3A_1128] : memref<4x128x128xf32, #tpu.memory_space<vmem>> -> memref<1x128x128xf32, #tpu.memory_space<vmem>>
        %gather3A_1130 = tpu.memref_squeeze %gather3A_1129 : memref<1x128x128xf32, #tpu.memory_space<vmem>> -> memref<128x128xf32, #tpu.memory_space<vmem>>
        %gather3A_1131 = tpu.vector_load_idx %gather3A_1130[%add3A_751, %add3A_1126] : memref<128x128xf32, #tpu.memory_space<vmem>>[vector<16xi32>, vector<16xi32>], vector<16xf32>,
        %add3A_1132 = arith.addf %gather3A_1131, %gather3A : vector<16xf32>
        %scatter3A_1133 = arith.constant 0 : i32
        %scatter3A_1134 = arith.constant 0 : i32
        %scatter3A_1135 = tpu.memref_slice %arg10[%select_n3A_685, %scatter3A_1133, %scatter3A_1134] : memref<2x64x128xf32, #tpu.memory_space<vmem>> -> memref<1x64x128xf32, #tpu.memory_space<vmem>>
        %scatter3A_1136 = tpu.memref_squeeze %scatter3A_1135 : memref<1x64x128xf32, #tpu.memory_space<vmem>> -> memref<64x128xf32, #tpu.memory_space<vmem>>
        tpu.vector_store_idx %scatter3A_1136[%add3A_1057, %add3A_751], %add3A_1132 : memref<64x128xf32, #tpu.memory_space<vmem>>[vector<16xi32>, vector<16xi32>], vector<16xf32>,
        %add3A_1137 = arith.addi %get3A_730, %add3A_1057 : vector<16xi32>
        %gather3A_1138 = arith.constant 0 : i32
        %gather3A_1139 = arith.constant 0 : i32
        %gather3A_1140 = tpu.memref_slice %arg9[%scan3A_756, %gather3A_1138, %gather3A_1139] : memref<4x128x128xf32, #tpu.memory_space<vmem>> -> memref<1x128x128xf32, #tpu.memory_space<vmem>>
        %gather3A_1141 = tpu.memref_squeeze %gather3A_1140 : memref<1x128x128xf32, #tpu.memory_space<vmem>> -> memref<128x128xf32, #tpu.memory_space<vmem>>
        %gather3A_1142 = tpu.vector_load_idx %gather3A_1141[%add3A_754, %add3A_1137] : memref<128x128xf32, #tpu.memory_space<vmem>>[vector<16xi32>, vector<16xi32>], vector<16xf32>,
        %add3A_1143 = arith.addf %gather3A_1142, %gather3A : vector<16xf32>
        %scatter3A_1144 = arith.constant 0 : i32
        %scatter3A_1145 = arith.constant 0 : i32
        %scatter3A_1146 = tpu.memref_slice %arg10[%select_n3A_685, %scatter3A_1144, %scatter3A_1145] : memref<2x64x128xf32, #tpu.memory_space<vmem>> -> memref<1x64x128xf32, #tpu.memory_space<vmem>>
        %scatter3A_1147 = tpu.memref_squeeze %scatter3A_1146 : memref<1x64x128xf32, #tpu.memory_space<vmem>> -> memref<64x128xf32, #tpu.memory_space<vmem>>
        tpu.vector_store_idx %scatter3A_1147[%add3A_1057, %add3A_754], %add3A_1143 : memref<64x128xf32, #tpu.memory_space<vmem>>[vector<16xi32>, vector<16xi32>], vector<16xf32>,
        %scan3A_1148 = arith.constant 1 : i32
        %scan3A_1149 = arith.addi %scan3A_1044, %scan3A_1148 : i32
        %shift_right_logical3A_1150 = arith.constant 2 : i32
        %shift_right_logical3A_1151 = arith.shrui %scan3A_1149, %shift_right_logical3A_1150 : i32
        %and3A_1152 = arith.constant 3 : i32
        %and3A_1153 = arith.andi %scan3A_1149, %and3A_1152 : i32
        %shift_left3A_1154 = arith.constant 4 : i32
        %shift_left3A_1155 = arith.shli %and3A_1153, %shift_left3A_1154 : i32
        %add3A_1156 = vector.broadcast %shift_right_logical3A_1151 : i32 to vector<16xi32>
        %add3A_1157 = arith.addi %iota3A, %add3A_1156 : vector<16xi32>
        %and3A_1158 = arith.constant 15 : i32
        %and3A_1159 = vector.broadcast %and3A_1158 : i32 to vector<16xi32>
        %and3A_1160 = arith.andi %add3A_1157, %and3A_1159 : vector<16xi32>
        %add3A_1161 = vector.broadcast %shift_left3A_1155 : i32 to vector<16xi32>
        %add3A_1162 = arith.addi %and3A_1160, %add3A_1161 : vector<16xi32>
        %add3A_1163 = arith.constant 64 : i32
        %add3A_1164 = vector.broadcast %add3A_1163 : i32 to vector<16xi32>
        %add3A_1165 = arith.addi %add3A_1162, %add3A_1164 : vector<16xi32>
        %gather3A_1166 = tpu.vector_load_idx %arg11[%add3A_1165] : memref<256xf32, #tpu.memory_space<vmem>>[vector<16xi32>], vector<16xf32>,
        %add3A_1167 = arith.addi %get3A_716, %add3A_1162 : vector<16xi32>
        %gather3A_1168 = arith.constant 0 : i32
        %gather3A_1169 = arith.constant 0 : i32
        %gather3A_1170 = tpu.memref_slice %arg9[%scan3A_756, %gather3A_1168, %gather3A_1169] : memref<4x128x128xf32, #tpu.memory_space<vmem>> -> memref<1x128x128xf32, #tpu.memory_space<vmem>>
        %gather3A_1171 = tpu.memref_squeeze %gather3A_1170 : memref<1x128x128xf32, #tpu.memory_space<vmem>> -> memref<128x128xf32, #tpu.memory_space<vmem>>
        %gather3A_1172 = tpu.vector_load_idx %gather3A_1171[%add3A_733, %add3A_1167] : memref<128x128xf32, #tpu.memory_space<vmem>>[vector<16xi32>, vector<16xi32>], vector<16xf32>,
        %add3A_1173 = arith.addf %gather3A_1172, %gather3A_1166 : vector<16xf32>
        %scatter3A_1174 = arith.constant 0 : i32
        %scatter3A_1175 = arith.constant 0 : i32
        %scatter3A_1176 = tpu.memref_slice %arg10[%select_n3A_685, %scatter3A_1174, %scatter3A_1175] : memref<2x64x128xf32, #tpu.memory_space<vmem>> -> memref<1x64x128xf32, #tpu.memory_space<vmem>>
        %scatter3A_1177 = tpu.memref_squeeze %scatter3A_1176 : memref<1x64x128xf32, #tpu.memory_space<vmem>> -> memref<64x128xf32, #tpu.memory_space<vmem>>
        tpu.vector_store_idx %scatter3A_1177[%add3A_1162, %add3A_733], %add3A_1173 : memref<64x128xf32, #tpu.memory_space<vmem>>[vector<16xi32>, vector<16xi32>], vector<16xf32>,
        %add3A_1178 = arith.addi %get3A_718, %add3A_1162 : vector<16xi32>
        %gather3A_1179 = arith.constant 0 : i32
        %gather3A_1180 = arith.constant 0 : i32
        %gather3A_1181 = tpu.memref_slice %arg9[%scan3A_756, %gather3A_1179, %gather3A_1180] : memref<4x128x128xf32, #tpu.memory_space<vmem>> -> memref<1x128x128xf32, #tpu.memory_space<vmem>>
        %gather3A_1182 = tpu.memref_squeeze %gather3A_1181 : memref<1x128x128xf32, #tpu.memory_space<vmem>> -> memref<128x128xf32, #tpu.memory_space<vmem>>
        %gather3A_1183 = tpu.vector_load_idx %gather3A_1182[%add3A_736, %add3A_1178] : memref<128x128xf32, #tpu.memory_space<vmem>>[vector<16xi32>, vector<16xi32>], vector<16xf32>,
        %add3A_1184 = arith.addf %gather3A_1183, %gather3A_1166 : vector<16xf32>
        %scatter3A_1185 = arith.constant 0 : i32
        %scatter3A_1186 = arith.constant 0 : i32
        %scatter3A_1187 = tpu.memref_slice %arg10[%select_n3A_685, %scatter3A_1185, %scatter3A_1186] : memref<2x64x128xf32, #tpu.memory_space<vmem>> -> memref<1x64x128xf32, #tpu.memory_space<vmem>>
        %scatter3A_1188 = tpu.memref_squeeze %scatter3A_1187 : memref<1x64x128xf32, #tpu.memory_space<vmem>> -> memref<64x128xf32, #tpu.memory_space<vmem>>
        tpu.vector_store_idx %scatter3A_1188[%add3A_1162, %add3A_736], %add3A_1184 : memref<64x128xf32, #tpu.memory_space<vmem>>[vector<16xi32>, vector<16xi32>], vector<16xf32>,
        %add3A_1189 = arith.addi %get3A_720, %add3A_1162 : vector<16xi32>
        %gather3A_1190 = arith.constant 0 : i32
        %gather3A_1191 = arith.constant 0 : i32
        %gather3A_1192 = tpu.memref_slice %arg9[%scan3A_756, %gather3A_1190, %gather3A_1191] : memref<4x128x128xf32, #tpu.memory_space<vmem>> -> memref<1x128x128xf32, #tpu.memory_space<vmem>>
        %gather3A_1193 = tpu.memref_squeeze %gather3A_1192 : memref<1x128x128xf32, #tpu.memory_space<vmem>> -> memref<128x128xf32, #tpu.memory_space<vmem>>
        %gather3A_1194 = tpu.vector_load_idx %gather3A_1193[%add3A_739, %add3A_1189] : memref<128x128xf32, #tpu.memory_space<vmem>>[vector<16xi32>, vector<16xi32>], vector<16xf32>,
        %add3A_1195 = arith.addf %gather3A_1194, %gather3A_1166 : vector<16xf32>
        %scatter3A_1196 = arith.constant 0 : i32
        %scatter3A_1197 = arith.constant 0 : i32
        %scatter3A_1198 = tpu.memref_slice %arg10[%select_n3A_685, %scatter3A_1196, %scatter3A_1197] : memref<2x64x128xf32, #tpu.memory_space<vmem>> -> memref<1x64x128xf32, #tpu.memory_space<vmem>>
        %scatter3A_1199 = tpu.memref_squeeze %scatter3A_1198 : memref<1x64x128xf32, #tpu.memory_space<vmem>> -> memref<64x128xf32, #tpu.memory_space<vmem>>
        tpu.vector_store_idx %scatter3A_1199[%add3A_1162, %add3A_739], %add3A_1195 : memref<64x128xf32, #tpu.memory_space<vmem>>[vector<16xi32>, vector<16xi32>], vector<16xf32>,
        %add3A_1200 = arith.addi %get3A_722, %add3A_1162 : vector<16xi32>
        %gather3A_1201 = arith.constant 0 : i32
        %gather3A_1202 = arith.constant 0 : i32
        %gather3A_1203 = tpu.memref_slice %arg9[%scan3A_756, %gather3A_1201, %gather3A_1202] : memref<4x128x128xf32, #tpu.memory_space<vmem>> -> memref<1x128x128xf32, #tpu.memory_space<vmem>>
        %gather3A_1204 = tpu.memref_squeeze %gather3A_1203 : memref<1x128x128xf32, #tpu.memory_space<vmem>> -> memref<128x128xf32, #tpu.memory_space<vmem>>
        %gather3A_1205 = tpu.vector_load_idx %gather3A_1204[%add3A_742, %add3A_1200] : memref<128x128xf32, #tpu.memory_space<vmem>>[vector<16xi32>, vector<16xi32>], vector<16xf32>,
        %add3A_1206 = arith.addf %gather3A_1205, %gather3A_1166 : vector<16xf32>
        %scatter3A_1207 = arith.constant 0 : i32
        %scatter3A_1208 = arith.constant 0 : i32
        %scatter3A_1209 = tpu.memref_slice %arg10[%select_n3A_685, %scatter3A_1207, %scatter3A_1208] : memref<2x64x128xf32, #tpu.memory_space<vmem>> -> memref<1x64x128xf32, #tpu.memory_space<vmem>>
        %scatter3A_1210 = tpu.memref_squeeze %scatter3A_1209 : memref<1x64x128xf32, #tpu.memory_space<vmem>> -> memref<64x128xf32, #tpu.memory_space<vmem>>
        tpu.vector_store_idx %scatter3A_1210[%add3A_1162, %add3A_742], %add3A_1206 : memref<64x128xf32, #tpu.memory_space<vmem>>[vector<16xi32>, vector<16xi32>], vector<16xf32>,
        %add3A_1211 = arith.addi %get3A_724, %add3A_1162 : vector<16xi32>
        %gather3A_1212 = arith.constant 0 : i32
        %gather3A_1213 = arith.constant 0 : i32
        %gather3A_1214 = tpu.memref_slice %arg9[%scan3A_756, %gather3A_1212, %gather3A_1213] : memref<4x128x128xf32, #tpu.memory_space<vmem>> -> memref<1x128x128xf32, #tpu.memory_space<vmem>>
        %gather3A_1215 = tpu.memref_squeeze %gather3A_1214 : memref<1x128x128xf32, #tpu.memory_space<vmem>> -> memref<128x128xf32, #tpu.memory_space<vmem>>
        %gather3A_1216 = tpu.vector_load_idx %gather3A_1215[%add3A_745, %add3A_1211] : memref<128x128xf32, #tpu.memory_space<vmem>>[vector<16xi32>, vector<16xi32>], vector<16xf32>,
        %add3A_1217 = arith.addf %gather3A_1216, %gather3A_1166 : vector<16xf32>
        %scatter3A_1218 = arith.constant 0 : i32
        %scatter3A_1219 = arith.constant 0 : i32
        %scatter3A_1220 = tpu.memref_slice %arg10[%select_n3A_685, %scatter3A_1218, %scatter3A_1219] : memref<2x64x128xf32, #tpu.memory_space<vmem>> -> memref<1x64x128xf32, #tpu.memory_space<vmem>>
        %scatter3A_1221 = tpu.memref_squeeze %scatter3A_1220 : memref<1x64x128xf32, #tpu.memory_space<vmem>> -> memref<64x128xf32, #tpu.memory_space<vmem>>
        tpu.vector_store_idx %scatter3A_1221[%add3A_1162, %add3A_745], %add3A_1217 : memref<64x128xf32, #tpu.memory_space<vmem>>[vector<16xi32>, vector<16xi32>], vector<16xf32>,
        %add3A_1222 = arith.addi %get3A_726, %add3A_1162 : vector<16xi32>
        %gather3A_1223 = arith.constant 0 : i32
        %gather3A_1224 = arith.constant 0 : i32
        %gather3A_1225 = tpu.memref_slice %arg9[%scan3A_756, %gather3A_1223, %gather3A_1224] : memref<4x128x128xf32, #tpu.memory_space<vmem>> -> memref<1x128x128xf32, #tpu.memory_space<vmem>>
        %gather3A_1226 = tpu.memref_squeeze %gather3A_1225 : memref<1x128x128xf32, #tpu.memory_space<vmem>> -> memref<128x128xf32, #tpu.memory_space<vmem>>
        %gather3A_1227 = tpu.vector_load_idx %gather3A_1226[%add3A_748, %add3A_1222] : memref<128x128xf32, #tpu.memory_space<vmem>>[vector<16xi32>, vector<16xi32>], vector<16xf32>,
        %add3A_1228 = arith.addf %gather3A_1227, %gather3A_1166 : vector<16xf32>
        %scatter3A_1229 = arith.constant 0 : i32
        %scatter3A_1230 = arith.constant 0 : i32
        %scatter3A_1231 = tpu.memref_slice %arg10[%select_n3A_685, %scatter3A_1229, %scatter3A_1230] : memref<2x64x128xf32, #tpu.memory_space<vmem>> -> memref<1x64x128xf32, #tpu.memory_space<vmem>>
        %scatter3A_1232 = tpu.memref_squeeze %scatter3A_1231 : memref<1x64x128xf32, #tpu.memory_space<vmem>> -> memref<64x128xf32, #tpu.memory_space<vmem>>
        tpu.vector_store_idx %scatter3A_1232[%add3A_1162, %add3A_748], %add3A_1228 : memref<64x128xf32, #tpu.memory_space<vmem>>[vector<16xi32>, vector<16xi32>], vector<16xf32>,
        %add3A_1233 = arith.addi %get3A_728, %add3A_1162 : vector<16xi32>
        %gather3A_1234 = arith.constant 0 : i32
        %gather3A_1235 = arith.constant 0 : i32
        %gather3A_1236 = tpu.memref_slice %arg9[%scan3A_756, %gather3A_1234, %gather3A_1235] : memref<4x128x128xf32, #tpu.memory_space<vmem>> -> memref<1x128x128xf32, #tpu.memory_space<vmem>>
        %gather3A_1237 = tpu.memref_squeeze %gather3A_1236 : memref<1x128x128xf32, #tpu.memory_space<vmem>> -> memref<128x128xf32, #tpu.memory_space<vmem>>
        %gather3A_1238 = tpu.vector_load_idx %gather3A_1237[%add3A_751, %add3A_1233] : memref<128x128xf32, #tpu.memory_space<vmem>>[vector<16xi32>, vector<16xi32>], vector<16xf32>,
        %add3A_1239 = arith.addf %gather3A_1238, %gather3A_1166 : vector<16xf32>
        %scatter3A_1240 = arith.constant 0 : i32
        %scatter3A_1241 = arith.constant 0 : i32
        %scatter3A_1242 = tpu.memref_slice %arg10[%select_n3A_685, %scatter3A_1240, %scatter3A_1241] : memref<2x64x128xf32, #tpu.memory_space<vmem>> -> memref<1x64x128xf32, #tpu.memory_space<vmem>>
        %scatter3A_1243 = tpu.memref_squeeze %scatter3A_1242 : memref<1x64x128xf32, #tpu.memory_space<vmem>> -> memref<64x128xf32, #tpu.memory_space<vmem>>
        tpu.vector_store_idx %scatter3A_1243[%add3A_1162, %add3A_751], %add3A_1239 : memref<64x128xf32, #tpu.memory_space<vmem>>[vector<16xi32>, vector<16xi32>], vector<16xf32>,
        %add3A_1244 = arith.addi %get3A_730, %add3A_1162 : vector<16xi32>
        %gather3A_1245 = arith.constant 0 : i32
        %gather3A_1246 = arith.constant 0 : i32
        %gather3A_1247 = tpu.memref_slice %arg9[%scan3A_756, %gather3A_1245, %gather3A_1246] : memref<4x128x128xf32, #tpu.memory_space<vmem>> -> memref<1x128x128xf32, #tpu.memory_space<vmem>>
        %gather3A_1248 = tpu.memref_squeeze %gather3A_1247 : memref<1x128x128xf32, #tpu.memory_space<vmem>> -> memref<128x128xf32, #tpu.memory_space<vmem>>
        %gather3A_1249 = tpu.vector_load_idx %gather3A_1248[%add3A_754, %add3A_1244] : memref<128x128xf32, #tpu.memory_space<vmem>>[vector<16xi32>, vector<16xi32>], vector<16xf32>,
        %add3A_1250 = arith.addf %gather3A_1249, %gather3A_1166 : vector<16xf32>
        %scatter3A_1251 = arith.constant 0 : i32
        %scatter3A_1252 = arith.constant 0 : i32
        %scatter3A_1253 = tpu.memref_slice %arg10[%select_n3A_685, %scatter3A_1251, %scatter3A_1252] : memref<2x64x128xf32, #tpu.memory_space<vmem>> -> memref<1x64x128xf32, #tpu.memory_space<vmem>>
        %scatter3A_1254 = tpu.memref_squeeze %scatter3A_1253 : memref<1x64x128xf32, #tpu.memory_space<vmem>> -> memref<64x128xf32, #tpu.memory_space<vmem>>
        tpu.vector_store_idx %scatter3A_1254[%add3A_1162, %add3A_754], %add3A_1250 : memref<64x128xf32, #tpu.memory_space<vmem>>[vector<16xi32>, vector<16xi32>], vector<16xf32>,
      }
      %scan3A_761 = arith.constant 64 : i32
      %dma_start3A_762 = arith.constant 0 : i32
      %dma_start3A_763 = arith.constant 0 : i32
      %dma_start3A_764 = tpu.memref_slice %arg10[%select_n3A_685, %dma_start3A_762, %dma_start3A_763] : memref<2x64x128xf32, #tpu.memory_space<vmem>> -> memref<1x64x128xf32, #tpu.memory_space<vmem>>
      %dma_start3A_765 = tpu.memref_squeeze %dma_start3A_764 : memref<1x64x128xf32, #tpu.memory_space<vmem>> -> memref<64x128xf32, #tpu.memory_space<vmem>>
      %dma_start3A_766 = arith.constant 0 : i32
      %dma_start3A_767 = tpu.memref_slice %arg5[%add3A_669, %dma_start3A_766, %mul3A_2] : memref<200x64x4096xf32, #tpu.memory_space<hbm>> -> memref<1x64x128xf32, #tpu.memory_space<hbm>>
      %dma_start3A_768 = tpu.memref_squeeze %dma_start3A_767 : memref<1x64x128xf32, #tpu.memory_space<hbm>> -> memref<64x128xf32, #tpu.memory_space<hbm>>
      %dma_start3A_769 = tpu.memref_slice %arg13[%select_n3A_685] : memref<2x!tpu.dma_semaphore, #tpu.memory_space<semaphore_mem>> -> memref<1x!tpu.dma_semaphore, #tpu.memory_space<semaphore_mem>>
      %dma_start3A_770 = tpu.memref_squeeze %dma_start3A_769 : memref<1x!tpu.dma_semaphore, #tpu.memory_space<semaphore_mem>> -> memref<!tpu.dma_semaphore, #tpu.memory_space<semaphore_mem>>
      %dma_start3A_771 = arith.constant 0 : i32
      %dma_start3A_772 = tpu.memref_slice %arg5[%add3A_669, %dma_start3A_771, %mul3A_2] : memref<200x64x4096xf32, #tpu.memory_space<hbm>> -> memref<1x64x128xf32, #tpu.memory_space<hbm>>
      %dma_start3A_773 = tpu.memref_squeeze %dma_start3A_772 : memref<1x64x128xf32, #tpu.memory_space<hbm>> -> memref<64x128xf32, #tpu.memory_space<hbm>>
      %dma_start3A_774 = arith.constant 0 : i32
      %dma_start3A_775 = arith.constant 0 : i32
      %dma_start3A_776 = tpu.memref_slice %arg10[%select_n3A_685, %dma_start3A_774, %dma_start3A_775] : memref<2x64x128xf32, #tpu.memory_space<vmem>> -> memref<1x64x128xf32, #tpu.memory_space<vmem>>
      %dma_start3A_777 = tpu.memref_squeeze %dma_start3A_776 : memref<1x64x128xf32, #tpu.memory_space<vmem>> -> memref<64x128xf32, #tpu.memory_space<vmem>>
      tpu.enqueue_dma source(%dma_start3A_777 : memref<64x128xf32, #tpu.memory_space<vmem>>) target(%dma_start3A_773 : memref<64x128xf32, #tpu.memory_space<hbm>>) target_semaphore(%dma_start3A_770 : memref<!tpu.dma_semaphore, #tpu.memory_space<semaphore_mem>>)
      %add3A_778 = arith.constant 3 : i32
      %add3A_779 = arith.addi %add3A_669, %add3A_778 : i32
      %add3A_780 = arith.constant 1 : i32
      %add3A_781 = arith.addi %add3A_779, %add3A_780 : i32
      %lt3A_782 = arith.constant 200 : i32
      %lt3A_783 = arith.cmpi slt, %add3A_781, %lt3A_782 : i32
      %convert_element_type3A_784 = arith.extui %lt3A_783 : i1 to i32
      %cond3A_785 = arith.constant 0 : i32
      %cond3A_786 = arith.cmpi ne, %convert_element_type3A_784, %cond3A_785 : i32
      scf.if %cond3A_786 {
        %add3A_1044 = arith.constant 1 : i32
        %add3A_1045 = arith.addi %add3A_779, %add3A_1044 : i32
        %jit3A_1046 = arith.constant 4 : i32
        %eq3A_1047 = arith.constant 0 : i32
        %eq3A_1048 = arith.cmpi eq, %jit3A_1046, %eq3A_1047 : i32
        %jit3A_1049 = arith.constant 1 : i32
        %select_n3A_1050 = arith.select %eq3A_1048, %jit3A_1049, %jit3A_1046 : i32
        %rem3A_1051 = arith.remsi %add3A_1045, %select_n3A_1050 : i32
        %ne3A_1052 = arith.constant 0 : i32
        %ne3A_1053 = arith.cmpi ne, %rem3A_1051, %ne3A_1052 : i32
        %lt3A_1054 = arith.constant 0 : i32
        %lt3A_1055 = arith.cmpi slt, %rem3A_1051, %lt3A_1054 : i32
        %lt3A_1056 = arith.constant 0 : i32
        %lt3A_1057 = arith.cmpi slt, %select_n3A_1050, %lt3A_1056 : i32
        %ne3A_1058 = arith.xori %lt3A_1055, %lt3A_1057 : i1
        %and3A_1059 = arith.andi %ne3A_1058, %ne3A_1053 : i1
        %add3A_1060 = arith.addi %rem3A_1051, %select_n3A_1050 : i32
        %select_n3A_1061 = arith.select %and3A_1059, %add3A_1060, %rem3A_1051 : i32
        %add3A_1062 = arith.constant 1 : i32
        %add3A_1063 = arith.addi %add3A_779, %add3A_1062 : i32
        %mul3A_1064 = arith.constant 128 : i32
        %mul3A_1065 = arith.muli %select_n3A_1061, %mul3A_1064 : i32
        %mul3A_1066 = arith.constant 4096 : i32
        %mul3A_1067 = arith.muli %add3A_1063, %mul3A_1066 : i32
        %add3A_1068 = arith.addi %mul3A_1067, %mul3A_2 : i32
        %dma_start3A_1069 = tpu.memref_slice %arg6[%mul3A_1065] : memref<512xi32, #tpu.memory_space<vmem>> -> memref<128xi32, #tpu.memory_space<vmem>>
        %dma_start3A_1070 = tpu.memref_slice %arg2[%add3A_1068] : memref<819200xi32, #tpu.memory_space<hbm>> -> memref<128xi32, #tpu.memory_space<hbm>>
        %dma_start3A_1071 = tpu.memref_slice %arg14[%select_n3A_1061] : memref<4x!tpu.dma_semaphore, #tpu.memory_space<semaphore_mem>> -> memref<1x!tpu.dma_semaphore, #tpu.memory_space<semaphore_mem>>
        %dma_start3A_1072 = tpu.memref_squeeze %dma_start3A_1071 : memref<1x!tpu.dma_semaphore, #tpu.memory_space<semaphore_mem>> -> memref<!tpu.dma_semaphore, #tpu.memory_space<semaphore_mem>>
        %dma_start3A_1073 = tpu.memref_slice %arg6[%mul3A_1065] : memref<512xi32, #tpu.memory_space<vmem>> -> memref<128xi32, #tpu.memory_space<vmem>>
        %dma_start3A_1074 = tpu.memref_slice %arg2[%add3A_1068] : memref<819200xi32, #tpu.memory_space<hbm>> -> memref<128xi32, #tpu.memory_space<hbm>>
        tpu.enqueue_dma source(%dma_start3A_1074 : memref<128xi32, #tpu.memory_space<hbm>>) target(%dma_start3A_1073 : memref<128xi32, #tpu.memory_space<vmem>>) target_semaphore(%dma_start3A_1072 : memref<!tpu.dma_semaphore, #tpu.memory_space<semaphore_mem>>)
      } else {
      }
      %lt3A_787 = arith.constant 200 : i32
      %lt3A_788 = arith.cmpi slt, %add3A_779, %lt3A_787 : i32
      %convert_element_type3A_789 = arith.extui %lt3A_788 : i1 to i32
      %cond3A_790 = arith.constant 0 : i32
      %cond3A_791 = arith.cmpi ne, %convert_element_type3A_789, %cond3A_790 : i32
      scf.if %cond3A_791 {
        %jit3A_1044 = arith.constant 4 : i32
        %eq3A_1045 = arith.constant 0 : i32
        %eq3A_1046 = arith.cmpi eq, %jit3A_1044, %eq3A_1045 : i32
        %jit3A_1047 = arith.constant 1 : i32
        %select_n3A_1048 = arith.select %eq3A_1046, %jit3A_1047, %jit3A_1044 : i32
        %rem3A_1049 = arith.remsi %add3A_779, %select_n3A_1048 : i32
        %ne3A_1050 = arith.constant 0 : i32
        %ne3A_1051 = arith.cmpi ne, %rem3A_1049, %ne3A_1050 : i32
        %lt3A_1052 = arith.constant 0 : i32
        %lt3A_1053 = arith.cmpi slt, %rem3A_1049, %lt3A_1052 : i32
        %lt3A_1054 = arith.constant 0 : i32
        %lt3A_1055 = arith.cmpi slt, %select_n3A_1048, %lt3A_1054 : i32
        %ne3A_1056 = arith.xori %lt3A_1053, %lt3A_1055 : i1
        %and3A_1057 = arith.andi %ne3A_1056, %ne3A_1051 : i1
        %add3A_1058 = arith.addi %rem3A_1049, %select_n3A_1048 : i32
        %select_n3A_1059 = arith.select %and3A_1057, %add3A_1058, %rem3A_1049 : i32
        %mul3A_1060 = arith.constant 128 : i32
        %mul3A_1061 = arith.muli %select_n3A_1059, %mul3A_1060 : i32
        %mul3A_1062 = arith.constant 4096 : i32
        %mul3A_1063 = arith.muli %add3A_779, %mul3A_1062 : i32
        %add3A_1064 = arith.addi %mul3A_1063, %mul3A_2 : i32
        %dma_wait3A_1065 = tpu.memref_slice %arg6[%mul3A_1061] : memref<512xi32, #tpu.memory_space<vmem>> -> memref<128xi32, #tpu.memory_space<vmem>>
        %dma_wait3A_1066 = tpu.memref_slice %arg2[%add3A_1064] : memref<819200xi32, #tpu.memory_space<hbm>> -> memref<128xi32, #tpu.memory_space<hbm>>
        %dma_wait3A_1067 = tpu.memref_slice %arg14[%select_n3A_1059] : memref<4x!tpu.dma_semaphore, #tpu.memory_space<semaphore_mem>> -> memref<1x!tpu.dma_semaphore, #tpu.memory_space<semaphore_mem>>
        %dma_wait3A_1068 = tpu.memref_squeeze %dma_wait3A_1067 : memref<1x!tpu.dma_semaphore, #tpu.memory_space<semaphore_mem>> -> memref<!tpu.dma_semaphore, #tpu.memory_space<semaphore_mem>>
        %dma_wait3A_1069 = tpu.memref_slice %arg6[%mul3A_1061] : memref<512xi32, #tpu.memory_space<vmem>> -> memref<128xi32, #tpu.memory_space<vmem>>
        %dma_wait3A_1070 = tpu.memref_slice %arg2[%add3A_1064] : memref<819200xi32, #tpu.memory_space<hbm>> -> memref<128xi32, #tpu.memory_space<hbm>>
        tpu.wait_dma2 semaphore(%dma_wait3A_1068 : memref<!tpu.dma_semaphore, #tpu.memory_space<semaphore_mem>>) src(%dma_wait3A_1070 : memref<128xi32, #tpu.memory_space<hbm>>) dst(%dma_wait3A_1069 : memref<128xi32, #tpu.memory_space<vmem>>)
        %add3A_1071 = arith.constant 0 : i32
        %add3A_1072 = arith.addi %mul3A_1061, %add3A_1071 : i32
        %get3A_1073 = arith.index_cast %add3A_1072 : i32 to index
        %get3A_1074 = tpu.vector_load %arg6[%get3A_1073] {strides = array<i32>} : memref<512xi32, #tpu.memory_space<vmem>>, vector<16xi32>,
        %shift_right_logical3A_1075 = arith.constant 1 : i32
        %shift_right_logical3A_1076 = vector.broadcast %shift_right_logical3A_1075 : i32 to vector<16xi32>
        %shift_right_logical3A_1077 = arith.shrui %get3A_1074, %shift_right_logical3A_1076 : vector<16xi32>
        %swap3A_1078 = arith.index_cast %add3A_1072 : i32 to index
        %swap3A_1079 = tpu.vector_load %arg7[%swap3A_1078] {strides = array<i32>} : memref<512xi32, #tpu.memory_space<vmem>>, vector<16xi32>,
        tpu.vector_store %arg7[%swap3A_1078], %shift_right_logical3A_1077 {strides = array<i32>} : memref<512xi32, #tpu.memory_space<vmem>>, vector<16xi32>,
        %and3A_1080 = arith.constant 1 : i32
        %and3A_1081 = vector.broadcast %and3A_1080 : i32 to vector<16xi32>
        %and3A_1082 = arith.andi %get3A_1074, %and3A_1081 : vector<16xi32>
        %shift_left3A_1083 = arith.constant 6 : i32
        %shift_left3A_1084 = vector.broadcast %shift_left3A_1083 : i32 to vector<16xi32>
        %shift_left3A_1085 = arith.shli %and3A_1082, %shift_left3A_1084 : vector<16xi32>
        %swap3A_1086 = arith.index_cast %add3A_1072 : i32 to index
        %swap3A_1087 = tpu.vector_load %arg8[%swap3A_1086] {strides = array<i32>} : memref<512xi32, #tpu.memory_space<vmem>>, vector<16xi32>,
        tpu.vector_store %arg8[%swap3A_1086], %shift_left3A_1085 {strides = array<i32>} : memref<512xi32, #tpu.memory_space<vmem>>, vector<16xi32>,
        %add3A_1088 = arith.constant 16 : i32
        %add3A_1089 = arith.addi %mul3A_1061, %add3A_1088 : i32
        %get3A_1090 = arith.index_cast %add3A_1089 : i32 to index
        %get3A_1091 = tpu.vector_load %arg6[%get3A_1090] {strides = array<i32>} : memref<512xi32, #tpu.memory_space<vmem>>, vector<16xi32>,
        %shift_right_logical3A_1092 = arith.constant 1 : i32
        %shift_right_logical3A_1093 = vector.broadcast %shift_right_logical3A_1092 : i32 to vector<16xi32>
        %shift_right_logical3A_1094 = arith.shrui %get3A_1091, %shift_right_logical3A_1093 : vector<16xi32>
        %swap3A_1095 = arith.index_cast %add3A_1089 : i32 to index
        %swap3A_1096 = tpu.vector_load %arg7[%swap3A_1095] {strides = array<i32>} : memref<512xi32, #tpu.memory_space<vmem>>, vector<16xi32>,
        tpu.vector_store %arg7[%swap3A_1095], %shift_right_logical3A_1094 {strides = array<i32>} : memref<512xi32, #tpu.memory_space<vmem>>, vector<16xi32>,
        %and3A_1097 = arith.constant 1 : i32
        %and3A_1098 = vector.broadcast %and3A_1097 : i32 to vector<16xi32>
        %and3A_1099 = arith.andi %get3A_1091, %and3A_1098 : vector<16xi32>
        %shift_left3A_1100 = arith.constant 6 : i32
        %shift_left3A_1101 = vector.broadcast %shift_left3A_1100 : i32 to vector<16xi32>
        %shift_left3A_1102 = arith.shli %and3A_1099, %shift_left3A_1101 : vector<16xi32>
        %swap3A_1103 = arith.index_cast %add3A_1089 : i32 to index
        %swap3A_1104 = tpu.vector_load %arg8[%swap3A_1103] {strides = array<i32>} : memref<512xi32, #tpu.memory_space<vmem>>, vector<16xi32>,
        tpu.vector_store %arg8[%swap3A_1103], %shift_left3A_1102 {strides = array<i32>} : memref<512xi32, #tpu.memory_space<vmem>>, vector<16xi32>,
        %add3A_1105 = arith.constant 32 : i32
        %add3A_1106 = arith.addi %mul3A_1061, %add3A_1105 : i32
        %get3A_1107 = arith.index_cast %add3A_1106 : i32 to index
        %get3A_1108 = tpu.vector_load %arg6[%get3A_1107] {strides = array<i32>} : memref<512xi32, #tpu.memory_space<vmem>>, vector<16xi32>,
        %shift_right_logical3A_1109 = arith.constant 1 : i32
        %shift_right_logical3A_1110 = vector.broadcast %shift_right_logical3A_1109 : i32 to vector<16xi32>
        %shift_right_logical3A_1111 = arith.shrui %get3A_1108, %shift_right_logical3A_1110 : vector<16xi32>
        %swap3A_1112 = arith.index_cast %add3A_1106 : i32 to index
        %swap3A_1113 = tpu.vector_load %arg7[%swap3A_1112] {strides = array<i32>} : memref<512xi32, #tpu.memory_space<vmem>>, vector<16xi32>,
        tpu.vector_store %arg7[%swap3A_1112], %shift_right_logical3A_1111 {strides = array<i32>} : memref<512xi32, #tpu.memory_space<vmem>>, vector<16xi32>,
        %and3A_1114 = arith.constant 1 : i32
        %and3A_1115 = vector.broadcast %and3A_1114 : i32 to vector<16xi32>
        %and3A_1116 = arith.andi %get3A_1108, %and3A_1115 : vector<16xi32>
        %shift_left3A_1117 = arith.constant 6 : i32
        %shift_left3A_1118 = vector.broadcast %shift_left3A_1117 : i32 to vector<16xi32>
        %shift_left3A_1119 = arith.shli %and3A_1116, %shift_left3A_1118 : vector<16xi32>
        %swap3A_1120 = arith.index_cast %add3A_1106 : i32 to index
        %swap3A_1121 = tpu.vector_load %arg8[%swap3A_1120] {strides = array<i32>} : memref<512xi32, #tpu.memory_space<vmem>>, vector<16xi32>,
        tpu.vector_store %arg8[%swap3A_1120], %shift_left3A_1119 {strides = array<i32>} : memref<512xi32, #tpu.memory_space<vmem>>, vector<16xi32>,
        %add3A_1122 = arith.constant 48 : i32
        %add3A_1123 = arith.addi %mul3A_1061, %add3A_1122 : i32
        %get3A_1124 = arith.index_cast %add3A_1123 : i32 to index
        %get3A_1125 = tpu.vector_load %arg6[%get3A_1124] {strides = array<i32>} : memref<512xi32, #tpu.memory_space<vmem>>, vector<16xi32>,
        %shift_right_logical3A_1126 = arith.constant 1 : i32
        %shift_right_logical3A_1127 = vector.broadcast %shift_right_logical3A_1126 : i32 to vector<16xi32>
        %shift_right_logical3A_1128 = arith.shrui %get3A_1125, %shift_right_logical3A_1127 : vector<16xi32>
        %swap3A_1129 = arith.index_cast %add3A_1123 : i32 to index
        %swap3A_1130 = tpu.vector_load %arg7[%swap3A_1129] {strides = array<i32>} : memref<512xi32, #tpu.memory_space<vmem>>, vector<16xi32>,
        tpu.vector_store %arg7[%swap3A_1129], %shift_right_logical3A_1128 {strides = array<i32>} : memref<512xi32, #tpu.memory_space<vmem>>, vector<16xi32>,
        %and3A_1131 = arith.constant 1 : i32
        %and3A_1132 = vector.broadcast %and3A_1131 : i32 to vector<16xi32>
        %and3A_1133 = arith.andi %get3A_1125, %and3A_1132 : vector<16xi32>
        %shift_left3A_1134 = arith.constant 6 : i32
        %shift_left3A_1135 = vector.broadcast %shift_left3A_1134 : i32 to vector<16xi32>
        %shift_left3A_1136 = arith.shli %and3A_1133, %shift_left3A_1135 : vector<16xi32>
        %swap3A_1137 = arith.index_cast %add3A_1123 : i32 to index
        %swap3A_1138 = tpu.vector_load %arg8[%swap3A_1137] {strides = array<i32>} : memref<512xi32, #tpu.memory_space<vmem>>, vector<16xi32>,
        tpu.vector_store %arg8[%swap3A_1137], %shift_left3A_1136 {strides = array<i32>} : memref<512xi32, #tpu.memory_space<vmem>>, vector<16xi32>,
        %add3A_1139 = arith.constant 64 : i32
        %add3A_1140 = arith.addi %mul3A_1061, %add3A_1139 : i32
        %get3A_1141 = arith.index_cast %add3A_1140 : i32 to index
        %get3A_1142 = tpu.vector_load %arg6[%get3A_1141] {strides = array<i32>} : memref<512xi32, #tpu.memory_space<vmem>>, vector<16xi32>,
        %shift_right_logical3A_1143 = arith.constant 1 : i32
        %shift_right_logical3A_1144 = vector.broadcast %shift_right_logical3A_1143 : i32 to vector<16xi32>
        %shift_right_logical3A_1145 = arith.shrui %get3A_1142, %shift_right_logical3A_1144 : vector<16xi32>
        %swap3A_1146 = arith.index_cast %add3A_1140 : i32 to index
        %swap3A_1147 = tpu.vector_load %arg7[%swap3A_1146] {strides = array<i32>} : memref<512xi32, #tpu.memory_space<vmem>>, vector<16xi32>,
        tpu.vector_store %arg7[%swap3A_1146], %shift_right_logical3A_1145 {strides = array<i32>} : memref<512xi32, #tpu.memory_space<vmem>>, vector<16xi32>,
        %and3A_1148 = arith.constant 1 : i32
        %and3A_1149 = vector.broadcast %and3A_1148 : i32 to vector<16xi32>
        %and3A_1150 = arith.andi %get3A_1142, %and3A_1149 : vector<16xi32>
        %shift_left3A_1151 = arith.constant 6 : i32
        %shift_left3A_1152 = vector.broadcast %shift_left3A_1151 : i32 to vector<16xi32>
        %shift_left3A_1153 = arith.shli %and3A_1150, %shift_left3A_1152 : vector<16xi32>
        %swap3A_1154 = arith.index_cast %add3A_1140 : i32 to index
        %swap3A_1155 = tpu.vector_load %arg8[%swap3A_1154] {strides = array<i32>} : memref<512xi32, #tpu.memory_space<vmem>>, vector<16xi32>,
        tpu.vector_store %arg8[%swap3A_1154], %shift_left3A_1153 {strides = array<i32>} : memref<512xi32, #tpu.memory_space<vmem>>, vector<16xi32>,
        %add3A_1156 = arith.constant 80 : i32
        %add3A_1157 = arith.addi %mul3A_1061, %add3A_1156 : i32
        %get3A_1158 = arith.index_cast %add3A_1157 : i32 to index
        %get3A_1159 = tpu.vector_load %arg6[%get3A_1158] {strides = array<i32>} : memref<512xi32, #tpu.memory_space<vmem>>, vector<16xi32>,
        %shift_right_logical3A_1160 = arith.constant 1 : i32
        %shift_right_logical3A_1161 = vector.broadcast %shift_right_logical3A_1160 : i32 to vector<16xi32>
        %shift_right_logical3A_1162 = arith.shrui %get3A_1159, %shift_right_logical3A_1161 : vector<16xi32>
        %swap3A_1163 = arith.index_cast %add3A_1157 : i32 to index
        %swap3A_1164 = tpu.vector_load %arg7[%swap3A_1163] {strides = array<i32>} : memref<512xi32, #tpu.memory_space<vmem>>, vector<16xi32>,
        tpu.vector_store %arg7[%swap3A_1163], %shift_right_logical3A_1162 {strides = array<i32>} : memref<512xi32, #tpu.memory_space<vmem>>, vector<16xi32>,
        %and3A_1165 = arith.constant 1 : i32
        %and3A_1166 = vector.broadcast %and3A_1165 : i32 to vector<16xi32>
        %and3A_1167 = arith.andi %get3A_1159, %and3A_1166 : vector<16xi32>
        %shift_left3A_1168 = arith.constant 6 : i32
        %shift_left3A_1169 = vector.broadcast %shift_left3A_1168 : i32 to vector<16xi32>
        %shift_left3A_1170 = arith.shli %and3A_1167, %shift_left3A_1169 : vector<16xi32>
        %swap3A_1171 = arith.index_cast %add3A_1157 : i32 to index
        %swap3A_1172 = tpu.vector_load %arg8[%swap3A_1171] {strides = array<i32>} : memref<512xi32, #tpu.memory_space<vmem>>, vector<16xi32>,
        tpu.vector_store %arg8[%swap3A_1171], %shift_left3A_1170 {strides = array<i32>} : memref<512xi32, #tpu.memory_space<vmem>>, vector<16xi32>,
        %add3A_1173 = arith.constant 96 : i32
        %add3A_1174 = arith.addi %mul3A_1061, %add3A_1173 : i32
        %get3A_1175 = arith.index_cast %add3A_1174 : i32 to index
        %get3A_1176 = tpu.vector_load %arg6[%get3A_1175] {strides = array<i32>} : memref<512xi32, #tpu.memory_space<vmem>>, vector<16xi32>,
        %shift_right_logical3A_1177 = arith.constant 1 : i32
        %shift_right_logical3A_1178 = vector.broadcast %shift_right_logical3A_1177 : i32 to vector<16xi32>
        %shift_right_logical3A_1179 = arith.shrui %get3A_1176, %shift_right_logical3A_1178 : vector<16xi32>
        %swap3A_1180 = arith.index_cast %add3A_1174 : i32 to index
        %swap3A_1181 = tpu.vector_load %arg7[%swap3A_1180] {strides = array<i32>} : memref<512xi32, #tpu.memory_space<vmem>>, vector<16xi32>,
        tpu.vector_store %arg7[%swap3A_1180], %shift_right_logical3A_1179 {strides = array<i32>} : memref<512xi32, #tpu.memory_space<vmem>>, vector<16xi32>,
        %and3A_1182 = arith.constant 1 : i32
        %and3A_1183 = vector.broadcast %and3A_1182 : i32 to vector<16xi32>
        %and3A_1184 = arith.andi %get3A_1176, %and3A_1183 : vector<16xi32>
        %shift_left3A_1185 = arith.constant 6 : i32
        %shift_left3A_1186 = vector.broadcast %shift_left3A_1185 : i32 to vector<16xi32>
        %shift_left3A_1187 = arith.shli %and3A_1184, %shift_left3A_1186 : vector<16xi32>
        %swap3A_1188 = arith.index_cast %add3A_1174 : i32 to index
        %swap3A_1189 = tpu.vector_load %arg8[%swap3A_1188] {strides = array<i32>} : memref<512xi32, #tpu.memory_space<vmem>>, vector<16xi32>,
        tpu.vector_store %arg8[%swap3A_1188], %shift_left3A_1187 {strides = array<i32>} : memref<512xi32, #tpu.memory_space<vmem>>, vector<16xi32>,
        %add3A_1190 = arith.constant 112 : i32
        %add3A_1191 = arith.addi %mul3A_1061, %add3A_1190 : i32
        %get3A_1192 = arith.index_cast %add3A_1191 : i32 to index
        %get3A_1193 = tpu.vector_load %arg6[%get3A_1192] {strides = array<i32>} : memref<512xi32, #tpu.memory_space<vmem>>, vector<16xi32>,
        %shift_right_logical3A_1194 = arith.constant 1 : i32
        %shift_right_logical3A_1195 = vector.broadcast %shift_right_logical3A_1194 : i32 to vector<16xi32>
        %shift_right_logical3A_1196 = arith.shrui %get3A_1193, %shift_right_logical3A_1195 : vector<16xi32>
        %swap3A_1197 = arith.index_cast %add3A_1191 : i32 to index
        %swap3A_1198 = tpu.vector_load %arg7[%swap3A_1197] {strides = array<i32>} : memref<512xi32, #tpu.memory_space<vmem>>, vector<16xi32>,
        tpu.vector_store %arg7[%swap3A_1197], %shift_right_logical3A_1196 {strides = array<i32>} : memref<512xi32, #tpu.memory_space<vmem>>, vector<16xi32>,
        %and3A_1199 = arith.constant 1 : i32
        %and3A_1200 = vector.broadcast %and3A_1199 : i32 to vector<16xi32>
        %and3A_1201 = arith.andi %get3A_1193, %and3A_1200 : vector<16xi32>
        %shift_left3A_1202 = arith.constant 6 : i32
        %shift_left3A_1203 = vector.broadcast %shift_left3A_1202 : i32 to vector<16xi32>
        %shift_left3A_1204 = arith.shli %and3A_1201, %shift_left3A_1203 : vector<16xi32>
        %swap3A_1205 = arith.index_cast %add3A_1191 : i32 to index
        %swap3A_1206 = tpu.vector_load %arg8[%swap3A_1205] {strides = array<i32>} : memref<512xi32, #tpu.memory_space<vmem>>, vector<16xi32>,
        tpu.vector_store %arg8[%swap3A_1205], %shift_left3A_1204 {strides = array<i32>} : memref<512xi32, #tpu.memory_space<vmem>>, vector<16xi32>,
        %dma_start3A_1207 = arith.constant 0 : i32
        %dma_start3A_1208 = arith.constant 0 : i32
        %dma_start3A_1209 = tpu.memref_slice %arg9[%select_n3A_1059, %dma_start3A_1207, %dma_start3A_1208] : memref<4x128x128xf32, #tpu.memory_space<vmem>> -> memref<1x128x128xf32, #tpu.memory_space<vmem>>
        %dma_start3A_1210 = tpu.memref_squeeze %dma_start3A_1209 : memref<1x128x128xf32, #tpu.memory_space<vmem>> -> memref<128x128xf32, #tpu.memory_space<vmem>>
        %dma_start3A_1211 = tpu.memref_slice %arg7[%mul3A_1061] : memref<512xi32, #tpu.memory_space<vmem>> -> memref<128xi32, #tpu.memory_space<vmem>>
        %dma_start3A_1212 = arith.constant 0 : i32
        %dma_start3A_1213 = arith.constant 0 : i32
        %dma_start3A_1214 = tpu.memref_slice %arg3[%dma_start3A_1212, %dma_start3A_1213] : memref<500000x128xf32, #tpu.memory_space<hbm>> -> memref<500000x128xf32, #tpu.memory_space<hbm>>
        %dma_start3A_1215 = tpu.memref_slice %arg12[%select_n3A_1059] : memref<4x!tpu.dma_semaphore, #tpu.memory_space<semaphore_mem>> -> memref<1x!tpu.dma_semaphore, #tpu.memory_space<semaphore_mem>>
        %dma_start3A_1216 = tpu.memref_squeeze %dma_start3A_1215 : memref<1x!tpu.dma_semaphore, #tpu.memory_space<semaphore_mem>> -> memref<!tpu.dma_semaphore, #tpu.memory_space<semaphore_mem>>
        tpu.enqueue_indirect_dma source(%dma_start3A_1214 : memref<500000x128xf32, #tpu.memory_space<hbm>>) target(%dma_start3A_1210 : memref<128x128xf32, #tpu.memory_space<vmem>>) offsets(%dma_start3A_1211 : memref<128xi32, #tpu.memory_space<vmem>>) semaphore(%dma_start3A_1216 : memref<!tpu.dma_semaphore, #tpu.memory_space<semaphore_mem>>)
        %mul3A_1217 = arith.constant 64 : i32
        %mul3A_1218 = arith.muli %add3A_779, %mul3A_1217 : i32
        %mul3A_1219 = arith.constant 64 : i32
        %mul3A_1220 = arith.muli %select_n3A_1059, %mul3A_1219 : i32
        %dma_start3A_1221 = tpu.memref_slice %arg11[%mul3A_1220] : memref<256xf32, #tpu.memory_space<vmem>> -> memref<64xf32, #tpu.memory_space<vmem>>
        %dma_start3A_1222 = tpu.memref_slice %arg4[%mul3A_1218] : memref<12800xf32, #tpu.memory_space<hbm>> -> memref<64xf32, #tpu.memory_space<hbm>>
        %dma_start3A_1223 = tpu.memref_slice %arg12[%select_n3A_1059] : memref<4x!tpu.dma_semaphore, #tpu.memory_space<semaphore_mem>> -> memref<1x!tpu.dma_semaphore, #tpu.memory_space<semaphore_mem>>
        %dma_start3A_1224 = tpu.memref_squeeze %dma_start3A_1223 : memref<1x!tpu.dma_semaphore, #tpu.memory_space<semaphore_mem>> -> memref<!tpu.dma_semaphore, #tpu.memory_space<semaphore_mem>>
        %dma_start3A_1225 = tpu.memref_slice %arg11[%mul3A_1220] : memref<256xf32, #tpu.memory_space<vmem>> -> memref<64xf32, #tpu.memory_space<vmem>>
        %dma_start3A_1226 = tpu.memref_slice %arg4[%mul3A_1218] : memref<12800xf32, #tpu.memory_space<hbm>> -> memref<64xf32, #tpu.memory_space<hbm>>
        tpu.enqueue_dma source(%dma_start3A_1226 : memref<64xf32, #tpu.memory_space<hbm>>) target(%dma_start3A_1225 : memref<64xf32, #tpu.memory_space<vmem>>) target_semaphore(%dma_start3A_1224 : memref<!tpu.dma_semaphore, #tpu.memory_space<semaphore_mem>>)
      } else {
      }
      %mul3A_792 = arith.constant 4 : i32
      %mul3A_793 = arith.muli %scan3A_548, %mul3A_792 : i32
      %add3A_794 = arith.constant 2 : i32
      %add3A_795 = arith.addi %mul3A_793, %add3A_794 : i32
      %jit3A_796 = arith.constant 2 : i32
      %eq3A_797 = arith.constant 0 : i32
      %eq3A_798 = arith.cmpi eq, %jit3A_796, %eq3A_797 : i32
      %jit3A_799 = arith.constant 1 : i32
      %select_n3A_800 = arith.select %eq3A_798, %jit3A_799, %jit3A_796 : i32
      %rem3A_801 = arith.remsi %add3A_795, %select_n3A_800 : i32
      %ne3A_802 = arith.constant 0 : i32
      %ne3A_803 = arith.cmpi ne, %rem3A_801, %ne3A_802 : i32
      %lt3A_804 = arith.constant 0 : i32
      %lt3A_805 = arith.cmpi slt, %rem3A_801, %lt3A_804 : i32
      %lt3A_806 = arith.constant 0 : i32
      %lt3A_807 = arith.cmpi slt, %select_n3A_800, %lt3A_806 : i32
      %ne3A_808 = arith.xori %lt3A_805, %lt3A_807 : i1
      %and3A_809 = arith.andi %ne3A_808, %ne3A_803 : i1
      %add3A_810 = arith.addi %rem3A_801, %select_n3A_800 : i32
      %select_n3A_811 = arith.select %and3A_809, %add3A_810, %rem3A_801 : i32
      %dma_wait3A_812 = arith.constant 2 : i32
      %dma_wait3A_813 = arith.constant 2 : i32
      %dma_wait3A_814 = arith.constant 0 : i32
      %dma_wait3A_815 = arith.constant 0 : i32
      %dma_wait3A_816 = tpu.memref_slice %arg9[%dma_wait3A_812, %dma_wait3A_814, %dma_wait3A_815] : memref<4x128x128xf32, #tpu.memory_space<vmem>> -> memref<1x128x128xf32, #tpu.memory_space<vmem>>
      %dma_wait3A_817 = tpu.memref_squeeze %dma_wait3A_816 : memref<1x128x128xf32, #tpu.memory_space<vmem>> -> memref<128x128xf32, #tpu.memory_space<vmem>>
      %dma_wait3A_818 = arith.constant 256 : i32
      %dma_wait3A_819 = tpu.memref_slice %arg7[%dma_wait3A_818] : memref<512xi32, #tpu.memory_space<vmem>> -> memref<128xi32, #tpu.memory_space<vmem>>
      %dma_wait3A_820 = arith.constant 0 : i32
      %dma_wait3A_821 = arith.constant 0 : i32
      %dma_wait3A_822 = tpu.memref_slice %arg3[%dma_wait3A_820, %dma_wait3A_821] : memref<500000x128xf32, #tpu.memory_space<hbm>> -> memref<500000x128xf32, #tpu.memory_space<hbm>>
      %dma_wait3A_823 = tpu.memref_slice %arg12[%dma_wait3A_813] : memref<4x!tpu.dma_semaphore, #tpu.memory_space<semaphore_mem>> -> memref<1x!tpu.dma_semaphore, #tpu.memory_space<semaphore_mem>>
      %dma_wait3A_824 = tpu.memref_squeeze %dma_wait3A_823 : memref<1x!tpu.dma_semaphore, #tpu.memory_space<semaphore_mem>> -> memref<!tpu.dma_semaphore, #tpu.memory_space<semaphore_mem>>
      tpu.wait_indirect_dma semaphore(%dma_wait3A_824 : memref<!tpu.dma_semaphore, #tpu.memory_space<semaphore_mem>>) src(%dma_wait3A_822 : memref<500000x128xf32, #tpu.memory_space<hbm>>) dst(%dma_wait3A_817 : memref<128x128xf32, #tpu.memory_space<vmem>>)
      %dma_wait3A_825 = arith.constant 2 : i32
      %dma_wait3A_826 = arith.constant 128 : i32
      %dma_wait3A_827 = tpu.memref_slice %arg11[%dma_wait3A_826] : memref<256xf32, #tpu.memory_space<vmem>> -> memref<64xf32, #tpu.memory_space<vmem>>
      %dma_wait3A_828 = arith.constant 0 : i32
      %dma_wait3A_829 = tpu.memref_slice %arg4[%dma_wait3A_828] : memref<12800xf32, #tpu.memory_space<hbm>> -> memref<64xf32, #tpu.memory_space<hbm>>
      %dma_wait3A_830 = tpu.memref_slice %arg12[%dma_wait3A_825] : memref<4x!tpu.dma_semaphore, #tpu.memory_space<semaphore_mem>> -> memref<1x!tpu.dma_semaphore, #tpu.memory_space<semaphore_mem>>
      %dma_wait3A_831 = tpu.memref_squeeze %dma_wait3A_830 : memref<1x!tpu.dma_semaphore, #tpu.memory_space<semaphore_mem>> -> memref<!tpu.dma_semaphore, #tpu.memory_space<semaphore_mem>>
      %dma_wait3A_832 = arith.constant 128 : i32
      %dma_wait3A_833 = tpu.memref_slice %arg11[%dma_wait3A_832] : memref<256xf32, #tpu.memory_space<vmem>> -> memref<64xf32, #tpu.memory_space<vmem>>
      %dma_wait3A_834 = arith.constant 0 : i32
      %dma_wait3A_835 = tpu.memref_slice %arg4[%dma_wait3A_834] : memref<12800xf32, #tpu.memory_space<hbm>> -> memref<64xf32, #tpu.memory_space<hbm>>
      tpu.wait_dma2 semaphore(%dma_wait3A_831 : memref<!tpu.dma_semaphore, #tpu.memory_space<semaphore_mem>>) src(%dma_wait3A_835 : memref<64xf32, #tpu.memory_space<hbm>>) dst(%dma_wait3A_833 : memref<64xf32, #tpu.memory_space<vmem>>)
      %ge3A_836 = arith.constant 2 : i32
      %ge3A_837 = arith.cmpi sge, %add3A_795, %ge3A_836 : i32
      %convert_element_type3A_838 = arith.extui %ge3A_837 : i1 to i32
      %cond3A_839 = arith.constant 0 : i32
      %cond3A_840 = arith.cmpi ne, %convert_element_type3A_838, %cond3A_839 : i32
      scf.if %cond3A_840 {
        %sub3A = arith.constant 2 : i32
        %sub3A_1044 = arith.subi %add3A_795, %sub3A : i32
        %dma_wait3A_1045 = arith.constant 0 : i32
        %dma_wait3A_1046 = arith.constant 0 : i32
        %dma_wait3A_1047 = tpu.memref_slice %arg10[%select_n3A_811, %dma_wait3A_1045, %dma_wait3A_1046] : memref<2x64x128xf32, #tpu.memory_space<vmem>> -> memref<1x64x128xf32, #tpu.memory_space<vmem>>
        %dma_wait3A_1048 = tpu.memref_squeeze %dma_wait3A_1047 : memref<1x64x128xf32, #tpu.memory_space<vmem>> -> memref<64x128xf32, #tpu.memory_space<vmem>>
        %dma_wait3A_1049 = arith.constant 0 : i32
        %dma_wait3A_1050 = tpu.memref_slice %arg5[%sub3A_1044, %dma_wait3A_1049, %mul3A_2] : memref<200x64x4096xf32, #tpu.memory_space<hbm>> -> memref<1x64x128xf32, #tpu.memory_space<hbm>>
        %dma_wait3A_1051 = tpu.memref_squeeze %dma_wait3A_1050 : memref<1x64x128xf32, #tpu.memory_space<hbm>> -> memref<64x128xf32, #tpu.memory_space<hbm>>
        %dma_wait3A_1052 = tpu.memref_slice %arg13[%select_n3A_811] : memref<2x!tpu.dma_semaphore, #tpu.memory_space<semaphore_mem>> -> memref<1x!tpu.dma_semaphore, #tpu.memory_space<semaphore_mem>>
        %dma_wait3A_1053 = tpu.memref_squeeze %dma_wait3A_1052 : memref<1x!tpu.dma_semaphore, #tpu.memory_space<semaphore_mem>> -> memref<!tpu.dma_semaphore, #tpu.memory_space<semaphore_mem>>
        %dma_wait3A_1054 = arith.constant 0 : i32
        %dma_wait3A_1055 = tpu.memref_slice %arg5[%sub3A_1044, %dma_wait3A_1054, %mul3A_2] : memref<200x64x4096xf32, #tpu.memory_space<hbm>> -> memref<1x64x128xf32, #tpu.memory_space<hbm>>
        %dma_wait3A_1056 = tpu.memref_squeeze %dma_wait3A_1055 : memref<1x64x128xf32, #tpu.memory_space<hbm>> -> memref<64x128xf32, #tpu.memory_space<hbm>>
        %dma_wait3A_1057 = arith.constant 0 : i32
        %dma_wait3A_1058 = arith.constant 0 : i32
        %dma_wait3A_1059 = tpu.memref_slice %arg10[%select_n3A_811, %dma_wait3A_1057, %dma_wait3A_1058] : memref<2x64x128xf32, #tpu.memory_space<vmem>> -> memref<1x64x128xf32, #tpu.memory_space<vmem>>
        %dma_wait3A_1060 = tpu.memref_squeeze %dma_wait3A_1059 : memref<1x64x128xf32, #tpu.memory_space<vmem>> -> memref<64x128xf32, #tpu.memory_space<vmem>>
        tpu.wait_dma2 semaphore(%dma_wait3A_1053 : memref<!tpu.dma_semaphore, #tpu.memory_space<semaphore_mem>>) src(%dma_wait3A_1060 : memref<64x128xf32, #tpu.memory_space<vmem>>) dst(%dma_wait3A_1056 : memref<64x128xf32, #tpu.memory_space<hbm>>)
      } else {
      }
      %get3A_841 = arith.constant 256 : index
      %get3A_842 = tpu.vector_load %arg8[%get3A_841] {strides = array<i32>} : memref<512xi32, #tpu.memory_space<vmem>>, vector<16xi32>,
      %get3A_843 = arith.constant 272 : index
      %get3A_844 = tpu.vector_load %arg8[%get3A_843] {strides = array<i32>} : memref<512xi32, #tpu.memory_space<vmem>>, vector<16xi32>,
      %get3A_845 = arith.constant 288 : index
      %get3A_846 = tpu.vector_load %arg8[%get3A_845] {strides = array<i32>} : memref<512xi32, #tpu.memory_space<vmem>>, vector<16xi32>,
      %get3A_847 = arith.constant 304 : index
      %get3A_848 = tpu.vector_load %arg8[%get3A_847] {strides = array<i32>} : memref<512xi32, #tpu.memory_space<vmem>>, vector<16xi32>,
      %get3A_849 = arith.constant 320 : index
      %get3A_850 = tpu.vector_load %arg8[%get3A_849] {strides = array<i32>} : memref<512xi32, #tpu.memory_space<vmem>>, vector<16xi32>,
      %get3A_851 = arith.constant 336 : index
      %get3A_852 = tpu.vector_load %arg8[%get3A_851] {strides = array<i32>} : memref<512xi32, #tpu.memory_space<vmem>>, vector<16xi32>,
      %get3A_853 = arith.constant 352 : index
      %get3A_854 = tpu.vector_load %arg8[%get3A_853] {strides = array<i32>} : memref<512xi32, #tpu.memory_space<vmem>>, vector<16xi32>,
      %get3A_855 = arith.constant 368 : index
      %get3A_856 = tpu.vector_load %arg8[%get3A_855] {strides = array<i32>} : memref<512xi32, #tpu.memory_space<vmem>>, vector<16xi32>,
      %add3A_857 = arith.constant 0 : i32
      %add3A_858 = vector.broadcast %add3A_857 : i32 to vector<16xi32>
      %add3A_859 = arith.addi %iota3A, %add3A_858 : vector<16xi32>
      %add3A_860 = arith.constant 16 : i32
      %add3A_861 = vector.broadcast %add3A_860 : i32 to vector<16xi32>
      %add3A_862 = arith.addi %iota3A, %add3A_861 : vector<16xi32>
      %add3A_863 = arith.constant 32 : i32
      %add3A_864 = vector.broadcast %add3A_863 : i32 to vector<16xi32>
      %add3A_865 = arith.addi %iota3A, %add3A_864 : vector<16xi32>
      %add3A_866 = arith.constant 48 : i32
      %add3A_867 = vector.broadcast %add3A_866 : i32 to vector<16xi32>
      %add3A_868 = arith.addi %iota3A, %add3A_867 : vector<16xi32>
      %add3A_869 = arith.constant 64 : i32
      %add3A_870 = vector.broadcast %add3A_869 : i32 to vector<16xi32>
      %add3A_871 = arith.addi %iota3A, %add3A_870 : vector<16xi32>
      %add3A_872 = arith.constant 80 : i32
      %add3A_873 = vector.broadcast %add3A_872 : i32 to vector<16xi32>
      %add3A_874 = arith.addi %iota3A, %add3A_873 : vector<16xi32>
      %add3A_875 = arith.constant 96 : i32
      %add3A_876 = vector.broadcast %add3A_875 : i32 to vector<16xi32>
      %add3A_877 = arith.addi %iota3A, %add3A_876 : vector<16xi32>
      %add3A_878 = arith.constant 112 : i32
      %add3A_879 = vector.broadcast %add3A_878 : i32 to vector<16xi32>
      %add3A_880 = arith.addi %iota3A, %add3A_879 : vector<16xi32>
      %scan3A_881 = arith.constant 0 : i32
      %scan3A_882 = arith.constant 2 : i32
      %scan3A_883 = arith.constant 0 : i32
      %scan3A_884 = arith.constant 64 : i32
      %scan3A_885 = arith.addi %scan3A_883, %scan3A_884 : i32
      %scan3A_886 = arith.constant 2 : i32
      scf.for %scan3A_1044 = %scan3A_883 to %scan3A_885 step %scan3A_886  : i32 {
        %shift_right_logical3A_1045 = arith.constant 2 : i32
        %shift_right_logical3A_1046 = arith.shrui %scan3A_1044, %shift_right_logical3A_1045 : i32
        %and3A_1047 = arith.constant 3 : i32
        %and3A_1048 = arith.andi %scan3A_1044, %and3A_1047 : i32
        %shift_left3A_1049 = arith.constant 4 : i32
        %shift_left3A_1050 = arith.shli %and3A_1048, %shift_left3A_1049 : i32
        %add3A_1051 = vector.broadcast %shift_right_logical3A_1046 : i32 to vector<16xi32>
        %add3A_1052 = arith.addi %iota3A, %add3A_1051 : vector<16xi32>
        %and3A_1053 = arith.constant 15 : i32
        %and3A_1054 = vector.broadcast %and3A_1053 : i32 to vector<16xi32>
        %and3A_1055 = arith.andi %add3A_1052, %and3A_1054 : vector<16xi32>
        %add3A_1056 = vector.broadcast %shift_left3A_1050 : i32 to vector<16xi32>
        %add3A_1057 = arith.addi %and3A_1055, %add3A_1056 : vector<16xi32>
        %add3A_1058 = arith.constant 128 : i32
        %add3A_1059 = vector.broadcast %add3A_1058 : i32 to vector<16xi32>
        %add3A_1060 = arith.addi %add3A_1057, %add3A_1059 : vector<16xi32>
        %gather3A = tpu.vector_load_idx %arg11[%add3A_1060] : memref<256xf32, #tpu.memory_space<vmem>>[vector<16xi32>], vector<16xf32>,
        %add3A_1061 = arith.addi %get3A_842, %add3A_1057 : vector<16xi32>
        %gather3A_1062 = arith.constant 0 : i32
        %gather3A_1063 = arith.constant 0 : i32
        %gather3A_1064 = tpu.memref_slice %arg9[%scan3A_882, %gather3A_1062, %gather3A_1063] : memref<4x128x128xf32, #tpu.memory_space<vmem>> -> memref<1x128x128xf32, #tpu.memory_space<vmem>>
        %gather3A_1065 = tpu.memref_squeeze %gather3A_1064 : memref<1x128x128xf32, #tpu.memory_space<vmem>> -> memref<128x128xf32, #tpu.memory_space<vmem>>
        %gather3A_1066 = tpu.vector_load_idx %gather3A_1065[%add3A_859, %add3A_1061] : memref<128x128xf32, #tpu.memory_space<vmem>>[vector<16xi32>, vector<16xi32>], vector<16xf32>,
        %add3A_1067 = arith.addf %gather3A_1066, %gather3A : vector<16xf32>
        %scatter3A = arith.constant 0 : i32
        %scatter3A_1068 = arith.constant 0 : i32
        %scatter3A_1069 = tpu.memref_slice %arg10[%select_n3A_811, %scatter3A, %scatter3A_1068] : memref<2x64x128xf32, #tpu.memory_space<vmem>> -> memref<1x64x128xf32, #tpu.memory_space<vmem>>
        %scatter3A_1070 = tpu.memref_squeeze %scatter3A_1069 : memref<1x64x128xf32, #tpu.memory_space<vmem>> -> memref<64x128xf32, #tpu.memory_space<vmem>>
        tpu.vector_store_idx %scatter3A_1070[%add3A_1057, %add3A_859], %add3A_1067 : memref<64x128xf32, #tpu.memory_space<vmem>>[vector<16xi32>, vector<16xi32>], vector<16xf32>,
        %add3A_1071 = arith.addi %get3A_844, %add3A_1057 : vector<16xi32>
        %gather3A_1072 = arith.constant 0 : i32
        %gather3A_1073 = arith.constant 0 : i32
        %gather3A_1074 = tpu.memref_slice %arg9[%scan3A_882, %gather3A_1072, %gather3A_1073] : memref<4x128x128xf32, #tpu.memory_space<vmem>> -> memref<1x128x128xf32, #tpu.memory_space<vmem>>
        %gather3A_1075 = tpu.memref_squeeze %gather3A_1074 : memref<1x128x128xf32, #tpu.memory_space<vmem>> -> memref<128x128xf32, #tpu.memory_space<vmem>>
        %gather3A_1076 = tpu.vector_load_idx %gather3A_1075[%add3A_862, %add3A_1071] : memref<128x128xf32, #tpu.memory_space<vmem>>[vector<16xi32>, vector<16xi32>], vector<16xf32>,
        %add3A_1077 = arith.addf %gather3A_1076, %gather3A : vector<16xf32>
        %scatter3A_1078 = arith.constant 0 : i32
        %scatter3A_1079 = arith.constant 0 : i32
        %scatter3A_1080 = tpu.memref_slice %arg10[%select_n3A_811, %scatter3A_1078, %scatter3A_1079] : memref<2x64x128xf32, #tpu.memory_space<vmem>> -> memref<1x64x128xf32, #tpu.memory_space<vmem>>
        %scatter3A_1081 = tpu.memref_squeeze %scatter3A_1080 : memref<1x64x128xf32, #tpu.memory_space<vmem>> -> memref<64x128xf32, #tpu.memory_space<vmem>>
        tpu.vector_store_idx %scatter3A_1081[%add3A_1057, %add3A_862], %add3A_1077 : memref<64x128xf32, #tpu.memory_space<vmem>>[vector<16xi32>, vector<16xi32>], vector<16xf32>,
        %add3A_1082 = arith.addi %get3A_846, %add3A_1057 : vector<16xi32>
        %gather3A_1083 = arith.constant 0 : i32
        %gather3A_1084 = arith.constant 0 : i32
        %gather3A_1085 = tpu.memref_slice %arg9[%scan3A_882, %gather3A_1083, %gather3A_1084] : memref<4x128x128xf32, #tpu.memory_space<vmem>> -> memref<1x128x128xf32, #tpu.memory_space<vmem>>
        %gather3A_1086 = tpu.memref_squeeze %gather3A_1085 : memref<1x128x128xf32, #tpu.memory_space<vmem>> -> memref<128x128xf32, #tpu.memory_space<vmem>>
        %gather3A_1087 = tpu.vector_load_idx %gather3A_1086[%add3A_865, %add3A_1082] : memref<128x128xf32, #tpu.memory_space<vmem>>[vector<16xi32>, vector<16xi32>], vector<16xf32>,
        %add3A_1088 = arith.addf %gather3A_1087, %gather3A : vector<16xf32>
        %scatter3A_1089 = arith.constant 0 : i32
        %scatter3A_1090 = arith.constant 0 : i32
        %scatter3A_1091 = tpu.memref_slice %arg10[%select_n3A_811, %scatter3A_1089, %scatter3A_1090] : memref<2x64x128xf32, #tpu.memory_space<vmem>> -> memref<1x64x128xf32, #tpu.memory_space<vmem>>
        %scatter3A_1092 = tpu.memref_squeeze %scatter3A_1091 : memref<1x64x128xf32, #tpu.memory_space<vmem>> -> memref<64x128xf32, #tpu.memory_space<vmem>>
        tpu.vector_store_idx %scatter3A_1092[%add3A_1057, %add3A_865], %add3A_1088 : memref<64x128xf32, #tpu.memory_space<vmem>>[vector<16xi32>, vector<16xi32>], vector<16xf32>,
        %add3A_1093 = arith.addi %get3A_848, %add3A_1057 : vector<16xi32>
        %gather3A_1094 = arith.constant 0 : i32
        %gather3A_1095 = arith.constant 0 : i32
        %gather3A_1096 = tpu.memref_slice %arg9[%scan3A_882, %gather3A_1094, %gather3A_1095] : memref<4x128x128xf32, #tpu.memory_space<vmem>> -> memref<1x128x128xf32, #tpu.memory_space<vmem>>
        %gather3A_1097 = tpu.memref_squeeze %gather3A_1096 : memref<1x128x128xf32, #tpu.memory_space<vmem>> -> memref<128x128xf32, #tpu.memory_space<vmem>>
        %gather3A_1098 = tpu.vector_load_idx %gather3A_1097[%add3A_868, %add3A_1093] : memref<128x128xf32, #tpu.memory_space<vmem>>[vector<16xi32>, vector<16xi32>], vector<16xf32>,
        %add3A_1099 = arith.addf %gather3A_1098, %gather3A : vector<16xf32>
        %scatter3A_1100 = arith.constant 0 : i32
        %scatter3A_1101 = arith.constant 0 : i32
        %scatter3A_1102 = tpu.memref_slice %arg10[%select_n3A_811, %scatter3A_1100, %scatter3A_1101] : memref<2x64x128xf32, #tpu.memory_space<vmem>> -> memref<1x64x128xf32, #tpu.memory_space<vmem>>
        %scatter3A_1103 = tpu.memref_squeeze %scatter3A_1102 : memref<1x64x128xf32, #tpu.memory_space<vmem>> -> memref<64x128xf32, #tpu.memory_space<vmem>>
        tpu.vector_store_idx %scatter3A_1103[%add3A_1057, %add3A_868], %add3A_1099 : memref<64x128xf32, #tpu.memory_space<vmem>>[vector<16xi32>, vector<16xi32>], vector<16xf32>,
        %add3A_1104 = arith.addi %get3A_850, %add3A_1057 : vector<16xi32>
        %gather3A_1105 = arith.constant 0 : i32
        %gather3A_1106 = arith.constant 0 : i32
        %gather3A_1107 = tpu.memref_slice %arg9[%scan3A_882, %gather3A_1105, %gather3A_1106] : memref<4x128x128xf32, #tpu.memory_space<vmem>> -> memref<1x128x128xf32, #tpu.memory_space<vmem>>
        %gather3A_1108 = tpu.memref_squeeze %gather3A_1107 : memref<1x128x128xf32, #tpu.memory_space<vmem>> -> memref<128x128xf32, #tpu.memory_space<vmem>>
        %gather3A_1109 = tpu.vector_load_idx %gather3A_1108[%add3A_871, %add3A_1104] : memref<128x128xf32, #tpu.memory_space<vmem>>[vector<16xi32>, vector<16xi32>], vector<16xf32>,
        %add3A_1110 = arith.addf %gather3A_1109, %gather3A : vector<16xf32>
        %scatter3A_1111 = arith.constant 0 : i32
        %scatter3A_1112 = arith.constant 0 : i32
        %scatter3A_1113 = tpu.memref_slice %arg10[%select_n3A_811, %scatter3A_1111, %scatter3A_1112] : memref<2x64x128xf32, #tpu.memory_space<vmem>> -> memref<1x64x128xf32, #tpu.memory_space<vmem>>
        %scatter3A_1114 = tpu.memref_squeeze %scatter3A_1113 : memref<1x64x128xf32, #tpu.memory_space<vmem>> -> memref<64x128xf32, #tpu.memory_space<vmem>>
        tpu.vector_store_idx %scatter3A_1114[%add3A_1057, %add3A_871], %add3A_1110 : memref<64x128xf32, #tpu.memory_space<vmem>>[vector<16xi32>, vector<16xi32>], vector<16xf32>,
        %add3A_1115 = arith.addi %get3A_852, %add3A_1057 : vector<16xi32>
        %gather3A_1116 = arith.constant 0 : i32
        %gather3A_1117 = arith.constant 0 : i32
        %gather3A_1118 = tpu.memref_slice %arg9[%scan3A_882, %gather3A_1116, %gather3A_1117] : memref<4x128x128xf32, #tpu.memory_space<vmem>> -> memref<1x128x128xf32, #tpu.memory_space<vmem>>
        %gather3A_1119 = tpu.memref_squeeze %gather3A_1118 : memref<1x128x128xf32, #tpu.memory_space<vmem>> -> memref<128x128xf32, #tpu.memory_space<vmem>>
        %gather3A_1120 = tpu.vector_load_idx %gather3A_1119[%add3A_874, %add3A_1115] : memref<128x128xf32, #tpu.memory_space<vmem>>[vector<16xi32>, vector<16xi32>], vector<16xf32>,
        %add3A_1121 = arith.addf %gather3A_1120, %gather3A : vector<16xf32>
        %scatter3A_1122 = arith.constant 0 : i32
        %scatter3A_1123 = arith.constant 0 : i32
        %scatter3A_1124 = tpu.memref_slice %arg10[%select_n3A_811, %scatter3A_1122, %scatter3A_1123] : memref<2x64x128xf32, #tpu.memory_space<vmem>> -> memref<1x64x128xf32, #tpu.memory_space<vmem>>
        %scatter3A_1125 = tpu.memref_squeeze %scatter3A_1124 : memref<1x64x128xf32, #tpu.memory_space<vmem>> -> memref<64x128xf32, #tpu.memory_space<vmem>>
        tpu.vector_store_idx %scatter3A_1125[%add3A_1057, %add3A_874], %add3A_1121 : memref<64x128xf32, #tpu.memory_space<vmem>>[vector<16xi32>, vector<16xi32>], vector<16xf32>,
        %add3A_1126 = arith.addi %get3A_854, %add3A_1057 : vector<16xi32>
        %gather3A_1127 = arith.constant 0 : i32
        %gather3A_1128 = arith.constant 0 : i32
        %gather3A_1129 = tpu.memref_slice %arg9[%scan3A_882, %gather3A_1127, %gather3A_1128] : memref<4x128x128xf32, #tpu.memory_space<vmem>> -> memref<1x128x128xf32, #tpu.memory_space<vmem>>
        %gather3A_1130 = tpu.memref_squeeze %gather3A_1129 : memref<1x128x128xf32, #tpu.memory_space<vmem>> -> memref<128x128xf32, #tpu.memory_space<vmem>>
        %gather3A_1131 = tpu.vector_load_idx %gather3A_1130[%add3A_877, %add3A_1126] : memref<128x128xf32, #tpu.memory_space<vmem>>[vector<16xi32>, vector<16xi32>], vector<16xf32>,
        %add3A_1132 = arith.addf %gather3A_1131, %gather3A : vector<16xf32>
        %scatter3A_1133 = arith.constant 0 : i32
        %scatter3A_1134 = arith.constant 0 : i32
        %scatter3A_1135 = tpu.memref_slice %arg10[%select_n3A_811, %scatter3A_1133, %scatter3A_1134] : memref<2x64x128xf32, #tpu.memory_space<vmem>> -> memref<1x64x128xf32, #tpu.memory_space<vmem>>
        %scatter3A_1136 = tpu.memref_squeeze %scatter3A_1135 : memref<1x64x128xf32, #tpu.memory_space<vmem>> -> memref<64x128xf32, #tpu.memory_space<vmem>>
        tpu.vector_store_idx %scatter3A_1136[%add3A_1057, %add3A_877], %add3A_1132 : memref<64x128xf32, #tpu.memory_space<vmem>>[vector<16xi32>, vector<16xi32>], vector<16xf32>,
        %add3A_1137 = arith.addi %get3A_856, %add3A_1057 : vector<16xi32>
        %gather3A_1138 = arith.constant 0 : i32
        %gather3A_1139 = arith.constant 0 : i32
        %gather3A_1140 = tpu.memref_slice %arg9[%scan3A_882, %gather3A_1138, %gather3A_1139] : memref<4x128x128xf32, #tpu.memory_space<vmem>> -> memref<1x128x128xf32, #tpu.memory_space<vmem>>
        %gather3A_1141 = tpu.memref_squeeze %gather3A_1140 : memref<1x128x128xf32, #tpu.memory_space<vmem>> -> memref<128x128xf32, #tpu.memory_space<vmem>>
        %gather3A_1142 = tpu.vector_load_idx %gather3A_1141[%add3A_880, %add3A_1137] : memref<128x128xf32, #tpu.memory_space<vmem>>[vector<16xi32>, vector<16xi32>], vector<16xf32>,
        %add3A_1143 = arith.addf %gather3A_1142, %gather3A : vector<16xf32>
        %scatter3A_1144 = arith.constant 0 : i32
        %scatter3A_1145 = arith.constant 0 : i32
        %scatter3A_1146 = tpu.memref_slice %arg10[%select_n3A_811, %scatter3A_1144, %scatter3A_1145] : memref<2x64x128xf32, #tpu.memory_space<vmem>> -> memref<1x64x128xf32, #tpu.memory_space<vmem>>
        %scatter3A_1147 = tpu.memref_squeeze %scatter3A_1146 : memref<1x64x128xf32, #tpu.memory_space<vmem>> -> memref<64x128xf32, #tpu.memory_space<vmem>>
        tpu.vector_store_idx %scatter3A_1147[%add3A_1057, %add3A_880], %add3A_1143 : memref<64x128xf32, #tpu.memory_space<vmem>>[vector<16xi32>, vector<16xi32>], vector<16xf32>,
        %scan3A_1148 = arith.constant 1 : i32
        %scan3A_1149 = arith.addi %scan3A_1044, %scan3A_1148 : i32
        %shift_right_logical3A_1150 = arith.constant 2 : i32
        %shift_right_logical3A_1151 = arith.shrui %scan3A_1149, %shift_right_logical3A_1150 : i32
        %and3A_1152 = arith.constant 3 : i32
        %and3A_1153 = arith.andi %scan3A_1149, %and3A_1152 : i32
        %shift_left3A_1154 = arith.constant 4 : i32
        %shift_left3A_1155 = arith.shli %and3A_1153, %shift_left3A_1154 : i32
        %add3A_1156 = vector.broadcast %shift_right_logical3A_1151 : i32 to vector<16xi32>
        %add3A_1157 = arith.addi %iota3A, %add3A_1156 : vector<16xi32>
        %and3A_1158 = arith.constant 15 : i32
        %and3A_1159 = vector.broadcast %and3A_1158 : i32 to vector<16xi32>
        %and3A_1160 = arith.andi %add3A_1157, %and3A_1159 : vector<16xi32>
        %add3A_1161 = vector.broadcast %shift_left3A_1155 : i32 to vector<16xi32>
        %add3A_1162 = arith.addi %and3A_1160, %add3A_1161 : vector<16xi32>
        %add3A_1163 = arith.constant 128 : i32
        %add3A_1164 = vector.broadcast %add3A_1163 : i32 to vector<16xi32>
        %add3A_1165 = arith.addi %add3A_1162, %add3A_1164 : vector<16xi32>
        %gather3A_1166 = tpu.vector_load_idx %arg11[%add3A_1165] : memref<256xf32, #tpu.memory_space<vmem>>[vector<16xi32>], vector<16xf32>,
        %add3A_1167 = arith.addi %get3A_842, %add3A_1162 : vector<16xi32>
        %gather3A_1168 = arith.constant 0 : i32
        %gather3A_1169 = arith.constant 0 : i32
        %gather3A_1170 = tpu.memref_slice %arg9[%scan3A_882, %gather3A_1168, %gather3A_1169] : memref<4x128x128xf32, #tpu.memory_space<vmem>> -> memref<1x128x128xf32, #tpu.memory_space<vmem>>
        %gather3A_1171 = tpu.memref_squeeze %gather3A_1170 : memref<1x128x128xf32, #tpu.memory_space<vmem>> -> memref<128x128xf32, #tpu.memory_space<vmem>>
        %gather3A_1172 = tpu.vector_load_idx %gather3A_1171[%add3A_859, %add3A_1167] : memref<128x128xf32, #tpu.memory_space<vmem>>[vector<16xi32>, vector<16xi32>], vector<16xf32>,
        %add3A_1173 = arith.addf %gather3A_1172, %gather3A_1166 : vector<16xf32>
        %scatter3A_1174 = arith.constant 0 : i32
        %scatter3A_1175 = arith.constant 0 : i32
        %scatter3A_1176 = tpu.memref_slice %arg10[%select_n3A_811, %scatter3A_1174, %scatter3A_1175] : memref<2x64x128xf32, #tpu.memory_space<vmem>> -> memref<1x64x128xf32, #tpu.memory_space<vmem>>
        %scatter3A_1177 = tpu.memref_squeeze %scatter3A_1176 : memref<1x64x128xf32, #tpu.memory_space<vmem>> -> memref<64x128xf32, #tpu.memory_space<vmem>>
        tpu.vector_store_idx %scatter3A_1177[%add3A_1162, %add3A_859], %add3A_1173 : memref<64x128xf32, #tpu.memory_space<vmem>>[vector<16xi32>, vector<16xi32>], vector<16xf32>,
        %add3A_1178 = arith.addi %get3A_844, %add3A_1162 : vector<16xi32>
        %gather3A_1179 = arith.constant 0 : i32
        %gather3A_1180 = arith.constant 0 : i32
        %gather3A_1181 = tpu.memref_slice %arg9[%scan3A_882, %gather3A_1179, %gather3A_1180] : memref<4x128x128xf32, #tpu.memory_space<vmem>> -> memref<1x128x128xf32, #tpu.memory_space<vmem>>
        %gather3A_1182 = tpu.memref_squeeze %gather3A_1181 : memref<1x128x128xf32, #tpu.memory_space<vmem>> -> memref<128x128xf32, #tpu.memory_space<vmem>>
        %gather3A_1183 = tpu.vector_load_idx %gather3A_1182[%add3A_862, %add3A_1178] : memref<128x128xf32, #tpu.memory_space<vmem>>[vector<16xi32>, vector<16xi32>], vector<16xf32>,
        %add3A_1184 = arith.addf %gather3A_1183, %gather3A_1166 : vector<16xf32>
        %scatter3A_1185 = arith.constant 0 : i32
        %scatter3A_1186 = arith.constant 0 : i32
        %scatter3A_1187 = tpu.memref_slice %arg10[%select_n3A_811, %scatter3A_1185, %scatter3A_1186] : memref<2x64x128xf32, #tpu.memory_space<vmem>> -> memref<1x64x128xf32, #tpu.memory_space<vmem>>
        %scatter3A_1188 = tpu.memref_squeeze %scatter3A_1187 : memref<1x64x128xf32, #tpu.memory_space<vmem>> -> memref<64x128xf32, #tpu.memory_space<vmem>>
        tpu.vector_store_idx %scatter3A_1188[%add3A_1162, %add3A_862], %add3A_1184 : memref<64x128xf32, #tpu.memory_space<vmem>>[vector<16xi32>, vector<16xi32>], vector<16xf32>,
        %add3A_1189 = arith.addi %get3A_846, %add3A_1162 : vector<16xi32>
        %gather3A_1190 = arith.constant 0 : i32
        %gather3A_1191 = arith.constant 0 : i32
        %gather3A_1192 = tpu.memref_slice %arg9[%scan3A_882, %gather3A_1190, %gather3A_1191] : memref<4x128x128xf32, #tpu.memory_space<vmem>> -> memref<1x128x128xf32, #tpu.memory_space<vmem>>
        %gather3A_1193 = tpu.memref_squeeze %gather3A_1192 : memref<1x128x128xf32, #tpu.memory_space<vmem>> -> memref<128x128xf32, #tpu.memory_space<vmem>>
        %gather3A_1194 = tpu.vector_load_idx %gather3A_1193[%add3A_865, %add3A_1189] : memref<128x128xf32, #tpu.memory_space<vmem>>[vector<16xi32>, vector<16xi32>], vector<16xf32>,
        %add3A_1195 = arith.addf %gather3A_1194, %gather3A_1166 : vector<16xf32>
        %scatter3A_1196 = arith.constant 0 : i32
        %scatter3A_1197 = arith.constant 0 : i32
        %scatter3A_1198 = tpu.memref_slice %arg10[%select_n3A_811, %scatter3A_1196, %scatter3A_1197] : memref<2x64x128xf32, #tpu.memory_space<vmem>> -> memref<1x64x128xf32, #tpu.memory_space<vmem>>
        %scatter3A_1199 = tpu.memref_squeeze %scatter3A_1198 : memref<1x64x128xf32, #tpu.memory_space<vmem>> -> memref<64x128xf32, #tpu.memory_space<vmem>>
        tpu.vector_store_idx %scatter3A_1199[%add3A_1162, %add3A_865], %add3A_1195 : memref<64x128xf32, #tpu.memory_space<vmem>>[vector<16xi32>, vector<16xi32>], vector<16xf32>,
        %add3A_1200 = arith.addi %get3A_848, %add3A_1162 : vector<16xi32>
        %gather3A_1201 = arith.constant 0 : i32
        %gather3A_1202 = arith.constant 0 : i32
        %gather3A_1203 = tpu.memref_slice %arg9[%scan3A_882, %gather3A_1201, %gather3A_1202] : memref<4x128x128xf32, #tpu.memory_space<vmem>> -> memref<1x128x128xf32, #tpu.memory_space<vmem>>
        %gather3A_1204 = tpu.memref_squeeze %gather3A_1203 : memref<1x128x128xf32, #tpu.memory_space<vmem>> -> memref<128x128xf32, #tpu.memory_space<vmem>>
        %gather3A_1205 = tpu.vector_load_idx %gather3A_1204[%add3A_868, %add3A_1200] : memref<128x128xf32, #tpu.memory_space<vmem>>[vector<16xi32>, vector<16xi32>], vector<16xf32>,
        %add3A_1206 = arith.addf %gather3A_1205, %gather3A_1166 : vector<16xf32>
        %scatter3A_1207 = arith.constant 0 : i32
        %scatter3A_1208 = arith.constant 0 : i32
        %scatter3A_1209 = tpu.memref_slice %arg10[%select_n3A_811, %scatter3A_1207, %scatter3A_1208] : memref<2x64x128xf32, #tpu.memory_space<vmem>> -> memref<1x64x128xf32, #tpu.memory_space<vmem>>
        %scatter3A_1210 = tpu.memref_squeeze %scatter3A_1209 : memref<1x64x128xf32, #tpu.memory_space<vmem>> -> memref<64x128xf32, #tpu.memory_space<vmem>>
        tpu.vector_store_idx %scatter3A_1210[%add3A_1162, %add3A_868], %add3A_1206 : memref<64x128xf32, #tpu.memory_space<vmem>>[vector<16xi32>, vector<16xi32>], vector<16xf32>,
        %add3A_1211 = arith.addi %get3A_850, %add3A_1162 : vector<16xi32>
        %gather3A_1212 = arith.constant 0 : i32
        %gather3A_1213 = arith.constant 0 : i32
        %gather3A_1214 = tpu.memref_slice %arg9[%scan3A_882, %gather3A_1212, %gather3A_1213] : memref<4x128x128xf32, #tpu.memory_space<vmem>> -> memref<1x128x128xf32, #tpu.memory_space<vmem>>
        %gather3A_1215 = tpu.memref_squeeze %gather3A_1214 : memref<1x128x128xf32, #tpu.memory_space<vmem>> -> memref<128x128xf32, #tpu.memory_space<vmem>>
        %gather3A_1216 = tpu.vector_load_idx %gather3A_1215[%add3A_871, %add3A_1211] : memref<128x128xf32, #tpu.memory_space<vmem>>[vector<16xi32>, vector<16xi32>], vector<16xf32>,
        %add3A_1217 = arith.addf %gather3A_1216, %gather3A_1166 : vector<16xf32>
        %scatter3A_1218 = arith.constant 0 : i32
        %scatter3A_1219 = arith.constant 0 : i32
        %scatter3A_1220 = tpu.memref_slice %arg10[%select_n3A_811, %scatter3A_1218, %scatter3A_1219] : memref<2x64x128xf32, #tpu.memory_space<vmem>> -> memref<1x64x128xf32, #tpu.memory_space<vmem>>
        %scatter3A_1221 = tpu.memref_squeeze %scatter3A_1220 : memref<1x64x128xf32, #tpu.memory_space<vmem>> -> memref<64x128xf32, #tpu.memory_space<vmem>>
        tpu.vector_store_idx %scatter3A_1221[%add3A_1162, %add3A_871], %add3A_1217 : memref<64x128xf32, #tpu.memory_space<vmem>>[vector<16xi32>, vector<16xi32>], vector<16xf32>,
        %add3A_1222 = arith.addi %get3A_852, %add3A_1162 : vector<16xi32>
        %gather3A_1223 = arith.constant 0 : i32
        %gather3A_1224 = arith.constant 0 : i32
        %gather3A_1225 = tpu.memref_slice %arg9[%scan3A_882, %gather3A_1223, %gather3A_1224] : memref<4x128x128xf32, #tpu.memory_space<vmem>> -> memref<1x128x128xf32, #tpu.memory_space<vmem>>
        %gather3A_1226 = tpu.memref_squeeze %gather3A_1225 : memref<1x128x128xf32, #tpu.memory_space<vmem>> -> memref<128x128xf32, #tpu.memory_space<vmem>>
        %gather3A_1227 = tpu.vector_load_idx %gather3A_1226[%add3A_874, %add3A_1222] : memref<128x128xf32, #tpu.memory_space<vmem>>[vector<16xi32>, vector<16xi32>], vector<16xf32>,
        %add3A_1228 = arith.addf %gather3A_1227, %gather3A_1166 : vector<16xf32>
        %scatter3A_1229 = arith.constant 0 : i32
        %scatter3A_1230 = arith.constant 0 : i32
        %scatter3A_1231 = tpu.memref_slice %arg10[%select_n3A_811, %scatter3A_1229, %scatter3A_1230] : memref<2x64x128xf32, #tpu.memory_space<vmem>> -> memref<1x64x128xf32, #tpu.memory_space<vmem>>
        %scatter3A_1232 = tpu.memref_squeeze %scatter3A_1231 : memref<1x64x128xf32, #tpu.memory_space<vmem>> -> memref<64x128xf32, #tpu.memory_space<vmem>>
        tpu.vector_store_idx %scatter3A_1232[%add3A_1162, %add3A_874], %add3A_1228 : memref<64x128xf32, #tpu.memory_space<vmem>>[vector<16xi32>, vector<16xi32>], vector<16xf32>,
        %add3A_1233 = arith.addi %get3A_854, %add3A_1162 : vector<16xi32>
        %gather3A_1234 = arith.constant 0 : i32
        %gather3A_1235 = arith.constant 0 : i32
        %gather3A_1236 = tpu.memref_slice %arg9[%scan3A_882, %gather3A_1234, %gather3A_1235] : memref<4x128x128xf32, #tpu.memory_space<vmem>> -> memref<1x128x128xf32, #tpu.memory_space<vmem>>
        %gather3A_1237 = tpu.memref_squeeze %gather3A_1236 : memref<1x128x128xf32, #tpu.memory_space<vmem>> -> memref<128x128xf32, #tpu.memory_space<vmem>>
        %gather3A_1238 = tpu.vector_load_idx %gather3A_1237[%add3A_877, %add3A_1233] : memref<128x128xf32, #tpu.memory_space<vmem>>[vector<16xi32>, vector<16xi32>], vector<16xf32>,
        %add3A_1239 = arith.addf %gather3A_1238, %gather3A_1166 : vector<16xf32>
        %scatter3A_1240 = arith.constant 0 : i32
        %scatter3A_1241 = arith.constant 0 : i32
        %scatter3A_1242 = tpu.memref_slice %arg10[%select_n3A_811, %scatter3A_1240, %scatter3A_1241] : memref<2x64x128xf32, #tpu.memory_space<vmem>> -> memref<1x64x128xf32, #tpu.memory_space<vmem>>
        %scatter3A_1243 = tpu.memref_squeeze %scatter3A_1242 : memref<1x64x128xf32, #tpu.memory_space<vmem>> -> memref<64x128xf32, #tpu.memory_space<vmem>>
        tpu.vector_store_idx %scatter3A_1243[%add3A_1162, %add3A_877], %add3A_1239 : memref<64x128xf32, #tpu.memory_space<vmem>>[vector<16xi32>, vector<16xi32>], vector<16xf32>,
        %add3A_1244 = arith.addi %get3A_856, %add3A_1162 : vector<16xi32>
        %gather3A_1245 = arith.constant 0 : i32
        %gather3A_1246 = arith.constant 0 : i32
        %gather3A_1247 = tpu.memref_slice %arg9[%scan3A_882, %gather3A_1245, %gather3A_1246] : memref<4x128x128xf32, #tpu.memory_space<vmem>> -> memref<1x128x128xf32, #tpu.memory_space<vmem>>
        %gather3A_1248 = tpu.memref_squeeze %gather3A_1247 : memref<1x128x128xf32, #tpu.memory_space<vmem>> -> memref<128x128xf32, #tpu.memory_space<vmem>>
        %gather3A_1249 = tpu.vector_load_idx %gather3A_1248[%add3A_880, %add3A_1244] : memref<128x128xf32, #tpu.memory_space<vmem>>[vector<16xi32>, vector<16xi32>], vector<16xf32>,
        %add3A_1250 = arith.addf %gather3A_1249, %gather3A_1166 : vector<16xf32>
        %scatter3A_1251 = arith.constant 0 : i32
        %scatter3A_1252 = arith.constant 0 : i32
        %scatter3A_1253 = tpu.memref_slice %arg10[%select_n3A_811, %scatter3A_1251, %scatter3A_1252] : memref<2x64x128xf32, #tpu.memory_space<vmem>> -> memref<1x64x128xf32, #tpu.memory_space<vmem>>
        %scatter3A_1254 = tpu.memref_squeeze %scatter3A_1253 : memref<1x64x128xf32, #tpu.memory_space<vmem>> -> memref<64x128xf32, #tpu.memory_space<vmem>>
        tpu.vector_store_idx %scatter3A_1254[%add3A_1162, %add3A_880], %add3A_1250 : memref<64x128xf32, #tpu.memory_space<vmem>>[vector<16xi32>, vector<16xi32>], vector<16xf32>,
      }
      %scan3A_887 = arith.constant 64 : i32
      %dma_start3A_888 = arith.constant 0 : i32
      %dma_start3A_889 = arith.constant 0 : i32
      %dma_start3A_890 = tpu.memref_slice %arg10[%select_n3A_811, %dma_start3A_888, %dma_start3A_889] : memref<2x64x128xf32, #tpu.memory_space<vmem>> -> memref<1x64x128xf32, #tpu.memory_space<vmem>>
      %dma_start3A_891 = tpu.memref_squeeze %dma_start3A_890 : memref<1x64x128xf32, #tpu.memory_space<vmem>> -> memref<64x128xf32, #tpu.memory_space<vmem>>
      %dma_start3A_892 = arith.constant 0 : i32
      %dma_start3A_893 = tpu.memref_slice %arg5[%add3A_795, %dma_start3A_892, %mul3A_2] : memref<200x64x4096xf32, #tpu.memory_space<hbm>> -> memref<1x64x128xf32, #tpu.memory_space<hbm>>
      %dma_start3A_894 = tpu.memref_squeeze %dma_start3A_893 : memref<1x64x128xf32, #tpu.memory_space<hbm>> -> memref<64x128xf32, #tpu.memory_space<hbm>>
      %dma_start3A_895 = tpu.memref_slice %arg13[%select_n3A_811] : memref<2x!tpu.dma_semaphore, #tpu.memory_space<semaphore_mem>> -> memref<1x!tpu.dma_semaphore, #tpu.memory_space<semaphore_mem>>
      %dma_start3A_896 = tpu.memref_squeeze %dma_start3A_895 : memref<1x!tpu.dma_semaphore, #tpu.memory_space<semaphore_mem>> -> memref<!tpu.dma_semaphore, #tpu.memory_space<semaphore_mem>>
      %dma_start3A_897 = arith.constant 0 : i32
      %dma_start3A_898 = tpu.memref_slice %arg5[%add3A_795, %dma_start3A_897, %mul3A_2] : memref<200x64x4096xf32, #tpu.memory_space<hbm>> -> memref<1x64x128xf32, #tpu.memory_space<hbm>>
      %dma_start3A_899 = tpu.memref_squeeze %dma_start3A_898 : memref<1x64x128xf32, #tpu.memory_space<hbm>> -> memref<64x128xf32, #tpu.memory_space<hbm>>
      %dma_start3A_900 = arith.constant 0 : i32
      %dma_start3A_901 = arith.constant 0 : i32
      %dma_start3A_902 = tpu.memref_slice %arg10[%select_n3A_811, %dma_start3A_900, %dma_start3A_901] : memref<2x64x128xf32, #tpu.memory_space<vmem>> -> memref<1x64x128xf32, #tpu.memory_space<vmem>>
      %dma_start3A_903 = tpu.memref_squeeze %dma_start3A_902 : memref<1x64x128xf32, #tpu.memory_space<vmem>> -> memref<64x128xf32, #tpu.memory_space<vmem>>
      tpu.enqueue_dma source(%dma_start3A_903 : memref<64x128xf32, #tpu.memory_space<vmem>>) target(%dma_start3A_899 : memref<64x128xf32, #tpu.memory_space<hbm>>) target_semaphore(%dma_start3A_896 : memref<!tpu.dma_semaphore, #tpu.memory_space<semaphore_mem>>)
      %add3A_904 = arith.constant 3 : i32
      %add3A_905 = arith.addi %add3A_795, %add3A_904 : i32
      %add3A_906 = arith.constant 1 : i32
      %add3A_907 = arith.addi %add3A_905, %add3A_906 : i32
      %lt3A_908 = arith.constant 200 : i32
      %lt3A_909 = arith.cmpi slt, %add3A_907, %lt3A_908 : i32
      %convert_element_type3A_910 = arith.extui %lt3A_909 : i1 to i32
      %cond3A_911 = arith.constant 0 : i32
      %cond3A_912 = arith.cmpi ne, %convert_element_type3A_910, %cond3A_911 : i32
      scf.if %cond3A_912 {
        %add3A_1044 = arith.constant 1 : i32
        %add3A_1045 = arith.addi %add3A_905, %add3A_1044 : i32
        %jit3A_1046 = arith.constant 4 : i32
        %eq3A_1047 = arith.constant 0 : i32
        %eq3A_1048 = arith.cmpi eq, %jit3A_1046, %eq3A_1047 : i32
        %jit3A_1049 = arith.constant 1 : i32
        %select_n3A_1050 = arith.select %eq3A_1048, %jit3A_1049, %jit3A_1046 : i32
        %rem3A_1051 = arith.remsi %add3A_1045, %select_n3A_1050 : i32
        %ne3A_1052 = arith.constant 0 : i32
        %ne3A_1053 = arith.cmpi ne, %rem3A_1051, %ne3A_1052 : i32
        %lt3A_1054 = arith.constant 0 : i32
        %lt3A_1055 = arith.cmpi slt, %rem3A_1051, %lt3A_1054 : i32
        %lt3A_1056 = arith.constant 0 : i32
        %lt3A_1057 = arith.cmpi slt, %select_n3A_1050, %lt3A_1056 : i32
        %ne3A_1058 = arith.xori %lt3A_1055, %lt3A_1057 : i1
        %and3A_1059 = arith.andi %ne3A_1058, %ne3A_1053 : i1
        %add3A_1060 = arith.addi %rem3A_1051, %select_n3A_1050 : i32
        %select_n3A_1061 = arith.select %and3A_1059, %add3A_1060, %rem3A_1051 : i32
        %add3A_1062 = arith.constant 1 : i32
        %add3A_1063 = arith.addi %add3A_905, %add3A_1062 : i32
        %mul3A_1064 = arith.constant 128 : i32
        %mul3A_1065 = arith.muli %select_n3A_1061, %mul3A_1064 : i32
        %mul3A_1066 = arith.constant 4096 : i32
        %mul3A_1067 = arith.muli %add3A_1063, %mul3A_1066 : i32
        %add3A_1068 = arith.addi %mul3A_1067, %mul3A_2 : i32
        %dma_start3A_1069 = tpu.memref_slice %arg6[%mul3A_1065] : memref<512xi32, #tpu.memory_space<vmem>> -> memref<128xi32, #tpu.memory_space<vmem>>
        %dma_start3A_1070 = tpu.memref_slice %arg2[%add3A_1068] : memref<819200xi32, #tpu.memory_space<hbm>> -> memref<128xi32, #tpu.memory_space<hbm>>
        %dma_start3A_1071 = tpu.memref_slice %arg14[%select_n3A_1061] : memref<4x!tpu.dma_semaphore, #tpu.memory_space<semaphore_mem>> -> memref<1x!tpu.dma_semaphore, #tpu.memory_space<semaphore_mem>>
        %dma_start3A_1072 = tpu.memref_squeeze %dma_start3A_1071 : memref<1x!tpu.dma_semaphore, #tpu.memory_space<semaphore_mem>> -> memref<!tpu.dma_semaphore, #tpu.memory_space<semaphore_mem>>
        %dma_start3A_1073 = tpu.memref_slice %arg6[%mul3A_1065] : memref<512xi32, #tpu.memory_space<vmem>> -> memref<128xi32, #tpu.memory_space<vmem>>
        %dma_start3A_1074 = tpu.memref_slice %arg2[%add3A_1068] : memref<819200xi32, #tpu.memory_space<hbm>> -> memref<128xi32, #tpu.memory_space<hbm>>
        tpu.enqueue_dma source(%dma_start3A_1074 : memref<128xi32, #tpu.memory_space<hbm>>) target(%dma_start3A_1073 : memref<128xi32, #tpu.memory_space<vmem>>) target_semaphore(%dma_start3A_1072 : memref<!tpu.dma_semaphore, #tpu.memory_space<semaphore_mem>>)
      } else {
      }
      %lt3A_913 = arith.constant 200 : i32
      %lt3A_914 = arith.cmpi slt, %add3A_905, %lt3A_913 : i32
      %convert_element_type3A_915 = arith.extui %lt3A_914 : i1 to i32
      %cond3A_916 = arith.constant 0 : i32
      %cond3A_917 = arith.cmpi ne, %convert_element_type3A_915, %cond3A_916 : i32
      scf.if %cond3A_917 {
        %jit3A_1044 = arith.constant 4 : i32
        %eq3A_1045 = arith.constant 0 : i32
        %eq3A_1046 = arith.cmpi eq, %jit3A_1044, %eq3A_1045 : i32
        %jit3A_1047 = arith.constant 1 : i32
        %select_n3A_1048 = arith.select %eq3A_1046, %jit3A_1047, %jit3A_1044 : i32
        %rem3A_1049 = arith.remsi %add3A_905, %select_n3A_1048 : i32
        %ne3A_1050 = arith.constant 0 : i32
        %ne3A_1051 = arith.cmpi ne, %rem3A_1049, %ne3A_1050 : i32
        %lt3A_1052 = arith.constant 0 : i32
        %lt3A_1053 = arith.cmpi slt, %rem3A_1049, %lt3A_1052 : i32
        %lt3A_1054 = arith.constant 0 : i32
        %lt3A_1055 = arith.cmpi slt, %select_n3A_1048, %lt3A_1054 : i32
        %ne3A_1056 = arith.xori %lt3A_1053, %lt3A_1055 : i1
        %and3A_1057 = arith.andi %ne3A_1056, %ne3A_1051 : i1
        %add3A_1058 = arith.addi %rem3A_1049, %select_n3A_1048 : i32
        %select_n3A_1059 = arith.select %and3A_1057, %add3A_1058, %rem3A_1049 : i32
        %mul3A_1060 = arith.constant 128 : i32
        %mul3A_1061 = arith.muli %select_n3A_1059, %mul3A_1060 : i32
        %mul3A_1062 = arith.constant 4096 : i32
        %mul3A_1063 = arith.muli %add3A_905, %mul3A_1062 : i32
        %add3A_1064 = arith.addi %mul3A_1063, %mul3A_2 : i32
        %dma_wait3A_1065 = tpu.memref_slice %arg6[%mul3A_1061] : memref<512xi32, #tpu.memory_space<vmem>> -> memref<128xi32, #tpu.memory_space<vmem>>
        %dma_wait3A_1066 = tpu.memref_slice %arg2[%add3A_1064] : memref<819200xi32, #tpu.memory_space<hbm>> -> memref<128xi32, #tpu.memory_space<hbm>>
        %dma_wait3A_1067 = tpu.memref_slice %arg14[%select_n3A_1059] : memref<4x!tpu.dma_semaphore, #tpu.memory_space<semaphore_mem>> -> memref<1x!tpu.dma_semaphore, #tpu.memory_space<semaphore_mem>>
        %dma_wait3A_1068 = tpu.memref_squeeze %dma_wait3A_1067 : memref<1x!tpu.dma_semaphore, #tpu.memory_space<semaphore_mem>> -> memref<!tpu.dma_semaphore, #tpu.memory_space<semaphore_mem>>
        %dma_wait3A_1069 = tpu.memref_slice %arg6[%mul3A_1061] : memref<512xi32, #tpu.memory_space<vmem>> -> memref<128xi32, #tpu.memory_space<vmem>>
        %dma_wait3A_1070 = tpu.memref_slice %arg2[%add3A_1064] : memref<819200xi32, #tpu.memory_space<hbm>> -> memref<128xi32, #tpu.memory_space<hbm>>
        tpu.wait_dma2 semaphore(%dma_wait3A_1068 : memref<!tpu.dma_semaphore, #tpu.memory_space<semaphore_mem>>) src(%dma_wait3A_1070 : memref<128xi32, #tpu.memory_space<hbm>>) dst(%dma_wait3A_1069 : memref<128xi32, #tpu.memory_space<vmem>>)
        %add3A_1071 = arith.constant 0 : i32
        %add3A_1072 = arith.addi %mul3A_1061, %add3A_1071 : i32
        %get3A_1073 = arith.index_cast %add3A_1072 : i32 to index
        %get3A_1074 = tpu.vector_load %arg6[%get3A_1073] {strides = array<i32>} : memref<512xi32, #tpu.memory_space<vmem>>, vector<16xi32>,
        %shift_right_logical3A_1075 = arith.constant 1 : i32
        %shift_right_logical3A_1076 = vector.broadcast %shift_right_logical3A_1075 : i32 to vector<16xi32>
        %shift_right_logical3A_1077 = arith.shrui %get3A_1074, %shift_right_logical3A_1076 : vector<16xi32>
        %swap3A_1078 = arith.index_cast %add3A_1072 : i32 to index
        %swap3A_1079 = tpu.vector_load %arg7[%swap3A_1078] {strides = array<i32>} : memref<512xi32, #tpu.memory_space<vmem>>, vector<16xi32>,
        tpu.vector_store %arg7[%swap3A_1078], %shift_right_logical3A_1077 {strides = array<i32>} : memref<512xi32, #tpu.memory_space<vmem>>, vector<16xi32>,
        %and3A_1080 = arith.constant 1 : i32
        %and3A_1081 = vector.broadcast %and3A_1080 : i32 to vector<16xi32>
        %and3A_1082 = arith.andi %get3A_1074, %and3A_1081 : vector<16xi32>
        %shift_left3A_1083 = arith.constant 6 : i32
        %shift_left3A_1084 = vector.broadcast %shift_left3A_1083 : i32 to vector<16xi32>
        %shift_left3A_1085 = arith.shli %and3A_1082, %shift_left3A_1084 : vector<16xi32>
        %swap3A_1086 = arith.index_cast %add3A_1072 : i32 to index
        %swap3A_1087 = tpu.vector_load %arg8[%swap3A_1086] {strides = array<i32>} : memref<512xi32, #tpu.memory_space<vmem>>, vector<16xi32>,
        tpu.vector_store %arg8[%swap3A_1086], %shift_left3A_1085 {strides = array<i32>} : memref<512xi32, #tpu.memory_space<vmem>>, vector<16xi32>,
        %add3A_1088 = arith.constant 16 : i32
        %add3A_1089 = arith.addi %mul3A_1061, %add3A_1088 : i32
        %get3A_1090 = arith.index_cast %add3A_1089 : i32 to index
        %get3A_1091 = tpu.vector_load %arg6[%get3A_1090] {strides = array<i32>} : memref<512xi32, #tpu.memory_space<vmem>>, vector<16xi32>,
        %shift_right_logical3A_1092 = arith.constant 1 : i32
        %shift_right_logical3A_1093 = vector.broadcast %shift_right_logical3A_1092 : i32 to vector<16xi32>
        %shift_right_logical3A_1094 = arith.shrui %get3A_1091, %shift_right_logical3A_1093 : vector<16xi32>
        %swap3A_1095 = arith.index_cast %add3A_1089 : i32 to index
        %swap3A_1096 = tpu.vector_load %arg7[%swap3A_1095] {strides = array<i32>} : memref<512xi32, #tpu.memory_space<vmem>>, vector<16xi32>,
        tpu.vector_store %arg7[%swap3A_1095], %shift_right_logical3A_1094 {strides = array<i32>} : memref<512xi32, #tpu.memory_space<vmem>>, vector<16xi32>,
        %and3A_1097 = arith.constant 1 : i32
        %and3A_1098 = vector.broadcast %and3A_1097 : i32 to vector<16xi32>
        %and3A_1099 = arith.andi %get3A_1091, %and3A_1098 : vector<16xi32>
        %shift_left3A_1100 = arith.constant 6 : i32
        %shift_left3A_1101 = vector.broadcast %shift_left3A_1100 : i32 to vector<16xi32>
        %shift_left3A_1102 = arith.shli %and3A_1099, %shift_left3A_1101 : vector<16xi32>
        %swap3A_1103 = arith.index_cast %add3A_1089 : i32 to index
        %swap3A_1104 = tpu.vector_load %arg8[%swap3A_1103] {strides = array<i32>} : memref<512xi32, #tpu.memory_space<vmem>>, vector<16xi32>,
        tpu.vector_store %arg8[%swap3A_1103], %shift_left3A_1102 {strides = array<i32>} : memref<512xi32, #tpu.memory_space<vmem>>, vector<16xi32>,
        %add3A_1105 = arith.constant 32 : i32
        %add3A_1106 = arith.addi %mul3A_1061, %add3A_1105 : i32
        %get3A_1107 = arith.index_cast %add3A_1106 : i32 to index
        %get3A_1108 = tpu.vector_load %arg6[%get3A_1107] {strides = array<i32>} : memref<512xi32, #tpu.memory_space<vmem>>, vector<16xi32>,
        %shift_right_logical3A_1109 = arith.constant 1 : i32
        %shift_right_logical3A_1110 = vector.broadcast %shift_right_logical3A_1109 : i32 to vector<16xi32>
        %shift_right_logical3A_1111 = arith.shrui %get3A_1108, %shift_right_logical3A_1110 : vector<16xi32>
        %swap3A_1112 = arith.index_cast %add3A_1106 : i32 to index
        %swap3A_1113 = tpu.vector_load %arg7[%swap3A_1112] {strides = array<i32>} : memref<512xi32, #tpu.memory_space<vmem>>, vector<16xi32>,
        tpu.vector_store %arg7[%swap3A_1112], %shift_right_logical3A_1111 {strides = array<i32>} : memref<512xi32, #tpu.memory_space<vmem>>, vector<16xi32>,
        %and3A_1114 = arith.constant 1 : i32
        %and3A_1115 = vector.broadcast %and3A_1114 : i32 to vector<16xi32>
        %and3A_1116 = arith.andi %get3A_1108, %and3A_1115 : vector<16xi32>
        %shift_left3A_1117 = arith.constant 6 : i32
        %shift_left3A_1118 = vector.broadcast %shift_left3A_1117 : i32 to vector<16xi32>
        %shift_left3A_1119 = arith.shli %and3A_1116, %shift_left3A_1118 : vector<16xi32>
        %swap3A_1120 = arith.index_cast %add3A_1106 : i32 to index
        %swap3A_1121 = tpu.vector_load %arg8[%swap3A_1120] {strides = array<i32>} : memref<512xi32, #tpu.memory_space<vmem>>, vector<16xi32>,
        tpu.vector_store %arg8[%swap3A_1120], %shift_left3A_1119 {strides = array<i32>} : memref<512xi32, #tpu.memory_space<vmem>>, vector<16xi32>,
        %add3A_1122 = arith.constant 48 : i32
        %add3A_1123 = arith.addi %mul3A_1061, %add3A_1122 : i32
        %get3A_1124 = arith.index_cast %add3A_1123 : i32 to index
        %get3A_1125 = tpu.vector_load %arg6[%get3A_1124] {strides = array<i32>} : memref<512xi32, #tpu.memory_space<vmem>>, vector<16xi32>,
        %shift_right_logical3A_1126 = arith.constant 1 : i32
        %shift_right_logical3A_1127 = vector.broadcast %shift_right_logical3A_1126 : i32 to vector<16xi32>
        %shift_right_logical3A_1128 = arith.shrui %get3A_1125, %shift_right_logical3A_1127 : vector<16xi32>
        %swap3A_1129 = arith.index_cast %add3A_1123 : i32 to index
        %swap3A_1130 = tpu.vector_load %arg7[%swap3A_1129] {strides = array<i32>} : memref<512xi32, #tpu.memory_space<vmem>>, vector<16xi32>,
        tpu.vector_store %arg7[%swap3A_1129], %shift_right_logical3A_1128 {strides = array<i32>} : memref<512xi32, #tpu.memory_space<vmem>>, vector<16xi32>,
        %and3A_1131 = arith.constant 1 : i32
        %and3A_1132 = vector.broadcast %and3A_1131 : i32 to vector<16xi32>
        %and3A_1133 = arith.andi %get3A_1125, %and3A_1132 : vector<16xi32>
        %shift_left3A_1134 = arith.constant 6 : i32
        %shift_left3A_1135 = vector.broadcast %shift_left3A_1134 : i32 to vector<16xi32>
        %shift_left3A_1136 = arith.shli %and3A_1133, %shift_left3A_1135 : vector<16xi32>
        %swap3A_1137 = arith.index_cast %add3A_1123 : i32 to index
        %swap3A_1138 = tpu.vector_load %arg8[%swap3A_1137] {strides = array<i32>} : memref<512xi32, #tpu.memory_space<vmem>>, vector<16xi32>,
        tpu.vector_store %arg8[%swap3A_1137], %shift_left3A_1136 {strides = array<i32>} : memref<512xi32, #tpu.memory_space<vmem>>, vector<16xi32>,
        %add3A_1139 = arith.constant 64 : i32
        %add3A_1140 = arith.addi %mul3A_1061, %add3A_1139 : i32
        %get3A_1141 = arith.index_cast %add3A_1140 : i32 to index
        %get3A_1142 = tpu.vector_load %arg6[%get3A_1141] {strides = array<i32>} : memref<512xi32, #tpu.memory_space<vmem>>, vector<16xi32>,
        %shift_right_logical3A_1143 = arith.constant 1 : i32
        %shift_right_logical3A_1144 = vector.broadcast %shift_right_logical3A_1143 : i32 to vector<16xi32>
        %shift_right_logical3A_1145 = arith.shrui %get3A_1142, %shift_right_logical3A_1144 : vector<16xi32>
        %swap3A_1146 = arith.index_cast %add3A_1140 : i32 to index
        %swap3A_1147 = tpu.vector_load %arg7[%swap3A_1146] {strides = array<i32>} : memref<512xi32, #tpu.memory_space<vmem>>, vector<16xi32>,
        tpu.vector_store %arg7[%swap3A_1146], %shift_right_logical3A_1145 {strides = array<i32>} : memref<512xi32, #tpu.memory_space<vmem>>, vector<16xi32>,
        %and3A_1148 = arith.constant 1 : i32
        %and3A_1149 = vector.broadcast %and3A_1148 : i32 to vector<16xi32>
        %and3A_1150 = arith.andi %get3A_1142, %and3A_1149 : vector<16xi32>
        %shift_left3A_1151 = arith.constant 6 : i32
        %shift_left3A_1152 = vector.broadcast %shift_left3A_1151 : i32 to vector<16xi32>
        %shift_left3A_1153 = arith.shli %and3A_1150, %shift_left3A_1152 : vector<16xi32>
        %swap3A_1154 = arith.index_cast %add3A_1140 : i32 to index
        %swap3A_1155 = tpu.vector_load %arg8[%swap3A_1154] {strides = array<i32>} : memref<512xi32, #tpu.memory_space<vmem>>, vector<16xi32>,
        tpu.vector_store %arg8[%swap3A_1154], %shift_left3A_1153 {strides = array<i32>} : memref<512xi32, #tpu.memory_space<vmem>>, vector<16xi32>,
        %add3A_1156 = arith.constant 80 : i32
        %add3A_1157 = arith.addi %mul3A_1061, %add3A_1156 : i32
        %get3A_1158 = arith.index_cast %add3A_1157 : i32 to index
        %get3A_1159 = tpu.vector_load %arg6[%get3A_1158] {strides = array<i32>} : memref<512xi32, #tpu.memory_space<vmem>>, vector<16xi32>,
        %shift_right_logical3A_1160 = arith.constant 1 : i32
        %shift_right_logical3A_1161 = vector.broadcast %shift_right_logical3A_1160 : i32 to vector<16xi32>
        %shift_right_logical3A_1162 = arith.shrui %get3A_1159, %shift_right_logical3A_1161 : vector<16xi32>
        %swap3A_1163 = arith.index_cast %add3A_1157 : i32 to index
        %swap3A_1164 = tpu.vector_load %arg7[%swap3A_1163] {strides = array<i32>} : memref<512xi32, #tpu.memory_space<vmem>>, vector<16xi32>,
        tpu.vector_store %arg7[%swap3A_1163], %shift_right_logical3A_1162 {strides = array<i32>} : memref<512xi32, #tpu.memory_space<vmem>>, vector<16xi32>,
        %and3A_1165 = arith.constant 1 : i32
        %and3A_1166 = vector.broadcast %and3A_1165 : i32 to vector<16xi32>
        %and3A_1167 = arith.andi %get3A_1159, %and3A_1166 : vector<16xi32>
        %shift_left3A_1168 = arith.constant 6 : i32
        %shift_left3A_1169 = vector.broadcast %shift_left3A_1168 : i32 to vector<16xi32>
        %shift_left3A_1170 = arith.shli %and3A_1167, %shift_left3A_1169 : vector<16xi32>
        %swap3A_1171 = arith.index_cast %add3A_1157 : i32 to index
        %swap3A_1172 = tpu.vector_load %arg8[%swap3A_1171] {strides = array<i32>} : memref<512xi32, #tpu.memory_space<vmem>>, vector<16xi32>,
        tpu.vector_store %arg8[%swap3A_1171], %shift_left3A_1170 {strides = array<i32>} : memref<512xi32, #tpu.memory_space<vmem>>, vector<16xi32>,
        %add3A_1173 = arith.constant 96 : i32
        %add3A_1174 = arith.addi %mul3A_1061, %add3A_1173 : i32
        %get3A_1175 = arith.index_cast %add3A_1174 : i32 to index
        %get3A_1176 = tpu.vector_load %arg6[%get3A_1175] {strides = array<i32>} : memref<512xi32, #tpu.memory_space<vmem>>, vector<16xi32>,
        %shift_right_logical3A_1177 = arith.constant 1 : i32
        %shift_right_logical3A_1178 = vector.broadcast %shift_right_logical3A_1177 : i32 to vector<16xi32>
        %shift_right_logical3A_1179 = arith.shrui %get3A_1176, %shift_right_logical3A_1178 : vector<16xi32>
        %swap3A_1180 = arith.index_cast %add3A_1174 : i32 to index
        %swap3A_1181 = tpu.vector_load %arg7[%swap3A_1180] {strides = array<i32>} : memref<512xi32, #tpu.memory_space<vmem>>, vector<16xi32>,
        tpu.vector_store %arg7[%swap3A_1180], %shift_right_logical3A_1179 {strides = array<i32>} : memref<512xi32, #tpu.memory_space<vmem>>, vector<16xi32>,
        %and3A_1182 = arith.constant 1 : i32
        %and3A_1183 = vector.broadcast %and3A_1182 : i32 to vector<16xi32>
        %and3A_1184 = arith.andi %get3A_1176, %and3A_1183 : vector<16xi32>
        %shift_left3A_1185 = arith.constant 6 : i32
        %shift_left3A_1186 = vector.broadcast %shift_left3A_1185 : i32 to vector<16xi32>
        %shift_left3A_1187 = arith.shli %and3A_1184, %shift_left3A_1186 : vector<16xi32>
        %swap3A_1188 = arith.index_cast %add3A_1174 : i32 to index
        %swap3A_1189 = tpu.vector_load %arg8[%swap3A_1188] {strides = array<i32>} : memref<512xi32, #tpu.memory_space<vmem>>, vector<16xi32>,
        tpu.vector_store %arg8[%swap3A_1188], %shift_left3A_1187 {strides = array<i32>} : memref<512xi32, #tpu.memory_space<vmem>>, vector<16xi32>,
        %add3A_1190 = arith.constant 112 : i32
        %add3A_1191 = arith.addi %mul3A_1061, %add3A_1190 : i32
        %get3A_1192 = arith.index_cast %add3A_1191 : i32 to index
        %get3A_1193 = tpu.vector_load %arg6[%get3A_1192] {strides = array<i32>} : memref<512xi32, #tpu.memory_space<vmem>>, vector<16xi32>,
        %shift_right_logical3A_1194 = arith.constant 1 : i32
        %shift_right_logical3A_1195 = vector.broadcast %shift_right_logical3A_1194 : i32 to vector<16xi32>
        %shift_right_logical3A_1196 = arith.shrui %get3A_1193, %shift_right_logical3A_1195 : vector<16xi32>
        %swap3A_1197 = arith.index_cast %add3A_1191 : i32 to index
        %swap3A_1198 = tpu.vector_load %arg7[%swap3A_1197] {strides = array<i32>} : memref<512xi32, #tpu.memory_space<vmem>>, vector<16xi32>,
        tpu.vector_store %arg7[%swap3A_1197], %shift_right_logical3A_1196 {strides = array<i32>} : memref<512xi32, #tpu.memory_space<vmem>>, vector<16xi32>,
        %and3A_1199 = arith.constant 1 : i32
        %and3A_1200 = vector.broadcast %and3A_1199 : i32 to vector<16xi32>
        %and3A_1201 = arith.andi %get3A_1193, %and3A_1200 : vector<16xi32>
        %shift_left3A_1202 = arith.constant 6 : i32
        %shift_left3A_1203 = vector.broadcast %shift_left3A_1202 : i32 to vector<16xi32>
        %shift_left3A_1204 = arith.shli %and3A_1201, %shift_left3A_1203 : vector<16xi32>
        %swap3A_1205 = arith.index_cast %add3A_1191 : i32 to index
        %swap3A_1206 = tpu.vector_load %arg8[%swap3A_1205] {strides = array<i32>} : memref<512xi32, #tpu.memory_space<vmem>>, vector<16xi32>,
        tpu.vector_store %arg8[%swap3A_1205], %shift_left3A_1204 {strides = array<i32>} : memref<512xi32, #tpu.memory_space<vmem>>, vector<16xi32>,
        %dma_start3A_1207 = arith.constant 0 : i32
        %dma_start3A_1208 = arith.constant 0 : i32
        %dma_start3A_1209 = tpu.memref_slice %arg9[%select_n3A_1059, %dma_start3A_1207, %dma_start3A_1208] : memref<4x128x128xf32, #tpu.memory_space<vmem>> -> memref<1x128x128xf32, #tpu.memory_space<vmem>>
        %dma_start3A_1210 = tpu.memref_squeeze %dma_start3A_1209 : memref<1x128x128xf32, #tpu.memory_space<vmem>> -> memref<128x128xf32, #tpu.memory_space<vmem>>
        %dma_start3A_1211 = tpu.memref_slice %arg7[%mul3A_1061] : memref<512xi32, #tpu.memory_space<vmem>> -> memref<128xi32, #tpu.memory_space<vmem>>
        %dma_start3A_1212 = arith.constant 0 : i32
        %dma_start3A_1213 = arith.constant 0 : i32
        %dma_start3A_1214 = tpu.memref_slice %arg3[%dma_start3A_1212, %dma_start3A_1213] : memref<500000x128xf32, #tpu.memory_space<hbm>> -> memref<500000x128xf32, #tpu.memory_space<hbm>>
        %dma_start3A_1215 = tpu.memref_slice %arg12[%select_n3A_1059] : memref<4x!tpu.dma_semaphore, #tpu.memory_space<semaphore_mem>> -> memref<1x!tpu.dma_semaphore, #tpu.memory_space<semaphore_mem>>
        %dma_start3A_1216 = tpu.memref_squeeze %dma_start3A_1215 : memref<1x!tpu.dma_semaphore, #tpu.memory_space<semaphore_mem>> -> memref<!tpu.dma_semaphore, #tpu.memory_space<semaphore_mem>>
        tpu.enqueue_indirect_dma source(%dma_start3A_1214 : memref<500000x128xf32, #tpu.memory_space<hbm>>) target(%dma_start3A_1210 : memref<128x128xf32, #tpu.memory_space<vmem>>) offsets(%dma_start3A_1211 : memref<128xi32, #tpu.memory_space<vmem>>) semaphore(%dma_start3A_1216 : memref<!tpu.dma_semaphore, #tpu.memory_space<semaphore_mem>>)
        %mul3A_1217 = arith.constant 64 : i32
        %mul3A_1218 = arith.muli %add3A_905, %mul3A_1217 : i32
        %mul3A_1219 = arith.constant 64 : i32
        %mul3A_1220 = arith.muli %select_n3A_1059, %mul3A_1219 : i32
        %dma_start3A_1221 = tpu.memref_slice %arg11[%mul3A_1220] : memref<256xf32, #tpu.memory_space<vmem>> -> memref<64xf32, #tpu.memory_space<vmem>>
        %dma_start3A_1222 = tpu.memref_slice %arg4[%mul3A_1218] : memref<12800xf32, #tpu.memory_space<hbm>> -> memref<64xf32, #tpu.memory_space<hbm>>
        %dma_start3A_1223 = tpu.memref_slice %arg12[%select_n3A_1059] : memref<4x!tpu.dma_semaphore, #tpu.memory_space<semaphore_mem>> -> memref<1x!tpu.dma_semaphore, #tpu.memory_space<semaphore_mem>>
        %dma_start3A_1224 = tpu.memref_squeeze %dma_start3A_1223 : memref<1x!tpu.dma_semaphore, #tpu.memory_space<semaphore_mem>> -> memref<!tpu.dma_semaphore, #tpu.memory_space<semaphore_mem>>
        %dma_start3A_1225 = tpu.memref_slice %arg11[%mul3A_1220] : memref<256xf32, #tpu.memory_space<vmem>> -> memref<64xf32, #tpu.memory_space<vmem>>
        %dma_start3A_1226 = tpu.memref_slice %arg4[%mul3A_1218] : memref<12800xf32, #tpu.memory_space<hbm>> -> memref<64xf32, #tpu.memory_space<hbm>>
        tpu.enqueue_dma source(%dma_start3A_1226 : memref<64xf32, #tpu.memory_space<hbm>>) target(%dma_start3A_1225 : memref<64xf32, #tpu.memory_space<vmem>>) target_semaphore(%dma_start3A_1224 : memref<!tpu.dma_semaphore, #tpu.memory_space<semaphore_mem>>)
      } else {
      }
      %mul3A_918 = arith.constant 4 : i32
      %mul3A_919 = arith.muli %scan3A_548, %mul3A_918 : i32
      %add3A_920 = arith.constant 3 : i32
      %add3A_921 = arith.addi %mul3A_919, %add3A_920 : i32
      %jit3A_922 = arith.constant 2 : i32
      %eq3A_923 = arith.constant 0 : i32
      %eq3A_924 = arith.cmpi eq, %jit3A_922, %eq3A_923 : i32
      %jit3A_925 = arith.constant 1 : i32
      %select_n3A_926 = arith.select %eq3A_924, %jit3A_925, %jit3A_922 : i32
      %rem3A_927 = arith.remsi %add3A_921, %select_n3A_926 : i32
      %ne3A_928 = arith.constant 0 : i32
      %ne3A_929 = arith.cmpi ne, %rem3A_927, %ne3A_928 : i32
      %lt3A_930 = arith.constant 0 : i32
      %lt3A_931 = arith.cmpi slt, %rem3A_927, %lt3A_930 : i32
      %lt3A_932 = arith.constant 0 : i32
      %lt3A_933 = arith.cmpi slt, %select_n3A_926, %lt3A_932 : i32
      %ne3A_934 = arith.xori %lt3A_931, %lt3A_933 : i1
      %and3A_935 = arith.andi %ne3A_934, %ne3A_929 : i1
      %add3A_936 = arith.addi %rem3A_927, %select_n3A_926 : i32
      %select_n3A_937 = arith.select %and3A_935, %add3A_936, %rem3A_927 : i32
      %dma_wait3A_938 = arith.constant 3 : i32
      %dma_wait3A_939 = arith.constant 3 : i32
      %dma_wait3A_940 = arith.constant 0 : i32
      %dma_wait3A_941 = arith.constant 0 : i32
      %dma_wait3A_942 = tpu.memref_slice %arg9[%dma_wait3A_938, %dma_wait3A_940, %dma_wait3A_941] : memref<4x128x128xf32, #tpu.memory_space<vmem>> -> memref<1x128x128xf32, #tpu.memory_space<vmem>>
      %dma_wait3A_943 = tpu.memref_squeeze %dma_wait3A_942 : memref<1x128x128xf32, #tpu.memory_space<vmem>> -> memref<128x128xf32, #tpu.memory_space<vmem>>
      %dma_wait3A_944 = arith.constant 384 : i32
      %dma_wait3A_945 = tpu.memref_slice %arg7[%dma_wait3A_944] : memref<512xi32, #tpu.memory_space<vmem>> -> memref<128xi32, #tpu.memory_space<vmem>>
      %dma_wait3A_946 = arith.constant 0 : i32
      %dma_wait3A_947 = arith.constant 0 : i32
      %dma_wait3A_948 = tpu.memref_slice %arg3[%dma_wait3A_946, %dma_wait3A_947] : memref<500000x128xf32, #tpu.memory_space<hbm>> -> memref<500000x128xf32, #tpu.memory_space<hbm>>
      %dma_wait3A_949 = tpu.memref_slice %arg12[%dma_wait3A_939] : memref<4x!tpu.dma_semaphore, #tpu.memory_space<semaphore_mem>> -> memref<1x!tpu.dma_semaphore, #tpu.memory_space<semaphore_mem>>
      %dma_wait3A_950 = tpu.memref_squeeze %dma_wait3A_949 : memref<1x!tpu.dma_semaphore, #tpu.memory_space<semaphore_mem>> -> memref<!tpu.dma_semaphore, #tpu.memory_space<semaphore_mem>>
      tpu.wait_indirect_dma semaphore(%dma_wait3A_950 : memref<!tpu.dma_semaphore, #tpu.memory_space<semaphore_mem>>) src(%dma_wait3A_948 : memref<500000x128xf32, #tpu.memory_space<hbm>>) dst(%dma_wait3A_943 : memref<128x128xf32, #tpu.memory_space<vmem>>)
      %dma_wait3A_951 = arith.constant 3 : i32
      %dma_wait3A_952 = arith.constant 192 : i32
      %dma_wait3A_953 = tpu.memref_slice %arg11[%dma_wait3A_952] : memref<256xf32, #tpu.memory_space<vmem>> -> memref<64xf32, #tpu.memory_space<vmem>>
      %dma_wait3A_954 = arith.constant 0 : i32
      %dma_wait3A_955 = tpu.memref_slice %arg4[%dma_wait3A_954] : memref<12800xf32, #tpu.memory_space<hbm>> -> memref<64xf32, #tpu.memory_space<hbm>>
      %dma_wait3A_956 = tpu.memref_slice %arg12[%dma_wait3A_951] : memref<4x!tpu.dma_semaphore, #tpu.memory_space<semaphore_mem>> -> memref<1x!tpu.dma_semaphore, #tpu.memory_space<semaphore_mem>>
      %dma_wait3A_957 = tpu.memref_squeeze %dma_wait3A_956 : memref<1x!tpu.dma_semaphore, #tpu.memory_space<semaphore_mem>> -> memref<!tpu.dma_semaphore, #tpu.memory_space<semaphore_mem>>
      %dma_wait3A_958 = arith.constant 192 : i32
      %dma_wait3A_959 = tpu.memref_slice %arg11[%dma_wait3A_958] : memref<256xf32, #tpu.memory_space<vmem>> -> memref<64xf32, #tpu.memory_space<vmem>>
      %dma_wait3A_960 = arith.constant 0 : i32
      %dma_wait3A_961 = tpu.memref_slice %arg4[%dma_wait3A_960] : memref<12800xf32, #tpu.memory_space<hbm>> -> memref<64xf32, #tpu.memory_space<hbm>>
      tpu.wait_dma2 semaphore(%dma_wait3A_957 : memref<!tpu.dma_semaphore, #tpu.memory_space<semaphore_mem>>) src(%dma_wait3A_961 : memref<64xf32, #tpu.memory_space<hbm>>) dst(%dma_wait3A_959 : memref<64xf32, #tpu.memory_space<vmem>>)
      %ge3A_962 = arith.constant 2 : i32
      %ge3A_963 = arith.cmpi sge, %add3A_921, %ge3A_962 : i32
      %convert_element_type3A_964 = arith.extui %ge3A_963 : i1 to i32
      %cond3A_965 = arith.constant 0 : i32
      %cond3A_966 = arith.cmpi ne, %convert_element_type3A_964, %cond3A_965 : i32
      scf.if %cond3A_966 {
        %sub3A = arith.constant 2 : i32
        %sub3A_1044 = arith.subi %add3A_921, %sub3A : i32
        %dma_wait3A_1045 = arith.constant 0 : i32
        %dma_wait3A_1046 = arith.constant 0 : i32
        %dma_wait3A_1047 = tpu.memref_slice %arg10[%select_n3A_937, %dma_wait3A_1045, %dma_wait3A_1046] : memref<2x64x128xf32, #tpu.memory_space<vmem>> -> memref<1x64x128xf32, #tpu.memory_space<vmem>>
        %dma_wait3A_1048 = tpu.memref_squeeze %dma_wait3A_1047 : memref<1x64x128xf32, #tpu.memory_space<vmem>> -> memref<64x128xf32, #tpu.memory_space<vmem>>
        %dma_wait3A_1049 = arith.constant 0 : i32
        %dma_wait3A_1050 = tpu.memref_slice %arg5[%sub3A_1044, %dma_wait3A_1049, %mul3A_2] : memref<200x64x4096xf32, #tpu.memory_space<hbm>> -> memref<1x64x128xf32, #tpu.memory_space<hbm>>
        %dma_wait3A_1051 = tpu.memref_squeeze %dma_wait3A_1050 : memref<1x64x128xf32, #tpu.memory_space<hbm>> -> memref<64x128xf32, #tpu.memory_space<hbm>>
        %dma_wait3A_1052 = tpu.memref_slice %arg13[%select_n3A_937] : memref<2x!tpu.dma_semaphore, #tpu.memory_space<semaphore_mem>> -> memref<1x!tpu.dma_semaphore, #tpu.memory_space<semaphore_mem>>
        %dma_wait3A_1053 = tpu.memref_squeeze %dma_wait3A_1052 : memref<1x!tpu.dma_semaphore, #tpu.memory_space<semaphore_mem>> -> memref<!tpu.dma_semaphore, #tpu.memory_space<semaphore_mem>>
        %dma_wait3A_1054 = arith.constant 0 : i32
        %dma_wait3A_1055 = tpu.memref_slice %arg5[%sub3A_1044, %dma_wait3A_1054, %mul3A_2] : memref<200x64x4096xf32, #tpu.memory_space<hbm>> -> memref<1x64x128xf32, #tpu.memory_space<hbm>>
        %dma_wait3A_1056 = tpu.memref_squeeze %dma_wait3A_1055 : memref<1x64x128xf32, #tpu.memory_space<hbm>> -> memref<64x128xf32, #tpu.memory_space<hbm>>
        %dma_wait3A_1057 = arith.constant 0 : i32
        %dma_wait3A_1058 = arith.constant 0 : i32
        %dma_wait3A_1059 = tpu.memref_slice %arg10[%select_n3A_937, %dma_wait3A_1057, %dma_wait3A_1058] : memref<2x64x128xf32, #tpu.memory_space<vmem>> -> memref<1x64x128xf32, #tpu.memory_space<vmem>>
        %dma_wait3A_1060 = tpu.memref_squeeze %dma_wait3A_1059 : memref<1x64x128xf32, #tpu.memory_space<vmem>> -> memref<64x128xf32, #tpu.memory_space<vmem>>
        tpu.wait_dma2 semaphore(%dma_wait3A_1053 : memref<!tpu.dma_semaphore, #tpu.memory_space<semaphore_mem>>) src(%dma_wait3A_1060 : memref<64x128xf32, #tpu.memory_space<vmem>>) dst(%dma_wait3A_1056 : memref<64x128xf32, #tpu.memory_space<hbm>>)
      } else {
      }
      %get3A_967 = arith.constant 384 : index
      %get3A_968 = tpu.vector_load %arg8[%get3A_967] {strides = array<i32>} : memref<512xi32, #tpu.memory_space<vmem>>, vector<16xi32>,
      %get3A_969 = arith.constant 400 : index
      %get3A_970 = tpu.vector_load %arg8[%get3A_969] {strides = array<i32>} : memref<512xi32, #tpu.memory_space<vmem>>, vector<16xi32>,
      %get3A_971 = arith.constant 416 : index
      %get3A_972 = tpu.vector_load %arg8[%get3A_971] {strides = array<i32>} : memref<512xi32, #tpu.memory_space<vmem>>, vector<16xi32>,
      %get3A_973 = arith.constant 432 : index
      %get3A_974 = tpu.vector_load %arg8[%get3A_973] {strides = array<i32>} : memref<512xi32, #tpu.memory_space<vmem>>, vector<16xi32>,
      %get3A_975 = arith.constant 448 : index
      %get3A_976 = tpu.vector_load %arg8[%get3A_975] {strides = array<i32>} : memref<512xi32, #tpu.memory_space<vmem>>, vector<16xi32>,
      %get3A_977 = arith.constant 464 : index
      %get3A_978 = tpu.vector_load %arg8[%get3A_977] {strides = array<i32>} : memref<512xi32, #tpu.memory_space<vmem>>, vector<16xi32>,
      %get3A_979 = arith.constant 480 : index
      %get3A_980 = tpu.vector_load %arg8[%get3A_979] {strides = array<i32>} : memref<512xi32, #tpu.memory_space<vmem>>, vector<16xi32>,
      %get3A_981 = arith.constant 496 : index
      %get3A_982 = tpu.vector_load %arg8[%get3A_981] {strides = array<i32>} : memref<512xi32, #tpu.memory_space<vmem>>, vector<16xi32>,
      %add3A_983 = arith.constant 0 : i32
      %add3A_984 = vector.broadcast %add3A_983 : i32 to vector<16xi32>
      %add3A_985 = arith.addi %iota3A, %add3A_984 : vector<16xi32>
      %add3A_986 = arith.constant 16 : i32
      %add3A_987 = vector.broadcast %add3A_986 : i32 to vector<16xi32>
      %add3A_988 = arith.addi %iota3A, %add3A_987 : vector<16xi32>
      %add3A_989 = arith.constant 32 : i32
      %add3A_990 = vector.broadcast %add3A_989 : i32 to vector<16xi32>
      %add3A_991 = arith.addi %iota3A, %add3A_990 : vector<16xi32>
      %add3A_992 = arith.constant 48 : i32
      %add3A_993 = vector.broadcast %add3A_992 : i32 to vector<16xi32>
      %add3A_994 = arith.addi %iota3A, %add3A_993 : vector<16xi32>
      %add3A_995 = arith.constant 64 : i32
      %add3A_996 = vector.broadcast %add3A_995 : i32 to vector<16xi32>
      %add3A_997 = arith.addi %iota3A, %add3A_996 : vector<16xi32>
      %add3A_998 = arith.constant 80 : i32
      %add3A_999 = vector.broadcast %add3A_998 : i32 to vector<16xi32>
      %add3A_1000 = arith.addi %iota3A, %add3A_999 : vector<16xi32>
      %add3A_1001 = arith.constant 96 : i32
      %add3A_1002 = vector.broadcast %add3A_1001 : i32 to vector<16xi32>
      %add3A_1003 = arith.addi %iota3A, %add3A_1002 : vector<16xi32>
      %add3A_1004 = arith.constant 112 : i32
      %add3A_1005 = vector.broadcast %add3A_1004 : i32 to vector<16xi32>
      %add3A_1006 = arith.addi %iota3A, %add3A_1005 : vector<16xi32>
      %scan3A_1007 = arith.constant 0 : i32
      %scan3A_1008 = arith.constant 3 : i32
      %scan3A_1009 = arith.constant 0 : i32
      %scan3A_1010 = arith.constant 64 : i32
      %scan3A_1011 = arith.addi %scan3A_1009, %scan3A_1010 : i32
      %scan3A_1012 = arith.constant 2 : i32
      scf.for %scan3A_1044 = %scan3A_1009 to %scan3A_1011 step %scan3A_1012  : i32 {
        %shift_right_logical3A_1045 = arith.constant 2 : i32
        %shift_right_logical3A_1046 = arith.shrui %scan3A_1044, %shift_right_logical3A_1045 : i32
        %and3A_1047 = arith.constant 3 : i32
        %and3A_1048 = arith.andi %scan3A_1044, %and3A_1047 : i32
        %shift_left3A_1049 = arith.constant 4 : i32
        %shift_left3A_1050 = arith.shli %and3A_1048, %shift_left3A_1049 : i32
        %add3A_1051 = vector.broadcast %shift_right_logical3A_1046 : i32 to vector<16xi32>
        %add3A_1052 = arith.addi %iota3A, %add3A_1051 : vector<16xi32>
        %and3A_1053 = arith.constant 15 : i32
        %and3A_1054 = vector.broadcast %and3A_1053 : i32 to vector<16xi32>
        %and3A_1055 = arith.andi %add3A_1052, %and3A_1054 : vector<16xi32>
        %add3A_1056 = vector.broadcast %shift_left3A_1050 : i32 to vector<16xi32>
        %add3A_1057 = arith.addi %and3A_1055, %add3A_1056 : vector<16xi32>
        %add3A_1058 = arith.constant 192 : i32
        %add3A_1059 = vector.broadcast %add3A_1058 : i32 to vector<16xi32>
        %add3A_1060 = arith.addi %add3A_1057, %add3A_1059 : vector<16xi32>
        %gather3A = tpu.vector_load_idx %arg11[%add3A_1060] : memref<256xf32, #tpu.memory_space<vmem>>[vector<16xi32>], vector<16xf32>,
        %add3A_1061 = arith.addi %get3A_968, %add3A_1057 : vector<16xi32>
        %gather3A_1062 = arith.constant 0 : i32
        %gather3A_1063 = arith.constant 0 : i32
        %gather3A_1064 = tpu.memref_slice %arg9[%scan3A_1008, %gather3A_1062, %gather3A_1063] : memref<4x128x128xf32, #tpu.memory_space<vmem>> -> memref<1x128x128xf32, #tpu.memory_space<vmem>>
        %gather3A_1065 = tpu.memref_squeeze %gather3A_1064 : memref<1x128x128xf32, #tpu.memory_space<vmem>> -> memref<128x128xf32, #tpu.memory_space<vmem>>
        %gather3A_1066 = tpu.vector_load_idx %gather3A_1065[%add3A_985, %add3A_1061] : memref<128x128xf32, #tpu.memory_space<vmem>>[vector<16xi32>, vector<16xi32>], vector<16xf32>,
        %add3A_1067 = arith.addf %gather3A_1066, %gather3A : vector<16xf32>
        %scatter3A = arith.constant 0 : i32
        %scatter3A_1068 = arith.constant 0 : i32
        %scatter3A_1069 = tpu.memref_slice %arg10[%select_n3A_937, %scatter3A, %scatter3A_1068] : memref<2x64x128xf32, #tpu.memory_space<vmem>> -> memref<1x64x128xf32, #tpu.memory_space<vmem>>
        %scatter3A_1070 = tpu.memref_squeeze %scatter3A_1069 : memref<1x64x128xf32, #tpu.memory_space<vmem>> -> memref<64x128xf32, #tpu.memory_space<vmem>>
        tpu.vector_store_idx %scatter3A_1070[%add3A_1057, %add3A_985], %add3A_1067 : memref<64x128xf32, #tpu.memory_space<vmem>>[vector<16xi32>, vector<16xi32>], vector<16xf32>,
        %add3A_1071 = arith.addi %get3A_970, %add3A_1057 : vector<16xi32>
        %gather3A_1072 = arith.constant 0 : i32
        %gather3A_1073 = arith.constant 0 : i32
        %gather3A_1074 = tpu.memref_slice %arg9[%scan3A_1008, %gather3A_1072, %gather3A_1073] : memref<4x128x128xf32, #tpu.memory_space<vmem>> -> memref<1x128x128xf32, #tpu.memory_space<vmem>>
        %gather3A_1075 = tpu.memref_squeeze %gather3A_1074 : memref<1x128x128xf32, #tpu.memory_space<vmem>> -> memref<128x128xf32, #tpu.memory_space<vmem>>
        %gather3A_1076 = tpu.vector_load_idx %gather3A_1075[%add3A_988, %add3A_1071] : memref<128x128xf32, #tpu.memory_space<vmem>>[vector<16xi32>, vector<16xi32>], vector<16xf32>,
        %add3A_1077 = arith.addf %gather3A_1076, %gather3A : vector<16xf32>
        %scatter3A_1078 = arith.constant 0 : i32
        %scatter3A_1079 = arith.constant 0 : i32
        %scatter3A_1080 = tpu.memref_slice %arg10[%select_n3A_937, %scatter3A_1078, %scatter3A_1079] : memref<2x64x128xf32, #tpu.memory_space<vmem>> -> memref<1x64x128xf32, #tpu.memory_space<vmem>>
        %scatter3A_1081 = tpu.memref_squeeze %scatter3A_1080 : memref<1x64x128xf32, #tpu.memory_space<vmem>> -> memref<64x128xf32, #tpu.memory_space<vmem>>
        tpu.vector_store_idx %scatter3A_1081[%add3A_1057, %add3A_988], %add3A_1077 : memref<64x128xf32, #tpu.memory_space<vmem>>[vector<16xi32>, vector<16xi32>], vector<16xf32>,
        %add3A_1082 = arith.addi %get3A_972, %add3A_1057 : vector<16xi32>
        %gather3A_1083 = arith.constant 0 : i32
        %gather3A_1084 = arith.constant 0 : i32
        %gather3A_1085 = tpu.memref_slice %arg9[%scan3A_1008, %gather3A_1083, %gather3A_1084] : memref<4x128x128xf32, #tpu.memory_space<vmem>> -> memref<1x128x128xf32, #tpu.memory_space<vmem>>
        %gather3A_1086 = tpu.memref_squeeze %gather3A_1085 : memref<1x128x128xf32, #tpu.memory_space<vmem>> -> memref<128x128xf32, #tpu.memory_space<vmem>>
        %gather3A_1087 = tpu.vector_load_idx %gather3A_1086[%add3A_991, %add3A_1082] : memref<128x128xf32, #tpu.memory_space<vmem>>[vector<16xi32>, vector<16xi32>], vector<16xf32>,
        %add3A_1088 = arith.addf %gather3A_1087, %gather3A : vector<16xf32>
        %scatter3A_1089 = arith.constant 0 : i32
        %scatter3A_1090 = arith.constant 0 : i32
        %scatter3A_1091 = tpu.memref_slice %arg10[%select_n3A_937, %scatter3A_1089, %scatter3A_1090] : memref<2x64x128xf32, #tpu.memory_space<vmem>> -> memref<1x64x128xf32, #tpu.memory_space<vmem>>
        %scatter3A_1092 = tpu.memref_squeeze %scatter3A_1091 : memref<1x64x128xf32, #tpu.memory_space<vmem>> -> memref<64x128xf32, #tpu.memory_space<vmem>>
        tpu.vector_store_idx %scatter3A_1092[%add3A_1057, %add3A_991], %add3A_1088 : memref<64x128xf32, #tpu.memory_space<vmem>>[vector<16xi32>, vector<16xi32>], vector<16xf32>,
        %add3A_1093 = arith.addi %get3A_974, %add3A_1057 : vector<16xi32>
        %gather3A_1094 = arith.constant 0 : i32
        %gather3A_1095 = arith.constant 0 : i32
        %gather3A_1096 = tpu.memref_slice %arg9[%scan3A_1008, %gather3A_1094, %gather3A_1095] : memref<4x128x128xf32, #tpu.memory_space<vmem>> -> memref<1x128x128xf32, #tpu.memory_space<vmem>>
        %gather3A_1097 = tpu.memref_squeeze %gather3A_1096 : memref<1x128x128xf32, #tpu.memory_space<vmem>> -> memref<128x128xf32, #tpu.memory_space<vmem>>
        %gather3A_1098 = tpu.vector_load_idx %gather3A_1097[%add3A_994, %add3A_1093] : memref<128x128xf32, #tpu.memory_space<vmem>>[vector<16xi32>, vector<16xi32>], vector<16xf32>,
        %add3A_1099 = arith.addf %gather3A_1098, %gather3A : vector<16xf32>
        %scatter3A_1100 = arith.constant 0 : i32
        %scatter3A_1101 = arith.constant 0 : i32
        %scatter3A_1102 = tpu.memref_slice %arg10[%select_n3A_937, %scatter3A_1100, %scatter3A_1101] : memref<2x64x128xf32, #tpu.memory_space<vmem>> -> memref<1x64x128xf32, #tpu.memory_space<vmem>>
        %scatter3A_1103 = tpu.memref_squeeze %scatter3A_1102 : memref<1x64x128xf32, #tpu.memory_space<vmem>> -> memref<64x128xf32, #tpu.memory_space<vmem>>
        tpu.vector_store_idx %scatter3A_1103[%add3A_1057, %add3A_994], %add3A_1099 : memref<64x128xf32, #tpu.memory_space<vmem>>[vector<16xi32>, vector<16xi32>], vector<16xf32>,
        %add3A_1104 = arith.addi %get3A_976, %add3A_1057 : vector<16xi32>
        %gather3A_1105 = arith.constant 0 : i32
        %gather3A_1106 = arith.constant 0 : i32
        %gather3A_1107 = tpu.memref_slice %arg9[%scan3A_1008, %gather3A_1105, %gather3A_1106] : memref<4x128x128xf32, #tpu.memory_space<vmem>> -> memref<1x128x128xf32, #tpu.memory_space<vmem>>
        %gather3A_1108 = tpu.memref_squeeze %gather3A_1107 : memref<1x128x128xf32, #tpu.memory_space<vmem>> -> memref<128x128xf32, #tpu.memory_space<vmem>>
        %gather3A_1109 = tpu.vector_load_idx %gather3A_1108[%add3A_997, %add3A_1104] : memref<128x128xf32, #tpu.memory_space<vmem>>[vector<16xi32>, vector<16xi32>], vector<16xf32>,
        %add3A_1110 = arith.addf %gather3A_1109, %gather3A : vector<16xf32>
        %scatter3A_1111 = arith.constant 0 : i32
        %scatter3A_1112 = arith.constant 0 : i32
        %scatter3A_1113 = tpu.memref_slice %arg10[%select_n3A_937, %scatter3A_1111, %scatter3A_1112] : memref<2x64x128xf32, #tpu.memory_space<vmem>> -> memref<1x64x128xf32, #tpu.memory_space<vmem>>
        %scatter3A_1114 = tpu.memref_squeeze %scatter3A_1113 : memref<1x64x128xf32, #tpu.memory_space<vmem>> -> memref<64x128xf32, #tpu.memory_space<vmem>>
        tpu.vector_store_idx %scatter3A_1114[%add3A_1057, %add3A_997], %add3A_1110 : memref<64x128xf32, #tpu.memory_space<vmem>>[vector<16xi32>, vector<16xi32>], vector<16xf32>,
        %add3A_1115 = arith.addi %get3A_978, %add3A_1057 : vector<16xi32>
        %gather3A_1116 = arith.constant 0 : i32
        %gather3A_1117 = arith.constant 0 : i32
        %gather3A_1118 = tpu.memref_slice %arg9[%scan3A_1008, %gather3A_1116, %gather3A_1117] : memref<4x128x128xf32, #tpu.memory_space<vmem>> -> memref<1x128x128xf32, #tpu.memory_space<vmem>>
        %gather3A_1119 = tpu.memref_squeeze %gather3A_1118 : memref<1x128x128xf32, #tpu.memory_space<vmem>> -> memref<128x128xf32, #tpu.memory_space<vmem>>
        %gather3A_1120 = tpu.vector_load_idx %gather3A_1119[%add3A_1000, %add3A_1115] : memref<128x128xf32, #tpu.memory_space<vmem>>[vector<16xi32>, vector<16xi32>], vector<16xf32>,
        %add3A_1121 = arith.addf %gather3A_1120, %gather3A : vector<16xf32>
        %scatter3A_1122 = arith.constant 0 : i32
        %scatter3A_1123 = arith.constant 0 : i32
        %scatter3A_1124 = tpu.memref_slice %arg10[%select_n3A_937, %scatter3A_1122, %scatter3A_1123] : memref<2x64x128xf32, #tpu.memory_space<vmem>> -> memref<1x64x128xf32, #tpu.memory_space<vmem>>
        %scatter3A_1125 = tpu.memref_squeeze %scatter3A_1124 : memref<1x64x128xf32, #tpu.memory_space<vmem>> -> memref<64x128xf32, #tpu.memory_space<vmem>>
        tpu.vector_store_idx %scatter3A_1125[%add3A_1057, %add3A_1000], %add3A_1121 : memref<64x128xf32, #tpu.memory_space<vmem>>[vector<16xi32>, vector<16xi32>], vector<16xf32>,
        %add3A_1126 = arith.addi %get3A_980, %add3A_1057 : vector<16xi32>
        %gather3A_1127 = arith.constant 0 : i32
        %gather3A_1128 = arith.constant 0 : i32
        %gather3A_1129 = tpu.memref_slice %arg9[%scan3A_1008, %gather3A_1127, %gather3A_1128] : memref<4x128x128xf32, #tpu.memory_space<vmem>> -> memref<1x128x128xf32, #tpu.memory_space<vmem>>
        %gather3A_1130 = tpu.memref_squeeze %gather3A_1129 : memref<1x128x128xf32, #tpu.memory_space<vmem>> -> memref<128x128xf32, #tpu.memory_space<vmem>>
        %gather3A_1131 = tpu.vector_load_idx %gather3A_1130[%add3A_1003, %add3A_1126] : memref<128x128xf32, #tpu.memory_space<vmem>>[vector<16xi32>, vector<16xi32>], vector<16xf32>,
        %add3A_1132 = arith.addf %gather3A_1131, %gather3A : vector<16xf32>
        %scatter3A_1133 = arith.constant 0 : i32
        %scatter3A_1134 = arith.constant 0 : i32
        %scatter3A_1135 = tpu.memref_slice %arg10[%select_n3A_937, %scatter3A_1133, %scatter3A_1134] : memref<2x64x128xf32, #tpu.memory_space<vmem>> -> memref<1x64x128xf32, #tpu.memory_space<vmem>>
        %scatter3A_1136 = tpu.memref_squeeze %scatter3A_1135 : memref<1x64x128xf32, #tpu.memory_space<vmem>> -> memref<64x128xf32, #tpu.memory_space<vmem>>
        tpu.vector_store_idx %scatter3A_1136[%add3A_1057, %add3A_1003], %add3A_1132 : memref<64x128xf32, #tpu.memory_space<vmem>>[vector<16xi32>, vector<16xi32>], vector<16xf32>,
        %add3A_1137 = arith.addi %get3A_982, %add3A_1057 : vector<16xi32>
        %gather3A_1138 = arith.constant 0 : i32
        %gather3A_1139 = arith.constant 0 : i32
        %gather3A_1140 = tpu.memref_slice %arg9[%scan3A_1008, %gather3A_1138, %gather3A_1139] : memref<4x128x128xf32, #tpu.memory_space<vmem>> -> memref<1x128x128xf32, #tpu.memory_space<vmem>>
        %gather3A_1141 = tpu.memref_squeeze %gather3A_1140 : memref<1x128x128xf32, #tpu.memory_space<vmem>> -> memref<128x128xf32, #tpu.memory_space<vmem>>
        %gather3A_1142 = tpu.vector_load_idx %gather3A_1141[%add3A_1006, %add3A_1137] : memref<128x128xf32, #tpu.memory_space<vmem>>[vector<16xi32>, vector<16xi32>], vector<16xf32>,
        %add3A_1143 = arith.addf %gather3A_1142, %gather3A : vector<16xf32>
        %scatter3A_1144 = arith.constant 0 : i32
        %scatter3A_1145 = arith.constant 0 : i32
        %scatter3A_1146 = tpu.memref_slice %arg10[%select_n3A_937, %scatter3A_1144, %scatter3A_1145] : memref<2x64x128xf32, #tpu.memory_space<vmem>> -> memref<1x64x128xf32, #tpu.memory_space<vmem>>
        %scatter3A_1147 = tpu.memref_squeeze %scatter3A_1146 : memref<1x64x128xf32, #tpu.memory_space<vmem>> -> memref<64x128xf32, #tpu.memory_space<vmem>>
        tpu.vector_store_idx %scatter3A_1147[%add3A_1057, %add3A_1006], %add3A_1143 : memref<64x128xf32, #tpu.memory_space<vmem>>[vector<16xi32>, vector<16xi32>], vector<16xf32>,
        %scan3A_1148 = arith.constant 1 : i32
        %scan3A_1149 = arith.addi %scan3A_1044, %scan3A_1148 : i32
        %shift_right_logical3A_1150 = arith.constant 2 : i32
        %shift_right_logical3A_1151 = arith.shrui %scan3A_1149, %shift_right_logical3A_1150 : i32
        %and3A_1152 = arith.constant 3 : i32
        %and3A_1153 = arith.andi %scan3A_1149, %and3A_1152 : i32
        %shift_left3A_1154 = arith.constant 4 : i32
        %shift_left3A_1155 = arith.shli %and3A_1153, %shift_left3A_1154 : i32
        %add3A_1156 = vector.broadcast %shift_right_logical3A_1151 : i32 to vector<16xi32>
        %add3A_1157 = arith.addi %iota3A, %add3A_1156 : vector<16xi32>
        %and3A_1158 = arith.constant 15 : i32
        %and3A_1159 = vector.broadcast %and3A_1158 : i32 to vector<16xi32>
        %and3A_1160 = arith.andi %add3A_1157, %and3A_1159 : vector<16xi32>
        %add3A_1161 = vector.broadcast %shift_left3A_1155 : i32 to vector<16xi32>
        %add3A_1162 = arith.addi %and3A_1160, %add3A_1161 : vector<16xi32>
        %add3A_1163 = arith.constant 192 : i32
        %add3A_1164 = vector.broadcast %add3A_1163 : i32 to vector<16xi32>
        %add3A_1165 = arith.addi %add3A_1162, %add3A_1164 : vector<16xi32>
        %gather3A_1166 = tpu.vector_load_idx %arg11[%add3A_1165] : memref<256xf32, #tpu.memory_space<vmem>>[vector<16xi32>], vector<16xf32>,
        %add3A_1167 = arith.addi %get3A_968, %add3A_1162 : vector<16xi32>
        %gather3A_1168 = arith.constant 0 : i32
        %gather3A_1169 = arith.constant 0 : i32
        %gather3A_1170 = tpu.memref_slice %arg9[%scan3A_1008, %gather3A_1168, %gather3A_1169] : memref<4x128x128xf32, #tpu.memory_space<vmem>> -> memref<1x128x128xf32, #tpu.memory_space<vmem>>
        %gather3A_1171 = tpu.memref_squeeze %gather3A_1170 : memref<1x128x128xf32, #tpu.memory_space<vmem>> -> memref<128x128xf32, #tpu.memory_space<vmem>>
        %gather3A_1172 = tpu.vector_load_idx %gather3A_1171[%add3A_985, %add3A_1167] : memref<128x128xf32, #tpu.memory_space<vmem>>[vector<16xi32>, vector<16xi32>], vector<16xf32>,
        %add3A_1173 = arith.addf %gather3A_1172, %gather3A_1166 : vector<16xf32>
        %scatter3A_1174 = arith.constant 0 : i32
        %scatter3A_1175 = arith.constant 0 : i32
        %scatter3A_1176 = tpu.memref_slice %arg10[%select_n3A_937, %scatter3A_1174, %scatter3A_1175] : memref<2x64x128xf32, #tpu.memory_space<vmem>> -> memref<1x64x128xf32, #tpu.memory_space<vmem>>
        %scatter3A_1177 = tpu.memref_squeeze %scatter3A_1176 : memref<1x64x128xf32, #tpu.memory_space<vmem>> -> memref<64x128xf32, #tpu.memory_space<vmem>>
        tpu.vector_store_idx %scatter3A_1177[%add3A_1162, %add3A_985], %add3A_1173 : memref<64x128xf32, #tpu.memory_space<vmem>>[vector<16xi32>, vector<16xi32>], vector<16xf32>,
        %add3A_1178 = arith.addi %get3A_970, %add3A_1162 : vector<16xi32>
        %gather3A_1179 = arith.constant 0 : i32
        %gather3A_1180 = arith.constant 0 : i32
        %gather3A_1181 = tpu.memref_slice %arg9[%scan3A_1008, %gather3A_1179, %gather3A_1180] : memref<4x128x128xf32, #tpu.memory_space<vmem>> -> memref<1x128x128xf32, #tpu.memory_space<vmem>>
        %gather3A_1182 = tpu.memref_squeeze %gather3A_1181 : memref<1x128x128xf32, #tpu.memory_space<vmem>> -> memref<128x128xf32, #tpu.memory_space<vmem>>
        %gather3A_1183 = tpu.vector_load_idx %gather3A_1182[%add3A_988, %add3A_1178] : memref<128x128xf32, #tpu.memory_space<vmem>>[vector<16xi32>, vector<16xi32>], vector<16xf32>,
        %add3A_1184 = arith.addf %gather3A_1183, %gather3A_1166 : vector<16xf32>
        %scatter3A_1185 = arith.constant 0 : i32
        %scatter3A_1186 = arith.constant 0 : i32
        %scatter3A_1187 = tpu.memref_slice %arg10[%select_n3A_937, %scatter3A_1185, %scatter3A_1186] : memref<2x64x128xf32, #tpu.memory_space<vmem>> -> memref<1x64x128xf32, #tpu.memory_space<vmem>>
        %scatter3A_1188 = tpu.memref_squeeze %scatter3A_1187 : memref<1x64x128xf32, #tpu.memory_space<vmem>> -> memref<64x128xf32, #tpu.memory_space<vmem>>
        tpu.vector_store_idx %scatter3A_1188[%add3A_1162, %add3A_988], %add3A_1184 : memref<64x128xf32, #tpu.memory_space<vmem>>[vector<16xi32>, vector<16xi32>], vector<16xf32>,
        %add3A_1189 = arith.addi %get3A_972, %add3A_1162 : vector<16xi32>
        %gather3A_1190 = arith.constant 0 : i32
        %gather3A_1191 = arith.constant 0 : i32
        %gather3A_1192 = tpu.memref_slice %arg9[%scan3A_1008, %gather3A_1190, %gather3A_1191] : memref<4x128x128xf32, #tpu.memory_space<vmem>> -> memref<1x128x128xf32, #tpu.memory_space<vmem>>
        %gather3A_1193 = tpu.memref_squeeze %gather3A_1192 : memref<1x128x128xf32, #tpu.memory_space<vmem>> -> memref<128x128xf32, #tpu.memory_space<vmem>>
        %gather3A_1194 = tpu.vector_load_idx %gather3A_1193[%add3A_991, %add3A_1189] : memref<128x128xf32, #tpu.memory_space<vmem>>[vector<16xi32>, vector<16xi32>], vector<16xf32>,
        %add3A_1195 = arith.addf %gather3A_1194, %gather3A_1166 : vector<16xf32>
        %scatter3A_1196 = arith.constant 0 : i32
        %scatter3A_1197 = arith.constant 0 : i32
        %scatter3A_1198 = tpu.memref_slice %arg10[%select_n3A_937, %scatter3A_1196, %scatter3A_1197] : memref<2x64x128xf32, #tpu.memory_space<vmem>> -> memref<1x64x128xf32, #tpu.memory_space<vmem>>
        %scatter3A_1199 = tpu.memref_squeeze %scatter3A_1198 : memref<1x64x128xf32, #tpu.memory_space<vmem>> -> memref<64x128xf32, #tpu.memory_space<vmem>>
        tpu.vector_store_idx %scatter3A_1199[%add3A_1162, %add3A_991], %add3A_1195 : memref<64x128xf32, #tpu.memory_space<vmem>>[vector<16xi32>, vector<16xi32>], vector<16xf32>,
        %add3A_1200 = arith.addi %get3A_974, %add3A_1162 : vector<16xi32>
        %gather3A_1201 = arith.constant 0 : i32
        %gather3A_1202 = arith.constant 0 : i32
        %gather3A_1203 = tpu.memref_slice %arg9[%scan3A_1008, %gather3A_1201, %gather3A_1202] : memref<4x128x128xf32, #tpu.memory_space<vmem>> -> memref<1x128x128xf32, #tpu.memory_space<vmem>>
        %gather3A_1204 = tpu.memref_squeeze %gather3A_1203 : memref<1x128x128xf32, #tpu.memory_space<vmem>> -> memref<128x128xf32, #tpu.memory_space<vmem>>
        %gather3A_1205 = tpu.vector_load_idx %gather3A_1204[%add3A_994, %add3A_1200] : memref<128x128xf32, #tpu.memory_space<vmem>>[vector<16xi32>, vector<16xi32>], vector<16xf32>,
        %add3A_1206 = arith.addf %gather3A_1205, %gather3A_1166 : vector<16xf32>
        %scatter3A_1207 = arith.constant 0 : i32
        %scatter3A_1208 = arith.constant 0 : i32
        %scatter3A_1209 = tpu.memref_slice %arg10[%select_n3A_937, %scatter3A_1207, %scatter3A_1208] : memref<2x64x128xf32, #tpu.memory_space<vmem>> -> memref<1x64x128xf32, #tpu.memory_space<vmem>>
        %scatter3A_1210 = tpu.memref_squeeze %scatter3A_1209 : memref<1x64x128xf32, #tpu.memory_space<vmem>> -> memref<64x128xf32, #tpu.memory_space<vmem>>
        tpu.vector_store_idx %scatter3A_1210[%add3A_1162, %add3A_994], %add3A_1206 : memref<64x128xf32, #tpu.memory_space<vmem>>[vector<16xi32>, vector<16xi32>], vector<16xf32>,
        %add3A_1211 = arith.addi %get3A_976, %add3A_1162 : vector<16xi32>
        %gather3A_1212 = arith.constant 0 : i32
        %gather3A_1213 = arith.constant 0 : i32
        %gather3A_1214 = tpu.memref_slice %arg9[%scan3A_1008, %gather3A_1212, %gather3A_1213] : memref<4x128x128xf32, #tpu.memory_space<vmem>> -> memref<1x128x128xf32, #tpu.memory_space<vmem>>
        %gather3A_1215 = tpu.memref_squeeze %gather3A_1214 : memref<1x128x128xf32, #tpu.memory_space<vmem>> -> memref<128x128xf32, #tpu.memory_space<vmem>>
        %gather3A_1216 = tpu.vector_load_idx %gather3A_1215[%add3A_997, %add3A_1211] : memref<128x128xf32, #tpu.memory_space<vmem>>[vector<16xi32>, vector<16xi32>], vector<16xf32>,
        %add3A_1217 = arith.addf %gather3A_1216, %gather3A_1166 : vector<16xf32>
        %scatter3A_1218 = arith.constant 0 : i32
        %scatter3A_1219 = arith.constant 0 : i32
        %scatter3A_1220 = tpu.memref_slice %arg10[%select_n3A_937, %scatter3A_1218, %scatter3A_1219] : memref<2x64x128xf32, #tpu.memory_space<vmem>> -> memref<1x64x128xf32, #tpu.memory_space<vmem>>
        %scatter3A_1221 = tpu.memref_squeeze %scatter3A_1220 : memref<1x64x128xf32, #tpu.memory_space<vmem>> -> memref<64x128xf32, #tpu.memory_space<vmem>>
        tpu.vector_store_idx %scatter3A_1221[%add3A_1162, %add3A_997], %add3A_1217 : memref<64x128xf32, #tpu.memory_space<vmem>>[vector<16xi32>, vector<16xi32>], vector<16xf32>,
        %add3A_1222 = arith.addi %get3A_978, %add3A_1162 : vector<16xi32>
        %gather3A_1223 = arith.constant 0 : i32
        %gather3A_1224 = arith.constant 0 : i32
        %gather3A_1225 = tpu.memref_slice %arg9[%scan3A_1008, %gather3A_1223, %gather3A_1224] : memref<4x128x128xf32, #tpu.memory_space<vmem>> -> memref<1x128x128xf32, #tpu.memory_space<vmem>>
        %gather3A_1226 = tpu.memref_squeeze %gather3A_1225 : memref<1x128x128xf32, #tpu.memory_space<vmem>> -> memref<128x128xf32, #tpu.memory_space<vmem>>
        %gather3A_1227 = tpu.vector_load_idx %gather3A_1226[%add3A_1000, %add3A_1222] : memref<128x128xf32, #tpu.memory_space<vmem>>[vector<16xi32>, vector<16xi32>], vector<16xf32>,
        %add3A_1228 = arith.addf %gather3A_1227, %gather3A_1166 : vector<16xf32>
        %scatter3A_1229 = arith.constant 0 : i32
        %scatter3A_1230 = arith.constant 0 : i32
        %scatter3A_1231 = tpu.memref_slice %arg10[%select_n3A_937, %scatter3A_1229, %scatter3A_1230] : memref<2x64x128xf32, #tpu.memory_space<vmem>> -> memref<1x64x128xf32, #tpu.memory_space<vmem>>
        %scatter3A_1232 = tpu.memref_squeeze %scatter3A_1231 : memref<1x64x128xf32, #tpu.memory_space<vmem>> -> memref<64x128xf32, #tpu.memory_space<vmem>>
        tpu.vector_store_idx %scatter3A_1232[%add3A_1162, %add3A_1000], %add3A_1228 : memref<64x128xf32, #tpu.memory_space<vmem>>[vector<16xi32>, vector<16xi32>], vector<16xf32>,
        %add3A_1233 = arith.addi %get3A_980, %add3A_1162 : vector<16xi32>
        %gather3A_1234 = arith.constant 0 : i32
        %gather3A_1235 = arith.constant 0 : i32
        %gather3A_1236 = tpu.memref_slice %arg9[%scan3A_1008, %gather3A_1234, %gather3A_1235] : memref<4x128x128xf32, #tpu.memory_space<vmem>> -> memref<1x128x128xf32, #tpu.memory_space<vmem>>
        %gather3A_1237 = tpu.memref_squeeze %gather3A_1236 : memref<1x128x128xf32, #tpu.memory_space<vmem>> -> memref<128x128xf32, #tpu.memory_space<vmem>>
        %gather3A_1238 = tpu.vector_load_idx %gather3A_1237[%add3A_1003, %add3A_1233] : memref<128x128xf32, #tpu.memory_space<vmem>>[vector<16xi32>, vector<16xi32>], vector<16xf32>,
        %add3A_1239 = arith.addf %gather3A_1238, %gather3A_1166 : vector<16xf32>
        %scatter3A_1240 = arith.constant 0 : i32
        %scatter3A_1241 = arith.constant 0 : i32
        %scatter3A_1242 = tpu.memref_slice %arg10[%select_n3A_937, %scatter3A_1240, %scatter3A_1241] : memref<2x64x128xf32, #tpu.memory_space<vmem>> -> memref<1x64x128xf32, #tpu.memory_space<vmem>>
        %scatter3A_1243 = tpu.memref_squeeze %scatter3A_1242 : memref<1x64x128xf32, #tpu.memory_space<vmem>> -> memref<64x128xf32, #tpu.memory_space<vmem>>
        tpu.vector_store_idx %scatter3A_1243[%add3A_1162, %add3A_1003], %add3A_1239 : memref<64x128xf32, #tpu.memory_space<vmem>>[vector<16xi32>, vector<16xi32>], vector<16xf32>,
        %add3A_1244 = arith.addi %get3A_982, %add3A_1162 : vector<16xi32>
        %gather3A_1245 = arith.constant 0 : i32
        %gather3A_1246 = arith.constant 0 : i32
        %gather3A_1247 = tpu.memref_slice %arg9[%scan3A_1008, %gather3A_1245, %gather3A_1246] : memref<4x128x128xf32, #tpu.memory_space<vmem>> -> memref<1x128x128xf32, #tpu.memory_space<vmem>>
        %gather3A_1248 = tpu.memref_squeeze %gather3A_1247 : memref<1x128x128xf32, #tpu.memory_space<vmem>> -> memref<128x128xf32, #tpu.memory_space<vmem>>
        %gather3A_1249 = tpu.vector_load_idx %gather3A_1248[%add3A_1006, %add3A_1244] : memref<128x128xf32, #tpu.memory_space<vmem>>[vector<16xi32>, vector<16xi32>], vector<16xf32>,
        %add3A_1250 = arith.addf %gather3A_1249, %gather3A_1166 : vector<16xf32>
        %scatter3A_1251 = arith.constant 0 : i32
        %scatter3A_1252 = arith.constant 0 : i32
        %scatter3A_1253 = tpu.memref_slice %arg10[%select_n3A_937, %scatter3A_1251, %scatter3A_1252] : memref<2x64x128xf32, #tpu.memory_space<vmem>> -> memref<1x64x128xf32, #tpu.memory_space<vmem>>
        %scatter3A_1254 = tpu.memref_squeeze %scatter3A_1253 : memref<1x64x128xf32, #tpu.memory_space<vmem>> -> memref<64x128xf32, #tpu.memory_space<vmem>>
        tpu.vector_store_idx %scatter3A_1254[%add3A_1162, %add3A_1006], %add3A_1250 : memref<64x128xf32, #tpu.memory_space<vmem>>[vector<16xi32>, vector<16xi32>], vector<16xf32>,
      }
      %scan3A_1013 = arith.constant 64 : i32
      %dma_start3A_1014 = arith.constant 0 : i32
      %dma_start3A_1015 = arith.constant 0 : i32
      %dma_start3A_1016 = tpu.memref_slice %arg10[%select_n3A_937, %dma_start3A_1014, %dma_start3A_1015] : memref<2x64x128xf32, #tpu.memory_space<vmem>> -> memref<1x64x128xf32, #tpu.memory_space<vmem>>
      %dma_start3A_1017 = tpu.memref_squeeze %dma_start3A_1016 : memref<1x64x128xf32, #tpu.memory_space<vmem>> -> memref<64x128xf32, #tpu.memory_space<vmem>>
      %dma_start3A_1018 = arith.constant 0 : i32
      %dma_start3A_1019 = tpu.memref_slice %arg5[%add3A_921, %dma_start3A_1018, %mul3A_2] : memref<200x64x4096xf32, #tpu.memory_space<hbm>> -> memref<1x64x128xf32, #tpu.memory_space<hbm>>
      %dma_start3A_1020 = tpu.memref_squeeze %dma_start3A_1019 : memref<1x64x128xf32, #tpu.memory_space<hbm>> -> memref<64x128xf32, #tpu.memory_space<hbm>>
      %dma_start3A_1021 = tpu.memref_slice %arg13[%select_n3A_937] : memref<2x!tpu.dma_semaphore, #tpu.memory_space<semaphore_mem>> -> memref<1x!tpu.dma_semaphore, #tpu.memory_space<semaphore_mem>>
      %dma_start3A_1022 = tpu.memref_squeeze %dma_start3A_1021 : memref<1x!tpu.dma_semaphore, #tpu.memory_space<semaphore_mem>> -> memref<!tpu.dma_semaphore, #tpu.memory_space<semaphore_mem>>
      %dma_start3A_1023 = arith.constant 0 : i32
      %dma_start3A_1024 = tpu.memref_slice %arg5[%add3A_921, %dma_start3A_1023, %mul3A_2] : memref<200x64x4096xf32, #tpu.memory_space<hbm>> -> memref<1x64x128xf32, #tpu.memory_space<hbm>>
      %dma_start3A_1025 = tpu.memref_squeeze %dma_start3A_1024 : memref<1x64x128xf32, #tpu.memory_space<hbm>> -> memref<64x128xf32, #tpu.memory_space<hbm>>
      %dma_start3A_1026 = arith.constant 0 : i32
      %dma_start3A_1027 = arith.constant 0 : i32
      %dma_start3A_1028 = tpu.memref_slice %arg10[%select_n3A_937, %dma_start3A_1026, %dma_start3A_1027] : memref<2x64x128xf32, #tpu.memory_space<vmem>> -> memref<1x64x128xf32, #tpu.memory_space<vmem>>
      %dma_start3A_1029 = tpu.memref_squeeze %dma_start3A_1028 : memref<1x64x128xf32, #tpu.memory_space<vmem>> -> memref<64x128xf32, #tpu.memory_space<vmem>>
      tpu.enqueue_dma source(%dma_start3A_1029 : memref<64x128xf32, #tpu.memory_space<vmem>>) target(%dma_start3A_1025 : memref<64x128xf32, #tpu.memory_space<hbm>>) target_semaphore(%dma_start3A_1022 : memref<!tpu.dma_semaphore, #tpu.memory_space<semaphore_mem>>)
      %add3A_1030 = arith.constant 3 : i32
      %add3A_1031 = arith.addi %add3A_921, %add3A_1030 : i32
      %add3A_1032 = arith.constant 1 : i32
      %add3A_1033 = arith.addi %add3A_1031, %add3A_1032 : i32
      %lt3A_1034 = arith.constant 200 : i32
      %lt3A_1035 = arith.cmpi slt, %add3A_1033, %lt3A_1034 : i32
      %convert_element_type3A_1036 = arith.extui %lt3A_1035 : i1 to i32
      %cond3A_1037 = arith.constant 0 : i32
      %cond3A_1038 = arith.cmpi ne, %convert_element_type3A_1036, %cond3A_1037 : i32
      scf.if %cond3A_1038 {
        %add3A_1044 = arith.constant 1 : i32
        %add3A_1045 = arith.addi %add3A_1031, %add3A_1044 : i32
        %jit3A_1046 = arith.constant 4 : i32
        %eq3A_1047 = arith.constant 0 : i32
        %eq3A_1048 = arith.cmpi eq, %jit3A_1046, %eq3A_1047 : i32
        %jit3A_1049 = arith.constant 1 : i32
        %select_n3A_1050 = arith.select %eq3A_1048, %jit3A_1049, %jit3A_1046 : i32
        %rem3A_1051 = arith.remsi %add3A_1045, %select_n3A_1050 : i32
        %ne3A_1052 = arith.constant 0 : i32
        %ne3A_1053 = arith.cmpi ne, %rem3A_1051, %ne3A_1052 : i32
        %lt3A_1054 = arith.constant 0 : i32
        %lt3A_1055 = arith.cmpi slt, %rem3A_1051, %lt3A_1054 : i32
        %lt3A_1056 = arith.constant 0 : i32
        %lt3A_1057 = arith.cmpi slt, %select_n3A_1050, %lt3A_1056 : i32
        %ne3A_1058 = arith.xori %lt3A_1055, %lt3A_1057 : i1
        %and3A_1059 = arith.andi %ne3A_1058, %ne3A_1053 : i1
        %add3A_1060 = arith.addi %rem3A_1051, %select_n3A_1050 : i32
        %select_n3A_1061 = arith.select %and3A_1059, %add3A_1060, %rem3A_1051 : i32
        %add3A_1062 = arith.constant 1 : i32
        %add3A_1063 = arith.addi %add3A_1031, %add3A_1062 : i32
        %mul3A_1064 = arith.constant 128 : i32
        %mul3A_1065 = arith.muli %select_n3A_1061, %mul3A_1064 : i32
        %mul3A_1066 = arith.constant 4096 : i32
        %mul3A_1067 = arith.muli %add3A_1063, %mul3A_1066 : i32
        %add3A_1068 = arith.addi %mul3A_1067, %mul3A_2 : i32
        %dma_start3A_1069 = tpu.memref_slice %arg6[%mul3A_1065] : memref<512xi32, #tpu.memory_space<vmem>> -> memref<128xi32, #tpu.memory_space<vmem>>
        %dma_start3A_1070 = tpu.memref_slice %arg2[%add3A_1068] : memref<819200xi32, #tpu.memory_space<hbm>> -> memref<128xi32, #tpu.memory_space<hbm>>
        %dma_start3A_1071 = tpu.memref_slice %arg14[%select_n3A_1061] : memref<4x!tpu.dma_semaphore, #tpu.memory_space<semaphore_mem>> -> memref<1x!tpu.dma_semaphore, #tpu.memory_space<semaphore_mem>>
        %dma_start3A_1072 = tpu.memref_squeeze %dma_start3A_1071 : memref<1x!tpu.dma_semaphore, #tpu.memory_space<semaphore_mem>> -> memref<!tpu.dma_semaphore, #tpu.memory_space<semaphore_mem>>
        %dma_start3A_1073 = tpu.memref_slice %arg6[%mul3A_1065] : memref<512xi32, #tpu.memory_space<vmem>> -> memref<128xi32, #tpu.memory_space<vmem>>
        %dma_start3A_1074 = tpu.memref_slice %arg2[%add3A_1068] : memref<819200xi32, #tpu.memory_space<hbm>> -> memref<128xi32, #tpu.memory_space<hbm>>
        tpu.enqueue_dma source(%dma_start3A_1074 : memref<128xi32, #tpu.memory_space<hbm>>) target(%dma_start3A_1073 : memref<128xi32, #tpu.memory_space<vmem>>) target_semaphore(%dma_start3A_1072 : memref<!tpu.dma_semaphore, #tpu.memory_space<semaphore_mem>>)
      } else {
      }
      %lt3A_1039 = arith.constant 200 : i32
      %lt3A_1040 = arith.cmpi slt, %add3A_1031, %lt3A_1039 : i32
      %convert_element_type3A_1041 = arith.extui %lt3A_1040 : i1 to i32
      %cond3A_1042 = arith.constant 0 : i32
      %cond3A_1043 = arith.cmpi ne, %convert_element_type3A_1041, %cond3A_1042 : i32
      scf.if %cond3A_1043 {
        %jit3A_1044 = arith.constant 4 : i32
        %eq3A_1045 = arith.constant 0 : i32
        %eq3A_1046 = arith.cmpi eq, %jit3A_1044, %eq3A_1045 : i32
        %jit3A_1047 = arith.constant 1 : i32
        %select_n3A_1048 = arith.select %eq3A_1046, %jit3A_1047, %jit3A_1044 : i32
        %rem3A_1049 = arith.remsi %add3A_1031, %select_n3A_1048 : i32
        %ne3A_1050 = arith.constant 0 : i32
        %ne3A_1051 = arith.cmpi ne, %rem3A_1049, %ne3A_1050 : i32
        %lt3A_1052 = arith.constant 0 : i32
        %lt3A_1053 = arith.cmpi slt, %rem3A_1049, %lt3A_1052 : i32
        %lt3A_1054 = arith.constant 0 : i32
        %lt3A_1055 = arith.cmpi slt, %select_n3A_1048, %lt3A_1054 : i32
        %ne3A_1056 = arith.xori %lt3A_1053, %lt3A_1055 : i1
        %and3A_1057 = arith.andi %ne3A_1056, %ne3A_1051 : i1
        %add3A_1058 = arith.addi %rem3A_1049, %select_n3A_1048 : i32
        %select_n3A_1059 = arith.select %and3A_1057, %add3A_1058, %rem3A_1049 : i32
        %mul3A_1060 = arith.constant 128 : i32
        %mul3A_1061 = arith.muli %select_n3A_1059, %mul3A_1060 : i32
        %mul3A_1062 = arith.constant 4096 : i32
        %mul3A_1063 = arith.muli %add3A_1031, %mul3A_1062 : i32
        %add3A_1064 = arith.addi %mul3A_1063, %mul3A_2 : i32
        %dma_wait3A_1065 = tpu.memref_slice %arg6[%mul3A_1061] : memref<512xi32, #tpu.memory_space<vmem>> -> memref<128xi32, #tpu.memory_space<vmem>>
        %dma_wait3A_1066 = tpu.memref_slice %arg2[%add3A_1064] : memref<819200xi32, #tpu.memory_space<hbm>> -> memref<128xi32, #tpu.memory_space<hbm>>
        %dma_wait3A_1067 = tpu.memref_slice %arg14[%select_n3A_1059] : memref<4x!tpu.dma_semaphore, #tpu.memory_space<semaphore_mem>> -> memref<1x!tpu.dma_semaphore, #tpu.memory_space<semaphore_mem>>
        %dma_wait3A_1068 = tpu.memref_squeeze %dma_wait3A_1067 : memref<1x!tpu.dma_semaphore, #tpu.memory_space<semaphore_mem>> -> memref<!tpu.dma_semaphore, #tpu.memory_space<semaphore_mem>>
        %dma_wait3A_1069 = tpu.memref_slice %arg6[%mul3A_1061] : memref<512xi32, #tpu.memory_space<vmem>> -> memref<128xi32, #tpu.memory_space<vmem>>
        %dma_wait3A_1070 = tpu.memref_slice %arg2[%add3A_1064] : memref<819200xi32, #tpu.memory_space<hbm>> -> memref<128xi32, #tpu.memory_space<hbm>>
        tpu.wait_dma2 semaphore(%dma_wait3A_1068 : memref<!tpu.dma_semaphore, #tpu.memory_space<semaphore_mem>>) src(%dma_wait3A_1070 : memref<128xi32, #tpu.memory_space<hbm>>) dst(%dma_wait3A_1069 : memref<128xi32, #tpu.memory_space<vmem>>)
        %add3A_1071 = arith.constant 0 : i32
        %add3A_1072 = arith.addi %mul3A_1061, %add3A_1071 : i32
        %get3A_1073 = arith.index_cast %add3A_1072 : i32 to index
        %get3A_1074 = tpu.vector_load %arg6[%get3A_1073] {strides = array<i32>} : memref<512xi32, #tpu.memory_space<vmem>>, vector<16xi32>,
        %shift_right_logical3A_1075 = arith.constant 1 : i32
        %shift_right_logical3A_1076 = vector.broadcast %shift_right_logical3A_1075 : i32 to vector<16xi32>
        %shift_right_logical3A_1077 = arith.shrui %get3A_1074, %shift_right_logical3A_1076 : vector<16xi32>
        %swap3A_1078 = arith.index_cast %add3A_1072 : i32 to index
        %swap3A_1079 = tpu.vector_load %arg7[%swap3A_1078] {strides = array<i32>} : memref<512xi32, #tpu.memory_space<vmem>>, vector<16xi32>,
        tpu.vector_store %arg7[%swap3A_1078], %shift_right_logical3A_1077 {strides = array<i32>} : memref<512xi32, #tpu.memory_space<vmem>>, vector<16xi32>,
        %and3A_1080 = arith.constant 1 : i32
        %and3A_1081 = vector.broadcast %and3A_1080 : i32 to vector<16xi32>
        %and3A_1082 = arith.andi %get3A_1074, %and3A_1081 : vector<16xi32>
        %shift_left3A_1083 = arith.constant 6 : i32
        %shift_left3A_1084 = vector.broadcast %shift_left3A_1083 : i32 to vector<16xi32>
        %shift_left3A_1085 = arith.shli %and3A_1082, %shift_left3A_1084 : vector<16xi32>
        %swap3A_1086 = arith.index_cast %add3A_1072 : i32 to index
        %swap3A_1087 = tpu.vector_load %arg8[%swap3A_1086] {strides = array<i32>} : memref<512xi32, #tpu.memory_space<vmem>>, vector<16xi32>,
        tpu.vector_store %arg8[%swap3A_1086], %shift_left3A_1085 {strides = array<i32>} : memref<512xi32, #tpu.memory_space<vmem>>, vector<16xi32>,
        %add3A_1088 = arith.constant 16 : i32
        %add3A_1089 = arith.addi %mul3A_1061, %add3A_1088 : i32
        %get3A_1090 = arith.index_cast %add3A_1089 : i32 to index
        %get3A_1091 = tpu.vector_load %arg6[%get3A_1090] {strides = array<i32>} : memref<512xi32, #tpu.memory_space<vmem>>, vector<16xi32>,
        %shift_right_logical3A_1092 = arith.constant 1 : i32
        %shift_right_logical3A_1093 = vector.broadcast %shift_right_logical3A_1092 : i32 to vector<16xi32>
        %shift_right_logical3A_1094 = arith.shrui %get3A_1091, %shift_right_logical3A_1093 : vector<16xi32>
        %swap3A_1095 = arith.index_cast %add3A_1089 : i32 to index
        %swap3A_1096 = tpu.vector_load %arg7[%swap3A_1095] {strides = array<i32>} : memref<512xi32, #tpu.memory_space<vmem>>, vector<16xi32>,
        tpu.vector_store %arg7[%swap3A_1095], %shift_right_logical3A_1094 {strides = array<i32>} : memref<512xi32, #tpu.memory_space<vmem>>, vector<16xi32>,
        %and3A_1097 = arith.constant 1 : i32
        %and3A_1098 = vector.broadcast %and3A_1097 : i32 to vector<16xi32>
        %and3A_1099 = arith.andi %get3A_1091, %and3A_1098 : vector<16xi32>
        %shift_left3A_1100 = arith.constant 6 : i32
        %shift_left3A_1101 = vector.broadcast %shift_left3A_1100 : i32 to vector<16xi32>
        %shift_left3A_1102 = arith.shli %and3A_1099, %shift_left3A_1101 : vector<16xi32>
        %swap3A_1103 = arith.index_cast %add3A_1089 : i32 to index
        %swap3A_1104 = tpu.vector_load %arg8[%swap3A_1103] {strides = array<i32>} : memref<512xi32, #tpu.memory_space<vmem>>, vector<16xi32>,
        tpu.vector_store %arg8[%swap3A_1103], %shift_left3A_1102 {strides = array<i32>} : memref<512xi32, #tpu.memory_space<vmem>>, vector<16xi32>,
        %add3A_1105 = arith.constant 32 : i32
        %add3A_1106 = arith.addi %mul3A_1061, %add3A_1105 : i32
        %get3A_1107 = arith.index_cast %add3A_1106 : i32 to index
        %get3A_1108 = tpu.vector_load %arg6[%get3A_1107] {strides = array<i32>} : memref<512xi32, #tpu.memory_space<vmem>>, vector<16xi32>,
        %shift_right_logical3A_1109 = arith.constant 1 : i32
        %shift_right_logical3A_1110 = vector.broadcast %shift_right_logical3A_1109 : i32 to vector<16xi32>
        %shift_right_logical3A_1111 = arith.shrui %get3A_1108, %shift_right_logical3A_1110 : vector<16xi32>
        %swap3A_1112 = arith.index_cast %add3A_1106 : i32 to index
        %swap3A_1113 = tpu.vector_load %arg7[%swap3A_1112] {strides = array<i32>} : memref<512xi32, #tpu.memory_space<vmem>>, vector<16xi32>,
        tpu.vector_store %arg7[%swap3A_1112], %shift_right_logical3A_1111 {strides = array<i32>} : memref<512xi32, #tpu.memory_space<vmem>>, vector<16xi32>,
        %and3A_1114 = arith.constant 1 : i32
        %and3A_1115 = vector.broadcast %and3A_1114 : i32 to vector<16xi32>
        %and3A_1116 = arith.andi %get3A_1108, %and3A_1115 : vector<16xi32>
        %shift_left3A_1117 = arith.constant 6 : i32
        %shift_left3A_1118 = vector.broadcast %shift_left3A_1117 : i32 to vector<16xi32>
        %shift_left3A_1119 = arith.shli %and3A_1116, %shift_left3A_1118 : vector<16xi32>
        %swap3A_1120 = arith.index_cast %add3A_1106 : i32 to index
        %swap3A_1121 = tpu.vector_load %arg8[%swap3A_1120] {strides = array<i32>} : memref<512xi32, #tpu.memory_space<vmem>>, vector<16xi32>,
        tpu.vector_store %arg8[%swap3A_1120], %shift_left3A_1119 {strides = array<i32>} : memref<512xi32, #tpu.memory_space<vmem>>, vector<16xi32>,
        %add3A_1122 = arith.constant 48 : i32
        %add3A_1123 = arith.addi %mul3A_1061, %add3A_1122 : i32
        %get3A_1124 = arith.index_cast %add3A_1123 : i32 to index
        %get3A_1125 = tpu.vector_load %arg6[%get3A_1124] {strides = array<i32>} : memref<512xi32, #tpu.memory_space<vmem>>, vector<16xi32>,
        %shift_right_logical3A_1126 = arith.constant 1 : i32
        %shift_right_logical3A_1127 = vector.broadcast %shift_right_logical3A_1126 : i32 to vector<16xi32>
        %shift_right_logical3A_1128 = arith.shrui %get3A_1125, %shift_right_logical3A_1127 : vector<16xi32>
        %swap3A_1129 = arith.index_cast %add3A_1123 : i32 to index
        %swap3A_1130 = tpu.vector_load %arg7[%swap3A_1129] {strides = array<i32>} : memref<512xi32, #tpu.memory_space<vmem>>, vector<16xi32>,
        tpu.vector_store %arg7[%swap3A_1129], %shift_right_logical3A_1128 {strides = array<i32>} : memref<512xi32, #tpu.memory_space<vmem>>, vector<16xi32>,
        %and3A_1131 = arith.constant 1 : i32
        %and3A_1132 = vector.broadcast %and3A_1131 : i32 to vector<16xi32>
        %and3A_1133 = arith.andi %get3A_1125, %and3A_1132 : vector<16xi32>
        %shift_left3A_1134 = arith.constant 6 : i32
        %shift_left3A_1135 = vector.broadcast %shift_left3A_1134 : i32 to vector<16xi32>
        %shift_left3A_1136 = arith.shli %and3A_1133, %shift_left3A_1135 : vector<16xi32>
        %swap3A_1137 = arith.index_cast %add3A_1123 : i32 to index
        %swap3A_1138 = tpu.vector_load %arg8[%swap3A_1137] {strides = array<i32>} : memref<512xi32, #tpu.memory_space<vmem>>, vector<16xi32>,
        tpu.vector_store %arg8[%swap3A_1137], %shift_left3A_1136 {strides = array<i32>} : memref<512xi32, #tpu.memory_space<vmem>>, vector<16xi32>,
        %add3A_1139 = arith.constant 64 : i32
        %add3A_1140 = arith.addi %mul3A_1061, %add3A_1139 : i32
        %get3A_1141 = arith.index_cast %add3A_1140 : i32 to index
        %get3A_1142 = tpu.vector_load %arg6[%get3A_1141] {strides = array<i32>} : memref<512xi32, #tpu.memory_space<vmem>>, vector<16xi32>,
        %shift_right_logical3A_1143 = arith.constant 1 : i32
        %shift_right_logical3A_1144 = vector.broadcast %shift_right_logical3A_1143 : i32 to vector<16xi32>
        %shift_right_logical3A_1145 = arith.shrui %get3A_1142, %shift_right_logical3A_1144 : vector<16xi32>
        %swap3A_1146 = arith.index_cast %add3A_1140 : i32 to index
        %swap3A_1147 = tpu.vector_load %arg7[%swap3A_1146] {strides = array<i32>} : memref<512xi32, #tpu.memory_space<vmem>>, vector<16xi32>,
        tpu.vector_store %arg7[%swap3A_1146], %shift_right_logical3A_1145 {strides = array<i32>} : memref<512xi32, #tpu.memory_space<vmem>>, vector<16xi32>,
        %and3A_1148 = arith.constant 1 : i32
        %and3A_1149 = vector.broadcast %and3A_1148 : i32 to vector<16xi32>
        %and3A_1150 = arith.andi %get3A_1142, %and3A_1149 : vector<16xi32>
        %shift_left3A_1151 = arith.constant 6 : i32
        %shift_left3A_1152 = vector.broadcast %shift_left3A_1151 : i32 to vector<16xi32>
        %shift_left3A_1153 = arith.shli %and3A_1150, %shift_left3A_1152 : vector<16xi32>
        %swap3A_1154 = arith.index_cast %add3A_1140 : i32 to index
        %swap3A_1155 = tpu.vector_load %arg8[%swap3A_1154] {strides = array<i32>} : memref<512xi32, #tpu.memory_space<vmem>>, vector<16xi32>,
        tpu.vector_store %arg8[%swap3A_1154], %shift_left3A_1153 {strides = array<i32>} : memref<512xi32, #tpu.memory_space<vmem>>, vector<16xi32>,
        %add3A_1156 = arith.constant 80 : i32
        %add3A_1157 = arith.addi %mul3A_1061, %add3A_1156 : i32
        %get3A_1158 = arith.index_cast %add3A_1157 : i32 to index
        %get3A_1159 = tpu.vector_load %arg6[%get3A_1158] {strides = array<i32>} : memref<512xi32, #tpu.memory_space<vmem>>, vector<16xi32>,
        %shift_right_logical3A_1160 = arith.constant 1 : i32
        %shift_right_logical3A_1161 = vector.broadcast %shift_right_logical3A_1160 : i32 to vector<16xi32>
        %shift_right_logical3A_1162 = arith.shrui %get3A_1159, %shift_right_logical3A_1161 : vector<16xi32>
        %swap3A_1163 = arith.index_cast %add3A_1157 : i32 to index
        %swap3A_1164 = tpu.vector_load %arg7[%swap3A_1163] {strides = array<i32>} : memref<512xi32, #tpu.memory_space<vmem>>, vector<16xi32>,
        tpu.vector_store %arg7[%swap3A_1163], %shift_right_logical3A_1162 {strides = array<i32>} : memref<512xi32, #tpu.memory_space<vmem>>, vector<16xi32>,
        %and3A_1165 = arith.constant 1 : i32
        %and3A_1166 = vector.broadcast %and3A_1165 : i32 to vector<16xi32>
        %and3A_1167 = arith.andi %get3A_1159, %and3A_1166 : vector<16xi32>
        %shift_left3A_1168 = arith.constant 6 : i32
        %shift_left3A_1169 = vector.broadcast %shift_left3A_1168 : i32 to vector<16xi32>
        %shift_left3A_1170 = arith.shli %and3A_1167, %shift_left3A_1169 : vector<16xi32>
        %swap3A_1171 = arith.index_cast %add3A_1157 : i32 to index
        %swap3A_1172 = tpu.vector_load %arg8[%swap3A_1171] {strides = array<i32>} : memref<512xi32, #tpu.memory_space<vmem>>, vector<16xi32>,
        tpu.vector_store %arg8[%swap3A_1171], %shift_left3A_1170 {strides = array<i32>} : memref<512xi32, #tpu.memory_space<vmem>>, vector<16xi32>,
        %add3A_1173 = arith.constant 96 : i32
        %add3A_1174 = arith.addi %mul3A_1061, %add3A_1173 : i32
        %get3A_1175 = arith.index_cast %add3A_1174 : i32 to index
        %get3A_1176 = tpu.vector_load %arg6[%get3A_1175] {strides = array<i32>} : memref<512xi32, #tpu.memory_space<vmem>>, vector<16xi32>,
        %shift_right_logical3A_1177 = arith.constant 1 : i32
        %shift_right_logical3A_1178 = vector.broadcast %shift_right_logical3A_1177 : i32 to vector<16xi32>
        %shift_right_logical3A_1179 = arith.shrui %get3A_1176, %shift_right_logical3A_1178 : vector<16xi32>
        %swap3A_1180 = arith.index_cast %add3A_1174 : i32 to index
        %swap3A_1181 = tpu.vector_load %arg7[%swap3A_1180] {strides = array<i32>} : memref<512xi32, #tpu.memory_space<vmem>>, vector<16xi32>,
        tpu.vector_store %arg7[%swap3A_1180], %shift_right_logical3A_1179 {strides = array<i32>} : memref<512xi32, #tpu.memory_space<vmem>>, vector<16xi32>,
        %and3A_1182 = arith.constant 1 : i32
        %and3A_1183 = vector.broadcast %and3A_1182 : i32 to vector<16xi32>
        %and3A_1184 = arith.andi %get3A_1176, %and3A_1183 : vector<16xi32>
        %shift_left3A_1185 = arith.constant 6 : i32
        %shift_left3A_1186 = vector.broadcast %shift_left3A_1185 : i32 to vector<16xi32>
        %shift_left3A_1187 = arith.shli %and3A_1184, %shift_left3A_1186 : vector<16xi32>
        %swap3A_1188 = arith.index_cast %add3A_1174 : i32 to index
        %swap3A_1189 = tpu.vector_load %arg8[%swap3A_1188] {strides = array<i32>} : memref<512xi32, #tpu.memory_space<vmem>>, vector<16xi32>,
        tpu.vector_store %arg8[%swap3A_1188], %shift_left3A_1187 {strides = array<i32>} : memref<512xi32, #tpu.memory_space<vmem>>, vector<16xi32>,
        %add3A_1190 = arith.constant 112 : i32
        %add3A_1191 = arith.addi %mul3A_1061, %add3A_1190 : i32
        %get3A_1192 = arith.index_cast %add3A_1191 : i32 to index
        %get3A_1193 = tpu.vector_load %arg6[%get3A_1192] {strides = array<i32>} : memref<512xi32, #tpu.memory_space<vmem>>, vector<16xi32>,
        %shift_right_logical3A_1194 = arith.constant 1 : i32
        %shift_right_logical3A_1195 = vector.broadcast %shift_right_logical3A_1194 : i32 to vector<16xi32>
        %shift_right_logical3A_1196 = arith.shrui %get3A_1193, %shift_right_logical3A_1195 : vector<16xi32>
        %swap3A_1197 = arith.index_cast %add3A_1191 : i32 to index
        %swap3A_1198 = tpu.vector_load %arg7[%swap3A_1197] {strides = array<i32>} : memref<512xi32, #tpu.memory_space<vmem>>, vector<16xi32>,
        tpu.vector_store %arg7[%swap3A_1197], %shift_right_logical3A_1196 {strides = array<i32>} : memref<512xi32, #tpu.memory_space<vmem>>, vector<16xi32>,
        %and3A_1199 = arith.constant 1 : i32
        %and3A_1200 = vector.broadcast %and3A_1199 : i32 to vector<16xi32>
        %and3A_1201 = arith.andi %get3A_1193, %and3A_1200 : vector<16xi32>
        %shift_left3A_1202 = arith.constant 6 : i32
        %shift_left3A_1203 = vector.broadcast %shift_left3A_1202 : i32 to vector<16xi32>
        %shift_left3A_1204 = arith.shli %and3A_1201, %shift_left3A_1203 : vector<16xi32>
        %swap3A_1205 = arith.index_cast %add3A_1191 : i32 to index
        %swap3A_1206 = tpu.vector_load %arg8[%swap3A_1205] {strides = array<i32>} : memref<512xi32, #tpu.memory_space<vmem>>, vector<16xi32>,
        tpu.vector_store %arg8[%swap3A_1205], %shift_left3A_1204 {strides = array<i32>} : memref<512xi32, #tpu.memory_space<vmem>>, vector<16xi32>,
        %dma_start3A_1207 = arith.constant 0 : i32
        %dma_start3A_1208 = arith.constant 0 : i32
        %dma_start3A_1209 = tpu.memref_slice %arg9[%select_n3A_1059, %dma_start3A_1207, %dma_start3A_1208] : memref<4x128x128xf32, #tpu.memory_space<vmem>> -> memref<1x128x128xf32, #tpu.memory_space<vmem>>
        %dma_start3A_1210 = tpu.memref_squeeze %dma_start3A_1209 : memref<1x128x128xf32, #tpu.memory_space<vmem>> -> memref<128x128xf32, #tpu.memory_space<vmem>>
        %dma_start3A_1211 = tpu.memref_slice %arg7[%mul3A_1061] : memref<512xi32, #tpu.memory_space<vmem>> -> memref<128xi32, #tpu.memory_space<vmem>>
        %dma_start3A_1212 = arith.constant 0 : i32
        %dma_start3A_1213 = arith.constant 0 : i32
        %dma_start3A_1214 = tpu.memref_slice %arg3[%dma_start3A_1212, %dma_start3A_1213] : memref<500000x128xf32, #tpu.memory_space<hbm>> -> memref<500000x128xf32, #tpu.memory_space<hbm>>
        %dma_start3A_1215 = tpu.memref_slice %arg12[%select_n3A_1059] : memref<4x!tpu.dma_semaphore, #tpu.memory_space<semaphore_mem>> -> memref<1x!tpu.dma_semaphore, #tpu.memory_space<semaphore_mem>>
        %dma_start3A_1216 = tpu.memref_squeeze %dma_start3A_1215 : memref<1x!tpu.dma_semaphore, #tpu.memory_space<semaphore_mem>> -> memref<!tpu.dma_semaphore, #tpu.memory_space<semaphore_mem>>
        tpu.enqueue_indirect_dma source(%dma_start3A_1214 : memref<500000x128xf32, #tpu.memory_space<hbm>>) target(%dma_start3A_1210 : memref<128x128xf32, #tpu.memory_space<vmem>>) offsets(%dma_start3A_1211 : memref<128xi32, #tpu.memory_space<vmem>>) semaphore(%dma_start3A_1216 : memref<!tpu.dma_semaphore, #tpu.memory_space<semaphore_mem>>)
        %mul3A_1217 = arith.constant 64 : i32
        %mul3A_1218 = arith.muli %add3A_1031, %mul3A_1217 : i32
        %mul3A_1219 = arith.constant 64 : i32
        %mul3A_1220 = arith.muli %select_n3A_1059, %mul3A_1219 : i32
        %dma_start3A_1221 = tpu.memref_slice %arg11[%mul3A_1220] : memref<256xf32, #tpu.memory_space<vmem>> -> memref<64xf32, #tpu.memory_space<vmem>>
        %dma_start3A_1222 = tpu.memref_slice %arg4[%mul3A_1218] : memref<12800xf32, #tpu.memory_space<hbm>> -> memref<64xf32, #tpu.memory_space<hbm>>
        %dma_start3A_1223 = tpu.memref_slice %arg12[%select_n3A_1059] : memref<4x!tpu.dma_semaphore, #tpu.memory_space<semaphore_mem>> -> memref<1x!tpu.dma_semaphore, #tpu.memory_space<semaphore_mem>>
        %dma_start3A_1224 = tpu.memref_squeeze %dma_start3A_1223 : memref<1x!tpu.dma_semaphore, #tpu.memory_space<semaphore_mem>> -> memref<!tpu.dma_semaphore, #tpu.memory_space<semaphore_mem>>
        %dma_start3A_1225 = tpu.memref_slice %arg11[%mul3A_1220] : memref<256xf32, #tpu.memory_space<vmem>> -> memref<64xf32, #tpu.memory_space<vmem>>
        %dma_start3A_1226 = tpu.memref_slice %arg4[%mul3A_1218] : memref<12800xf32, #tpu.memory_space<hbm>> -> memref<64xf32, #tpu.memory_space<hbm>>
        tpu.enqueue_dma source(%dma_start3A_1226 : memref<64xf32, #tpu.memory_space<hbm>>) target(%dma_start3A_1225 : memref<64xf32, #tpu.memory_space<vmem>>) target_semaphore(%dma_start3A_1224 : memref<!tpu.dma_semaphore, #tpu.memory_space<semaphore_mem>>)
      } else {
      }
    }
    %scan3A_509 = arith.constant 50 : i32
    %dma_wait3A_510 = arith.constant 0 : i32
    %dma_wait3A_511 = arith.constant 198 : i32
    %dma_wait3A_512 = arith.constant 0 : i32
    %dma_wait3A_513 = arith.constant 0 : i32
    %dma_wait3A_514 = arith.constant 0 : i32
    %dma_wait3A_515 = tpu.memref_slice %arg10[%dma_wait3A_510, %dma_wait3A_513, %dma_wait3A_514] : memref<2x64x128xf32, #tpu.memory_space<vmem>> -> memref<1x64x128xf32, #tpu.memory_space<vmem>>
    %dma_wait3A_516 = tpu.memref_squeeze %dma_wait3A_515 : memref<1x64x128xf32, #tpu.memory_space<vmem>> -> memref<64x128xf32, #tpu.memory_space<vmem>>
    %dma_wait3A_517 = arith.constant 0 : i32
    %dma_wait3A_518 = tpu.memref_slice %arg5[%dma_wait3A_511, %dma_wait3A_517, %mul3A_2] : memref<200x64x4096xf32, #tpu.memory_space<hbm>> -> memref<1x64x128xf32, #tpu.memory_space<hbm>>
    %dma_wait3A_519 = tpu.memref_squeeze %dma_wait3A_518 : memref<1x64x128xf32, #tpu.memory_space<hbm>> -> memref<64x128xf32, #tpu.memory_space<hbm>>
    %dma_wait3A_520 = tpu.memref_slice %arg13[%dma_wait3A_512] : memref<2x!tpu.dma_semaphore, #tpu.memory_space<semaphore_mem>> -> memref<1x!tpu.dma_semaphore, #tpu.memory_space<semaphore_mem>>
    %dma_wait3A_521 = tpu.memref_squeeze %dma_wait3A_520 : memref<1x!tpu.dma_semaphore, #tpu.memory_space<semaphore_mem>> -> memref<!tpu.dma_semaphore, #tpu.memory_space<semaphore_mem>>
    %dma_wait3A_522 = arith.constant 0 : i32
    %dma_wait3A_523 = tpu.memref_slice %arg5[%dma_wait3A_511, %dma_wait3A_522, %mul3A_2] : memref<200x64x4096xf32, #tpu.memory_space<hbm>> -> memref<1x64x128xf32, #tpu.memory_space<hbm>>
    %dma_wait3A_524 = tpu.memref_squeeze %dma_wait3A_523 : memref<1x64x128xf32, #tpu.memory_space<hbm>> -> memref<64x128xf32, #tpu.memory_space<hbm>>
    %dma_wait3A_525 = arith.constant 0 : i32
    %dma_wait3A_526 = arith.constant 0 : i32
    %dma_wait3A_527 = tpu.memref_slice %arg10[%dma_wait3A_510, %dma_wait3A_525, %dma_wait3A_526] : memref<2x64x128xf32, #tpu.memory_space<vmem>> -> memref<1x64x128xf32, #tpu.memory_space<vmem>>
    %dma_wait3A_528 = tpu.memref_squeeze %dma_wait3A_527 : memref<1x64x128xf32, #tpu.memory_space<vmem>> -> memref<64x128xf32, #tpu.memory_space<vmem>>
    tpu.wait_dma2 semaphore(%dma_wait3A_521 : memref<!tpu.dma_semaphore, #tpu.memory_space<semaphore_mem>>) src(%dma_wait3A_528 : memref<64x128xf32, #tpu.memory_space<vmem>>) dst(%dma_wait3A_524 : memref<64x128xf32, #tpu.memory_space<hbm>>)
    %dma_wait3A_529 = arith.constant 1 : i32
    %dma_wait3A_530 = arith.constant 199 : i32
    %dma_wait3A_531 = arith.constant 1 : i32
    %dma_wait3A_532 = arith.constant 0 : i32
    %dma_wait3A_533 = arith.constant 0 : i32
    %dma_wait3A_534 = tpu.memref_slice %arg10[%dma_wait3A_529, %dma_wait3A_532, %dma_wait3A_533] : memref<2x64x128xf32, #tpu.memory_space<vmem>> -> memref<1x64x128xf32, #tpu.memory_space<vmem>>
    %dma_wait3A_535 = tpu.memref_squeeze %dma_wait3A_534 : memref<1x64x128xf32, #tpu.memory_space<vmem>> -> memref<64x128xf32, #tpu.memory_space<vmem>>
    %dma_wait3A_536 = arith.constant 0 : i32
    %dma_wait3A_537 = tpu.memref_slice %arg5[%dma_wait3A_530, %dma_wait3A_536, %mul3A_2] : memref<200x64x4096xf32, #tpu.memory_space<hbm>> -> memref<1x64x128xf32, #tpu.memory_space<hbm>>
    %dma_wait3A_538 = tpu.memref_squeeze %dma_wait3A_537 : memref<1x64x128xf32, #tpu.memory_space<hbm>> -> memref<64x128xf32, #tpu.memory_space<hbm>>
    %dma_wait3A_539 = tpu.memref_slice %arg13[%dma_wait3A_531] : memref<2x!tpu.dma_semaphore, #tpu.memory_space<semaphore_mem>> -> memref<1x!tpu.dma_semaphore, #tpu.memory_space<semaphore_mem>>
    %dma_wait3A_540 = tpu.memref_squeeze %dma_wait3A_539 : memref<1x!tpu.dma_semaphore, #tpu.memory_space<semaphore_mem>> -> memref<!tpu.dma_semaphore, #tpu.memory_space<semaphore_mem>>
    %dma_wait3A_541 = arith.constant 0 : i32
    %dma_wait3A_542 = tpu.memref_slice %arg5[%dma_wait3A_530, %dma_wait3A_541, %mul3A_2] : memref<200x64x4096xf32, #tpu.memory_space<hbm>> -> memref<1x64x128xf32, #tpu.memory_space<hbm>>
    %dma_wait3A_543 = tpu.memref_squeeze %dma_wait3A_542 : memref<1x64x128xf32, #tpu.memory_space<hbm>> -> memref<64x128xf32, #tpu.memory_space<hbm>>
    %dma_wait3A_544 = arith.constant 0 : i32
    %dma_wait3A_545 = arith.constant 0 : i32
    %dma_wait3A_546 = tpu.memref_slice %arg10[%dma_wait3A_529, %dma_wait3A_544, %dma_wait3A_545] : memref<2x64x128xf32, #tpu.memory_space<vmem>> -> memref<1x64x128xf32, #tpu.memory_space<vmem>>
    %dma_wait3A_547 = tpu.memref_squeeze %dma_wait3A_546 : memref<1x64x128xf32, #tpu.memory_space<vmem>> -> memref<64x128xf32, #tpu.memory_space<vmem>>
    tpu.wait_dma2 semaphore(%dma_wait3A_540 : memref<!tpu.dma_semaphore, #tpu.memory_space<semaphore_mem>>) src(%dma_wait3A_547 : memref<64x128xf32, #tpu.memory_space<vmem>>) dst(%dma_wait3A_543 : memref<64x128xf32, #tpu.memory_space<hbm>>)
    return
  }
}

</mosaic_0001>

<sc_bundles>
// kernel: kernel.4.cloned.1.call-start
scs
__scs_entry_jumppad:
0x0: {  	(pc) =	sbr.rel $0x88, $3  }
0x1: {  	(tag) =	ssettag $0x0;
	lr =	simm.s32 $0x1  }
0x2: {  	[smem:$0x3F9F] =	sst lr;
	_ =	strace $0xD0000000  }
0x3: {  	_ = 	snop  }
0x4: {  	_ = 	snop  }
0x5: {  	_ = 	snop  }
0x6: {  	_ = 	snop  }
0x7: {  	_ = 	snop  }
__scs_overlays_trampoline_lowered:
0x8: {  	[smem:$0x3FAE] =	sst s0  }
0x9: {  	[smem:$0x3FAF] =	sst s1  }
0xa: {  	[smem:$0x3FB0] =	sst s2  }
0xb: {  	[smem:$0x3FB1] =	sst s3  }
0xc: {  	[smem:$0x3FB2] =	sst s4  }
0xd: {  	[smem:$0x3FB3] =	sst s5  }
0xe: {  	[smem:$0x3FB4] =	sst s6  }
0xf: {  	[smem:$0x3FB5] =	sst s7  }
0x10: {  	[smem:$0x3FB6] =	sst s8  }
0x11: {  	[smem:$0x3FB7] =	sst s9;
	s0 =	simm.s32 @!p0 $0x0  }
0x12: {  	s1 =	sld [smem:$0x3F9D];
	s0 =	simm.s32 @p0 $0x1  }
0x13: {  	[smem:$0x3FB8] =	sst s0;
	s0 =	simm.s32 @!p1 $0x0  }
0x14: {  	s2 =	sld [smem:$0x3F9C];
	s0 =	simm.s32 @p1 $0x1  }
0x15: {  	[smem:$0x3FB9] =	sst s0;
	s0 =	simm.s32 @!p2 $0x0  }
0x16: {  	s3 =	sld [smem:$0x3FDB];
	s0 =	simm.s32 @p2 $0x1  }
0x17: {  	s4 =	simm.s32 $0x1BF5;
	[smem:$0x3FBB] =	sst s0  }
0x18: {  	s0 =	sld [smem:$0x3F9E];
	_ =	swait.ge [sflag:s4], $0x0  }
0x19: {  	s7 =	sld [smem:$0x3F9F]  }
0x1a: {  	s8 =	sadd.s32 $0xFFFFE003, lr  }
0x1b: {  	s9 =	sadd.s32 $0xFFFFFEF7, lr;
	s5 =	simm.s32 $0xFFFFFFFF;
	p2 =	slt.u32 s8, $0xFFFFF086  }
0x1c: {  	p1 =	slt.u32 s9, $0xF7A;
	s5 =	simm.s32 @!p2 $0x0  }
0x1d: {  	s5 =	simm.s32 @p1 $0x1;
	p0 =	seq.s32 s7, s2  }
0x1e: {  	s7 =	smul.u32 @!p0 $0xF7A, s2;
	p2 =	seq.s32 @!p0 s5, $0x0  }
0x1f: {  	s9 =	smul.u32 $0xF7A, s1;
	s8 =	simm.s32 @!p0 $0x1BF5;
	p2 =	por !p2, p0  }
0x20: {  	[sflag:s8] =	ssyncset.s32 @!p0 $0xFFFFF086;
	s6 =	sadd.s32 @!p0 s3, s7;
	s7 =	simm.s32 @!p0 $0x108  }
0x21: {  	s3 =	sadd.s32 s3, s9;
	s6 =	sadd.s32 @!p0 $0x88, s6;
	s7 =	simm.s32 @p2 $0x1082  }
0x22: {  	[simem:s7], [sflag:s8] =	dma.local @!p0 [hbm:s6], $0xF7A  }
0x23: {  	s9 =	sor.u32 $0xD0000000, s2;
	s6 =	simm.s32 $0x108;
	_ =	swait.ge @!p0 [sflag:s8], $0x0  }
0x24: {  	s3 =	sadd.s32 $0x88, s3;
	s6 =	simm.s32 @!p1 $0x1082;
	[sflag:s4] =	ssyncset.s32 $0xFFFFF086  }
0x25: {  	[simem:s6], [sflag:s4] =	dma.local [hbm:s3], $0xF7A  }
0x26: {  	[smem:$0x3F9F] =	sst s1;
	(tag) =	ssettag s2;
	_ =	strace s9  }
0x27: {  	s1 =	sld [smem:$0x3FAF]  }
0x28: {  	s2 =	sld [smem:$0x3FB0]  }
0x29: {  	s4 =	sld [smem:$0x3FB2]  }
0x2a: {  	p0 =	seq.s32 s5, $0x0;
	s5 =	sld [smem:$0x3FB3]  }
0x2b: {  	s6 =	sld [smem:$0x3FB4]  }
0x2c: {  	s7 =	sld [smem:$0x3FB5]  }
0x2d: {  	s3 =	simm.s32 $0x108;
	s8 =	sld [smem:$0x3FB6]  }
0x2e: {  	s3 =	simm.s32 @!p0 $0x1082;
	s9 =	sld [smem:$0x3FB7]  }
0x2f: {  	lr =	sadd.s32 s0, s3;
	s0 =	sld [smem:$0x3FAE]  }
0x30: {  	s3 =	sld [smem:$0x3FB1]  }
0x31: {  	[smem:$0x3FBA] =	sst s10  }
0x32: {  	s10 =	sld [smem:$0x3FB8];
	_ =	sdelay $0x3  }
0x33: {  	p0 =	seq.s32 s10, $0x1;
	s10 =	sld [smem:$0x3FBA];
	_ =	sdelay $0x3  }
0x34: {  	[smem:$0x3FBA] =	sst s10  }
0x35: {  	s10 =	sld [smem:$0x3FB9];
	_ =	sdelay $0x3  }
0x36: {  	p1 =	seq.s32 s10, $0x1;
	s10 =	sld [smem:$0x3FBA];
	_ =	sdelay $0x3  }
0x37: {  	[smem:$0x3FBA] =	sst s10  }
0x38: {  	s10 =	sld [smem:$0x3FBB]  }
0x39: {  	_ = 	snop;
	(pc) =	sbr.ind lr, $3  }
0x3a: {  	_ = 	snop  }
0x3b: {  	_ = 	snop  }
0x3c: {  	p2 =	seq.s32 s10, $0x1;
	s10 =	sld [smem:$0x3FBA]  }
0x3d: {  	_ =	shalt  }
0x3e: {  	_ =	shalt  }
0x3f: {  	_ =	shalt  }
0x40: {  	_ =	shalt  }
0x41: {  	_ =	shalt  }
0x42: {  	_ =	shalt  }
0x43: {  	_ =	shalt  }
0x44: {  	_ =	shalt  }
0x45: {  	_ =	shalt  }
0x46: {  	_ =	shalt  }
0x47: {  	_ =	shalt  }
0x48: {  	_ =	shalt  }
0x49: {  	_ =	shalt  }
0x4a: {  	_ =	shalt  }
0x4b: {  	_ =	shalt  }
0x4c: {  	_ =	shalt  }
0x4d: {  	_ =	shalt  }
0x4e: {  	_ =	shalt  }
0x4f: {  	_ =	shalt  }
0x50: {  	_ =	shalt  }
0x51: {  	_ =	shalt  }
0x52: {  	_ =	shalt  }
0x53: {  	_ =	shalt  }
0x54: {  	_ =	shalt  }
0x55: {  	_ =	shalt  }
0x56: {  	_ =	shalt  }
0x57: {  	_ =	shalt  }
0x58: {  	_ =	shalt  }
0x59: {  	_ =	shalt  }
0x5a: {  	_ =	shalt  }
0x5b: {  	_ =	shalt  }
0x5c: {  	_ =	shalt  }
0x5d: {  	_ =	shalt  }
0x5e: {  	_ =	shalt  }
0x5f: {  	_ =	shalt  }
0x60: {  	_ =	shalt  }
0x61: {  	_ =	shalt  }
0x62: {  	_ =	shalt  }
0x63: {  	_ =	shalt  }
0x64: {  	_ =	shalt  }
0x65: {  	_ =	shalt  }
0x66: {  	_ =	shalt  }
0x67: {  	_ =	shalt  }
0x68: {  	_ =	shalt  }
0x69: {  	_ =	shalt  }
0x6a: {  	_ =	shalt  }
0x6b: {  	_ =	shalt  }
0x6c: {  	_ =	shalt  }
0x6d: {  	_ =	shalt  }
0x6e: {  	_ =	shalt  }
0x6f: {  	_ =	shalt  }
0x70: {  	_ =	shalt  }
0x71: {  	_ =	shalt  }
0x72: {  	_ =	shalt  }
0x73: {  	_ =	shalt  }
0x74: {  	_ =	shalt  }
0x75: {  	_ =	shalt  }
0x76: {  	_ =	shalt  }
0x77: {  	_ =	shalt  }
0x78: {  	_ =	shalt  }
0x79: {  	_ =	shalt  }
0x7a: {  	_ =	shalt  }
0x7b: {  	_ =	shalt  }
0x7c: {  	_ =	shalt  }
0x7d: {  	_ =	shalt  }
0x7e: {  	_ =	shalt  }
0x7f: {  	_ =	shalt  }
0x80: {  	_ =	shalt  }
0x81: {  	_ =	shalt  }
0x82: {  	_ =	shalt  }
0x83: {  	_ =	shalt  }
0x84: {  	_ =	shalt  }
0x85: {  	_ =	shalt  }
0x86: {  	_ =	shalt  }
0x87: {  	_ =	shalt  }
.Lfunc_end0:
.L_simem_size_0:
called_computation_lowered:
.L_overlay_start_0:
0x88: {  	s2 =	sld [smem:$0x3FD9]  }
0x89: {  	s3 =	sld [smem:$0x3FFE];
	_ =	sdelay $0x1  }
0x8a: {  	s1 =	srdreg.scid  }
0x8b: {  	s0 =	sand.u32 $0x1, s1  }
0x8c: {  	s17 =	sshll.u32 s0, $0xA;
	s2 =	sadd.s32 s3, s2  }
0x8d: {  	s2 =	sadd.s32 s2, s17  }
0x8e: {  	[smem:$0x3FC6] =	sst s2  }
0x8f: {  	_ = 	snop  }
0x90: {  	s2 =	sld [smem:$0x3FC8]  }
0x91: {  	s18 =	sld [smem:$0x3FD0];
	(tm) =	ssettm $0x1  }
0x92: {  	s4 =	sld [smem:$0x3FFB];
	_ =	sdelay $0x3  }
0x93: {  	_ =	strace s4  }
0x94: {  	s4 =	sld [smem:$0x3FFC];
	_ =	sdelay $0x3  }
0x95: {  	_ =	strace s4  }
0x96: {  	s4 =	sld [smem:$0x3FFD];
	_ =	sdelay $0x3  }
0x97: {  	_ =	strace s4  }
0x98: {  	_ =	strace $0x8FFFFFFF  }
0x99: {  	s19 =	sld [smem:$0x3FDB];
	_ =	sdelay $0x1  }
0x9a: {  	s5 =	simm.s32 $_scs_section_size  }
0x9b: {  	s6 =	simm.s32 $_size__tile_overlayer_lowered;
	s7 =	simm.s32 $_tile_overlayer_lowered  }
0x9c: {  	s22 =	simm.s32 $0x1BFF;
	s21 =	sshll.u32 s7, $0x1;
	s4 =	sadd.s32 s5, s19  }
0x9d: {  	s8 =	simm.s32 $0x0;
	s20 =	sshll.u32 s6, $0x1;
	s6 =	sadd.s32 s21, s4  }
0x9e: {  	[timem:s8], [sflag:s22] =	dma.local [hbm:s6], s20  }
0x9f: {  	_ =	swait.ge [sflag:s22], s20  }
0xa0: {  	s5 =	ssub.s32 $0x0, s20;
	[sflag:s22] =	ssyncset.done $0x0  }
0xa1: {  	[sflag:s22] =	ssyncadd.s32 s5;
	_ =	sdelay $0x1  }
0xa2: {  	s23 =	simm.s32 $0x1B8B  }
0xa3: {  	_ =	swait.ge [sflag:s23], $0x1  }
0xa4: {  	[sflag:s23] =	ssyncset.done $0x0  }
0xa5: {  	s25 =	simm.s32 $0x1B8E;
	s24 =	sld [smem:$0x3FFE];
	[sflag:s23] =	ssyncadd.s32 $0xFFFFFFFF  }
0xa6: {  	s26 =	simm.s32 $execute0_lowered;
	[smem:$0x3FD2] =	sst s25  }
0xa7: {  	s6 =	sshll.u32 s26, $0x1;
	_ =	strace $0x80000046;
	[dreg:$0x1] =	wrdreg $0xFFFFFFFF  }
0xa8: {  	s28 =	simm.s32 $_size_execute0_lowered;
	s4 =	sadd.s32 s4, s6;
	[dreg:$0x0] =	wrdreg $0x0  }
0xa9: {  	s6 =	sshll.u32 s28, $0x1;
	[dreg:$0x2] =	wrdreg s4  }
0xaa: {  	[dreg:$0x3] =	wrdreg s6  }
0xab: {  	[dreg:$0x4] =	wrdreg $0xC0  }
0xac: {  	_ =	task [dreg:s8], $0x5FFFF  }
0xad: {  	[dreg:$0x1] =	wrdreg $0xFFFFFFFF  }
0xae: {  	[dreg:$0x0] =	wrdreg $0x60  }
0xaf: {  	[dreg:$0x2] =	wrdreg s2  }
0xb0: {  	[dreg:$0x3] =	wrdreg s18  }
0xb1: {  	[dreg:$0x4] =	wrdreg s24  }
0xb2: {  	[dreg:$0x5] =	wrdreg $0x9  }
0xb3: {  	_ =	task.clear_ibuf [dreg:s8], $0x6FFFF;
	_ =	strace $0x90000046  }
0xb4: {  	s29 =	simm.s32 $0x9;
	_ =	strace $0x80000048  }
0xb5: {  	_ =	swait.ge [sflag:s29], $0x1  }
0xb6: {  	[sflag:s29] =	ssyncadd.s32 $0xFFFFFFFF  }
0xb7: {  	_ =	strace $0x90000048  }
0xb8: {  	_ =	sfence  }
0xb9: {  	s30 =	sld [smem:$0x0];
	_ =	sdelay $0x2  }
0xba: {  	s31 =	sshll.u32 s1, $0xD;
	s1 =	sshrl.u32 s1, $0x2  }
0xbb: {  	s3 =	sand.u32 $0x4000, s31;
	s1 =	sadd.s32 s1, s30  }
0xbc: {  	s0 =	sor.u32 s3, s0;
	s1 =	sshll.u32 s1, $0x11  }
0xbd: {  	s0 =	sor.u32 s1, s0  }
0xbe: {  	s0 =	sadd.s32 $0x8F2B, s0  }
0xbf: {  	[sflag:s0] =	ssyncadd.remote.s32 $0x1  }
0xc0: {  	_ =	sfence.sel $0xFFFF  }
0xc1: {  	[dreg:$0x0] =	wrdreg $0xFFFFFFFF;
	(pc) =	sbr.abs _section_cstart, $3  }
0xc2: {  	[dreg:$0x1] =	wrdreg $0xFFFFFFFF  }
0xc3: {  	_ =	task.clear_ibuf [dreg:s8], $0x2FFFF;
	_ =	strace $0x9FFFFFFF  }
0xc4: {  	(tm) =	ssettm $0x7FFFFFFF  }
0xc5: {  	_ =	shalt  }
tec
execute0_lowered:
.L_overlay_start_1:
0x0: {  	(tag) =	ssettag $0x1  }
0x1: {  	v0 =	vimm.s32 $0xFEDCBA9  }
0x2: {  	v2 =	vimm.s32 $0x87654321;
	v3 =	vimm.s32 $0x98765432;
	v4 =	vimm.s32 $0x210FEDCB  }
0x3: {  	v5 =	vimm.s32 $0xA9876543;
	v15 =	vimm.s32 $0xCBA98765;
	v17 =	vimm.s32 $0x6543210F  }
0x4: {  	v18 =	vimm.s32 $0xEDCBA987;
	v19 =	vimm.s32 $0xFEDCBA98;
	v20 =	vimm.s32 $0x76543210  }
0x5: {  	v1 =	vunpack.c.l.s4.s8 v0;
	v0 =	vlaneseq.u32;
	v3 =	vunpack.c.l.s4.s8 v3  }
0x6: {  	v4 =	vunpack.c.l.s4.s8 v4;
	v17 =	vunpack.c.l.s4.s8 v17;
	v18 =	vunpack.c.l.s4.s8 v18  }
0x7: {  	v19 =	vunpack.c.l.s4.s8 v19;
	v7 =	vunpack.c.0.s8.s32 v1;
	v1 =	vunpack.c.l.s4.s8 v2  }
0x8: {  	v2 =	vimm.s32 $0x10FEDCBA;
	v10 =	vunpack.c.0.s8.s32 v3;
	v11 =	vunpack.c.0.s8.s32 v4  }
0x9: {  	v17 =	vunpack.c.0.s8.s32 v17;
	v18 =	vunpack.c.0.s8.s32 v18;
	v2 =	vunpack.c.l.s4.s8 v2  }
0xa: {  	v19 =	vunpack.c.0.s8.s32 v19;
	v8 =	vunpack.c.0.s8.s32 v1;
	v1 =	vunpack.c.l.s4.s8 v5  }
0xb: {  	v23 =	vcombine.low v18, v17;
	v9 =	vunpack.c.0.s8.s32 v2;
	v2 =	vimm.s32 $0x3210FEDC  }
0xc: {  	v19 =	vand.u32 $0xF, v19;
	v12 =	vunpack.c.0.s8.s32 v1;
	v1 =	vunpack.c.l.s4.s8 v2  }
0xd: {  	v2 =	vimm.s32 $0xBA987654;
	v3 =	vcombine.low v8, v7;
	v63 =	vcombine.low v7, v8  }
0xe: {  	v8 =	vand.u32 $0xF, v23;
	v4 =	vcombine.low v10, v9;
	v2 =	vunpack.c.l.s4.s8 v2  }
0xf: {  	v10 =	vcombine.low v9, v10;
	v5 =	vcombine.low v12, v11;
	v13 =	vunpack.c.0.s8.s32 v1  }
0x10: {  	s0 =	rddreg [dreg:$0x0];
	v1 =	vimm.s32 $0x43210FED;
	v11 =	vcombine.low v11, v12;
	v14 =	vunpack.c.0.s8.s32 v2  }
0x11: {  	s1 =	rddreg [dreg:$0x1];
	v6 =	vunpack.c.l.s4.s8 v1;
	v2 =	vand.u32 $0xF, v4;
	v4 =	vunpack.c.l.s4.s8 v15  }
0x12: {  	s8 =	rddreg [dreg:$0x2];
	v9 =	vand.u32 $0xF, v63;
	v1 =	vand.u32 $0xF, v3;
	v10 =	vand.u32 $0xF, v10  }
0x13: {  	s2 =	rddreg [dreg:$0x3];
	s5 =	srdreg.scid;
	s12 =	simm.s32 $0x400;
	v3 =	vand.u32 $0xF, v5;
	v15 =	vunpack.c.0.s8.s32 v6;
	v16 =	vunpack.c.0.s8.s32 v4  }
0x14: {  	s3 =	stileid.u32;
	s4 =	simm.s32 $0x0;
	s13 =	simm.s32 $0x7A1400;
	v4 =	vimm.s32 $0x543210FE;
	v6 =	vimm.s32 $0xDCBA9876;
	v12 =	vcombine.low v13, v14  }
0x15: {  	s14 =	simm.s32 $0x2000;
	s15 =	simm.s32 $0x4;
	s16 =	simm.s32 $0x0;
	v11 =	vand.u32 $0xF, v11;
	v4 =	vunpack.c.l.s4.s8 v4;
	v6 =	vunpack.c.l.s4.s8 v6  }
0x16: {  	s6 =	sand.u32 $0x1, s5;
	s31 =	sshll.u32 s3, $0x1;
	[smem:$0x7FF] =	sst s4;
	v5 =	vcombine.low v14, v13;
	v13 =	vcombine.low v15, v16;
	v12 =	vand.u32 $0xF, v12  }
.Ltmp0:
0x17: {  	p1 =	sgt.u32 s3, $0x1;
	s5 =	sor.u32 s6, s31;
	v21 =	vunpack.c.0.s8.s32 v4;
	v22 =	vunpack.c.0.s8.s32 v6;
	v6 =	vunpack.c.l.s4.s8 v20;
	(pc) =	sbr.rel .LBB2_1-.Ltmp0, $4  }
0x18: {  	_ =	strace $0x80000047;
	s9 =	ssub.s32 $0x2, s6;
	s6 =	sadd.s32 $0xC00, s8;
	v4 =	vand.u32 $0xF, v5;
	v5 =	vcombine.low v16, v15;
	v15 =	vcombine.low v17, v18  }
0x19: {  	s8 =	sadd.s32 $0x7A1C00, s8;
	s7 =	sshll.u32 s5, $0x7;
	s10 =	sshrl.u32 s9, $0x1;
	v6 =	vunpack.c.0.s8.s32 v6;
	v62 =	vcombine.low v22, v21;
	v14 =	vcombine.low v21, v22  }
0x1a: {  	p0 =	sne.s32 s5, $0x0;
	s7 =	sadd.s32 s0, s7;
	s11 =	ssub.s32 s9, s10;
	v13 =	vand.u32 $0xF, v13;
	v5 =	vand.u32 $0xF, v5;
	v15 =	vand.u32 $0xF, v15  }
0x1b: {  	s10 =	sor.u32 $0x40, s5;
	s9 =	sadd.s32 $0x1000, s7;
	s11 =	smax.u32 s11, $0x1;
	v6 =	vcombine.low v19, v6;
	v7 =	vand.u32 $0xF, v62;
	v14 =	vand.u32 $0xF, v14  }
.LBB2_7:
0x1c: {  	s16 =	sadd.s32 $0x1, s16  }
0x1d: {  	_ =	swait.ge [sflag:s15], $0x2000;
	p2 =	sne.s32 s16, s11  }
.Ltmp1:
0x1e: {  	[sflag:s15] =	ssyncset.done $0x0;
	(pc) =	sbr.rel @!p2 .LBB2_8-.Ltmp1, $4  }
0x1f: {  	s17 =	simm.s32 @!p1 $0x3;
	[sflag:s15] =	ssyncadd.s32 $0xFFFFE000  }
0x20: {  	_ =	swait.ge @!p1 [sflag:s17], $0x2000  }
0x21: {  	[sflag:s17] =	ssyncset.done @!p1 $0x0  }
0x22: {  	[sflag:s17] =	ssyncadd.s32 @!p1 $0xFFFFE000  }
.LBB2_1:
0x23: {  	s17 =	simm.s32 @!p0 $0x0;
	s18 =	simm.s32 @!p0 $0x4000;
	s19 =	simm.s32 @!p0 $0x5  }
0x24: {  	[tilespmem:s18], [sflag:$0x5] =	stream.linear.gather @!p0 [hbm4b:s1+s17], $0x1000, $0x38;
	[tilespmem:$0xA000] =	vst v63  }
0x25: {  	_ =	swait.ge @!p0 [sflag:s19], $0x1000  }
0x26: {  	[sflag:s19] =	ssyncset.done @!p0 $0x0  }
0x27: {  	[sflag:s19] =	ssyncadd.s32 @!p0 $0xFFFFF000  }
0x28: {  	[hbm4b:s8+s17] =	stream.linear.scatter @!p0 [tilespmem:s18], [sflag:$0x5], $0x1000, $0x38;
	[tilespmem:$0xA000] =	vst v63  }
0x29: {  	_ =	swait.ge @!p0 [sflag:s19], $0x1000  }
.Ltmp2:
0x2a: {  	[sflag:s19] =	ssyncset.done @!p0 $0x0;
	(pc) =	sbr.rel .LBB2_2-.Ltmp2, $4  }
0x2b: {  	[sflag:s19] =	ssyncadd.s32 @!p0 $0xFFFFF000  }
0x2c: {  	[tilespmem:s4], [sflag:$0x1] =	stream.strided.gather [hbm4b:s7+s12], $0x2000, s13, s12, $0x38;
	[tilespmem:$0xA000] =	vst v63  }
0x2d: {  	s17 =	simm.s32 $0x0  }
0x2e: {  	[tilespmem:s14], [sflag:$0x2] =	stream.strided.gather [hbm4b:s9+s12], $0x2000, s13, s12, $0x38;
	[tilespmem:$0xA000] =	vst v63  }
.LBB2_6:
0x2f: {  	s17 =	sadd.s32 $0x1, s17  }
0x30: {  	p2 =	sne.s32 s17, $0xF5  }
.Ltmp3:
0x31: {  	_ = 	snop;
	(pc) =	sbr.rel @!p2 .LBB2_7-.Ltmp3, $1  }
0x32: {  	_ =	sdelay $0x3  }
.LBB2_2:
0x33: {  	s18 =	sshll.u32 s17, $0x5  }
0x34: {  	s19 =	sor.u32 s5, s18  }
0x35: {  	p2 =	sgt.u32 s19, $0x1E83  }
.Ltmp4:
0x36: {  	_ = 	snop;
	(pc) =	sbr.rel @p2 .LBB2_6-.Ltmp4, $1  }
0x37: {  	_ =	sdelay $0x3  }
0x38: {  	s24 =	simm.s32 $0x0  }
0x39: {  	s22 =	sand.u32 $0x7, s24  }
0x3a: {  	s20 =	sshll.u32 s22, $0x4  }
0x3b: {  	s25 =	sand.u32 $0x30, s24;
	v16 =	vor.u32 s20, v0  }
0x3c: {  	s21 =	sand.u32 $0x1, s17;
	v18 =	vor.u32 s25, v0;
	v17 =	vshll.u32 v16, $0x7  }
0x3d: {  	s20 =	sadd.s32 $0x1, s21;
	v19 =	vshll.u32 v18, $0x1;
	v17 =	vand.u32 $0x1F80, v17  }
0x3e: {  	s26 =	sshrl.u32 s22, $0x2;
	_ =	swait.ge [sflag:s20], $0x2000;
	v19 =	vor.u32 v19, v17  }
0x3f: {  	p2 =	slt.u32 s17, $0x2;
	[sflag:s20] =	ssyncset.done $0x0;
	v19 =	vor.u32 s26, v19  }
0x40: {  	s23 =	sadd.s32 @!p2 $0x3, s21;
	[sflag:s20] =	ssyncadd.s32 $0xFFFFE000  }
0x41: {  	_ =	swait.ge @!p2 [sflag:s23], $0x2000  }
0x42: {  	s30 =	sshll.u32 s21, $0xF;
	v20 =	vor.u32 s25, v1;
	[sflag:s23] =	ssyncset.done @!p2 $0x0  }
0x43: {  	s22 =	sshrl.u32 s30, $0x2;
	v18 =	vshll.u32 v18, $0x7;
	v21 =	vshll.u32 v20, $0x1;
	[sflag:s23] =	ssyncadd.s32 @!p2 $0xFFFFE000  }
0x44: {  	v18 =	vor.u32 v16, v18;
	v21 =	vor.u32 v21, v17;
	v19 =	vld.idx.msk [tilespmem:v19+s22+$0x0], $0xffff  }
0x45: {  	v21 =	vor.u32 s26, v21;
	_ =	sdelay $0x2  }
0x46: {  	v22 =	vor.u32 s25, v2;
	s23 =	sadd.s32 $0x6000, s22  }
0x47: {  	[tilespmem:v18+s23+$0x0] =	vst.idx.msk $0xffff, v19;
	v18 =	vshll.u32 v20, $0x7;
	v19 =	vshll.u32 v22, $0x1  }
0x48: {  	v20 =	vld.idx.msk [tilespmem:v21+s22+$0x0], $0xffff;
	v18 =	vor.u32 v16, v18;
	v19 =	vor.u32 v19, v17  }
0x49: {  	v19 =	vor.u32 s26, v19;
	_ =	sdelay $0x2  }
0x4a: {  	v21 =	vor.u32 s25, v3  }
0x4b: {  	[tilespmem:v18+s23+$0x0] =	vst.idx.msk $0xffff, v20;
	v18 =	vshll.u32 v22, $0x7;
	v20 =	vshll.u32 v21, $0x1  }
0x4c: {  	v19 =	vld.idx.msk [tilespmem:v19+s22+$0x0], $0xffff;
	v18 =	vor.u32 v16, v18;
	v20 =	vor.u32 v20, v17  }
0x4d: {  	v20 =	vor.u32 s26, v20;
	_ =	sdelay $0x2  }
0x4e: {  	v22 =	vor.u32 s25, v4  }
0x4f: {  	[tilespmem:v18+s23+$0x0] =	vst.idx.msk $0xffff, v19;
	v18 =	vshll.u32 v21, $0x7;
	v19 =	vshll.u32 v22, $0x1  }
0x50: {  	v20 =	vld.idx.msk [tilespmem:v20+s22+$0x0], $0xffff;
	v18 =	vor.u32 v16, v18;
	v19 =	vor.u32 v19, v17  }
0x51: {  	v19 =	vor.u32 s26, v19;
	_ =	sdelay $0x2  }
0x52: {  	v21 =	vor.u32 s25, v5  }
0x53: {  	[tilespmem:v18+s23+$0x0] =	vst.idx.msk $0xffff, v20;
	v18 =	vshll.u32 v22, $0x7;
	v20 =	vshll.u32 v21, $0x1  }
0x54: {  	v19 =	vld.idx.msk [tilespmem:v19+s22+$0x0], $0xffff;
	v18 =	vor.u32 v16, v18;
	v20 =	vor.u32 v20, v17  }
0x55: {  	v20 =	vor.u32 s26, v20;
	_ =	sdelay $0x2  }
0x56: {  	v22 =	vor.u32 s25, v7  }
0x57: {  	[tilespmem:v18+s23+$0x0] =	vst.idx.msk $0xffff, v19;
	v18 =	vshll.u32 v21, $0x7;
	v19 =	vshll.u32 v22, $0x1  }
0x58: {  	v20 =	vld.idx.msk [tilespmem:v20+s22+$0x0], $0xffff;
	v18 =	vor.u32 v16, v18;
	v19 =	vor.u32 v19, v17  }
0x59: {  	v19 =	vor.u32 s26, v19;
	_ =	sdelay $0x2  }
0x5a: {  	v21 =	vor.u32 s25, v8  }
0x5b: {  	[tilespmem:v18+s23+$0x0] =	vst.idx.msk $0xffff, v20;
	v18 =	vshll.u32 v22, $0x7;
	v20 =	vshll.u32 v21, $0x1  }
0x5c: {  	v19 =	vld.idx.msk [tilespmem:v19+s22+$0x0], $0xffff;
	v18 =	vor.u32 v16, v18;
	v20 =	vor.u32 v20, v17  }
0x5d: {  	v20 =	vor.u32 s26, v20;
	_ =	sdelay $0x2  }
0x5e: {  	v22 =	vor.u32 s25, v6  }
0x5f: {  	[tilespmem:v18+s23+$0x0] =	vst.idx.msk $0xffff, v19;
	v18 =	vshll.u32 v21, $0x7;
	v19 =	vshll.u32 v22, $0x1  }
0x60: {  	v20 =	vld.idx.msk [tilespmem:v20+s22+$0x0], $0xffff;
	v18 =	vor.u32 v16, v18;
	v19 =	vor.u32 v19, v17  }
0x61: {  	v19 =	vor.u32 s26, v19;
	_ =	sdelay $0x2  }
0x62: {  	v21 =	vor.u32 s25, v9  }
0x63: {  	[tilespmem:v18+s23+$0x0] =	vst.idx.msk $0xffff, v20;
	v18 =	vshll.u32 v22, $0x7;
	v20 =	vshll.u32 v21, $0x1  }
0x64: {  	v19 =	vld.idx.msk [tilespmem:v19+s22+$0x0], $0xffff;
	v18 =	vor.u32 v16, v18;
	v20 =	vor.u32 v20, v17  }
0x65: {  	v20 =	vor.u32 s26, v20;
	_ =	sdelay $0x2  }
0x66: {  	v22 =	vor.u32 s25, v10  }
0x67: {  	[tilespmem:v18+s23+$0x0] =	vst.idx.msk $0xffff, v19;
	v18 =	vshll.u32 v21, $0x7;
	v19 =	vshll.u32 v22, $0x1  }
0x68: {  	v20 =	vld.idx.msk [tilespmem:v20+s22+$0x0], $0xffff;
	v18 =	vor.u32 v16, v18;
	v19 =	vor.u32 v19, v17  }
0x69: {  	v19 =	vor.u32 s26, v19;
	_ =	sdelay $0x2  }
0x6a: {  	v21 =	vor.u32 s25, v11  }
0x6b: {  	[tilespmem:v18+s23+$0x0] =	vst.idx.msk $0xffff, v20;
	v18 =	vshll.u32 v22, $0x7;
	v20 =	vshll.u32 v21, $0x1  }
0x6c: {  	v19 =	vld.idx.msk [tilespmem:v19+s22+$0x0], $0xffff;
	v18 =	vor.u32 v16, v18;
	v20 =	vor.u32 v20, v17  }
0x6d: {  	v20 =	vor.u32 s26, v20;
	_ =	sdelay $0x2  }
0x6e: {  	v22 =	vor.u32 s25, v12  }
0x6f: {  	[tilespmem:v18+s23+$0x0] =	vst.idx.msk $0xffff, v19;
	v18 =	vshll.u32 v21, $0x7;
	v19 =	vshll.u32 v22, $0x1  }
0x70: {  	v20 =	vld.idx.msk [tilespmem:v20+s22+$0x0], $0xffff;
	v18 =	vor.u32 v16, v18;
	v19 =	vor.u32 v19, v17  }
0x71: {  	v19 =	vor.u32 s26, v19;
	_ =	sdelay $0x2  }
0x72: {  	v21 =	vor.u32 s25, v13  }
0x73: {  	[tilespmem:v18+s23+$0x0] =	vst.idx.msk $0xffff, v20;
	v18 =	vshll.u32 v22, $0x7;
	v20 =	vshll.u32 v21, $0x1  }
0x74: {  	v19 =	vld.idx.msk [tilespmem:v19+s22+$0x0], $0xffff;
	v18 =	vor.u32 v16, v18;
	v20 =	vor.u32 v20, v17  }
0x75: {  	v20 =	vor.u32 s26, v20;
	_ =	sdelay $0x2  }
0x76: {  	v22 =	vor.u32 s25, v14  }
0x77: {  	[tilespmem:v18+s23+$0x0] =	vst.idx.msk $0xffff, v19;
	v18 =	vshll.u32 v21, $0x7;
	v19 =	vshll.u32 v22, $0x1  }
0x78: {  	v20 =	vld.idx.msk [tilespmem:v20+s22+$0x0], $0xffff;
	v21 =	vor.u32 v16, v18;
	v18 =	vor.u32 v19, v17  }
0x79: {  	v19 =	vor.u32 s26, v18;
	_ =	sdelay $0x2  }
0x7a: {  	v18 =	vor.u32 s25, v15  }
0x7b: {  	v23 =	vshll.u32 v18, $0x1;
	[tilespmem:v21+s23+$0x0] =	vst.idx.msk $0xffff, v20;
	v20 =	vshll.u32 v22, $0x7  }
0x7c: {  	v17 =	vor.u32 v23, v17;
	v19 =	vld.idx.msk [tilespmem:v19+s22+$0x0], $0xffff;
	v21 =	vor.u32 v16, v20  }
0x7d: {  	s31 =	simm.s32 $0x1;
	v20 =	vor.u32 s26, v17  }
0x7e: {  	s28 =	sand.u32 $0x7, s31;
	s25 =	simm.s32 $0x2  }
.LBB2_4:
0x7f: {  	p2 =	sne.s32 s25, $0x1F;
	s29 =	sshll.u32 s28, $0x4;
	s24 =	sadd.s32 $0x2, s24  }
0x80: {  	s26 =	sand.u32 $0x30, s24;
	v22 =	vor.u32 s29, v0  }
0x81: {  	v23 =	vor.u32 s26, v0;
	v17 =	vshll.u32 v22, $0x7;
	[tilespmem:v21+s23+$0x0] =	vst.idx.msk $0xffff, v19  }
0x82: {  	v18 =	vshll.u32 v18, $0x7;
	v19 =	vshll.u32 v23, $0x1;
	v17 =	vand.u32 $0x1F80, v17;
	v20 =	vld.idx.msk [tilespmem:v20+s22+$0x0], $0xffff  }
0x83: {  	s28 =	sshrl.u32 s28, $0x2;
	v18 =	vor.u32 v16, v18;
	v16 =	vmov v22;
	v19 =	vor.u32 v19, v17  }
0x84: {  	v19 =	vor.u32 s28, v19;
	_ =	sdelay $0x3  }
0x85: {  	v21 =	vor.u32 s26, v1;
	[tilespmem:v18+s23+$0x0] =	vst.idx.msk $0xffff, v20  }
0x86: {  	v20 =	vshll.u32 v21, $0x1;
	v18 =	vld.idx.msk [tilespmem:v19+s22+$0x0], $0xffff;
	v19 =	vshll.u32 v23, $0x7  }
0x87: {  	v20 =	vor.u32 v20, v17;
	v19 =	vor.u32 v16, v19  }
0x88: {  	v20 =	vor.u32 s28, v20;
	_ =	sdelay $0x3  }
0x89: {  	[tilespmem:v19+s23+$0x0] =	vst.idx.msk $0xffff, v18;
	v18 =	vor.u32 s26, v2  }
0x8a: {  	v19 =	vld.idx.msk [tilespmem:v20+s22+$0x0], $0xffff;
	v20 =	vshll.u32 v21, $0x7;
	v21 =	vshll.u32 v18, $0x1  }
0x8b: {  	v20 =	vor.u32 v16, v20;
	v21 =	vor.u32 v21, v17  }
0x8c: {  	v21 =	vor.u32 s28, v21;
	_ =	sdelay $0x3  }
0x8d: {  	[tilespmem:v20+s23+$0x0] =	vst.idx.msk $0xffff, v19;
	v19 =	vor.u32 s26, v3  }
0x8e: {  	v18 =	vshll.u32 v18, $0x7;
	v20 =	vld.idx.msk [tilespmem:v21+s22+$0x0], $0xffff;
	v21 =	vshll.u32 v19, $0x1  }
0x8f: {  	v18 =	vor.u32 v16, v18;
	v21 =	vor.u32 v21, v17  }
0x90: {  	v21 =	vor.u32 s28, v21;
	_ =	sdelay $0x3  }
0x91: {  	[tilespmem:v18+s23+$0x0] =	vst.idx.msk $0xffff, v20;
	v18 =	vor.u32 s26, v4  }
0x92: {  	v19 =	vshll.u32 v19, $0x7;
	v20 =	vld.idx.msk [tilespmem:v21+s22+$0x0], $0xffff;
	v21 =	vshll.u32 v18, $0x1  }
0x93: {  	v19 =	vor.u32 v16, v19;
	v21 =	vor.u32 v21, v17  }
0x94: {  	v21 =	vor.u32 s28, v21;
	_ =	sdelay $0x3  }
0x95: {  	[tilespmem:v19+s23+$0x0] =	vst.idx.msk $0xffff, v20;
	v19 =	vor.u32 s26, v5  }
0x96: {  	v18 =	vshll.u32 v18, $0x7;
	v20 =	vld.idx.msk [tilespmem:v21+s22+$0x0], $0xffff;
	v21 =	vshll.u32 v19, $0x1  }
0x97: {  	v18 =	vor.u32 v16, v18;
	v21 =	vor.u32 v21, v17  }
0x98: {  	v21 =	vor.u32 s28, v21;
	_ =	sdelay $0x3  }
0x99: {  	[tilespmem:v18+s23+$0x0] =	vst.idx.msk $0xffff, v20;
	v18 =	vor.u32 s26, v7  }
0x9a: {  	v19 =	vshll.u32 v19, $0x7;
	v20 =	vld.idx.msk [tilespmem:v21+s22+$0x0], $0xffff;
	v21 =	vshll.u32 v18, $0x1  }
0x9b: {  	v19 =	vor.u32 v16, v19;
	v21 =	vor.u32 v21, v17  }
0x9c: {  	v21 =	vor.u32 s28, v21;
	_ =	sdelay $0x3  }
0x9d: {  	[tilespmem:v19+s23+$0x0] =	vst.idx.msk $0xffff, v20;
	v19 =	vor.u32 s26, v8  }
0x9e: {  	v18 =	vshll.u32 v18, $0x7;
	v20 =	vld.idx.msk [tilespmem:v21+s22+$0x0], $0xffff;
	v21 =	vshll.u32 v19, $0x1  }
0x9f: {  	v18 =	vor.u32 v16, v18;
	v21 =	vor.u32 v21, v17  }
0xa0: {  	v21 =	vor.u32 s28, v21;
	_ =	sdelay $0x3  }
0xa1: {  	[tilespmem:v18+s23+$0x0] =	vst.idx.msk $0xffff, v20;
	v18 =	vor.u32 s26, v6  }
0xa2: {  	v19 =	vshll.u32 v19, $0x7;
	v20 =	vld.idx.msk [tilespmem:v21+s22+$0x0], $0xffff;
	v21 =	vshll.u32 v18, $0x1  }
0xa3: {  	v19 =	vor.u32 v16, v19;
	v21 =	vor.u32 v21, v17  }
0xa4: {  	v21 =	vor.u32 s28, v21;
	_ =	sdelay $0x3  }
0xa5: {  	[tilespmem:v19+s23+$0x0] =	vst.idx.msk $0xffff, v20;
	v19 =	vor.u32 s26, v9  }
0xa6: {  	v18 =	vshll.u32 v18, $0x7;
	v20 =	vld.idx.msk [tilespmem:v21+s22+$0x0], $0xffff;
	v21 =	vshll.u32 v19, $0x1  }
0xa7: {  	v18 =	vor.u32 v16, v18;
	v21 =	vor.u32 v21, v17  }
0xa8: {  	v21 =	vor.u32 s28, v21;
	_ =	sdelay $0x3  }
0xa9: {  	[tilespmem:v18+s23+$0x0] =	vst.idx.msk $0xffff, v20;
	v18 =	vor.u32 s26, v10  }
0xaa: {  	v19 =	vshll.u32 v19, $0x7;
	v20 =	vld.idx.msk [tilespmem:v21+s22+$0x0], $0xffff;
	v21 =	vshll.u32 v18, $0x1  }
0xab: {  	v19 =	vor.u32 v16, v19;
	v21 =	vor.u32 v21, v17  }
0xac: {  	v21 =	vor.u32 s28, v21;
	_ =	sdelay $0x3  }
0xad: {  	[tilespmem:v19+s23+$0x0] =	vst.idx.msk $0xffff, v20;
	v19 =	vor.u32 s26, v11  }
0xae: {  	v18 =	vshll.u32 v18, $0x7;
	v20 =	vld.idx.msk [tilespmem:v21+s22+$0x0], $0xffff;
	v21 =	vshll.u32 v19, $0x1  }
0xaf: {  	v18 =	vor.u32 v16, v18;
	v21 =	vor.u32 v21, v17  }
0xb0: {  	v21 =	vor.u32 s28, v21;
	_ =	sdelay $0x3  }
0xb1: {  	[tilespmem:v18+s23+$0x0] =	vst.idx.msk $0xffff, v20;
	v18 =	vor.u32 s26, v12  }
0xb2: {  	v19 =	vshll.u32 v19, $0x7;
	v20 =	vld.idx.msk [tilespmem:v21+s22+$0x0], $0xffff;
	v21 =	vshll.u32 v18, $0x1  }
0xb3: {  	v19 =	vor.u32 v16, v19;
	v21 =	vor.u32 v21, v17  }
0xb4: {  	v21 =	vor.u32 s28, v21;
	_ =	sdelay $0x3  }
0xb5: {  	[tilespmem:v19+s23+$0x0] =	vst.idx.msk $0xffff, v20;
	v19 =	vor.u32 s26, v13  }
0xb6: {  	v18 =	vshll.u32 v18, $0x7;
	v20 =	vld.idx.msk [tilespmem:v21+s22+$0x0], $0xffff;
	v21 =	vshll.u32 v19, $0x1  }
0xb7: {  	v18 =	vor.u32 v16, v18;
	v21 =	vor.u32 v21, v17  }
0xb8: {  	v21 =	vor.u32 s28, v21;
	_ =	sdelay $0x3  }
0xb9: {  	[tilespmem:v18+s23+$0x0] =	vst.idx.msk $0xffff, v20;
	v20 =	vor.u32 s26, v14  }
0xba: {  	v19 =	vshll.u32 v19, $0x7;
	v18 =	vld.idx.msk [tilespmem:v21+s22+$0x0], $0xffff;
	v21 =	vshll.u32 v20, $0x1  }
0xbb: {  	v19 =	vor.u32 v16, v19;
	v21 =	vor.u32 v21, v17  }
0xbc: {  	v21 =	vor.u32 s28, v21;
	_ =	sdelay $0x3  }
.Ltmp5:
0xbd: {  	[tilespmem:v19+s23+$0x0] =	vst.idx.msk $0xffff, v18;
	v18 =	vor.u32 s26, v15;
	(pc) =	sbr.rel @p2 .LBB2_4-.Ltmp5, $4  }
0xbe: {  	v20 =	vshll.u32 v20, $0x7;
	v19 =	vld.idx.msk [tilespmem:v21+s22+$0x0], $0xffff;
	v22 =	vshll.u32 v18, $0x1  }
0xbf: {  	v21 =	vor.u32 v16, v20;
	v17 =	vor.u32 v22, v17  }
0xc0: {  	v20 =	vor.u32 s28, v17  }
0xc1: {  	s28 =	sand.u32 $0x7, s25;
	s25 =	sadd.s32 $0x1, s25  }
0xc2: {  	_ = 	snop  }
0xc3: {  	s25 =	sshll.u32 s28, $0x4;
	s24 =	sadd.s32 $0x2, s24  }
0xc4: {  	s24 =	sand.u32 $0x30, s24;
	v17 =	vor.u32 s25, v0  }
0xc5: {  	v22 =	vor.u32 s24, v0;
	v23 =	vshll.u32 v17, $0x7  }
0xc6: {  	v18 =	vshll.u32 v18, $0x7;
	[tilespmem:v21+s23+$0x0] =	vst.idx.msk $0xffff, v19;
	v30 =	vshll.u32 v22, $0x1;
	v31 =	vand.u32 $0x1F80, v23  }
0xc7: {  	s31 =	sshrl.u32 s28, $0x2;
	v16 =	vor.u32 v16, v18;
	v20 =	vld.idx.msk [tilespmem:v20+s22+$0x0], $0xffff;
	v19 =	vor.u32 v30, v31  }
0xc8: {  	v32 =	vor.u32 s31, v19;
	_ =	sdelay $0x2  }
0xc9: {  	v33 =	vor.u32 s24, v1  }
0xca: {  	v34 =	vshll.u32 v33, $0x1;
	[tilespmem:v16+s23+$0x0] =	vst.idx.msk $0xffff, v20;
	v16 =	vshll.u32 v22, $0x7  }
0xcb: {  	v20 =	vor.u32 v34, v31;
	v16 =	vor.u32 v17, v16;
	v18 =	vld.idx.msk [tilespmem:v32+s22+$0x0], $0xffff  }
0xcc: {  	v20 =	vor.u32 s31, v20;
	_ =	sdelay $0x2  }
0xcd: {  	v35 =	vor.u32 s24, v2  }
0xce: {  	v36 =	vshll.u32 v35, $0x1;
	[tilespmem:v16+s23+$0x0] =	vst.idx.msk $0xffff, v18;
	v16 =	vshll.u32 v33, $0x7  }
0xcf: {  	v18 =	vor.u32 v36, v31;
	v37 =	vld.idx.msk [tilespmem:v20+s22+$0x0], $0xffff;
	v16 =	vor.u32 v17, v16  }
0xd0: {  	v18 =	vor.u32 s31, v18;
	_ =	sdelay $0x2  }
0xd1: {  	v38 =	vor.u32 s24, v3  }
0xd2: {  	v39 =	vshll.u32 v38, $0x1;
	[tilespmem:v16+s23+$0x0] =	vst.idx.msk $0xffff, v37;
	v16 =	vshll.u32 v35, $0x7  }
0xd3: {  	v19 =	vor.u32 v39, v31;
	v18 =	vld.idx.msk [tilespmem:v18+s22+$0x0], $0xffff;
	v16 =	vor.u32 v17, v16  }
0xd4: {  	v19 =	vor.u32 s31, v19;
	_ =	sdelay $0x2  }
0xd5: {  	v40 =	vor.u32 s24, v4  }
0xd6: {  	v41 =	vshll.u32 v40, $0x1;
	[tilespmem:v16+s23+$0x0] =	vst.idx.msk $0xffff, v18;
	v16 =	vshll.u32 v38, $0x7  }
0xd7: {  	v18 =	vor.u32 v41, v31;
	v19 =	vld.idx.msk [tilespmem:v19+s22+$0x0], $0xffff;
	v16 =	vor.u32 v17, v16  }
0xd8: {  	v18 =	vor.u32 s31, v18;
	_ =	sdelay $0x2  }
0xd9: {  	v42 =	vor.u32 s24, v5  }
0xda: {  	v43 =	vshll.u32 v42, $0x1;
	[tilespmem:v16+s23+$0x0] =	vst.idx.msk $0xffff, v19;
	v16 =	vshll.u32 v40, $0x7  }
0xdb: {  	v19 =	vor.u32 v43, v31;
	v18 =	vld.idx.msk [tilespmem:v18+s22+$0x0], $0xffff;
	v16 =	vor.u32 v17, v16  }
0xdc: {  	v19 =	vor.u32 s31, v19;
	_ =	sdelay $0x2  }
0xdd: {  	v44 =	vor.u32 s24, v7  }
0xde: {  	v45 =	vshll.u32 v44, $0x1;
	[tilespmem:v16+s23+$0x0] =	vst.idx.msk $0xffff, v18;
	v16 =	vshll.u32 v42, $0x7  }
0xdf: {  	v18 =	vor.u32 v45, v31;
	v19 =	vld.idx.msk [tilespmem:v19+s22+$0x0], $0xffff;
	v16 =	vor.u32 v17, v16  }
0xe0: {  	v18 =	vor.u32 s31, v18;
	_ =	sdelay $0x2  }
0xe1: {  	v46 =	vor.u32 s24, v8  }
0xe2: {  	v47 =	vshll.u32 v46, $0x1;
	[tilespmem:v16+s23+$0x0] =	vst.idx.msk $0xffff, v19;
	v16 =	vshll.u32 v44, $0x7  }
0xe3: {  	v19 =	vor.u32 v47, v31;
	v18 =	vld.idx.msk [tilespmem:v18+s22+$0x0], $0xffff;
	v16 =	vor.u32 v17, v16  }
0xe4: {  	v19 =	vor.u32 s31, v19;
	_ =	sdelay $0x2  }
0xe5: {  	v48 =	vor.u32 s24, v6  }
0xe6: {  	v49 =	vshll.u32 v48, $0x1;
	[tilespmem:v16+s23+$0x0] =	vst.idx.msk $0xffff, v18;
	v16 =	vshll.u32 v46, $0x7  }
0xe7: {  	v18 =	vor.u32 v49, v31;
	v19 =	vld.idx.msk [tilespmem:v19+s22+$0x0], $0xffff;
	v16 =	vor.u32 v17, v16  }
0xe8: {  	v18 =	vor.u32 s31, v18;
	_ =	sdelay $0x2  }
0xe9: {  	v50 =	vor.u32 s24, v9  }
0xea: {  	v51 =	vshll.u32 v50, $0x1;
	[tilespmem:v16+s23+$0x0] =	vst.idx.msk $0xffff, v19;
	v16 =	vshll.u32 v48, $0x7  }
0xeb: {  	v19 =	vor.u32 v51, v31;
	v18 =	vld.idx.msk [tilespmem:v18+s22+$0x0], $0xffff;
	v16 =	vor.u32 v17, v16  }
0xec: {  	v19 =	vor.u32 s31, v19;
	_ =	sdelay $0x2  }
0xed: {  	v52 =	vor.u32 s24, v10  }
0xee: {  	v53 =	vshll.u32 v52, $0x1;
	[tilespmem:v16+s23+$0x0] =	vst.idx.msk $0xffff, v18;
	v16 =	vshll.u32 v50, $0x7  }
0xef: {  	v18 =	vor.u32 v53, v31;
	v19 =	vld.idx.msk [tilespmem:v19+s22+$0x0], $0xffff;
	v16 =	vor.u32 v17, v16  }
0xf0: {  	v18 =	vor.u32 s31, v18;
	_ =	sdelay $0x2  }
0xf1: {  	v54 =	vor.u32 s24, v11  }
0xf2: {  	v55 =	vshll.u32 v54, $0x1;
	[tilespmem:v16+s23+$0x0] =	vst.idx.msk $0xffff, v19;
	v16 =	vshll.u32 v52, $0x7  }
0xf3: {  	v19 =	vor.u32 v55, v31;
	v18 =	vld.idx.msk [tilespmem:v18+s22+$0x0], $0xffff;
	v16 =	vor.u32 v17, v16  }
0xf4: {  	v19 =	vor.u32 s31, v19;
	_ =	sdelay $0x2  }
0xf5: {  	v56 =	vor.u32 s24, v12  }
0xf6: {  	v57 =	vshll.u32 v56, $0x1;
	[tilespmem:v16+s23+$0x0] =	vst.idx.msk $0xffff, v18;
	v16 =	vshll.u32 v54, $0x7  }
0xf7: {  	v18 =	vor.u32 v57, v31;
	v19 =	vld.idx.msk [tilespmem:v19+s22+$0x0], $0xffff;
	v16 =	vor.u32 v17, v16  }
0xf8: {  	v18 =	vor.u32 s31, v18;
	_ =	sdelay $0x2  }
0xf9: {  	v58 =	vor.u32 s24, v13  }
0xfa: {  	v59 =	vshll.u32 v58, $0x1;
	[tilespmem:v16+s23+$0x0] =	vst.idx.msk $0xffff, v19;
	v16 =	vshll.u32 v56, $0x7  }
0xfb: {  	v19 =	vor.u32 v59, v31;
	v18 =	vld.idx.msk [tilespmem:v18+s22+$0x0], $0xffff;
	v16 =	vor.u32 v17, v16  }
0xfc: {  	v19 =	vor.u32 s31, v19;
	_ =	sdelay $0x2  }
0xfd: {  	v60 =	vor.u32 s24, v14  }
0xfe: {  	v61 =	vshll.u32 v60, $0x1;
	[tilespmem:v16+s23+$0x0] =	vst.idx.msk $0xffff, v18;
	v16 =	vshll.u32 v58, $0x7  }
0xff: {  	v18 =	vor.u32 v61, v31;
	v19 =	vld.idx.msk [tilespmem:v19+s22+$0x0], $0xffff;
	v16 =	vor.u32 v17, v16  }
0x100: {  	v18 =	vor.u32 s31, v18;
	_ =	sdelay $0x2  }
0x101: {  	v62 =	vor.u32 s24, v15  }
0x102: {  	v63 =	vshll.u32 v62, $0x1;
	[tilespmem:v16+s23+$0x0] =	vst.idx.msk $0xffff, v19;
	v16 =	vshll.u32 v60, $0x7  }
0x103: {  	v19 =	vor.u32 v63, v31;
	v18 =	vld.idx.msk [tilespmem:v18+s22+$0x0], $0xffff;
	v16 =	vor.u32 v17, v16  }
0x104: {  	v19 =	vor.u32 s31, v19;
	_ =	sdelay $0x3  }
0x105: {  	[tilespmem:v16+s23+$0x0] =	vst.idx.msk $0xffff, v18;
	v16 =	vshll.u32 v62, $0x7  }
0x106: {  	v18 =	vld.idx.msk [tilespmem:v19+s22+$0x0], $0xffff;
	v16 =	vor.u32 v17, v16;
	_ =	sdelay $0x2  }
0x107: {  	s18 =	sadd.s32 s10, s18  }
.Ltmp6:
0x108: {  	s19 =	sshll.u32 s19, $0xA;
	p2 =	sgt.u32 s18, $0x1E83;
	(pc) =	sbr.rel .LBB2_6-.Ltmp6, $4  }
0x109: {  	s21 =	sadd.s32 $0x3, s21;
	s19 =	sadd.s32 s6, s19;
	s18 =	sshll.u32 @!p2 s18, $0x7;
	[tilespmem:v16+s23+$0x0] =	vst.idx.msk $0xffff, v18  }
0x10a: {  	[hbm4b:s19+s4] =	stream.linear.scatter [tilespmem:s23], [sflag:s21], $0x2000, $0x38;
	[tilespmem:$0xA000] =	vst v63  }
0x10b: {  	s18 =	sadd.s32 @!p2 s0, s18;
	s19 =	simm.s32 @!p2 $0x400;
	s21 =	simm.s32 @!p2 $0x7A1400  }
0x10c: {  	[tilespmem:s22], [sflag:s20] =	stream.strided.gather @!p2 [hbm4b:s18+s19], $0x2000, s21, s19, $0x38;
	[tilespmem:$0xA000] =	vst v63  }
.LBB2_8:
0x10d: {  	_ =	sfence.sel $0x180000  }
0x10e: {  	[bflag:$0x0] =	sbarrier.arrive $0xFFFF  }
0x10f: {  	p0 =	sne.s32 s3, $0x0;
	_ =	strace $0x90000047  }
0x110: {  	s0 =	sadd.s32 @!p0 $0x100000, s2;
	[bflag:$0x2] =	sbarrier.arrive $0xFFFF  }
0x111: {  	[sflag:s0] =	ssyncadd.tile.s32 @!p0 $0x1;
	_ =	shalt  }
.Lfunc_end2:
_tile_overlayer_lowered:
.L_overlay_start_2:
0x112: {  	(tag) =	ssettag $0x2  }
0x113: {  	s0 =	rddreg [dreg:$0x0];
	s2 =	stileid.u32  }
0x114: {  	s1 =	rddreg [dreg:$0x1];
	p0 =	sne.s32 s2, $0x0  }
0x115: {  	s3 =	rddreg [dreg:$0x2];
	[bflag:$0x3] =	sbarrier.arrive $0xFFFF;
	s2 =	simm.s32 @!p0 $0x1C05  }
0x116: {  	[timem:s3], [sflag:s2] =	dma.local @!p0 [hbm:s0], s1  }
0x117: {  	s0 =	simm.s32 @!p0 $0x5  }
0x118: {  	_ =	swait.ge @!p0 [sflag:s0], s1  }
0x119: {  	s1 =	ssub.s32 @!p0 $0x0, s1;
	[sflag:s0] =	ssyncset.done @!p0 $0x0  }
0x11a: {  	[sflag:s0] =	ssyncadd.s32 @!p0 s1  }
0x11b: {  	[bflag:$0x3] =	sbarrier.arrive $0xFFFF  }
0x11c: {  	_ =	shalt  }

// kernel: kernel.7.cloned.1.call-start
scs
__scs_entry_jumppad:
0x0: {  	(pc) =	sbr.rel $0x88, $3  }
0x1: {  	(tag) =	ssettag $0x0;
	lr =	simm.s32 $0x1  }
0x2: {  	[smem:$0x3F9F] =	sst lr;
	_ =	strace $0xD0000000  }
0x3: {  	_ = 	snop  }
0x4: {  	_ = 	snop  }
0x5: {  	_ = 	snop  }
0x6: {  	_ = 	snop  }
0x7: {  	_ = 	snop  }
__scs_overlays_trampoline_lowered:
0x8: {  	[smem:$0x3FAE] =	sst s0  }
0x9: {  	[smem:$0x3FAF] =	sst s1  }
0xa: {  	[smem:$0x3FB0] =	sst s2  }
0xb: {  	[smem:$0x3FB1] =	sst s3  }
0xc: {  	[smem:$0x3FB2] =	sst s4  }
0xd: {  	[smem:$0x3FB3] =	sst s5  }
0xe: {  	[smem:$0x3FB4] =	sst s6  }
0xf: {  	[smem:$0x3FB5] =	sst s7  }
0x10: {  	[smem:$0x3FB6] =	sst s8  }
0x11: {  	[smem:$0x3FB7] =	sst s9;
	s0 =	simm.s32 @!p0 $0x0  }
0x12: {  	s1 =	sld [smem:$0x3F9D];
	s0 =	simm.s32 @p0 $0x1  }
0x13: {  	[smem:$0x3FB8] =	sst s0;
	s0 =	simm.s32 @!p1 $0x0  }
0x14: {  	s2 =	sld [smem:$0x3F9C];
	s0 =	simm.s32 @p1 $0x1  }
0x15: {  	[smem:$0x3FB9] =	sst s0;
	s0 =	simm.s32 @!p2 $0x0  }
0x16: {  	s3 =	sld [smem:$0x3FDB];
	s0 =	simm.s32 @p2 $0x1  }
0x17: {  	s4 =	simm.s32 $0x1BF5;
	[smem:$0x3FBB] =	sst s0  }
0x18: {  	s0 =	sld [smem:$0x3F9E];
	_ =	swait.ge [sflag:s4], $0x0  }
0x19: {  	s7 =	sld [smem:$0x3F9F]  }
0x1a: {  	s8 =	sadd.s32 $0xFFFFE003, lr  }
0x1b: {  	s9 =	sadd.s32 $0xFFFFFEF7, lr;
	s5 =	simm.s32 $0xFFFFFFFF;
	p2 =	slt.u32 s8, $0xFFFFF086  }
0x1c: {  	p1 =	slt.u32 s9, $0xF7A;
	s5 =	simm.s32 @!p2 $0x0  }
0x1d: {  	s5 =	simm.s32 @p1 $0x1;
	p0 =	seq.s32 s7, s2  }
0x1e: {  	s7 =	smul.u32 @!p0 $0xF7A, s2;
	p2 =	seq.s32 @!p0 s5, $0x0  }
0x1f: {  	s9 =	smul.u32 $0xF7A, s1;
	s8 =	simm.s32 @!p0 $0x1BF5;
	p2 =	por !p2, p0  }
0x20: {  	[sflag:s8] =	ssyncset.s32 @!p0 $0xFFFFF086;
	s6 =	sadd.s32 @!p0 s3, s7;
	s7 =	simm.s32 @!p0 $0x108  }
0x21: {  	s3 =	sadd.s32 s3, s9;
	s6 =	sadd.s32 @!p0 $0x88, s6;
	s7 =	simm.s32 @p2 $0x1082  }
0x22: {  	[simem:s7], [sflag:s8] =	dma.local @!p0 [hbm:s6], $0xF7A  }
0x23: {  	s9 =	sor.u32 $0xD0000000, s2;
	s6 =	simm.s32 $0x108;
	_ =	swait.ge @!p0 [sflag:s8], $0x0  }
0x24: {  	s3 =	sadd.s32 $0x88, s3;
	s6 =	simm.s32 @!p1 $0x1082;
	[sflag:s4] =	ssyncset.s32 $0xFFFFF086  }
0x25: {  	[simem:s6], [sflag:s4] =	dma.local [hbm:s3], $0xF7A  }
0x26: {  	[smem:$0x3F9F] =	sst s1;
	(tag) =	ssettag s2;
	_ =	strace s9  }
0x27: {  	s1 =	sld [smem:$0x3FAF]  }
0x28: {  	s2 =	sld [smem:$0x3FB0]  }
0x29: {  	s4 =	sld [smem:$0x3FB2]  }
0x2a: {  	p0 =	seq.s32 s5, $0x0;
	s5 =	sld [smem:$0x3FB3]  }
0x2b: {  	s6 =	sld [smem:$0x3FB4]  }
0x2c: {  	s7 =	sld [smem:$0x3FB5]  }
0x2d: {  	s3 =	simm.s32 $0x108;
	s8 =	sld [smem:$0x3FB6]  }
0x2e: {  	s3 =	simm.s32 @!p0 $0x1082;
	s9 =	sld [smem:$0x3FB7]  }
0x2f: {  	lr =	sadd.s32 s0, s3;
	s0 =	sld [smem:$0x3FAE]  }
0x30: {  	s3 =	sld [smem:$0x3FB1]  }
0x31: {  	[smem:$0x3FBA] =	sst s10  }
0x32: {  	s10 =	sld [smem:$0x3FB8];
	_ =	sdelay $0x3  }
0x33: {  	p0 =	seq.s32 s10, $0x1;
	s10 =	sld [smem:$0x3FBA];
	_ =	sdelay $0x3  }
0x34: {  	[smem:$0x3FBA] =	sst s10  }
0x35: {  	s10 =	sld [smem:$0x3FB9];
	_ =	sdelay $0x3  }
0x36: {  	p1 =	seq.s32 s10, $0x1;
	s10 =	sld [smem:$0x3FBA];
	_ =	sdelay $0x3  }
0x37: {  	[smem:$0x3FBA] =	sst s10  }
0x38: {  	s10 =	sld [smem:$0x3FBB]  }
0x39: {  	_ = 	snop;
	(pc) =	sbr.ind lr, $3  }
0x3a: {  	_ = 	snop  }
0x3b: {  	_ = 	snop  }
0x3c: {  	p2 =	seq.s32 s10, $0x1;
	s10 =	sld [smem:$0x3FBA]  }
0x3d: {  	_ =	shalt  }
0x3e: {  	_ =	shalt  }
0x3f: {  	_ =	shalt  }
0x40: {  	_ =	shalt  }
0x41: {  	_ =	shalt  }
0x42: {  	_ =	shalt  }
0x43: {  	_ =	shalt  }
0x44: {  	_ =	shalt  }
0x45: {  	_ =	shalt  }
0x46: {  	_ =	shalt  }
0x47: {  	_ =	shalt  }
0x48: {  	_ =	shalt  }
0x49: {  	_ =	shalt  }
0x4a: {  	_ =	shalt  }
0x4b: {  	_ =	shalt  }
0x4c: {  	_ =	shalt  }
0x4d: {  	_ =	shalt  }
0x4e: {  	_ =	shalt  }
0x4f: {  	_ =	shalt  }
0x50: {  	_ =	shalt  }
0x51: {  	_ =	shalt  }
0x52: {  	_ =	shalt  }
0x53: {  	_ =	shalt  }
0x54: {  	_ =	shalt  }
0x55: {  	_ =	shalt  }
0x56: {  	_ =	shalt  }
0x57: {  	_ =	shalt  }
0x58: {  	_ =	shalt  }
0x59: {  	_ =	shalt  }
0x5a: {  	_ =	shalt  }
0x5b: {  	_ =	shalt  }
0x5c: {  	_ =	shalt  }
0x5d: {  	_ =	shalt  }
0x5e: {  	_ =	shalt  }
0x5f: {  	_ =	shalt  }
0x60: {  	_ =	shalt  }
0x61: {  	_ =	shalt  }
0x62: {  	_ =	shalt  }
0x63: {  	_ =	shalt  }
0x64: {  	_ =	shalt  }
0x65: {  	_ =	shalt  }
0x66: {  	_ =	shalt  }
0x67: {  	_ =	shalt  }
0x68: {  	_ =	shalt  }
0x69: {  	_ =	shalt  }
0x6a: {  	_ =	shalt  }
0x6b: {  	_ =	shalt  }
0x6c: {  	_ =	shalt  }
0x6d: {  	_ =	shalt  }
0x6e: {  	_ =	shalt  }
0x6f: {  	_ =	shalt  }
0x70: {  	_ =	shalt  }
0x71: {  	_ =	shalt  }
0x72: {  	_ =	shalt  }
0x73: {  	_ =	shalt  }
0x74: {  	_ =	shalt  }
0x75: {  	_ =	shalt  }
0x76: {  	_ =	shalt  }
0x77: {  	_ =	shalt  }
0x78: {  	_ =	shalt  }
0x79: {  	_ =	shalt  }
0x7a: {  	_ =	shalt  }
0x7b: {  	_ =	shalt  }
0x7c: {  	_ =	shalt  }
0x7d: {  	_ =	shalt  }
0x7e: {  	_ =	shalt  }
0x7f: {  	_ =	shalt  }
0x80: {  	_ =	shalt  }
0x81: {  	_ =	shalt  }
0x82: {  	_ =	shalt  }
0x83: {  	_ =	shalt  }
0x84: {  	_ =	shalt  }
0x85: {  	_ =	shalt  }
0x86: {  	_ =	shalt  }
0x87: {  	_ =	shalt  }
.Lfunc_end0:
.L_simem_size_0:
called_computation.1_lowered:
.L_overlay_start_0:
0x88: {  	s2 =	sld [smem:$0x3FD9]  }
0x89: {  	s3 =	sld [smem:$0x3FFE];
	_ =	sdelay $0x1  }
0x8a: {  	s1 =	srdreg.scid  }
0x8b: {  	s0 =	sand.u32 $0x1, s1  }
0x8c: {  	s17 =	sshll.u32 s0, $0xA;
	s2 =	sadd.s32 s3, s2  }
0x8d: {  	s2 =	sadd.s32 s2, s17  }
0x8e: {  	[smem:$0x3FC6] =	sst s2  }
0x8f: {  	_ = 	snop  }
0x90: {  	s2 =	sld [smem:$0x3FD0];
	(tm) =	ssettm $0x1  }
0x91: {  	s18 =	sld [smem:$0x3FFB];
	_ =	sdelay $0x3  }
0x92: {  	_ =	strace s18  }
0x93: {  	s3 =	sld [smem:$0x3FFC];
	_ =	sdelay $0x3  }
0x94: {  	_ =	strace s3  }
0x95: {  	s3 =	sld [smem:$0x3FFD];
	_ =	sdelay $0x3  }
0x96: {  	_ =	strace s3  }
0x97: {  	_ =	strace $0x8FFFFFFF  }
0x98: {  	s19 =	sld [smem:$0x3FDB];
	_ =	sdelay $0x1  }
0x99: {  	s4 =	simm.s32 $_scs_section_size  }
0x9a: {  	s5 =	simm.s32 $_size__tile_overlayer_lowered;
	s6 =	simm.s32 $_tile_overlayer_lowered  }
0x9b: {  	s22 =	simm.s32 $0x1BFF;
	s21 =	sshll.u32 s6, $0x1;
	s3 =	sadd.s32 s4, s19  }
0x9c: {  	s7 =	simm.s32 $0x0;
	s20 =	sshll.u32 s5, $0x1;
	s5 =	sadd.s32 s21, s3  }
0x9d: {  	[timem:s7], [sflag:s22] =	dma.local [hbm:s5], s20  }
0x9e: {  	_ =	swait.ge [sflag:s22], s20  }
0x9f: {  	s4 =	ssub.s32 $0x0, s20;
	[sflag:s22] =	ssyncset.done $0x0  }
0xa0: {  	[sflag:s22] =	ssyncadd.s32 s4;
	_ =	sdelay $0x1  }
0xa1: {  	s23 =	simm.s32 $0x1B8B  }
0xa2: {  	_ =	swait.ge [sflag:s23], $0x1  }
0xa3: {  	[sflag:s23] =	ssyncset.done $0x0  }
0xa4: {  	s25 =	simm.s32 $0x1B8E;
	s24 =	sld [smem:$0x3FFE];
	[sflag:s23] =	ssyncadd.s32 $0xFFFFFFFF  }
0xa5: {  	s26 =	simm.s32 $execute0_lowered;
	[smem:$0x3FD2] =	sst s25  }
0xa6: {  	s5 =	sshll.u32 s26, $0x1;
	_ =	strace $0x80000049;
	[dreg:$0x1] =	wrdreg $0xFFFFFFFF  }
0xa7: {  	s28 =	simm.s32 $_size_execute0_lowered;
	s3 =	sadd.s32 s3, s5;
	[dreg:$0x0] =	wrdreg $0x0  }
0xa8: {  	s5 =	sshll.u32 s28, $0x1;
	[dreg:$0x2] =	wrdreg s3  }
0xa9: {  	[dreg:$0x3] =	wrdreg s5  }
0xaa: {  	[dreg:$0x4] =	wrdreg $0xC0  }
0xab: {  	_ =	task [dreg:s7], $0x5FFFF  }
0xac: {  	[dreg:$0x1] =	wrdreg $0xFFFFFFFF  }
0xad: {  	[dreg:$0x0] =	wrdreg $0x60  }
0xae: {  	[dreg:$0x2] =	wrdreg s24  }
0xaf: {  	[dreg:$0x3] =	wrdreg s2  }
0xb0: {  	[dreg:$0x4] =	wrdreg $0x9  }
0xb1: {  	_ =	task.clear_ibuf [dreg:s7], $0x5FFFF;
	_ =	strace $0x90000049  }
0xb2: {  	s29 =	simm.s32 $0x9;
	_ =	strace $0x8000004B  }
0xb3: {  	_ =	swait.ge [sflag:s29], $0x1  }
0xb4: {  	[sflag:s29] =	ssyncadd.s32 $0xFFFFFFFF  }
0xb5: {  	_ =	strace $0x9000004B  }
0xb6: {  	_ =	sfence  }
0xb7: {  	s30 =	sld [smem:$0x0];
	_ =	sdelay $0x2  }
0xb8: {  	s31 =	sshll.u32 s1, $0xD;
	s1 =	sshrl.u32 s1, $0x2  }
0xb9: {  	s3 =	sand.u32 $0x4000, s31;
	s1 =	sadd.s32 s1, s30  }
0xba: {  	s0 =	sor.u32 s3, s0;
	s1 =	sshll.u32 s1, $0x11  }
0xbb: {  	s0 =	sor.u32 s1, s0  }
0xbc: {  	s0 =	sadd.s32 $0x8F2B, s0  }
0xbd: {  	[sflag:s0] =	ssyncadd.remote.s32 $0x1  }
0xbe: {  	_ =	sfence.sel $0xFFFF  }
0xbf: {  	[dreg:$0x0] =	wrdreg $0xFFFFFFFF;
	(pc) =	sbr.abs _section_cstart, $3  }
0xc0: {  	[dreg:$0x1] =	wrdreg $0xFFFFFFFF  }
0xc1: {  	_ =	task.clear_ibuf [dreg:s7], $0x2FFFF;
	_ =	strace $0x9FFFFFFF  }
0xc2: {  	(tm) =	ssettm $0x7FFFFFFF  }
0xc3: {  	_ =	shalt  }
tec
execute0_lowered:
.L_overlay_start_1:
0x0: {  	(tag) =	ssettag $0x1  }
0x1: {  	s0 =	rddreg [dreg:$0x0]  }
0x2: {  	s9 =	rddreg [dreg:$0x1];
	s1 =	srdreg.scid  }
0x3: {  	s3 =	simm.s32 $0x0;
	s2 =	stileid.u32;
	s29 =	simm.s32 $0x4600  }
0x4: {  	s31 =	simm.s32 $0x9;
	s10 =	simm.s32 $0x1;
	s11 =	simm.s32 $0x10600  }
0x5: {  	s12 =	simm.s32 $0x400;
	s13 =	simm.s32 $0x8000;
	s18 =	simm.s32 $0xA  }
0x6: {  	s28 =	simm.s32 $0x2;
	s30 =	simm.s32 $0x12600;
	s14 =	simm.s32 $0x0  }
0x7: {  	[smem:$0x7FF] =	sst s3;
	s5 =	sadd.s32 $0x7A1E00, s0;
	s6 =	sadd.s32 $0xC00, s0  }
0x8: {  	s1 =	sand.u32 $0x1, s1;
	s8 =	sadd.s32 $0x7BAE00, s0;
	s21 =	sadd.s32 $0x7BAE08, s0  }
0x9: {  	s0 =	sadd.s32 $0x7BAE10, s0;
	_ =	strace $0x8000004A;
	[dreg:$0x7] =	wrdreg s21  }
0xa: {  	s2 =	sshll.u32 s2, $0x8;
	s23 =	sadd.s32 $0x8000, s9;
	[dreg:$0x8] =	wrdreg s0  }
0xb: {  	s24 =	sadd.s32 $0x10000, s9;
	s4 =	sshll.u32 s1, $0x7;
	[dreg:$0xa] =	wrdreg s23  }
0xc: {  	s1 =	ssub.s32 $0x2, s1;
	[dreg:$0xb] =	wrdreg s24;
	s4 =	sor.u32 s4, s2  }
0xd: {  	s24 =	simm.s32 $0x600;
	s7 =	sshrl.u32 s1, $0x1;
	s22 =	sor.u32 $0x7000, s4  }
0xe: {  	s2 =	sshrl.u32 s4, $0x3;
	s25 =	sadd.s32 s9, s4;
	[dreg:$0x9] =	wrdreg s22  }
0xf: {  	s1 =	ssub.s32 s1, s7;
	s2 =	sadd.s32 s5, s2;
	[dreg:$0xc] =	wrdreg s25  }
0x10: {  	v0 =	vlaneseq.u32;
	s21 =	simm.s32 $0x5;
	s26 =	smax.u32 s1, $0x1;
	[dreg:$0x3] =	wrdreg s2  }
.Ltmp0:
0x11: {  	v1 =	vmul.u32 $0x80, v0;
	v3 =	vor.u32 $0x10, v0;
	v5 =	vor.u32 $0x20, v0;
	s19 =	sadd.s32 $0x200, s2;
	[dreg:$0xd] =	wrdreg s26;
	(pc) =	sbr.rel .LBB2_1-.Ltmp0, $4  }
0x12: {  	v7 =	vor.u32 $0x30, v0;
	v9 =	vor.u32 $0x40, v0;
	v11 =	vor.u32 $0x50, v0;
	s0 =	simm.s32 $0x4;
	s20 =	sadd.s32 $0x400, s2;
	[dreg:$0x4] =	wrdreg s19  }
0x13: {  	v13 =	vor.u32 $0x60, v0;
	v15 =	vor.u32 $0x70, v0;
	v2 =	vor.u32 $0x800, v1;
	s9 =	simm.s32 $0x6;
	s2 =	sadd.s32 $0x600, s2;
	[dreg:$0x5] =	wrdreg s20  }
0x14: {  	v4 =	vor.u32 $0x1000, v1;
	v6 =	vor.u32 $0x1800, v1;
	v8 =	vor.u32 $0x2000, v1;
	s25 =	simm.s32 $0x14600;
	s1 =	simm.s32 $0x8600;
	[dreg:$0x6] =	wrdreg s2  }
0x15: {  	v10 =	vor.u32 $0x2800, v1;
	v12 =	vor.u32 $0x3000, v1;
	v14 =	vor.u32 $0x3800, v1;
	s19 =	simm.s32 $0x80;
	s20 =	simm.s32 $0xC600;
	s2 =	simm.s32 $0x3  }
.LBB2_16:
0x16: {  	_ =	swait.ge [sflag:s21], $0x2000  }
0x17: {  	[sflag:s21] =	ssyncset.done $0x0  }
0x18: {  	[sflag:s21] =	ssyncadd.s32 $0xFFFFE000  }
0x19: {  	_ =	swait.ge [sflag:s9], $0x2000  }
0x1a: {  	s14 =	rddreg [dreg:$0xe]  }
0x1b: {  	s7 =	rddreg [dreg:$0xd];
	s14 =	sadd.s32 $0x1, s14  }
0x1c: {  	p0 =	sne.s32 s14, s7  }
.Ltmp1:
0x1d: {  	_ = 	snop;
	(pc) =	sbr.rel @!p0 .LBB2_17-.Ltmp1, $3  }
0x1e: {  	_ =	sdelay $0x1  }
0x1f: {  	[sflag:s9] =	ssyncset.done $0x0  }
0x20: {  	[sflag:s9] =	ssyncadd.s32 $0xFFFFE000  }
.LBB2_1:
0x21: {  	[dreg:$0xe] =	wrdreg s14  }
0x22: {  	s7 =	rddreg [dreg:$0x3]  }
0x23: {  	[tilespmem:s3], [sflag:$0x7] =	stream.linear.gather [hbm4b:s7+s3], $0x80, $0x38;
	[tilespmem:$0x14700] =	vst v63  }
0x24: {  	s14 =	rddreg [dreg:$0x4]  }
0x25: {  	[tilespmem:s19], [sflag:$0x8] =	stream.linear.gather [hbm4b:s14+s3], $0x80, $0x38;
	[tilespmem:$0x14700] =	vst v63  }
0x26: {  	s15 =	rddreg [dreg:$0x5];
	s16 =	simm.s32 $0x100  }
0x27: {  	[tilespmem:s16], [sflag:$0x9] =	stream.linear.gather [hbm4b:s15+s3], $0x80, $0x38;
	[tilespmem:$0x14700] =	vst v63  }
0x28: {  	s17 =	rddreg [dreg:$0x6];
	s22 =	simm.s32 $0x180;
	s23 =	simm.s32 $0x7  }
0x29: {  	[tilespmem:s22], [sflag:$0xA] =	stream.linear.gather [hbm4b:s17+s3], $0x80, $0x38;
	[tilespmem:$0x14700] =	vst v63  }
0x2a: {  	_ =	swait.ge [sflag:s23], $0x80  }
0x2b: {  	[sflag:s23] =	ssyncset.done $0x0  }
0x2c: {  	[sflag:s23] =	ssyncadd.s32 $0xFFFFFF80  }
0x2d: {  	v16 =	vld [tilespmem:$0x0];
	_ =	sdelay $0x1  }
0x2e: {  	v17 =	vld [tilespmem:$0x10];
	_ =	sdelay $0x1  }
0x2f: {  	v18 =	vld [tilespmem:$0x20]  }
0x30: {  	v19 =	vshrl.u32 v16, $0x1;
	v16 =	vshll.u32 v16, $0x6  }
0x31: {  	v48 =	vld [tilespmem:$0x30];
	[tilespmem:$0x200] =	vst v19;
	v16 =	vand.u32 $0x40, v16  }
0x32: {  	[tilespmem:$0x400] =	vst v16;
	v16 =	vshrl.u32 v17, $0x1;
	v17 =	vshll.u32 v17, $0x6  }
0x33: {  	[tilespmem:$0x210] =	vst v16;
	v16 =	vand.u32 $0x40, v17;
	v17 =	vld [tilespmem:$0x40]  }
0x34: {  	[tilespmem:$0x410] =	vst v16;
	v16 =	vshrl.u32 v18, $0x1;
	v18 =	vshll.u32 v18, $0x6  }
0x35: {  	v49 =	vld [tilespmem:$0x50];
	[tilespmem:$0x220] =	vst v16;
	v16 =	vand.u32 $0x40, v18  }
0x36: {  	v19 =	vshll.u32 v48, $0x6;
	[tilespmem:$0x420] =	vst v16;
	v16 =	vshrl.u32 v48, $0x1  }
0x37: {  	v50 =	vld [tilespmem:$0x60];
	[tilespmem:$0x230] =	vst v16;
	v16 =	vand.u32 $0x40, v19  }
0x38: {  	[tilespmem:$0x430] =	vst v16;
	v16 =	vshrl.u32 v17, $0x1;
	v17 =	vshll.u32 v17, $0x6  }
0x39: {  	[tilespmem:$0x240] =	vst v16;
	v16 =	vand.u32 $0x40, v17;
	v17 =	vld [tilespmem:$0x70]  }
0x3a: {  	v18 =	vshll.u32 v49, $0x6;
	[tilespmem:$0x440] =	vst v16;
	v16 =	vshrl.u32 v49, $0x1  }
0x3b: {  	[tilespmem:$0x250] =	vst v16;
	v16 =	vand.u32 $0x40, v18  }
0x3c: {  	v51 =	vshll.u32 v50, $0x6;
	[tilespmem:$0x450] =	vst v16;
	v16 =	vshrl.u32 v50, $0x1  }
0x3d: {  	[tilespmem:$0x260] =	vst v16;
	v16 =	vand.u32 $0x40, v51  }
0x3e: {  	[tilespmem:$0x460] =	vst v16;
	v16 =	vshrl.u32 v17, $0x1;
	v17 =	vshll.u32 v17, $0x6  }
0x3f: {  	[tilespmem:$0x270] =	vst v16;
	v16 =	vand.u32 $0x40, v17  }
0x40: {  	s26 =	simm.s32 $0x200;
	[tilespmem:$0x470] =	vst v16  }
0x41: {  	[tilespmem:s24], [sflag:$0x1] =	stream.indirect.gather [hbm4b:s6+s19], $0x80, s26, s19, $0xb8;
	[tilespmem:$0x14700] =	vst v63  }
0x42: {  	s14 =	simm.s32 $0x8  }
0x43: {  	[tilespmem:s25], [sflag:$0x1] =	stream.linear.gather [hbm4b:s8+s3], $0x40, $0x38;
	[tilespmem:$0x14700] =	vst v63  }
0x44: {  	_ =	swait.ge [sflag:s14], $0x80  }
0x45: {  	[sflag:s14] =	ssyncset.done $0x0  }
0x46: {  	[sflag:s14] =	ssyncadd.s32 $0xFFFFFF80  }
0x47: {  	v16 =	vld [tilespmem:$0x80];
	_ =	sdelay $0x1  }
0x48: {  	v17 =	vld [tilespmem:$0x90];
	_ =	sdelay $0x1  }
0x49: {  	v52 =	vld [tilespmem:$0xA0]  }
0x4a: {  	v53 =	vshrl.u32 v16, $0x1;
	v16 =	vshll.u32 v16, $0x6  }
0x4b: {  	v54 =	vld [tilespmem:$0xB0];
	[tilespmem:$0x280] =	vst v53;
	v16 =	vand.u32 $0x40, v16  }
0x4c: {  	[tilespmem:$0x480] =	vst v16;
	v16 =	vshrl.u32 v17, $0x1;
	v17 =	vshll.u32 v17, $0x6  }
0x4d: {  	[tilespmem:$0x290] =	vst v16;
	v16 =	vand.u32 $0x40, v17;
	v17 =	vld [tilespmem:$0xC0]  }
0x4e: {  	v18 =	vshll.u32 v52, $0x6;
	[tilespmem:$0x490] =	vst v16;
	v16 =	vshrl.u32 v52, $0x1  }
0x4f: {  	v55 =	vld [tilespmem:$0xD0];
	[tilespmem:$0x2A0] =	vst v16;
	v16 =	vand.u32 $0x40, v18  }
0x50: {  	v19 =	vshll.u32 v54, $0x6;
	[tilespmem:$0x4A0] =	vst v16;
	v16 =	vshrl.u32 v54, $0x1  }
0x51: {  	v56 =	vld [tilespmem:$0xE0];
	[tilespmem:$0x2B0] =	vst v16;
	v16 =	vand.u32 $0x40, v19  }
0x52: {  	[tilespmem:$0x4B0] =	vst v16;
	v16 =	vshrl.u32 v17, $0x1;
	v17 =	vshll.u32 v17, $0x6  }
0x53: {  	[tilespmem:$0x2C0] =	vst v16;
	v16 =	vand.u32 $0x40, v17;
	v17 =	vld [tilespmem:$0xF0]  }
0x54: {  	v18 =	vshll.u32 v55, $0x6;
	[tilespmem:$0x4C0] =	vst v16;
	v16 =	vshrl.u32 v55, $0x1  }
0x55: {  	[tilespmem:$0x2D0] =	vst v16;
	v16 =	vand.u32 $0x40, v18  }
0x56: {  	v57 =	vshll.u32 v56, $0x6;
	[tilespmem:$0x4D0] =	vst v16;
	v16 =	vshrl.u32 v56, $0x1  }
0x57: {  	[tilespmem:$0x2E0] =	vst v16;
	v16 =	vand.u32 $0x40, v57  }
0x58: {  	[tilespmem:$0x4E0] =	vst v16;
	v16 =	vshrl.u32 v17, $0x1;
	v17 =	vshll.u32 v17, $0x6  }
0x59: {  	[tilespmem:$0x2F0] =	vst v16;
	v16 =	vand.u32 $0x40, v17  }
0x5a: {  	s15 =	simm.s32 $0x280;
	[tilespmem:$0x4F0] =	vst v16  }
0x5b: {  	[tilespmem:s29], [sflag:$0x2] =	stream.indirect.gather [hbm4b:s6+s19], $0x80, s15, s19, $0xb8;
	[tilespmem:$0x14700] =	vst v63  }
0x5c: {  	s17 =	simm.s32 $0x14640;
	s16 =	rddreg [dreg:$0x7]  }
0x5d: {  	[tilespmem:s17], [sflag:$0x2] =	stream.linear.gather [hbm4b:s16+s3], $0x40, $0x38;
	[tilespmem:$0x14700] =	vst v63  }
0x5e: {  	_ =	swait.ge [sflag:s31], $0x80  }
0x5f: {  	[sflag:s31] =	ssyncset.done $0x0  }
0x60: {  	[sflag:s31] =	ssyncadd.s32 $0xFFFFFF80  }
0x61: {  	v16 =	vld [tilespmem:$0x100];
	_ =	sdelay $0x1  }
0x62: {  	v17 =	vld [tilespmem:$0x110];
	_ =	sdelay $0x1  }
0x63: {  	v58 =	vld [tilespmem:$0x120]  }
0x64: {  	v59 =	vshrl.u32 v16, $0x1;
	v16 =	vshll.u32 v16, $0x6  }
0x65: {  	v60 =	vld [tilespmem:$0x130];
	[tilespmem:$0x300] =	vst v59;
	v16 =	vand.u32 $0x40, v16  }
0x66: {  	[tilespmem:$0x500] =	vst v16;
	v16 =	vshrl.u32 v17, $0x1;
	v17 =	vshll.u32 v17, $0x6  }
0x67: {  	[tilespmem:$0x310] =	vst v16;
	v16 =	vand.u32 $0x40, v17;
	v17 =	vld [tilespmem:$0x140]  }
0x68: {  	v18 =	vshll.u32 v58, $0x6;
	[tilespmem:$0x510] =	vst v16;
	v16 =	vshrl.u32 v58, $0x1  }
0x69: {  	v61 =	vld [tilespmem:$0x150];
	[tilespmem:$0x320] =	vst v16;
	v16 =	vand.u32 $0x40, v18  }
0x6a: {  	v19 =	vshll.u32 v60, $0x6;
	[tilespmem:$0x520] =	vst v16;
	v16 =	vshrl.u32 v60, $0x1  }
0x6b: {  	v62 =	vld [tilespmem:$0x160];
	[tilespmem:$0x330] =	vst v16;
	v16 =	vand.u32 $0x40, v19  }
0x6c: {  	[tilespmem:$0x530] =	vst v16;
	v16 =	vshrl.u32 v17, $0x1;
	v17 =	vshll.u32 v17, $0x6  }
0x6d: {  	[tilespmem:$0x340] =	vst v16;
	v16 =	vand.u32 $0x40, v17;
	v17 =	vld [tilespmem:$0x170]  }
0x6e: {  	v18 =	vshll.u32 v61, $0x6;
	[tilespmem:$0x540] =	vst v16;
	v16 =	vshrl.u32 v61, $0x1  }
0x6f: {  	[tilespmem:$0x350] =	vst v16;
	v16 =	vand.u32 $0x40, v18  }
0x70: {  	v63 =	vshll.u32 v62, $0x6;
	[tilespmem:$0x550] =	vst v16;
	v16 =	vshrl.u32 v62, $0x1  }
0x71: {  	[tilespmem:$0x360] =	vst v16;
	v16 =	vand.u32 $0x40, v63  }
0x72: {  	[tilespmem:$0x560] =	vst v16;
	v16 =	vshrl.u32 v17, $0x1;
	v17 =	vshll.u32 v17, $0x6  }
0x73: {  	[tilespmem:$0x370] =	vst v16;
	v16 =	vand.u32 $0x40, v17  }
0x74: {  	s22 =	simm.s32 $0x300;
	[tilespmem:$0x570] =	vst v16  }
0x75: {  	[tilespmem:s1], [sflag:$0x3] =	stream.indirect.gather [hbm4b:s6+s19], $0x80, s22, s19, $0xb8;
	[tilespmem:$0x14700] =	vst v63  }
0x76: {  	s7 =	simm.s32 $0x0;
	s26 =	simm.s32 $0x14680;
	s23 =	rddreg [dreg:$0x8]  }
0x77: {  	[tilespmem:s26], [sflag:$0x3] =	stream.linear.gather [hbm4b:s23+s3], $0x40, $0x38;
	[tilespmem:$0x14700] =	vst v63  }
.LBB2_2:
0x78: {  	_ =	swait.ge [sflag:s10], $0x4000  }
0x79: {  	[sflag:s10] =	ssyncset.done $0x0  }
0x7a: {  	[sflag:s10] =	ssyncadd.s32 $0xFFFFC000  }
0x7b: {  	_ =	swait.ge [sflag:s10], $0x40  }
0x7c: {  	p1 =	seq.s32 s7, $0x0;
	[sflag:s10] =	ssyncset.done $0x0  }
0x7d: {  	s14 =	simm.s32 @!p1 $0x5;
	[sflag:s10] =	ssyncadd.s32 $0xFFFFFFC0  }
0x7e: {  	_ =	swait.ge @!p1 [sflag:s14], $0x2000  }
0x7f: {  	[sflag:s14] =	ssyncset.done @!p1 $0x0  }
0x80: {  	[sflag:s14] =	ssyncadd.s32 @!p1 $0xFFFFE000  }
0x81: {  	v16 =	vld [tilespmem:$0x400]  }
0x82: {  	s15 =	simm.s32 $0x0  }
0x83: {  	v24 =	vadd.s32 s15, v0;
	s14 =	simm.s32 $0x0  }
0x84: {  	v17 =	vand.u32 $0xF, v24;
	s26 =	sand.u32 $0x20, s14  }
0x85: {  	v25 =	vor.u32 s26, v17  }
0x86: {  	v17 =	vadd.s32 v16, v25  }
0x87: {  	v18 =	vadd.s32 v1, v17;
	_ =	sdelay $0x1  }
0x88: {  	v17 =	vld [tilespmem:$0x410];
	_ =	sdelay $0x1  }
0x89: {  	v26 =	vld.idx.msk [tilespmem:v25+s25+$0x0], $0xffff  }
0x8a: {  	v23 =	vld.idx.msk [tilespmem:v18+s24+$0x0], $0xffff  }
0x8b: {  	v27 =	vshll.u32 v25, $0x7  }
0x8c: {  	v19 =	vld [tilespmem:$0x430];
	v28 =	vor.u32 v0, v27;
	v21 =	vadd.s32 v17, v25  }
0x8d: {  	v20 =	vld [tilespmem:$0x440];
	v29 =	vadd.s32 v2, v21  }
0x8e: {  	v22 =	vld [tilespmem:$0x460]  }
0x8f: {  	v18 =	vld [tilespmem:$0x420];
	v30 =	vadd.f32 v23, v26  }
0x90: {  	v21 =	vld [tilespmem:$0x450]  }
0x91: {  	v23 =	vld [tilespmem:$0x470];
	[tilespmem:v28+s11+$0x0] =	vst.idx.msk $0xffff, v30  }
0x92: {  	v28 =	vld.idx.msk [tilespmem:v29+s24+$0x0], $0xffff;
	_ =	sdelay $0x1  }
0x93: {  	v30 =	vor.u32 v3, v27;
	v29 =	vadd.s32 v18, v25  }
0x94: {  	v29 =	vadd.s32 v4, v29;
	_ =	sdelay $0x1  }
0x95: {  	v28 =	vadd.f32 v28, v26;
	_ =	sdelay $0x1  }
0x96: {  	[tilespmem:v30+s11+$0x0] =	vst.idx.msk $0xffff, v28  }
0x97: {  	v28 =	vld.idx.msk [tilespmem:v29+s24+$0x0], $0xffff;
	_ =	sdelay $0x1  }
0x98: {  	v30 =	vor.u32 v5, v27;
	v29 =	vadd.s32 v19, v25  }
0x99: {  	v29 =	vadd.s32 v6, v29;
	_ =	sdelay $0x1  }
0x9a: {  	v28 =	vadd.f32 v28, v26;
	_ =	sdelay $0x1  }
0x9b: {  	[tilespmem:v30+s11+$0x0] =	vst.idx.msk $0xffff, v28  }
0x9c: {  	v28 =	vld.idx.msk [tilespmem:v29+s24+$0x0], $0xffff;
	_ =	sdelay $0x1  }
0x9d: {  	v30 =	vor.u32 v7, v27;
	v29 =	vadd.s32 v20, v25  }
0x9e: {  	v29 =	vadd.s32 v8, v29;
	_ =	sdelay $0x1  }
0x9f: {  	v28 =	vadd.f32 v28, v26;
	_ =	sdelay $0x1  }
0xa0: {  	[tilespmem:v30+s11+$0x0] =	vst.idx.msk $0xffff, v28  }
0xa1: {  	v28 =	vld.idx.msk [tilespmem:v29+s24+$0x0], $0xffff;
	_ =	sdelay $0x1  }
0xa2: {  	v30 =	vor.u32 v9, v27;
	v29 =	vadd.s32 v21, v25  }
0xa3: {  	v29 =	vadd.s32 v10, v29;
	_ =	sdelay $0x1  }
0xa4: {  	v28 =	vadd.f32 v28, v26;
	_ =	sdelay $0x1  }
0xa5: {  	[tilespmem:v30+s11+$0x0] =	vst.idx.msk $0xffff, v28  }
0xa6: {  	v28 =	vld.idx.msk [tilespmem:v29+s24+$0x0], $0xffff;
	_ =	sdelay $0x1  }
0xa7: {  	v30 =	vor.u32 v11, v27;
	v29 =	vadd.s32 v22, v25  }
0xa8: {  	v29 =	vadd.s32 v12, v29;
	_ =	sdelay $0x1  }
0xa9: {  	v28 =	vadd.f32 v28, v26;
	_ =	sdelay $0x1  }
0xaa: {  	[tilespmem:v30+s11+$0x0] =	vst.idx.msk $0xffff, v28  }
0xab: {  	v28 =	vld.idx.msk [tilespmem:v29+s24+$0x0], $0xffff;
	_ =	sdelay $0x1  }
0xac: {  	v25 =	vadd.s32 v23, v25;
	v29 =	vor.u32 v13, v27  }
0xad: {  	v25 =	vadd.s32 v14, v25;
	_ =	sdelay $0x1  }
0xae: {  	v28 =	vadd.f32 v28, v26;
	_ =	sdelay $0x1  }
0xaf: {  	[tilespmem:v29+s11+$0x0] =	vst.idx.msk $0xffff, v28  }
0xb0: {  	v25 =	vld.idx.msk [tilespmem:v25+s24+$0x0], $0xffff  }
0xb1: {  	s15 =	sor.u32 $0x10, s26  }
0xb2: {  	v29 =	vor.u32 s15, v24;
	v24 =	vor.u32 v15, v27  }
0xb3: {  	v27 =	vadd.s32 v16, v29  }
0xb4: {  	v27 =	vadd.s32 v1, v27  }
0xb5: {  	v25 =	vadd.f32 v25, v26;
	_ =	sdelay $0x1  }
0xb6: {  	[tilespmem:v24+s11+$0x0] =	vst.idx.msk $0xffff, v25  }
0xb7: {  	v28 =	vld.idx.msk [tilespmem:v29+s25+$0x0], $0xffff  }
0xb8: {  	v25 =	vld.idx.msk [tilespmem:v27+s24+$0x0], $0xffff  }
0xb9: {  	v24 =	vshll.u32 v29, $0x7  }
0xba: {  	v26 =	vadd.s32 v17, v29;
	v27 =	vor.u32 v0, v24  }
0xbb: {  	v26 =	vadd.s32 v2, v26;
	_ =	sdelay $0x1  }
0xbc: {  	v25 =	vadd.f32 v25, v28;
	_ =	sdelay $0x1  }
0xbd: {  	[tilespmem:v27+s11+$0x0] =	vst.idx.msk $0xffff, v25  }
0xbe: {  	v25 =	vld.idx.msk [tilespmem:v26+s24+$0x0], $0xffff;
	_ =	sdelay $0x1  }
0xbf: {  	v27 =	vor.u32 v3, v24;
	v26 =	vadd.s32 v18, v29  }
0xc0: {  	v26 =	vadd.s32 v4, v26;
	_ =	sdelay $0x1  }
0xc1: {  	v25 =	vadd.f32 v25, v28;
	_ =	sdelay $0x1  }
0xc2: {  	[tilespmem:v27+s11+$0x0] =	vst.idx.msk $0xffff, v25  }
0xc3: {  	v25 =	vld.idx.msk [tilespmem:v26+s24+$0x0], $0xffff;
	_ =	sdelay $0x1  }
0xc4: {  	v27 =	vor.u32 v5, v24;
	v26 =	vadd.s32 v19, v29  }
0xc5: {  	v26 =	vadd.s32 v6, v26;
	_ =	sdelay $0x1  }
0xc6: {  	v25 =	vadd.f32 v25, v28;
	_ =	sdelay $0x1  }
0xc7: {  	[tilespmem:v27+s11+$0x0] =	vst.idx.msk $0xffff, v25  }
0xc8: {  	v25 =	vld.idx.msk [tilespmem:v26+s24+$0x0], $0xffff;
	_ =	sdelay $0x1  }
0xc9: {  	v27 =	vor.u32 v7, v24;
	v26 =	vadd.s32 v20, v29  }
0xca: {  	v26 =	vadd.s32 v8, v26;
	_ =	sdelay $0x1  }
0xcb: {  	v25 =	vadd.f32 v25, v28;
	_ =	sdelay $0x1  }
0xcc: {  	[tilespmem:v27+s11+$0x0] =	vst.idx.msk $0xffff, v25  }
0xcd: {  	v25 =	vld.idx.msk [tilespmem:v26+s24+$0x0], $0xffff;
	_ =	sdelay $0x1  }
0xce: {  	v27 =	vor.u32 v9, v24;
	v26 =	vadd.s32 v21, v29  }
0xcf: {  	v26 =	vadd.s32 v10, v26;
	_ =	sdelay $0x1  }
0xd0: {  	v25 =	vadd.f32 v25, v28;
	_ =	sdelay $0x1  }
0xd1: {  	[tilespmem:v27+s11+$0x0] =	vst.idx.msk $0xffff, v25  }
0xd2: {  	v25 =	vld.idx.msk [tilespmem:v26+s24+$0x0], $0xffff;
	_ =	sdelay $0x1  }
0xd3: {  	v27 =	vor.u32 v11, v24;
	v26 =	vadd.s32 v22, v29  }
0xd4: {  	v26 =	vadd.s32 v12, v26;
	_ =	sdelay $0x1  }
0xd5: {  	v25 =	vadd.f32 v25, v28;
	_ =	sdelay $0x1  }
0xd6: {  	[tilespmem:v27+s11+$0x0] =	vst.idx.msk $0xffff, v25  }
0xd7: {  	v27 =	vld.idx.msk [tilespmem:v26+s24+$0x0], $0xffff;
	_ =	sdelay $0x1  }
0xd8: {  	v25 =	vadd.s32 v23, v29;
	v26 =	vor.u32 v13, v24  }
0xd9: {  	v25 =	vadd.s32 v14, v25;
	_ =	sdelay $0x1  }
0xda: {  	s22 =	sshll.u32 s7, $0x2;
	s15 =	simm.s32 $0x0;
	v27 =	vadd.f32 v27, v28  }
.LBB2_3:
0xdb: {  	_ = 	snop  }
0xdc: {  	s15 =	sadd.s32 $0x2, s15;
	[tilespmem:v26+s11+$0x0] =	vst.idx.msk $0xffff, v27  }
0xdd: {  	s16 =	sshrl.u32 s15, $0x2;
	p0 =	slt.u32 s15, $0x3E;
	v25 =	vld.idx.msk [tilespmem:v25+s24+$0x0], $0xffff  }
0xde: {  	s14 =	sadd.s32 $0x20, s14;
	v26 =	vadd.s32 s16, v0  }
0xdf: {  	s16 =	sand.u32 $0x20, s14;
	v27 =	vand.u32 $0xF, v26  }
0xe0: {  	v29 =	vor.u32 v15, v24;
	v27 =	vor.u32 s16, v27;
	s16 =	sor.u32 $0x10, s16  }
0xe1: {  	v24 =	vadd.s32 v16, v27;
	v33 =	vshll.u32 v27, $0x7;
	v34 =	vadd.s32 v17, v27  }
0xe2: {  	v36 =	vadd.s32 v18, v27;
	v37 =	vadd.s32 v19, v27;
	v35 =	vadd.s32 v1, v24  }
0xe3: {  	v38 =	vadd.s32 v20, v27;
	v39 =	vadd.s32 v21, v27;
	v25 =	vadd.f32 v25, v28  }
0xe4: {  	v40 =	vadd.s32 v23, v27;
	v41 =	vor.u32 s16, v26;
	v28 =	vadd.s32 v22, v27  }
0xe5: {  	v42 =	vadd.s32 v16, v41;
	v24 =	vshll.u32 v41, $0x7;
	v32 =	vadd.s32 v17, v41;
	[tilespmem:v29+s11+$0x0] =	vst.idx.msk $0xffff, v25  }
0xe6: {  	v31 =	vadd.s32 v18, v41;
	v30 =	vadd.s32 v19, v41;
	v29 =	vadd.s32 v20, v41;
	v43 =	vld.idx.msk [tilespmem:v27+s25+$0x0], $0xffff  }
0xe7: {  	v26 =	vadd.s32 v22, v41;
	v25 =	vadd.s32 v23, v41;
	v27 =	vadd.s32 v21, v41;
	v35 =	vld.idx.msk [tilespmem:v35+s24+$0x0], $0xffff;
	_ =	sdelay $0x2  }
0xe8: {  	v44 =	vor.u32 v0, v33  }
0xe9: {  	v34 =	vadd.s32 v2, v34;
	_ =	sdelay $0x1  }
0xea: {  	v35 =	vadd.f32 v35, v43;
	_ =	sdelay $0x1  }
0xeb: {  	[tilespmem:v44+s11+$0x0] =	vst.idx.msk $0xffff, v35  }
0xec: {  	v34 =	vld.idx.msk [tilespmem:v34+s24+$0x0], $0xffff;
	_ =	sdelay $0x2  }
0xed: {  	v35 =	vor.u32 v3, v33  }
0xee: {  	v36 =	vadd.s32 v4, v36;
	_ =	sdelay $0x1  }
0xef: {  	v34 =	vadd.f32 v34, v43;
	_ =	sdelay $0x1  }
0xf0: {  	[tilespmem:v35+s11+$0x0] =	vst.idx.msk $0xffff, v34  }
0xf1: {  	v34 =	vld.idx.msk [tilespmem:v36+s24+$0x0], $0xffff;
	_ =	sdelay $0x2  }
0xf2: {  	v35 =	vor.u32 v5, v33  }
0xf3: {  	v36 =	vadd.s32 v6, v37;
	_ =	sdelay $0x1  }
0xf4: {  	v34 =	vadd.f32 v34, v43;
	_ =	sdelay $0x1  }
0xf5: {  	[tilespmem:v35+s11+$0x0] =	vst.idx.msk $0xffff, v34  }
0xf6: {  	v34 =	vld.idx.msk [tilespmem:v36+s24+$0x0], $0xffff;
	_ =	sdelay $0x2  }
0xf7: {  	v35 =	vor.u32 v7, v33  }
0xf8: {  	v36 =	vadd.s32 v8, v38;
	_ =	sdelay $0x1  }
0xf9: {  	v34 =	vadd.f32 v34, v43;
	_ =	sdelay $0x1  }
0xfa: {  	[tilespmem:v35+s11+$0x0] =	vst.idx.msk $0xffff, v34  }
0xfb: {  	v34 =	vld.idx.msk [tilespmem:v36+s24+$0x0], $0xffff;
	_ =	sdelay $0x2  }
0xfc: {  	v35 =	vor.u32 v9, v33  }
0xfd: {  	v36 =	vadd.s32 v10, v39;
	_ =	sdelay $0x1  }
0xfe: {  	v34 =	vadd.f32 v34, v43;
	_ =	sdelay $0x1  }
0xff: {  	[tilespmem:v35+s11+$0x0] =	vst.idx.msk $0xffff, v34  }
0x100: {  	v34 =	vld.idx.msk [tilespmem:v36+s24+$0x0], $0xffff;
	_ =	sdelay $0x2  }
0x101: {  	v35 =	vor.u32 v11, v33  }
0x102: {  	v28 =	vadd.s32 v12, v28;
	_ =	sdelay $0x1  }
0x103: {  	v34 =	vadd.f32 v34, v43;
	_ =	sdelay $0x1  }
0x104: {  	[tilespmem:v35+s11+$0x0] =	vst.idx.msk $0xffff, v34  }
0x105: {  	v28 =	vld.idx.msk [tilespmem:v28+s24+$0x0], $0xffff;
	_ =	sdelay $0x2  }
0x106: {  	v34 =	vor.u32 v13, v33  }
0x107: {  	v35 =	vadd.s32 v14, v40;
	_ =	sdelay $0x1  }
0x108: {  	v28 =	vadd.f32 v28, v43;
	_ =	sdelay $0x1  }
0x109: {  	[tilespmem:v34+s11+$0x0] =	vst.idx.msk $0xffff, v28  }
0x10a: {  	v28 =	vld.idx.msk [tilespmem:v35+s24+$0x0], $0xffff;
	_ =	sdelay $0x2  }
0x10b: {  	v33 =	vor.u32 v15, v33;
	_ =	sdelay $0x1  }
0x10c: {  	v34 =	vadd.s32 v1, v42  }
0x10d: {  	v28 =	vadd.f32 v28, v43;
	_ =	sdelay $0x1  }
0x10e: {  	[tilespmem:v33+s11+$0x0] =	vst.idx.msk $0xffff, v28  }
0x10f: {  	v28 =	vld.idx.msk [tilespmem:v41+s25+$0x0], $0xffff  }
0x110: {  	v33 =	vld.idx.msk [tilespmem:v34+s24+$0x0], $0xffff;
	_ =	sdelay $0x2  }
0x111: {  	v34 =	vor.u32 v0, v24  }
0x112: {  	v32 =	vadd.s32 v2, v32;
	_ =	sdelay $0x1  }
0x113: {  	v33 =	vadd.f32 v33, v28;
	_ =	sdelay $0x1  }
0x114: {  	[tilespmem:v34+s11+$0x0] =	vst.idx.msk $0xffff, v33  }
0x115: {  	v32 =	vld.idx.msk [tilespmem:v32+s24+$0x0], $0xffff;
	_ =	sdelay $0x2  }
0x116: {  	v33 =	vor.u32 v3, v24  }
0x117: {  	v31 =	vadd.s32 v4, v31;
	_ =	sdelay $0x1  }
0x118: {  	v32 =	vadd.f32 v32, v28;
	_ =	sdelay $0x1  }
0x119: {  	[tilespmem:v33+s11+$0x0] =	vst.idx.msk $0xffff, v32  }
0x11a: {  	v31 =	vld.idx.msk [tilespmem:v31+s24+$0x0], $0xffff;
	_ =	sdelay $0x2  }
0x11b: {  	v32 =	vor.u32 v5, v24  }
0x11c: {  	v30 =	vadd.s32 v6, v30;
	_ =	sdelay $0x1  }
0x11d: {  	v31 =	vadd.f32 v31, v28;
	_ =	sdelay $0x1  }
0x11e: {  	[tilespmem:v32+s11+$0x0] =	vst.idx.msk $0xffff, v31  }
0x11f: {  	v30 =	vld.idx.msk [tilespmem:v30+s24+$0x0], $0xffff;
	_ =	sdelay $0x2  }
0x120: {  	v31 =	vor.u32 v7, v24  }
0x121: {  	v29 =	vadd.s32 v8, v29;
	_ =	sdelay $0x1  }
0x122: {  	v30 =	vadd.f32 v30, v28;
	_ =	sdelay $0x1  }
0x123: {  	[tilespmem:v31+s11+$0x0] =	vst.idx.msk $0xffff, v30  }
0x124: {  	v29 =	vld.idx.msk [tilespmem:v29+s24+$0x0], $0xffff;
	_ =	sdelay $0x2  }
0x125: {  	v30 =	vor.u32 v9, v24  }
0x126: {  	v27 =	vadd.s32 v10, v27;
	_ =	sdelay $0x1  }
0x127: {  	v29 =	vadd.f32 v29, v28;
	_ =	sdelay $0x1  }
0x128: {  	[tilespmem:v30+s11+$0x0] =	vst.idx.msk $0xffff, v29  }
0x129: {  	v27 =	vld.idx.msk [tilespmem:v27+s24+$0x0], $0xffff;
	_ =	sdelay $0x2  }
0x12a: {  	v29 =	vor.u32 v11, v24  }
0x12b: {  	v26 =	vadd.s32 v12, v26;
	_ =	sdelay $0x1  }
0x12c: {  	v27 =	vadd.f32 v27, v28;
	_ =	sdelay $0x1  }
0x12d: {  	[tilespmem:v29+s11+$0x0] =	vst.idx.msk $0xffff, v27  }
0x12e: {  	v27 =	vld.idx.msk [tilespmem:v26+s24+$0x0], $0xffff;
	_ =	sdelay $0x1  }
.Ltmp2:
0x12f: {  	(pc) =	sbr.rel @p0 .LBB2_3-.Ltmp2, $3  }
0x130: {  	v26 =	vor.u32 v13, v24  }
0x131: {  	v25 =	vadd.s32 v14, v25;
	_ =	sdelay $0x1  }
0x132: {  	v27 =	vadd.f32 v27, v28  }
0x133: {  	_ =	sdelay $0x3  }
0x134: {  	[tilespmem:v26+s11+$0x0] =	vst.idx.msk $0xffff, v27  }
0x135: {  	v16 =	vld.idx.msk [tilespmem:v25+s24+$0x0], $0xffff;
	_ =	sdelay $0x1  }
0x136: {  	v17 =	vor.u32 v15, v24;
	_ =	sdelay $0x2  }
0x137: {  	s14 =	sshll.u32 s7, $0x11;
	v16 =	vadd.f32 v16, v28  }
0x138: {  	s16 =	rddreg [dreg:$0x1];
	s26 =	sor.u32 s4, s14  }
0x139: {  	s14 =	sadd.s32 s16, s26;
	[tilespmem:v17+s11+$0x0] =	vst.idx.msk $0xffff, v16  }
0x13a: {  	[hbm4b:s14+s12] =	stream.strided.scatter [tilespmem:s11], [sflag:$0x5], $0x2000, s13, s12, $0x38;
	[tilespmem:$0x14700] =	vst v63  }
0x13b: {  	p0 =	seq.s32 s7, $0x31;
	s14 =	sadd.s32 $0x4, s22  }
0x13c: {  	s15 =	sshll.u32 @!p0 s14, $0xC  }
0x13d: {  	s15 =	sor.u32 @!p0 s4, s15  }
0x13e: {  	s15 =	sshrl.u32 @!p0 s15, $0x3  }
0x13f: {  	s16 =	simm.s32 @!p0 $0x0;
	s15 =	sadd.s32 @!p0 s5, s15  }
0x140: {  	[tilespmem:s16], [sflag:$0x7] =	stream.linear.gather @!p0 [hbm4b:s15+s16], $0x80, $0x38;
	[tilespmem:$0x14700] =	vst v63  }
0x141: {  	_ =	swait.ge [sflag:s18], $0x80  }
0x142: {  	[sflag:s18] =	ssyncset.done $0x0  }
0x143: {  	[sflag:s18] =	ssyncadd.s32 $0xFFFFFF80  }
0x144: {  	v16 =	vld [tilespmem:$0x180];
	_ =	sdelay $0x1  }
0x145: {  	v17 =	vld [tilespmem:$0x190];
	_ =	sdelay $0x1  }
0x146: {  	v18 =	vld [tilespmem:$0x1A0]  }
0x147: {  	v19 =	vshrl.u32 v16, $0x1;
	v16 =	vshll.u32 v16, $0x6  }
0x148: {  	[tilespmem:$0x380] =	vst v19;
	v16 =	vand.u32 $0x40, v16;
	v19 =	vld [tilespmem:$0x1B0]  }
0x149: {  	[tilespmem:$0x580] =	vst v16;
	v16 =	vshrl.u32 v17, $0x1;
	v17 =	vshll.u32 v17, $0x6  }
0x14a: {  	[tilespmem:$0x390] =	vst v16;
	v16 =	vand.u32 $0x40, v17;
	v17 =	vld [tilespmem:$0x1C0]  }
0x14b: {  	[tilespmem:$0x590] =	vst v16;
	v16 =	vshrl.u32 v18, $0x1;
	v18 =	vshll.u32 v18, $0x6  }
0x14c: {  	[tilespmem:$0x3A0] =	vst v16;
	v16 =	vand.u32 $0x40, v18;
	v18 =	vld [tilespmem:$0x1D0]  }
0x14d: {  	[tilespmem:$0x5A0] =	vst v16;
	v16 =	vshrl.u32 v19, $0x1;
	v19 =	vshll.u32 v19, $0x6  }
0x14e: {  	[tilespmem:$0x3B0] =	vst v16;
	v16 =	vand.u32 $0x40, v19;
	v19 =	vld [tilespmem:$0x1E0]  }
0x14f: {  	[tilespmem:$0x5B0] =	vst v16;
	v16 =	vshrl.u32 v17, $0x1;
	v17 =	vshll.u32 v17, $0x6  }
0x150: {  	[tilespmem:$0x3C0] =	vst v16;
	v16 =	vand.u32 $0x40, v17;
	v17 =	vld [tilespmem:$0x1F0]  }
0x151: {  	[tilespmem:$0x5C0] =	vst v16;
	v16 =	vshrl.u32 v18, $0x1;
	v18 =	vshll.u32 v18, $0x6  }
0x152: {  	[tilespmem:$0x3D0] =	vst v16;
	v16 =	vand.u32 $0x40, v18  }
0x153: {  	[tilespmem:$0x5D0] =	vst v16;
	v16 =	vshrl.u32 v19, $0x1;
	v18 =	vshll.u32 v19, $0x6  }
0x154: {  	[tilespmem:$0x3E0] =	vst v16;
	v16 =	vand.u32 $0x40, v18  }
0x155: {  	[tilespmem:$0x5E0] =	vst v16;
	v16 =	vshrl.u32 v17, $0x1;
	v17 =	vshll.u32 v17, $0x6  }
0x156: {  	s23 =	sor.u32 $0x3, s22;
	[tilespmem:$0x3F0] =	vst v16;
	v16 =	vand.u32 $0x40, v17  }
0x157: {  	s17 =	simm.s32 $0x380;
	s16 =	sshll.u32 s23, $0x3;
	[tilespmem:$0x5F0] =	vst v16  }
0x158: {  	[tilespmem:s20], [sflag:$0x4] =	stream.indirect.gather [hbm4b:s6+s19], $0x80, s17, s19, $0xb8;
	[tilespmem:$0x14700] =	vst v63  }
0x159: {  	s15 =	sadd.s32 s8, s16;
	s17 =	simm.s32 $0x146C0  }
0x15a: {  	[tilespmem:s17], [sflag:$0x4] =	stream.linear.gather [hbm4b:s15+s3], $0x40, $0x38;
	[tilespmem:$0x14700] =	vst v63  }
0x15b: {  	_ =	swait.ge [sflag:s28], $0x4000  }
0x15c: {  	[sflag:s28] =	ssyncset.done $0x0  }
0x15d: {  	[sflag:s28] =	ssyncadd.s32 $0xFFFFC000  }
0x15e: {  	_ =	swait.ge [sflag:s28], $0x40  }
0x15f: {  	[sflag:s28] =	ssyncset.done $0x0  }
0x160: {  	s15 =	simm.s32 @!p1 $0x6;
	[sflag:s28] =	ssyncadd.s32 $0xFFFFFFC0  }
0x161: {  	_ =	swait.ge @!p1 [sflag:s15], $0x2000  }
0x162: {  	[sflag:s15] =	ssyncset.done @!p1 $0x0  }
0x163: {  	[sflag:s15] =	ssyncadd.s32 @!p1 $0xFFFFE000  }
0x164: {  	v16 =	vld [tilespmem:$0x480]  }
0x165: {  	s17 =	simm.s32 $0x0  }
0x166: {  	v24 =	vadd.s32 s17, v0;
	s15 =	simm.s32 $0x0  }
0x167: {  	v17 =	vand.u32 $0xF, v24;
	s17 =	sand.u32 $0x20, s15  }
0x168: {  	v25 =	vor.u32 s17, v17  }
0x169: {  	v18 =	vor.u32 $0x40, v25;
	v17 =	vadd.s32 v16, v25  }
0x16a: {  	v19 =	vadd.s32 v1, v17;
	_ =	sdelay $0x1  }
0x16b: {  	v17 =	vld [tilespmem:$0x490];
	_ =	sdelay $0x1  }
0x16c: {  	v26 =	vld.idx.msk [tilespmem:v18+s25+$0x0], $0xffff  }
0x16d: {  	v23 =	vld.idx.msk [tilespmem:v19+s29+$0x0], $0xffff  }
0x16e: {  	v27 =	vshll.u32 v25, $0x7  }
0x16f: {  	v20 =	vld [tilespmem:$0x4C0];
	v28 =	vor.u32 v0, v27;
	v21 =	vadd.s32 v17, v25  }
0x170: {  	v22 =	vld [tilespmem:$0x4E0];
	v29 =	vadd.s32 v2, v21  }
0x171: {  	v18 =	vld [tilespmem:$0x4A0]  }
0x172: {  	v19 =	vld [tilespmem:$0x4B0];
	v30 =	vadd.f32 v23, v26  }
0x173: {  	v21 =	vld [tilespmem:$0x4D0]  }
0x174: {  	v23 =	vld [tilespmem:$0x4F0];
	[tilespmem:v28+s30+$0x0] =	vst.idx.msk $0xffff, v30  }
0x175: {  	v28 =	vld.idx.msk [tilespmem:v29+s29+$0x0], $0xffff;
	_ =	sdelay $0x1  }
0x176: {  	v30 =	vor.u32 v3, v27;
	v29 =	vadd.s32 v18, v25  }
0x177: {  	v29 =	vadd.s32 v4, v29;
	_ =	sdelay $0x1  }
0x178: {  	v28 =	vadd.f32 v28, v26;
	_ =	sdelay $0x1  }
0x179: {  	[tilespmem:v30+s30+$0x0] =	vst.idx.msk $0xffff, v28  }
0x17a: {  	v28 =	vld.idx.msk [tilespmem:v29+s29+$0x0], $0xffff;
	_ =	sdelay $0x1  }
0x17b: {  	v30 =	vor.u32 v5, v27;
	v29 =	vadd.s32 v19, v25  }
0x17c: {  	v29 =	vadd.s32 v6, v29;
	_ =	sdelay $0x1  }
0x17d: {  	v28 =	vadd.f32 v28, v26;
	_ =	sdelay $0x1  }
0x17e: {  	[tilespmem:v30+s30+$0x0] =	vst.idx.msk $0xffff, v28  }
0x17f: {  	v28 =	vld.idx.msk [tilespmem:v29+s29+$0x0], $0xffff;
	_ =	sdelay $0x1  }
0x180: {  	v30 =	vor.u32 v7, v27;
	v29 =	vadd.s32 v20, v25  }
0x181: {  	v29 =	vadd.s32 v8, v29;
	_ =	sdelay $0x1  }
0x182: {  	v28 =	vadd.f32 v28, v26;
	_ =	sdelay $0x1  }
0x183: {  	[tilespmem:v30+s30+$0x0] =	vst.idx.msk $0xffff, v28  }
0x184: {  	v28 =	vld.idx.msk [tilespmem:v29+s29+$0x0], $0xffff;
	_ =	sdelay $0x1  }
0x185: {  	v30 =	vor.u32 v9, v27;
	v29 =	vadd.s32 v21, v25  }
0x186: {  	v29 =	vadd.s32 v10, v29;
	_ =	sdelay $0x1  }
0x187: {  	v28 =	vadd.f32 v28, v26;
	_ =	sdelay $0x1  }
0x188: {  	[tilespmem:v30+s30+$0x0] =	vst.idx.msk $0xffff, v28  }
0x189: {  	v28 =	vld.idx.msk [tilespmem:v29+s29+$0x0], $0xffff;
	_ =	sdelay $0x1  }
0x18a: {  	v30 =	vor.u32 v11, v27;
	v29 =	vadd.s32 v22, v25  }
0x18b: {  	v29 =	vadd.s32 v12, v29;
	_ =	sdelay $0x1  }
0x18c: {  	v28 =	vadd.f32 v28, v26;
	_ =	sdelay $0x1  }
0x18d: {  	[tilespmem:v30+s30+$0x0] =	vst.idx.msk $0xffff, v28  }
0x18e: {  	v28 =	vld.idx.msk [tilespmem:v29+s29+$0x0], $0xffff;
	_ =	sdelay $0x1  }
0x18f: {  	v25 =	vadd.s32 v23, v25;
	v29 =	vor.u32 v13, v27  }
0x190: {  	v25 =	vadd.s32 v14, v25;
	_ =	sdelay $0x1  }
0x191: {  	v28 =	vadd.f32 v28, v26;
	_ =	sdelay $0x1  }
0x192: {  	[tilespmem:v29+s30+$0x0] =	vst.idx.msk $0xffff, v28  }
0x193: {  	v25 =	vld.idx.msk [tilespmem:v25+s29+$0x0], $0xffff  }
0x194: {  	s16 =	sor.u32 $0x10, s17  }
0x195: {  	v29 =	vor.u32 s16, v24;
	v24 =	vor.u32 v15, v27  }
0x196: {  	v27 =	vadd.s32 v16, v29;
	v28 =	vor.u32 $0x40, v29  }
0x197: {  	v27 =	vadd.s32 v1, v27  }
0x198: {  	v25 =	vadd.f32 v25, v26;
	_ =	sdelay $0x1  }
0x199: {  	[tilespmem:v24+s30+$0x0] =	vst.idx.msk $0xffff, v25  }
0x19a: {  	v28 =	vld.idx.msk [tilespmem:v28+s25+$0x0], $0xffff  }
0x19b: {  	v25 =	vld.idx.msk [tilespmem:v27+s29+$0x0], $0xffff  }
0x19c: {  	v24 =	vshll.u32 v29, $0x7  }
0x19d: {  	v26 =	vadd.s32 v17, v29;
	v27 =	vor.u32 v0, v24  }
0x19e: {  	v26 =	vadd.s32 v2, v26;
	_ =	sdelay $0x1  }
0x19f: {  	v25 =	vadd.f32 v25, v28;
	_ =	sdelay $0x1  }
0x1a0: {  	[tilespmem:v27+s30+$0x0] =	vst.idx.msk $0xffff, v25  }
0x1a1: {  	v25 =	vld.idx.msk [tilespmem:v26+s29+$0x0], $0xffff;
	_ =	sdelay $0x1  }
0x1a2: {  	v27 =	vor.u32 v3, v24;
	v26 =	vadd.s32 v18, v29  }
0x1a3: {  	v26 =	vadd.s32 v4, v26;
	_ =	sdelay $0x1  }
0x1a4: {  	v25 =	vadd.f32 v25, v28;
	_ =	sdelay $0x1  }
0x1a5: {  	[tilespmem:v27+s30+$0x0] =	vst.idx.msk $0xffff, v25  }
0x1a6: {  	v25 =	vld.idx.msk [tilespmem:v26+s29+$0x0], $0xffff;
	_ =	sdelay $0x1  }
0x1a7: {  	v27 =	vor.u32 v5, v24;
	v26 =	vadd.s32 v19, v29  }
0x1a8: {  	v26 =	vadd.s32 v6, v26;
	_ =	sdelay $0x1  }
0x1a9: {  	v25 =	vadd.f32 v25, v28;
	_ =	sdelay $0x1  }
0x1aa: {  	[tilespmem:v27+s30+$0x0] =	vst.idx.msk $0xffff, v25  }
0x1ab: {  	v25 =	vld.idx.msk [tilespmem:v26+s29+$0x0], $0xffff;
	_ =	sdelay $0x1  }
0x1ac: {  	v27 =	vor.u32 v7, v24;
	v26 =	vadd.s32 v20, v29  }
0x1ad: {  	v26 =	vadd.s32 v8, v26;
	_ =	sdelay $0x1  }
0x1ae: {  	v25 =	vadd.f32 v25, v28;
	_ =	sdelay $0x1  }
0x1af: {  	[tilespmem:v27+s30+$0x0] =	vst.idx.msk $0xffff, v25  }
0x1b0: {  	v25 =	vld.idx.msk [tilespmem:v26+s29+$0x0], $0xffff;
	_ =	sdelay $0x1  }
0x1b1: {  	v27 =	vor.u32 v9, v24;
	v26 =	vadd.s32 v21, v29  }
0x1b2: {  	v26 =	vadd.s32 v10, v26;
	_ =	sdelay $0x1  }
0x1b3: {  	v25 =	vadd.f32 v25, v28;
	_ =	sdelay $0x1  }
0x1b4: {  	[tilespmem:v27+s30+$0x0] =	vst.idx.msk $0xffff, v25  }
0x1b5: {  	v25 =	vld.idx.msk [tilespmem:v26+s29+$0x0], $0xffff;
	_ =	sdelay $0x1  }
0x1b6: {  	v27 =	vor.u32 v11, v24;
	v26 =	vadd.s32 v22, v29  }
0x1b7: {  	v26 =	vadd.s32 v12, v26;
	_ =	sdelay $0x1  }
0x1b8: {  	v25 =	vadd.f32 v25, v28;
	_ =	sdelay $0x1  }
0x1b9: {  	[tilespmem:v27+s30+$0x0] =	vst.idx.msk $0xffff, v25  }
0x1ba: {  	v27 =	vld.idx.msk [tilespmem:v26+s29+$0x0], $0xffff;
	_ =	sdelay $0x1  }
0x1bb: {  	v25 =	vadd.s32 v23, v29;
	v26 =	vor.u32 v13, v24  }
0x1bc: {  	v25 =	vadd.s32 v14, v25;
	_ =	sdelay $0x1  }
0x1bd: {  	s16 =	simm.s32 $0x0;
	v27 =	vadd.f32 v27, v28  }
.LBB2_5:
0x1be: {  	_ = 	snop  }
0x1bf: {  	s16 =	sadd.s32 $0x2, s16;
	[tilespmem:v26+s30+$0x0] =	vst.idx.msk $0xffff, v27  }
0x1c0: {  	s17 =	sshrl.u32 s16, $0x2;
	p1 =	slt.u32 s16, $0x3E;
	v25 =	vld.idx.msk [tilespmem:v25+s29+$0x0], $0xffff  }
0x1c1: {  	s15 =	sadd.s32 $0x20, s15;
	v26 =	vadd.s32 s17, v0  }
0x1c2: {  	s17 =	sand.u32 $0x20, s15;
	v27 =	vand.u32 $0xF, v26  }
0x1c3: {  	v24 =	vor.u32 v15, v24;
	v27 =	vor.u32 s17, v27  }
0x1c4: {  	v29 =	vor.u32 $0x40, v27;
	v30 =	vadd.s32 v16, v27;
	v32 =	vshll.u32 v27, $0x7  }
0x1c5: {  	v34 =	vadd.s32 v17, v27;
	v35 =	vadd.s32 v18, v27;
	v30 =	vadd.s32 v1, v30  }
0x1c6: {  	v36 =	vadd.s32 v19, v27;
	v37 =	vadd.s32 v20, v27;
	v25 =	vadd.f32 v25, v28  }
0x1c7: {  	s17 =	sor.u32 $0x10, s17;
	v38 =	vadd.s32 v22, v27;
	v39 =	vadd.s32 v23, v27;
	v28 =	vadd.s32 v21, v27  }
0x1c8: {  	v40 =	vor.u32 s17, v26;
	[tilespmem:v24+s30+$0x0] =	vst.idx.msk $0xffff, v25  }
0x1c9: {  	v42 =	vadd.s32 v16, v40;
	v33 =	vadd.s32 v17, v40;
	v24 =	vshll.u32 v40, $0x7;
	v41 =	vld.idx.msk [tilespmem:v29+s25+$0x0], $0xffff  }
0x1ca: {  	v31 =	vadd.s32 v18, v40;
	v29 =	vadd.s32 v20, v40;
	v43 =	vld.idx.msk [tilespmem:v30+s29+$0x0], $0xffff;
	v30 =	vadd.s32 v19, v40  }
0x1cb: {  	v26 =	vadd.s32 v22, v40;
	v27 =	vadd.s32 v21, v40;
	v25 =	vadd.s32 v23, v40;
	_ =	sdelay $0x1  }
0x1cc: {  	v44 =	vor.u32 v0, v32  }
0x1cd: {  	v34 =	vadd.s32 v2, v34;
	_ =	sdelay $0x1  }
0x1ce: {  	v43 =	vadd.f32 v43, v41;
	_ =	sdelay $0x1  }
0x1cf: {  	[tilespmem:v44+s30+$0x0] =	vst.idx.msk $0xffff, v43  }
0x1d0: {  	v34 =	vld.idx.msk [tilespmem:v34+s29+$0x0], $0xffff;
	_ =	sdelay $0x2  }
0x1d1: {  	v43 =	vor.u32 v3, v32  }
0x1d2: {  	v35 =	vadd.s32 v4, v35;
	_ =	sdelay $0x1  }
0x1d3: {  	v34 =	vadd.f32 v34, v41;
	_ =	sdelay $0x1  }
0x1d4: {  	[tilespmem:v43+s30+$0x0] =	vst.idx.msk $0xffff, v34  }
0x1d5: {  	v34 =	vld.idx.msk [tilespmem:v35+s29+$0x0], $0xffff;
	_ =	sdelay $0x2  }
0x1d6: {  	v35 =	vor.u32 v5, v32  }
0x1d7: {  	v36 =	vadd.s32 v6, v36;
	_ =	sdelay $0x1  }
0x1d8: {  	v34 =	vadd.f32 v34, v41;
	_ =	sdelay $0x1  }
0x1d9: {  	[tilespmem:v35+s30+$0x0] =	vst.idx.msk $0xffff, v34  }
0x1da: {  	v34 =	vld.idx.msk [tilespmem:v36+s29+$0x0], $0xffff;
	_ =	sdelay $0x2  }
0x1db: {  	v35 =	vor.u32 v7, v32  }
0x1dc: {  	v36 =	vadd.s32 v8, v37;
	_ =	sdelay $0x1  }
0x1dd: {  	v34 =	vadd.f32 v34, v41;
	_ =	sdelay $0x1  }
0x1de: {  	[tilespmem:v35+s30+$0x0] =	vst.idx.msk $0xffff, v34  }
0x1df: {  	v34 =	vld.idx.msk [tilespmem:v36+s29+$0x0], $0xffff;
	_ =	sdelay $0x2  }
0x1e0: {  	v35 =	vor.u32 v9, v32  }
0x1e1: {  	v28 =	vadd.s32 v10, v28;
	_ =	sdelay $0x1  }
0x1e2: {  	v34 =	vadd.f32 v34, v41;
	_ =	sdelay $0x1  }
0x1e3: {  	[tilespmem:v35+s30+$0x0] =	vst.idx.msk $0xffff, v34  }
0x1e4: {  	v28 =	vld.idx.msk [tilespmem:v28+s29+$0x0], $0xffff;
	_ =	sdelay $0x2  }
0x1e5: {  	v34 =	vor.u32 v11, v32  }
0x1e6: {  	v35 =	vadd.s32 v12, v38;
	_ =	sdelay $0x1  }
0x1e7: {  	v28 =	vadd.f32 v28, v41;
	_ =	sdelay $0x1  }
0x1e8: {  	[tilespmem:v34+s30+$0x0] =	vst.idx.msk $0xffff, v28  }
0x1e9: {  	v28 =	vld.idx.msk [tilespmem:v35+s29+$0x0], $0xffff;
	_ =	sdelay $0x2  }
0x1ea: {  	v34 =	vor.u32 v13, v32  }
0x1eb: {  	v35 =	vadd.s32 v14, v39;
	_ =	sdelay $0x1  }
0x1ec: {  	v28 =	vadd.f32 v28, v41;
	_ =	sdelay $0x1  }
0x1ed: {  	[tilespmem:v34+s30+$0x0] =	vst.idx.msk $0xffff, v28  }
0x1ee: {  	v28 =	vld.idx.msk [tilespmem:v35+s29+$0x0], $0xffff;
	_ =	sdelay $0x2  }
0x1ef: {  	v32 =	vor.u32 v15, v32  }
0x1f0: {  	v34 =	vor.u32 $0x40, v40  }
0x1f1: {  	v35 =	vadd.s32 v1, v42  }
0x1f2: {  	v28 =	vadd.f32 v28, v41;
	_ =	sdelay $0x1  }
0x1f3: {  	[tilespmem:v32+s30+$0x0] =	vst.idx.msk $0xffff, v28  }
0x1f4: {  	v28 =	vld.idx.msk [tilespmem:v34+s25+$0x0], $0xffff  }
0x1f5: {  	v32 =	vld.idx.msk [tilespmem:v35+s29+$0x0], $0xffff;
	_ =	sdelay $0x2  }
0x1f6: {  	v34 =	vor.u32 v0, v24  }
0x1f7: {  	v33 =	vadd.s32 v2, v33;
	_ =	sdelay $0x1  }
0x1f8: {  	v32 =	vadd.f32 v32, v28;
	_ =	sdelay $0x1  }
0x1f9: {  	[tilespmem:v34+s30+$0x0] =	vst.idx.msk $0xffff, v32  }
0x1fa: {  	v32 =	vld.idx.msk [tilespmem:v33+s29+$0x0], $0xffff;
	_ =	sdelay $0x2  }
0x1fb: {  	v33 =	vor.u32 v3, v24  }
0x1fc: {  	v31 =	vadd.s32 v4, v31;
	_ =	sdelay $0x1  }
0x1fd: {  	v32 =	vadd.f32 v32, v28;
	_ =	sdelay $0x1  }
0x1fe: {  	[tilespmem:v33+s30+$0x0] =	vst.idx.msk $0xffff, v32  }
0x1ff: {  	v31 =	vld.idx.msk [tilespmem:v31+s29+$0x0], $0xffff;
	_ =	sdelay $0x2  }
0x200: {  	v32 =	vor.u32 v5, v24  }
0x201: {  	v30 =	vadd.s32 v6, v30;
	_ =	sdelay $0x1  }
0x202: {  	v31 =	vadd.f32 v31, v28;
	_ =	sdelay $0x1  }
0x203: {  	[tilespmem:v32+s30+$0x0] =	vst.idx.msk $0xffff, v31  }
0x204: {  	v30 =	vld.idx.msk [tilespmem:v30+s29+$0x0], $0xffff;
	_ =	sdelay $0x2  }
0x205: {  	v31 =	vor.u32 v7, v24  }
0x206: {  	v29 =	vadd.s32 v8, v29;
	_ =	sdelay $0x1  }
0x207: {  	v30 =	vadd.f32 v30, v28;
	_ =	sdelay $0x1  }
0x208: {  	[tilespmem:v31+s30+$0x0] =	vst.idx.msk $0xffff, v30  }
0x209: {  	v29 =	vld.idx.msk [tilespmem:v29+s29+$0x0], $0xffff;
	_ =	sdelay $0x2  }
0x20a: {  	v30 =	vor.u32 v9, v24  }
0x20b: {  	v27 =	vadd.s32 v10, v27;
	_ =	sdelay $0x1  }
0x20c: {  	v29 =	vadd.f32 v29, v28;
	_ =	sdelay $0x1  }
0x20d: {  	[tilespmem:v30+s30+$0x0] =	vst.idx.msk $0xffff, v29  }
0x20e: {  	v27 =	vld.idx.msk [tilespmem:v27+s29+$0x0], $0xffff;
	_ =	sdelay $0x2  }
0x20f: {  	v29 =	vor.u32 v11, v24  }
0x210: {  	v26 =	vadd.s32 v12, v26;
	_ =	sdelay $0x1  }
0x211: {  	v27 =	vadd.f32 v27, v28;
	_ =	sdelay $0x1  }
0x212: {  	[tilespmem:v29+s30+$0x0] =	vst.idx.msk $0xffff, v27  }
0x213: {  	v27 =	vld.idx.msk [tilespmem:v26+s29+$0x0], $0xffff;
	_ =	sdelay $0x1  }
.Ltmp3:
0x214: {  	(pc) =	sbr.rel @p1 .LBB2_5-.Ltmp3, $3  }
0x215: {  	v26 =	vor.u32 v13, v24  }
0x216: {  	v25 =	vadd.s32 v14, v25;
	_ =	sdelay $0x1  }
0x217: {  	v27 =	vadd.f32 v27, v28  }
0x218: {  	_ =	sdelay $0x3  }
0x219: {  	[tilespmem:v26+s30+$0x0] =	vst.idx.msk $0xffff, v27  }
0x21a: {  	v16 =	vld.idx.msk [tilespmem:v25+s29+$0x0], $0xffff;
	_ =	sdelay $0x1  }
0x21b: {  	v17 =	vor.u32 v15, v24;
	_ =	sdelay $0x2  }
.Ltmp4:
0x21c: {  	v16 =	vadd.f32 v16, v28;
	(pc) =	sbr.rel @p0 .LBB2_8-.Ltmp4, $4  }
0x21d: {  	s15 =	rddreg [dreg:$0xa]  }
0x21e: {  	s15 =	sadd.s32 s26, s15;
	[tilespmem:v17+s30+$0x0] =	vst.idx.msk $0xffff, v16  }
0x21f: {  	[hbm4b:s15+s12] =	stream.strided.scatter [tilespmem:s30], [sflag:$0x6], $0x2000, s13, s12, $0x38;
	[tilespmem:$0x14700] =	vst v63  }
0x220: {  	s15 =	sadd.s32 $0x5, s22  }
0x221: {  	s16 =	sshll.u32 s15, $0xC  }
0x222: {  	s16 =	sor.u32 s4, s16  }
0x223: {  	s16 =	sshrl.u32 s16, $0x3  }
0x224: {  	s17 =	simm.s32 $0x7;
	s16 =	sadd.s32 s5, s16  }
0x225: {  	[tilespmem:s19], [sflag:$0x8] =	stream.linear.gather [hbm4b:s16+s3], $0x80, $0x38;
	[tilespmem:$0x14700] =	vst v63  }
0x226: {  	_ =	swait.ge [sflag:s17], $0x80  }
0x227: {  	[sflag:s17] =	ssyncset.done $0x0  }
0x228: {  	[sflag:s17] =	ssyncadd.s32 $0xFFFFFF80  }
0x229: {  	v16 =	vld [tilespmem:$0x0];
	_ =	sdelay $0x1  }
0x22a: {  	v17 =	vld [tilespmem:$0x10];
	_ =	sdelay $0x1  }
0x22b: {  	v18 =	vld [tilespmem:$0x20]  }
0x22c: {  	v19 =	vshrl.u32 v16, $0x1;
	v16 =	vshll.u32 v16, $0x6  }
0x22d: {  	v60 =	vld [tilespmem:$0x30];
	[tilespmem:$0x200] =	vst v19;
	v16 =	vand.u32 $0x40, v16  }
0x22e: {  	[tilespmem:$0x400] =	vst v16;
	v16 =	vshrl.u32 v17, $0x1;
	v17 =	vshll.u32 v17, $0x6  }
0x22f: {  	[tilespmem:$0x210] =	vst v16;
	v16 =	vand.u32 $0x40, v17;
	v17 =	vld [tilespmem:$0x40]  }
0x230: {  	[tilespmem:$0x410] =	vst v16;
	v16 =	vshrl.u32 v18, $0x1;
	v18 =	vshll.u32 v18, $0x6  }
0x231: {  	v61 =	vld [tilespmem:$0x50];
	[tilespmem:$0x220] =	vst v16;
	v16 =	vand.u32 $0x40, v18  }
0x232: {  	v19 =	vshll.u32 v60, $0x6;
	[tilespmem:$0x420] =	vst v16;
	v16 =	vshrl.u32 v60, $0x1  }
0x233: {  	v62 =	vld [tilespmem:$0x60];
	[tilespmem:$0x230] =	vst v16;
	v16 =	vand.u32 $0x40, v19  }
0x234: {  	[tilespmem:$0x430] =	vst v16;
	v16 =	vshrl.u32 v17, $0x1;
	v17 =	vshll.u32 v17, $0x6  }
0x235: {  	[tilespmem:$0x240] =	vst v16;
	v16 =	vand.u32 $0x40, v17;
	v17 =	vld [tilespmem:$0x70]  }
0x236: {  	v18 =	vshll.u32 v61, $0x6;
	[tilespmem:$0x440] =	vst v16;
	v16 =	vshrl.u32 v61, $0x1  }
0x237: {  	[tilespmem:$0x250] =	vst v16;
	v16 =	vand.u32 $0x40, v18  }
0x238: {  	v63 =	vshll.u32 v62, $0x6;
	[tilespmem:$0x450] =	vst v16;
	v16 =	vshrl.u32 v62, $0x1  }
0x239: {  	[tilespmem:$0x260] =	vst v16;
	v16 =	vand.u32 $0x40, v63  }
0x23a: {  	[tilespmem:$0x460] =	vst v16;
	v16 =	vshrl.u32 v17, $0x1;
	v17 =	vshll.u32 v17, $0x6  }
0x23b: {  	[tilespmem:$0x270] =	vst v16;
	v16 =	vand.u32 $0x40, v17  }
0x23c: {  	s14 =	sshll.u32 s14, $0x3;
	s17 =	simm.s32 $0x200;
	[tilespmem:$0x470] =	vst v16  }
0x23d: {  	[tilespmem:s24], [sflag:$0x1] =	stream.indirect.gather [hbm4b:s6+s19], $0x80, s17, s19, $0xb8;
	[tilespmem:$0x14700] =	vst v63  }
0x23e: {  	s14 =	sadd.s32 s8, s14  }
0x23f: {  	[tilespmem:s25], [sflag:$0x1] =	stream.linear.gather [hbm4b:s14+s3], $0x40, $0x38;
	[tilespmem:$0x14700] =	vst v63  }
.LBB2_8:
0x240: {  	_ =	swait.ge [sflag:s2], $0x4000  }
0x241: {  	[sflag:s2] =	ssyncset.done $0x0  }
0x242: {  	[sflag:s2] =	ssyncadd.s32 $0xFFFFC000  }
0x243: {  	_ =	swait.ge [sflag:s2], $0x40  }
0x244: {  	[sflag:s2] =	ssyncset.done $0x0  }
0x245: {  	[sflag:s2] =	ssyncadd.s32 $0xFFFFFFC0  }
0x246: {  	_ =	swait.ge [sflag:s21], $0x2000  }
0x247: {  	[sflag:s21] =	ssyncset.done $0x0  }
0x248: {  	[sflag:s21] =	ssyncadd.s32 $0xFFFFE000  }
0x249: {  	v16 =	vld [tilespmem:$0x500]  }
0x24a: {  	s16 =	simm.s32 $0x0  }
0x24b: {  	s14 =	simm.s32 $0x0;
	v24 =	vadd.s32 s16, v0  }
0x24c: {  	s17 =	sand.u32 $0x20, s14;
	v17 =	vand.u32 $0xF, v24  }
0x24d: {  	v25 =	vor.u32 s17, v17  }
0x24e: {  	v18 =	vor.u32 $0x80, v25;
	v17 =	vadd.s32 v16, v25  }
0x24f: {  	v19 =	vadd.s32 v1, v17;
	_ =	sdelay $0x1  }
0x250: {  	v17 =	vld [tilespmem:$0x510];
	_ =	sdelay $0x1  }
0x251: {  	v26 =	vld.idx.msk [tilespmem:v18+s25+$0x0], $0xffff  }
0x252: {  	v23 =	vld.idx.msk [tilespmem:v19+s1+$0x0], $0xffff  }
0x253: {  	v27 =	vshll.u32 v25, $0x7  }
0x254: {  	v28 =	vor.u32 v0, v27;
	v18 =	vld [tilespmem:$0x520];
	v21 =	vadd.s32 v17, v25  }
0x255: {  	v20 =	vld [tilespmem:$0x540];
	v29 =	vadd.s32 v2, v21  }
0x256: {  	v22 =	vld [tilespmem:$0x560]  }
0x257: {  	v19 =	vld [tilespmem:$0x530];
	v30 =	vadd.f32 v23, v26  }
0x258: {  	v21 =	vld [tilespmem:$0x550]  }
0x259: {  	v23 =	vld [tilespmem:$0x570];
	[tilespmem:v28+s11+$0x0] =	vst.idx.msk $0xffff, v30  }
0x25a: {  	v28 =	vld.idx.msk [tilespmem:v29+s1+$0x0], $0xffff;
	_ =	sdelay $0x1  }
0x25b: {  	v30 =	vor.u32 v3, v27;
	v29 =	vadd.s32 v18, v25  }
0x25c: {  	v29 =	vadd.s32 v4, v29;
	_ =	sdelay $0x1  }
0x25d: {  	v28 =	vadd.f32 v28, v26;
	_ =	sdelay $0x1  }
0x25e: {  	[tilespmem:v30+s11+$0x0] =	vst.idx.msk $0xffff, v28  }
0x25f: {  	v28 =	vld.idx.msk [tilespmem:v29+s1+$0x0], $0xffff;
	_ =	sdelay $0x1  }
0x260: {  	v30 =	vor.u32 v5, v27;
	v29 =	vadd.s32 v19, v25  }
0x261: {  	v29 =	vadd.s32 v6, v29;
	_ =	sdelay $0x1  }
0x262: {  	v28 =	vadd.f32 v28, v26;
	_ =	sdelay $0x1  }
0x263: {  	[tilespmem:v30+s11+$0x0] =	vst.idx.msk $0xffff, v28  }
0x264: {  	v28 =	vld.idx.msk [tilespmem:v29+s1+$0x0], $0xffff;
	_ =	sdelay $0x1  }
0x265: {  	v30 =	vor.u32 v7, v27;
	v29 =	vadd.s32 v20, v25  }
0x266: {  	v29 =	vadd.s32 v8, v29;
	_ =	sdelay $0x1  }
0x267: {  	v28 =	vadd.f32 v28, v26;
	_ =	sdelay $0x1  }
0x268: {  	[tilespmem:v30+s11+$0x0] =	vst.idx.msk $0xffff, v28  }
0x269: {  	v28 =	vld.idx.msk [tilespmem:v29+s1+$0x0], $0xffff;
	_ =	sdelay $0x1  }
0x26a: {  	v30 =	vor.u32 v9, v27;
	v29 =	vadd.s32 v21, v25  }
0x26b: {  	v29 =	vadd.s32 v10, v29;
	_ =	sdelay $0x1  }
0x26c: {  	v28 =	vadd.f32 v28, v26;
	_ =	sdelay $0x1  }
0x26d: {  	[tilespmem:v30+s11+$0x0] =	vst.idx.msk $0xffff, v28  }
0x26e: {  	v28 =	vld.idx.msk [tilespmem:v29+s1+$0x0], $0xffff;
	_ =	sdelay $0x1  }
0x26f: {  	v30 =	vor.u32 v11, v27;
	v29 =	vadd.s32 v22, v25  }
0x270: {  	v29 =	vadd.s32 v12, v29;
	_ =	sdelay $0x1  }
0x271: {  	v28 =	vadd.f32 v28, v26;
	_ =	sdelay $0x1  }
0x272: {  	[tilespmem:v30+s11+$0x0] =	vst.idx.msk $0xffff, v28  }
0x273: {  	v28 =	vld.idx.msk [tilespmem:v29+s1+$0x0], $0xffff;
	_ =	sdelay $0x1  }
0x274: {  	v25 =	vadd.s32 v23, v25;
	v29 =	vor.u32 v13, v27  }
0x275: {  	v25 =	vadd.s32 v14, v25;
	_ =	sdelay $0x1  }
0x276: {  	v28 =	vadd.f32 v28, v26;
	_ =	sdelay $0x1  }
0x277: {  	[tilespmem:v29+s11+$0x0] =	vst.idx.msk $0xffff, v28  }
0x278: {  	v25 =	vld.idx.msk [tilespmem:v25+s1+$0x0], $0xffff  }
0x279: {  	s16 =	sor.u32 $0x10, s17  }
0x27a: {  	v29 =	vor.u32 s16, v24;
	v24 =	vor.u32 v15, v27  }
0x27b: {  	v27 =	vadd.s32 v16, v29;
	v28 =	vor.u32 $0x80, v29  }
0x27c: {  	v27 =	vadd.s32 v1, v27  }
0x27d: {  	v25 =	vadd.f32 v25, v26;
	_ =	sdelay $0x1  }
0x27e: {  	[tilespmem:v24+s11+$0x0] =	vst.idx.msk $0xffff, v25  }
0x27f: {  	v28 =	vld.idx.msk [tilespmem:v28+s25+$0x0], $0xffff  }
0x280: {  	v25 =	vld.idx.msk [tilespmem:v27+s1+$0x0], $0xffff  }
0x281: {  	v24 =	vshll.u32 v29, $0x7  }
0x282: {  	v26 =	vadd.s32 v17, v29;
	v27 =	vor.u32 v0, v24  }
0x283: {  	v26 =	vadd.s32 v2, v26;
	_ =	sdelay $0x1  }
0x284: {  	v25 =	vadd.f32 v25, v28;
	_ =	sdelay $0x1  }
0x285: {  	[tilespmem:v27+s11+$0x0] =	vst.idx.msk $0xffff, v25  }
0x286: {  	v25 =	vld.idx.msk [tilespmem:v26+s1+$0x0], $0xffff;
	_ =	sdelay $0x1  }
0x287: {  	v27 =	vor.u32 v3, v24;
	v26 =	vadd.s32 v18, v29  }
0x288: {  	v26 =	vadd.s32 v4, v26;
	_ =	sdelay $0x1  }
0x289: {  	v25 =	vadd.f32 v25, v28;
	_ =	sdelay $0x1  }
0x28a: {  	[tilespmem:v27+s11+$0x0] =	vst.idx.msk $0xffff, v25  }
0x28b: {  	v25 =	vld.idx.msk [tilespmem:v26+s1+$0x0], $0xffff;
	_ =	sdelay $0x1  }
0x28c: {  	v27 =	vor.u32 v5, v24;
	v26 =	vadd.s32 v19, v29  }
0x28d: {  	v26 =	vadd.s32 v6, v26;
	_ =	sdelay $0x1  }
0x28e: {  	v25 =	vadd.f32 v25, v28;
	_ =	sdelay $0x1  }
0x28f: {  	[tilespmem:v27+s11+$0x0] =	vst.idx.msk $0xffff, v25  }
0x290: {  	v25 =	vld.idx.msk [tilespmem:v26+s1+$0x0], $0xffff;
	_ =	sdelay $0x1  }
0x291: {  	v27 =	vor.u32 v7, v24;
	v26 =	vadd.s32 v20, v29  }
0x292: {  	v26 =	vadd.s32 v8, v26;
	_ =	sdelay $0x1  }
0x293: {  	v25 =	vadd.f32 v25, v28;
	_ =	sdelay $0x1  }
0x294: {  	[tilespmem:v27+s11+$0x0] =	vst.idx.msk $0xffff, v25  }
0x295: {  	v25 =	vld.idx.msk [tilespmem:v26+s1+$0x0], $0xffff;
	_ =	sdelay $0x1  }
0x296: {  	v27 =	vor.u32 v9, v24;
	v26 =	vadd.s32 v21, v29  }
0x297: {  	v26 =	vadd.s32 v10, v26;
	_ =	sdelay $0x1  }
0x298: {  	v25 =	vadd.f32 v25, v28;
	_ =	sdelay $0x1  }
0x299: {  	[tilespmem:v27+s11+$0x0] =	vst.idx.msk $0xffff, v25  }
0x29a: {  	v25 =	vld.idx.msk [tilespmem:v26+s1+$0x0], $0xffff;
	_ =	sdelay $0x1  }
0x29b: {  	v27 =	vor.u32 v11, v24;
	v26 =	vadd.s32 v22, v29  }
0x29c: {  	v26 =	vadd.s32 v12, v26;
	_ =	sdelay $0x1  }
0x29d: {  	v25 =	vadd.f32 v25, v28;
	_ =	sdelay $0x1  }
0x29e: {  	[tilespmem:v27+s11+$0x0] =	vst.idx.msk $0xffff, v25  }
0x29f: {  	v27 =	vld.idx.msk [tilespmem:v26+s1+$0x0], $0xffff;
	_ =	sdelay $0x1  }
0x2a0: {  	v25 =	vadd.s32 v23, v29;
	v26 =	vor.u32 v13, v24  }
0x2a1: {  	v25 =	vadd.s32 v14, v25;
	_ =	sdelay $0x1  }
0x2a2: {  	s16 =	simm.s32 $0x0;
	v27 =	vadd.f32 v27, v28  }
.LBB2_9:
0x2a3: {  	_ = 	snop  }
0x2a4: {  	s16 =	sadd.s32 $0x2, s16;
	[tilespmem:v26+s11+$0x0] =	vst.idx.msk $0xffff, v27  }
0x2a5: {  	s17 =	sshrl.u32 s16, $0x2;
	p1 =	slt.u32 s16, $0x3E;
	v25 =	vld.idx.msk [tilespmem:v25+s1+$0x0], $0xffff  }
0x2a6: {  	s14 =	sadd.s32 $0x20, s14;
	v26 =	vadd.s32 s17, v0  }
0x2a7: {  	s17 =	sand.u32 $0x20, s14;
	v27 =	vand.u32 $0xF, v26  }
0x2a8: {  	v24 =	vor.u32 v15, v24;
	v27 =	vor.u32 s17, v27  }
0x2a9: {  	v29 =	vor.u32 $0x80, v27;
	v30 =	vadd.s32 v16, v27;
	v32 =	vshll.u32 v27, $0x7  }
0x2aa: {  	v34 =	vadd.s32 v17, v27;
	v35 =	vadd.s32 v18, v27;
	v30 =	vadd.s32 v1, v30  }
0x2ab: {  	v36 =	vadd.s32 v19, v27;
	v37 =	vadd.s32 v20, v27;
	v25 =	vadd.f32 v25, v28  }
0x2ac: {  	s17 =	sor.u32 $0x10, s17;
	v38 =	vadd.s32 v22, v27;
	v39 =	vadd.s32 v23, v27;
	v28 =	vadd.s32 v21, v27  }
0x2ad: {  	v40 =	vor.u32 s17, v26;
	[tilespmem:v24+s11+$0x0] =	vst.idx.msk $0xffff, v25  }
0x2ae: {  	v42 =	vadd.s32 v16, v40;
	v33 =	vadd.s32 v17, v40;
	v24 =	vshll.u32 v40, $0x7;
	v41 =	vld.idx.msk [tilespmem:v29+s25+$0x0], $0xffff  }
0x2af: {  	v31 =	vadd.s32 v18, v40;
	v29 =	vadd.s32 v20, v40;
	v43 =	vld.idx.msk [tilespmem:v30+s1+$0x0], $0xffff;
	v30 =	vadd.s32 v19, v40  }
0x2b0: {  	v26 =	vadd.s32 v22, v40;
	v27 =	vadd.s32 v21, v40;
	v25 =	vadd.s32 v23, v40;
	_ =	sdelay $0x1  }
0x2b1: {  	v44 =	vor.u32 v0, v32  }
0x2b2: {  	v34 =	vadd.s32 v2, v34;
	_ =	sdelay $0x1  }
0x2b3: {  	v43 =	vadd.f32 v43, v41;
	_ =	sdelay $0x1  }
0x2b4: {  	[tilespmem:v44+s11+$0x0] =	vst.idx.msk $0xffff, v43  }
0x2b5: {  	v34 =	vld.idx.msk [tilespmem:v34+s1+$0x0], $0xffff;
	_ =	sdelay $0x2  }
0x2b6: {  	v43 =	vor.u32 v3, v32  }
0x2b7: {  	v35 =	vadd.s32 v4, v35;
	_ =	sdelay $0x1  }
0x2b8: {  	v34 =	vadd.f32 v34, v41;
	_ =	sdelay $0x1  }
0x2b9: {  	[tilespmem:v43+s11+$0x0] =	vst.idx.msk $0xffff, v34  }
0x2ba: {  	v34 =	vld.idx.msk [tilespmem:v35+s1+$0x0], $0xffff;
	_ =	sdelay $0x2  }
0x2bb: {  	v35 =	vor.u32 v5, v32  }
0x2bc: {  	v36 =	vadd.s32 v6, v36;
	_ =	sdelay $0x1  }
0x2bd: {  	v34 =	vadd.f32 v34, v41;
	_ =	sdelay $0x1  }
0x2be: {  	[tilespmem:v35+s11+$0x0] =	vst.idx.msk $0xffff, v34  }
0x2bf: {  	v34 =	vld.idx.msk [tilespmem:v36+s1+$0x0], $0xffff;
	_ =	sdelay $0x2  }
0x2c0: {  	v35 =	vor.u32 v7, v32  }
0x2c1: {  	v36 =	vadd.s32 v8, v37;
	_ =	sdelay $0x1  }
0x2c2: {  	v34 =	vadd.f32 v34, v41;
	_ =	sdelay $0x1  }
0x2c3: {  	[tilespmem:v35+s11+$0x0] =	vst.idx.msk $0xffff, v34  }
0x2c4: {  	v34 =	vld.idx.msk [tilespmem:v36+s1+$0x0], $0xffff;
	_ =	sdelay $0x2  }
0x2c5: {  	v35 =	vor.u32 v9, v32  }
0x2c6: {  	v28 =	vadd.s32 v10, v28;
	_ =	sdelay $0x1  }
0x2c7: {  	v34 =	vadd.f32 v34, v41;
	_ =	sdelay $0x1  }
0x2c8: {  	[tilespmem:v35+s11+$0x0] =	vst.idx.msk $0xffff, v34  }
0x2c9: {  	v28 =	vld.idx.msk [tilespmem:v28+s1+$0x0], $0xffff;
	_ =	sdelay $0x2  }
0x2ca: {  	v34 =	vor.u32 v11, v32  }
0x2cb: {  	v35 =	vadd.s32 v12, v38;
	_ =	sdelay $0x1  }
0x2cc: {  	v28 =	vadd.f32 v28, v41;
	_ =	sdelay $0x1  }
0x2cd: {  	[tilespmem:v34+s11+$0x0] =	vst.idx.msk $0xffff, v28  }
0x2ce: {  	v28 =	vld.idx.msk [tilespmem:v35+s1+$0x0], $0xffff;
	_ =	sdelay $0x2  }
0x2cf: {  	v34 =	vor.u32 v13, v32  }
0x2d0: {  	v35 =	vadd.s32 v14, v39;
	_ =	sdelay $0x1  }
0x2d1: {  	v28 =	vadd.f32 v28, v41;
	_ =	sdelay $0x1  }
0x2d2: {  	[tilespmem:v34+s11+$0x0] =	vst.idx.msk $0xffff, v28  }
0x2d3: {  	v28 =	vld.idx.msk [tilespmem:v35+s1+$0x0], $0xffff;
	_ =	sdelay $0x2  }
0x2d4: {  	v32 =	vor.u32 v15, v32  }
0x2d5: {  	v34 =	vor.u32 $0x80, v40  }
0x2d6: {  	v35 =	vadd.s32 v1, v42  }
0x2d7: {  	v28 =	vadd.f32 v28, v41;
	_ =	sdelay $0x1  }
0x2d8: {  	[tilespmem:v32+s11+$0x0] =	vst.idx.msk $0xffff, v28  }
0x2d9: {  	v28 =	vld.idx.msk [tilespmem:v34+s25+$0x0], $0xffff  }
0x2da: {  	v32 =	vld.idx.msk [tilespmem:v35+s1+$0x0], $0xffff;
	_ =	sdelay $0x2  }
0x2db: {  	v34 =	vor.u32 v0, v24  }
0x2dc: {  	v33 =	vadd.s32 v2, v33;
	_ =	sdelay $0x1  }
0x2dd: {  	v32 =	vadd.f32 v32, v28;
	_ =	sdelay $0x1  }
0x2de: {  	[tilespmem:v34+s11+$0x0] =	vst.idx.msk $0xffff, v32  }
0x2df: {  	v32 =	vld.idx.msk [tilespmem:v33+s1+$0x0], $0xffff;
	_ =	sdelay $0x2  }
0x2e0: {  	v33 =	vor.u32 v3, v24  }
0x2e1: {  	v31 =	vadd.s32 v4, v31;
	_ =	sdelay $0x1  }
0x2e2: {  	v32 =	vadd.f32 v32, v28;
	_ =	sdelay $0x1  }
0x2e3: {  	[tilespmem:v33+s11+$0x0] =	vst.idx.msk $0xffff, v32  }
0x2e4: {  	v31 =	vld.idx.msk [tilespmem:v31+s1+$0x0], $0xffff;
	_ =	sdelay $0x2  }
0x2e5: {  	v32 =	vor.u32 v5, v24  }
0x2e6: {  	v30 =	vadd.s32 v6, v30;
	_ =	sdelay $0x1  }
0x2e7: {  	v31 =	vadd.f32 v31, v28;
	_ =	sdelay $0x1  }
0x2e8: {  	[tilespmem:v32+s11+$0x0] =	vst.idx.msk $0xffff, v31  }
0x2e9: {  	v30 =	vld.idx.msk [tilespmem:v30+s1+$0x0], $0xffff;
	_ =	sdelay $0x2  }
0x2ea: {  	v31 =	vor.u32 v7, v24  }
0x2eb: {  	v29 =	vadd.s32 v8, v29;
	_ =	sdelay $0x1  }
0x2ec: {  	v30 =	vadd.f32 v30, v28;
	_ =	sdelay $0x1  }
0x2ed: {  	[tilespmem:v31+s11+$0x0] =	vst.idx.msk $0xffff, v30  }
0x2ee: {  	v29 =	vld.idx.msk [tilespmem:v29+s1+$0x0], $0xffff;
	_ =	sdelay $0x2  }
0x2ef: {  	v30 =	vor.u32 v9, v24  }
0x2f0: {  	v27 =	vadd.s32 v10, v27;
	_ =	sdelay $0x1  }
0x2f1: {  	v29 =	vadd.f32 v29, v28;
	_ =	sdelay $0x1  }
0x2f2: {  	[tilespmem:v30+s11+$0x0] =	vst.idx.msk $0xffff, v29  }
0x2f3: {  	v27 =	vld.idx.msk [tilespmem:v27+s1+$0x0], $0xffff;
	_ =	sdelay $0x2  }
0x2f4: {  	v29 =	vor.u32 v11, v24  }
0x2f5: {  	v26 =	vadd.s32 v12, v26;
	_ =	sdelay $0x1  }
0x2f6: {  	v27 =	vadd.f32 v27, v28;
	_ =	sdelay $0x1  }
0x2f7: {  	[tilespmem:v29+s11+$0x0] =	vst.idx.msk $0xffff, v27  }
0x2f8: {  	v27 =	vld.idx.msk [tilespmem:v26+s1+$0x0], $0xffff;
	_ =	sdelay $0x1  }
.Ltmp5:
0x2f9: {  	(pc) =	sbr.rel @p1 .LBB2_9-.Ltmp5, $3  }
0x2fa: {  	v26 =	vor.u32 v13, v24  }
0x2fb: {  	v25 =	vadd.s32 v14, v25;
	_ =	sdelay $0x1  }
0x2fc: {  	v27 =	vadd.f32 v27, v28  }
0x2fd: {  	_ =	sdelay $0x3  }
0x2fe: {  	[tilespmem:v26+s11+$0x0] =	vst.idx.msk $0xffff, v27  }
0x2ff: {  	v16 =	vld.idx.msk [tilespmem:v25+s1+$0x0], $0xffff;
	_ =	sdelay $0x1  }
0x300: {  	v17 =	vor.u32 v15, v24;
	_ =	sdelay $0x2  }
.Ltmp6:
0x301: {  	v16 =	vadd.f32 v16, v28;
	(pc) =	sbr.rel @p0 .LBB2_12-.Ltmp6, $4  }
0x302: {  	s14 =	rddreg [dreg:$0xb]  }
0x303: {  	s14 =	sadd.s32 s26, s14;
	[tilespmem:v17+s11+$0x0] =	vst.idx.msk $0xffff, v16  }
0x304: {  	[hbm4b:s14+s12] =	stream.strided.scatter [tilespmem:s11], [sflag:$0x5], $0x2000, s13, s12, $0x38;
	[tilespmem:$0x14700] =	vst v63  }
0x305: {  	s14 =	sadd.s32 $0x6, s22  }
0x306: {  	s16 =	sshll.u32 s14, $0xC  }
0x307: {  	s16 =	sor.u32 s4, s16  }
0x308: {  	s16 =	sshrl.u32 s16, $0x3  }
0x309: {  	s17 =	simm.s32 $0x100;
	s16 =	sadd.s32 s5, s16  }
0x30a: {  	[tilespmem:s17], [sflag:$0x9] =	stream.linear.gather [hbm4b:s16+s3], $0x80, $0x38;
	[tilespmem:$0x14700] =	vst v63  }
0x30b: {  	s17 =	simm.s32 $0x8  }
0x30c: {  	_ =	swait.ge [sflag:s17], $0x80  }
0x30d: {  	[sflag:s17] =	ssyncset.done $0x0  }
0x30e: {  	[sflag:s17] =	ssyncadd.s32 $0xFFFFFF80  }
0x30f: {  	v16 =	vld [tilespmem:$0x80];
	_ =	sdelay $0x1  }
0x310: {  	v17 =	vld [tilespmem:$0x90];
	_ =	sdelay $0x1  }
0x311: {  	v18 =	vld [tilespmem:$0xA0]  }
0x312: {  	v19 =	vshrl.u32 v16, $0x1;
	v16 =	vshll.u32 v16, $0x6  }
0x313: {  	v60 =	vld [tilespmem:$0xB0];
	[tilespmem:$0x280] =	vst v19;
	v16 =	vand.u32 $0x40, v16  }
0x314: {  	[tilespmem:$0x480] =	vst v16;
	v16 =	vshrl.u32 v17, $0x1;
	v17 =	vshll.u32 v17, $0x6  }
0x315: {  	[tilespmem:$0x290] =	vst v16;
	v16 =	vand.u32 $0x40, v17;
	v17 =	vld [tilespmem:$0xC0]  }
0x316: {  	[tilespmem:$0x490] =	vst v16;
	v16 =	vshrl.u32 v18, $0x1;
	v18 =	vshll.u32 v18, $0x6  }
0x317: {  	v61 =	vld [tilespmem:$0xD0];
	[tilespmem:$0x2A0] =	vst v16;
	v16 =	vand.u32 $0x40, v18  }
0x318: {  	v19 =	vshll.u32 v60, $0x6;
	[tilespmem:$0x4A0] =	vst v16;
	v16 =	vshrl.u32 v60, $0x1  }
0x319: {  	v62 =	vld [tilespmem:$0xE0];
	[tilespmem:$0x2B0] =	vst v16;
	v16 =	vand.u32 $0x40, v19  }
0x31a: {  	[tilespmem:$0x4B0] =	vst v16;
	v16 =	vshrl.u32 v17, $0x1;
	v17 =	vshll.u32 v17, $0x6  }
0x31b: {  	[tilespmem:$0x2C0] =	vst v16;
	v16 =	vand.u32 $0x40, v17;
	v17 =	vld [tilespmem:$0xF0]  }
0x31c: {  	v18 =	vshll.u32 v61, $0x6;
	[tilespmem:$0x4C0] =	vst v16;
	v16 =	vshrl.u32 v61, $0x1  }
0x31d: {  	[tilespmem:$0x2D0] =	vst v16;
	v16 =	vand.u32 $0x40, v18  }
0x31e: {  	v63 =	vshll.u32 v62, $0x6;
	[tilespmem:$0x4D0] =	vst v16;
	v16 =	vshrl.u32 v62, $0x1  }
0x31f: {  	[tilespmem:$0x2E0] =	vst v16;
	v16 =	vand.u32 $0x40, v63  }
0x320: {  	[tilespmem:$0x4E0] =	vst v16;
	v16 =	vshrl.u32 v17, $0x1;
	v17 =	vshll.u32 v17, $0x6  }
0x321: {  	[tilespmem:$0x2F0] =	vst v16;
	v16 =	vand.u32 $0x40, v17  }
0x322: {  	s22 =	simm.s32 $0x280;
	s15 =	sshll.u32 s15, $0x3;
	[tilespmem:$0x4F0] =	vst v16  }
0x323: {  	[tilespmem:s29], [sflag:$0x2] =	stream.indirect.gather [hbm4b:s6+s19], $0x80, s22, s19, $0xb8;
	[tilespmem:$0x14700] =	vst v63  }
0x324: {  	s26 =	simm.s32 $0x14640;
	s15 =	sadd.s32 s8, s15  }
0x325: {  	[tilespmem:s26], [sflag:$0x2] =	stream.linear.gather [hbm4b:s15+s3], $0x40, $0x38;
	[tilespmem:$0x14700] =	vst v63  }
.LBB2_12:
0x326: {  	_ =	swait.ge [sflag:s0], $0x4000  }
0x327: {  	[sflag:s0] =	ssyncset.done $0x0  }
0x328: {  	[sflag:s0] =	ssyncadd.s32 $0xFFFFC000  }
0x329: {  	_ =	swait.ge [sflag:s0], $0x40  }
0x32a: {  	[sflag:s0] =	ssyncset.done $0x0  }
0x32b: {  	[sflag:s0] =	ssyncadd.s32 $0xFFFFFFC0  }
0x32c: {  	_ =	swait.ge [sflag:s9], $0x2000  }
0x32d: {  	[sflag:s9] =	ssyncset.done $0x0  }
0x32e: {  	[sflag:s9] =	ssyncadd.s32 $0xFFFFE000  }
0x32f: {  	v16 =	vld [tilespmem:$0x580]  }
0x330: {  	s16 =	simm.s32 $0x0  }
0x331: {  	s15 =	simm.s32 $0x0;
	v24 =	vadd.s32 s16, v0  }
0x332: {  	s26 =	sand.u32 $0x20, s15;
	v17 =	vand.u32 $0xF, v24  }
0x333: {  	v25 =	vor.u32 s26, v17  }
0x334: {  	v18 =	vor.u32 $0xC0, v25;
	v17 =	vadd.s32 v16, v25  }
0x335: {  	v19 =	vadd.s32 v1, v17;
	_ =	sdelay $0x1  }
0x336: {  	v17 =	vld [tilespmem:$0x590];
	_ =	sdelay $0x1  }
0x337: {  	v26 =	vld.idx.msk [tilespmem:v18+s25+$0x0], $0xffff  }
0x338: {  	v23 =	vld.idx.msk [tilespmem:v19+s20+$0x0], $0xffff  }
0x339: {  	v27 =	vshll.u32 v25, $0x7  }
0x33a: {  	v28 =	vor.u32 v0, v27;
	v18 =	vld [tilespmem:$0x5A0];
	v21 =	vadd.s32 v17, v25  }
0x33b: {  	v20 =	vld [tilespmem:$0x5C0];
	v29 =	vadd.s32 v2, v21  }
0x33c: {  	v22 =	vld [tilespmem:$0x5E0]  }
0x33d: {  	v19 =	vld [tilespmem:$0x5B0];
	v30 =	vadd.f32 v23, v26  }
0x33e: {  	v21 =	vld [tilespmem:$0x5D0]  }
0x33f: {  	v23 =	vld [tilespmem:$0x5F0];
	[tilespmem:v28+s30+$0x0] =	vst.idx.msk $0xffff, v30  }
0x340: {  	v28 =	vld.idx.msk [tilespmem:v29+s20+$0x0], $0xffff;
	_ =	sdelay $0x1  }
0x341: {  	v30 =	vor.u32 v3, v27;
	v29 =	vadd.s32 v18, v25  }
0x342: {  	v29 =	vadd.s32 v4, v29;
	_ =	sdelay $0x1  }
0x343: {  	v28 =	vadd.f32 v28, v26;
	_ =	sdelay $0x1  }
0x344: {  	[tilespmem:v30+s30+$0x0] =	vst.idx.msk $0xffff, v28  }
0x345: {  	v28 =	vld.idx.msk [tilespmem:v29+s20+$0x0], $0xffff;
	_ =	sdelay $0x1  }
0x346: {  	v30 =	vor.u32 v5, v27;
	v29 =	vadd.s32 v19, v25  }
0x347: {  	v29 =	vadd.s32 v6, v29;
	_ =	sdelay $0x1  }
0x348: {  	v28 =	vadd.f32 v28, v26;
	_ =	sdelay $0x1  }
0x349: {  	[tilespmem:v30+s30+$0x0] =	vst.idx.msk $0xffff, v28  }
0x34a: {  	v28 =	vld.idx.msk [tilespmem:v29+s20+$0x0], $0xffff;
	_ =	sdelay $0x1  }
0x34b: {  	v30 =	vor.u32 v7, v27;
	v29 =	vadd.s32 v20, v25  }
0x34c: {  	v29 =	vadd.s32 v8, v29;
	_ =	sdelay $0x1  }
0x34d: {  	v28 =	vadd.f32 v28, v26;
	_ =	sdelay $0x1  }
0x34e: {  	[tilespmem:v30+s30+$0x0] =	vst.idx.msk $0xffff, v28  }
0x34f: {  	v28 =	vld.idx.msk [tilespmem:v29+s20+$0x0], $0xffff;
	_ =	sdelay $0x1  }
0x350: {  	v30 =	vor.u32 v9, v27;
	v29 =	vadd.s32 v21, v25  }
0x351: {  	v29 =	vadd.s32 v10, v29;
	_ =	sdelay $0x1  }
0x352: {  	v28 =	vadd.f32 v28, v26;
	_ =	sdelay $0x1  }
0x353: {  	[tilespmem:v30+s30+$0x0] =	vst.idx.msk $0xffff, v28  }
0x354: {  	v28 =	vld.idx.msk [tilespmem:v29+s20+$0x0], $0xffff;
	_ =	sdelay $0x1  }
0x355: {  	v30 =	vor.u32 v11, v27;
	v29 =	vadd.s32 v22, v25  }
0x356: {  	v29 =	vadd.s32 v12, v29;
	_ =	sdelay $0x1  }
0x357: {  	v28 =	vadd.f32 v28, v26;
	_ =	sdelay $0x1  }
0x358: {  	[tilespmem:v30+s30+$0x0] =	vst.idx.msk $0xffff, v28  }
0x359: {  	v28 =	vld.idx.msk [tilespmem:v29+s20+$0x0], $0xffff;
	_ =	sdelay $0x1  }
0x35a: {  	v25 =	vadd.s32 v23, v25;
	v29 =	vor.u32 v13, v27  }
0x35b: {  	v25 =	vadd.s32 v14, v25;
	_ =	sdelay $0x1  }
0x35c: {  	v28 =	vadd.f32 v28, v26;
	_ =	sdelay $0x1  }
0x35d: {  	[tilespmem:v29+s30+$0x0] =	vst.idx.msk $0xffff, v28  }
0x35e: {  	v25 =	vld.idx.msk [tilespmem:v25+s20+$0x0], $0xffff  }
0x35f: {  	s16 =	sor.u32 $0x10, s26  }
0x360: {  	v29 =	vor.u32 s16, v24;
	v24 =	vor.u32 v15, v27  }
0x361: {  	v27 =	vadd.s32 v16, v29;
	v28 =	vor.u32 $0xC0, v29  }
0x362: {  	v27 =	vadd.s32 v1, v27  }
0x363: {  	v25 =	vadd.f32 v25, v26;
	_ =	sdelay $0x1  }
0x364: {  	[tilespmem:v24+s30+$0x0] =	vst.idx.msk $0xffff, v25  }
0x365: {  	v28 =	vld.idx.msk [tilespmem:v28+s25+$0x0], $0xffff  }
0x366: {  	v25 =	vld.idx.msk [tilespmem:v27+s20+$0x0], $0xffff  }
0x367: {  	v24 =	vshll.u32 v29, $0x7  }
0x368: {  	v26 =	vadd.s32 v17, v29;
	v27 =	vor.u32 v0, v24  }
0x369: {  	v26 =	vadd.s32 v2, v26;
	_ =	sdelay $0x1  }
0x36a: {  	v25 =	vadd.f32 v25, v28;
	_ =	sdelay $0x1  }
0x36b: {  	[tilespmem:v27+s30+$0x0] =	vst.idx.msk $0xffff, v25  }
0x36c: {  	v25 =	vld.idx.msk [tilespmem:v26+s20+$0x0], $0xffff;
	_ =	sdelay $0x1  }
0x36d: {  	v27 =	vor.u32 v3, v24;
	v26 =	vadd.s32 v18, v29  }
0x36e: {  	v26 =	vadd.s32 v4, v26;
	_ =	sdelay $0x1  }
0x36f: {  	v25 =	vadd.f32 v25, v28;
	_ =	sdelay $0x1  }
0x370: {  	[tilespmem:v27+s30+$0x0] =	vst.idx.msk $0xffff, v25  }
0x371: {  	v25 =	vld.idx.msk [tilespmem:v26+s20+$0x0], $0xffff;
	_ =	sdelay $0x1  }
0x372: {  	v27 =	vor.u32 v5, v24;
	v26 =	vadd.s32 v19, v29  }
0x373: {  	v26 =	vadd.s32 v6, v26;
	_ =	sdelay $0x1  }
0x374: {  	v25 =	vadd.f32 v25, v28;
	_ =	sdelay $0x1  }
0x375: {  	[tilespmem:v27+s30+$0x0] =	vst.idx.msk $0xffff, v25  }
0x376: {  	v25 =	vld.idx.msk [tilespmem:v26+s20+$0x0], $0xffff;
	_ =	sdelay $0x1  }
0x377: {  	v27 =	vor.u32 v7, v24;
	v26 =	vadd.s32 v20, v29  }
0x378: {  	v26 =	vadd.s32 v8, v26;
	_ =	sdelay $0x1  }
0x379: {  	v25 =	vadd.f32 v25, v28;
	_ =	sdelay $0x1  }
0x37a: {  	[tilespmem:v27+s30+$0x0] =	vst.idx.msk $0xffff, v25  }
0x37b: {  	v25 =	vld.idx.msk [tilespmem:v26+s20+$0x0], $0xffff;
	_ =	sdelay $0x1  }
0x37c: {  	v27 =	vor.u32 v9, v24;
	v26 =	vadd.s32 v21, v29  }
0x37d: {  	v26 =	vadd.s32 v10, v26;
	_ =	sdelay $0x1  }
0x37e: {  	v25 =	vadd.f32 v25, v28;
	_ =	sdelay $0x1  }
0x37f: {  	[tilespmem:v27+s30+$0x0] =	vst.idx.msk $0xffff, v25  }
0x380: {  	v25 =	vld.idx.msk [tilespmem:v26+s20+$0x0], $0xffff;
	_ =	sdelay $0x1  }
0x381: {  	v27 =	vor.u32 v11, v24;
	v26 =	vadd.s32 v22, v29  }
0x382: {  	v26 =	vadd.s32 v12, v26;
	_ =	sdelay $0x1  }
0x383: {  	v25 =	vadd.f32 v25, v28;
	_ =	sdelay $0x1  }
0x384: {  	[tilespmem:v27+s30+$0x0] =	vst.idx.msk $0xffff, v25  }
0x385: {  	v27 =	vld.idx.msk [tilespmem:v26+s20+$0x0], $0xffff;
	_ =	sdelay $0x1  }
0x386: {  	v25 =	vadd.s32 v23, v29;
	v26 =	vor.u32 v13, v24  }
0x387: {  	v25 =	vadd.s32 v14, v25;
	_ =	sdelay $0x1  }
0x388: {  	s16 =	simm.s32 $0x0;
	v27 =	vadd.f32 v27, v28  }
.LBB2_13:
0x389: {  	_ = 	snop  }
0x38a: {  	s16 =	sadd.s32 $0x2, s16;
	[tilespmem:v26+s30+$0x0] =	vst.idx.msk $0xffff, v27  }
0x38b: {  	s17 =	sshrl.u32 s16, $0x2;
	p1 =	slt.u32 s16, $0x3E;
	v25 =	vld.idx.msk [tilespmem:v25+s20+$0x0], $0xffff  }
0x38c: {  	s15 =	sadd.s32 $0x20, s15;
	v26 =	vadd.s32 s17, v0  }
0x38d: {  	s17 =	sand.u32 $0x20, s15;
	v27 =	vand.u32 $0xF, v26  }
0x38e: {  	v24 =	vor.u32 v15, v24;
	v27 =	vor.u32 s17, v27  }
0x38f: {  	v29 =	vor.u32 $0xC0, v27;
	v30 =	vadd.s32 v16, v27;
	v32 =	vshll.u32 v27, $0x7  }
0x390: {  	v34 =	vadd.s32 v17, v27;
	v35 =	vadd.s32 v18, v27;
	v30 =	vadd.s32 v1, v30  }
0x391: {  	v36 =	vadd.s32 v19, v27;
	v37 =	vadd.s32 v20, v27;
	v25 =	vadd.f32 v25, v28  }
0x392: {  	s17 =	sor.u32 $0x10, s17;
	v38 =	vadd.s32 v22, v27;
	v39 =	vadd.s32 v23, v27;
	v28 =	vadd.s32 v21, v27  }
0x393: {  	v40 =	vor.u32 s17, v26;
	[tilespmem:v24+s30+$0x0] =	vst.idx.msk $0xffff, v25  }
0x394: {  	v42 =	vadd.s32 v16, v40;
	v33 =	vadd.s32 v17, v40;
	v24 =	vshll.u32 v40, $0x7;
	v41 =	vld.idx.msk [tilespmem:v29+s25+$0x0], $0xffff  }
0x395: {  	v31 =	vadd.s32 v18, v40;
	v29 =	vadd.s32 v20, v40;
	v43 =	vld.idx.msk [tilespmem:v30+s20+$0x0], $0xffff;
	v30 =	vadd.s32 v19, v40  }
0x396: {  	v26 =	vadd.s32 v22, v40;
	v27 =	vadd.s32 v21, v40;
	v25 =	vadd.s32 v23, v40;
	_ =	sdelay $0x1  }
0x397: {  	v44 =	vor.u32 v0, v32  }
0x398: {  	v34 =	vadd.s32 v2, v34;
	_ =	sdelay $0x1  }
0x399: {  	v43 =	vadd.f32 v43, v41;
	_ =	sdelay $0x1  }
0x39a: {  	[tilespmem:v44+s30+$0x0] =	vst.idx.msk $0xffff, v43  }
0x39b: {  	v34 =	vld.idx.msk [tilespmem:v34+s20+$0x0], $0xffff;
	_ =	sdelay $0x2  }
0x39c: {  	v43 =	vor.u32 v3, v32  }
0x39d: {  	v35 =	vadd.s32 v4, v35;
	_ =	sdelay $0x1  }
0x39e: {  	v34 =	vadd.f32 v34, v41;
	_ =	sdelay $0x1  }
0x39f: {  	[tilespmem:v43+s30+$0x0] =	vst.idx.msk $0xffff, v34  }
0x3a0: {  	v34 =	vld.idx.msk [tilespmem:v35+s20+$0x0], $0xffff;
	_ =	sdelay $0x2  }
0x3a1: {  	v35 =	vor.u32 v5, v32  }
0x3a2: {  	v36 =	vadd.s32 v6, v36;
	_ =	sdelay $0x1  }
0x3a3: {  	v34 =	vadd.f32 v34, v41;
	_ =	sdelay $0x1  }
0x3a4: {  	[tilespmem:v35+s30+$0x0] =	vst.idx.msk $0xffff, v34  }
0x3a5: {  	v34 =	vld.idx.msk [tilespmem:v36+s20+$0x0], $0xffff;
	_ =	sdelay $0x2  }
0x3a6: {  	v35 =	vor.u32 v7, v32  }
0x3a7: {  	v36 =	vadd.s32 v8, v37;
	_ =	sdelay $0x1  }
0x3a8: {  	v34 =	vadd.f32 v34, v41;
	_ =	sdelay $0x1  }
0x3a9: {  	[tilespmem:v35+s30+$0x0] =	vst.idx.msk $0xffff, v34  }
0x3aa: {  	v34 =	vld.idx.msk [tilespmem:v36+s20+$0x0], $0xffff;
	_ =	sdelay $0x2  }
0x3ab: {  	v35 =	vor.u32 v9, v32  }
0x3ac: {  	v28 =	vadd.s32 v10, v28;
	_ =	sdelay $0x1  }
0x3ad: {  	v34 =	vadd.f32 v34, v41;
	_ =	sdelay $0x1  }
0x3ae: {  	[tilespmem:v35+s30+$0x0] =	vst.idx.msk $0xffff, v34  }
0x3af: {  	v28 =	vld.idx.msk [tilespmem:v28+s20+$0x0], $0xffff;
	_ =	sdelay $0x2  }
0x3b0: {  	v34 =	vor.u32 v11, v32  }
0x3b1: {  	v35 =	vadd.s32 v12, v38;
	_ =	sdelay $0x1  }
0x3b2: {  	v28 =	vadd.f32 v28, v41;
	_ =	sdelay $0x1  }
0x3b3: {  	[tilespmem:v34+s30+$0x0] =	vst.idx.msk $0xffff, v28  }
0x3b4: {  	v28 =	vld.idx.msk [tilespmem:v35+s20+$0x0], $0xffff;
	_ =	sdelay $0x2  }
0x3b5: {  	v34 =	vor.u32 v13, v32  }
0x3b6: {  	v35 =	vadd.s32 v14, v39;
	_ =	sdelay $0x1  }
0x3b7: {  	v28 =	vadd.f32 v28, v41;
	_ =	sdelay $0x1  }
0x3b8: {  	[tilespmem:v34+s30+$0x0] =	vst.idx.msk $0xffff, v28  }
0x3b9: {  	v28 =	vld.idx.msk [tilespmem:v35+s20+$0x0], $0xffff;
	_ =	sdelay $0x2  }
0x3ba: {  	v32 =	vor.u32 v15, v32  }
0x3bb: {  	v34 =	vor.u32 $0xC0, v40  }
0x3bc: {  	v35 =	vadd.s32 v1, v42  }
0x3bd: {  	v28 =	vadd.f32 v28, v41;
	_ =	sdelay $0x1  }
0x3be: {  	[tilespmem:v32+s30+$0x0] =	vst.idx.msk $0xffff, v28  }
0x3bf: {  	v28 =	vld.idx.msk [tilespmem:v34+s25+$0x0], $0xffff  }
0x3c0: {  	v32 =	vld.idx.msk [tilespmem:v35+s20+$0x0], $0xffff;
	_ =	sdelay $0x2  }
0x3c1: {  	v34 =	vor.u32 v0, v24  }
0x3c2: {  	v33 =	vadd.s32 v2, v33;
	_ =	sdelay $0x1  }
0x3c3: {  	v32 =	vadd.f32 v32, v28;
	_ =	sdelay $0x1  }
0x3c4: {  	[tilespmem:v34+s30+$0x0] =	vst.idx.msk $0xffff, v32  }
0x3c5: {  	v32 =	vld.idx.msk [tilespmem:v33+s20+$0x0], $0xffff;
	_ =	sdelay $0x2  }
0x3c6: {  	v33 =	vor.u32 v3, v24  }
0x3c7: {  	v31 =	vadd.s32 v4, v31;
	_ =	sdelay $0x1  }
0x3c8: {  	v32 =	vadd.f32 v32, v28;
	_ =	sdelay $0x1  }
0x3c9: {  	[tilespmem:v33+s30+$0x0] =	vst.idx.msk $0xffff, v32  }
0x3ca: {  	v31 =	vld.idx.msk [tilespmem:v31+s20+$0x0], $0xffff;
	_ =	sdelay $0x2  }
0x3cb: {  	v32 =	vor.u32 v5, v24  }
0x3cc: {  	v30 =	vadd.s32 v6, v30;
	_ =	sdelay $0x1  }
0x3cd: {  	v31 =	vadd.f32 v31, v28;
	_ =	sdelay $0x1  }
0x3ce: {  	[tilespmem:v32+s30+$0x0] =	vst.idx.msk $0xffff, v31  }
0x3cf: {  	v30 =	vld.idx.msk [tilespmem:v30+s20+$0x0], $0xffff;
	_ =	sdelay $0x2  }
0x3d0: {  	v31 =	vor.u32 v7, v24  }
0x3d1: {  	v29 =	vadd.s32 v8, v29;
	_ =	sdelay $0x1  }
0x3d2: {  	v30 =	vadd.f32 v30, v28;
	_ =	sdelay $0x1  }
0x3d3: {  	[tilespmem:v31+s30+$0x0] =	vst.idx.msk $0xffff, v30  }
0x3d4: {  	v29 =	vld.idx.msk [tilespmem:v29+s20+$0x0], $0xffff;
	_ =	sdelay $0x2  }
0x3d5: {  	v30 =	vor.u32 v9, v24  }
0x3d6: {  	v27 =	vadd.s32 v10, v27;
	_ =	sdelay $0x1  }
0x3d7: {  	v29 =	vadd.f32 v29, v28;
	_ =	sdelay $0x1  }
0x3d8: {  	[tilespmem:v30+s30+$0x0] =	vst.idx.msk $0xffff, v29  }
0x3d9: {  	v27 =	vld.idx.msk [tilespmem:v27+s20+$0x0], $0xffff;
	_ =	sdelay $0x2  }
0x3da: {  	v29 =	vor.u32 v11, v24  }
0x3db: {  	v26 =	vadd.s32 v12, v26;
	_ =	sdelay $0x1  }
0x3dc: {  	v27 =	vadd.f32 v27, v28;
	_ =	sdelay $0x1  }
0x3dd: {  	[tilespmem:v29+s30+$0x0] =	vst.idx.msk $0xffff, v27  }
0x3de: {  	v27 =	vld.idx.msk [tilespmem:v26+s20+$0x0], $0xffff;
	_ =	sdelay $0x1  }
.Ltmp7:
0x3df: {  	(pc) =	sbr.rel @p1 .LBB2_13-.Ltmp7, $3  }
0x3e0: {  	v26 =	vor.u32 v13, v24  }
0x3e1: {  	v25 =	vadd.s32 v14, v25;
	_ =	sdelay $0x1  }
0x3e2: {  	v27 =	vadd.f32 v27, v28  }
0x3e3: {  	_ =	sdelay $0x3  }
0x3e4: {  	[tilespmem:v26+s30+$0x0] =	vst.idx.msk $0xffff, v27  }
0x3e5: {  	v16 =	vld.idx.msk [tilespmem:v25+s20+$0x0], $0xffff;
	_ =	sdelay $0x1  }
0x3e6: {  	v17 =	vor.u32 v15, v24;
	_ =	sdelay $0x1  }
.Ltmp8:
0x3e7: {  	_ = 	snop;
	(pc) =	sbr.rel @p0 .LBB2_16-.Ltmp8, $4  }
0x3e8: {  	v16 =	vadd.f32 v16, v28  }
0x3e9: {  	s15 =	sshll.u32 s23, $0xF;
	s16 =	rddreg [dreg:$0xc]  }
0x3ea: {  	s15 =	sadd.s32 s15, s16;
	[tilespmem:v17+s30+$0x0] =	vst.idx.msk $0xffff, v16  }
0x3eb: {  	[hbm4b:s15+s12] =	stream.strided.scatter [tilespmem:s30], [sflag:$0x6], $0x2000, s13, s12, $0x38;
	[tilespmem:$0x14700] =	vst v63  }
0x3ec: {  	s15 =	sshll.u32 s7, $0xE;
	s16 =	rddreg [dreg:$0x9]  }
0x3ed: {  	s15 =	sadd.s32 s16, s15  }
0x3ee: {  	s15 =	sshrl.u32 s15, $0x3  }
0x3ef: {  	s22 =	simm.s32 $0x180;
	s15 =	sadd.s32 s5, s15  }
0x3f0: {  	[tilespmem:s22], [sflag:$0xA] =	stream.linear.gather [hbm4b:s15+s3], $0x80, $0x38;
	[tilespmem:$0x14700] =	vst v63  }
0x3f1: {  	_ =	swait.ge [sflag:s31], $0x80  }
0x3f2: {  	[sflag:s31] =	ssyncset.done $0x0  }
0x3f3: {  	[sflag:s31] =	ssyncadd.s32 $0xFFFFFF80  }
0x3f4: {  	v16 =	vld [tilespmem:$0x100];
	_ =	sdelay $0x1  }
0x3f5: {  	v17 =	vld [tilespmem:$0x110];
	_ =	sdelay $0x1  }
0x3f6: {  	v18 =	vld [tilespmem:$0x120]  }
0x3f7: {  	v19 =	vshrl.u32 v16, $0x1;
	v16 =	vshll.u32 v16, $0x6  }
0x3f8: {  	v60 =	vld [tilespmem:$0x130];
	[tilespmem:$0x300] =	vst v19;
	v16 =	vand.u32 $0x40, v16  }
0x3f9: {  	[tilespmem:$0x500] =	vst v16;
	v16 =	vshrl.u32 v17, $0x1;
	v17 =	vshll.u32 v17, $0x6  }
0x3fa: {  	[tilespmem:$0x310] =	vst v16;
	v16 =	vand.u32 $0x40, v17;
	v17 =	vld [tilespmem:$0x140]  }
0x3fb: {  	[tilespmem:$0x510] =	vst v16;
	v16 =	vshrl.u32 v18, $0x1;
	v18 =	vshll.u32 v18, $0x6  }
0x3fc: {  	v61 =	vld [tilespmem:$0x150];
	[tilespmem:$0x320] =	vst v16;
	v16 =	vand.u32 $0x40, v18  }
0x3fd: {  	v19 =	vshll.u32 v60, $0x6;
	[tilespmem:$0x520] =	vst v16;
	v16 =	vshrl.u32 v60, $0x1  }
0x3fe: {  	v62 =	vld [tilespmem:$0x160];
	[tilespmem:$0x330] =	vst v16;
	v16 =	vand.u32 $0x40, v19  }
0x3ff: {  	[tilespmem:$0x530] =	vst v16;
	v16 =	vshrl.u32 v17, $0x1;
	v17 =	vshll.u32 v17, $0x6  }
0x400: {  	[tilespmem:$0x340] =	vst v16;
	v16 =	vand.u32 $0x40, v17;
	v17 =	vld [tilespmem:$0x170]  }
0x401: {  	v18 =	vshll.u32 v61, $0x6;
	[tilespmem:$0x540] =	vst v16;
	v16 =	vshrl.u32 v61, $0x1  }
0x402: {  	[tilespmem:$0x350] =	vst v16;
	v16 =	vand.u32 $0x40, v18  }
0x403: {  	v63 =	vshll.u32 v62, $0x6;
	[tilespmem:$0x550] =	vst v16;
	v16 =	vshrl.u32 v62, $0x1  }
0x404: {  	[tilespmem:$0x360] =	vst v16;
	v16 =	vand.u32 $0x40, v63  }
0x405: {  	[tilespmem:$0x560] =	vst v16;
	v16 =	vshrl.u32 v17, $0x1;
	v17 =	vshll.u32 v17, $0x6  }
.Ltmp9:
0x406: {  	[tilespmem:$0x370] =	vst v16;
	v16 =	vand.u32 $0x40, v17;
	(pc) =	sbr.rel .LBB2_2-.Ltmp9, $4  }
0x407: {  	s23 =	simm.s32 $0x300;
	s14 =	sshll.u32 s14, $0x3;
	[tilespmem:$0x570] =	vst v16  }
0x408: {  	[tilespmem:s1], [sflag:$0x3] =	stream.indirect.gather [hbm4b:s6+s19], $0x80, s23, s19, $0xb8;
	[tilespmem:$0x14700] =	vst v63  }
0x409: {  	s26 =	simm.s32 $0x14680;
	s7 =	sadd.s32 $0x1, s7;
	s14 =	sadd.s32 s8, s14  }
0x40a: {  	[tilespmem:s26], [sflag:$0x3] =	stream.linear.gather [hbm4b:s14+s3], $0x40, $0x38;
	[tilespmem:$0x14700] =	vst v63  }
.LBB2_17:
0x40b: {  	_ =	sfence.sel $0x180000  }
0x40c: {  	[bflag:$0x0] =	sbarrier.arrive $0xFFFF  }
0x40d: {  	_ =	strace $0x9000004A  }
0x40e: {  	s0 =	stileid.u32;
	[bflag:$0x2] =	sbarrier.arrive $0xFFFF  }
0x40f: {  	p0 =	sne.s32 s0, $0x0;
	s0 =	rddreg [dreg:$0x2]  }
0x410: {  	s0 =	sadd.s32 @!p0 $0x100000, s0  }
0x411: {  	[sflag:s0] =	ssyncadd.tile.s32 @!p0 $0x1;
	_ =	shalt  }
.Lfunc_end2:
_tile_overlayer_lowered:
.L_overlay_start_2:
0x412: {  	(tag) =	ssettag $0x2  }
0x413: {  	s0 =	rddreg [dreg:$0x0];
	s2 =	stileid.u32  }
0x414: {  	s1 =	rddreg [dreg:$0x1];
	p0 =	sne.s32 s2, $0x0  }
0x415: {  	s3 =	rddreg [dreg:$0x2];
	[bflag:$0x3] =	sbarrier.arrive $0xFFFF;
	s2 =	simm.s32 @!p0 $0x1C0B  }
0x416: {  	[timem:s3], [sflag:s2] =	dma.local @!p0 [hbm:s0], s1  }
0x417: {  	s0 =	simm.s32 @!p0 $0xB  }
0x418: {  	_ =	swait.ge @!p0 [sflag:s0], s1  }
0x419: {  	s1 =	ssub.s32 @!p0 $0x0, s1;
	[sflag:s0] =	ssyncset.done @!p0 $0x0  }
0x41a: {  	[sflag:s0] =	ssyncadd.s32 @!p0 s1  }
0x41b: {  	[bflag:$0x3] =	sbarrier.arrive $0xFFFF  }
0x41c: {  	_ =	shalt  }

</sc_bundles>
